<compile_context>
chip_gen: v7x
topology: tpu7x:2x2x1
jax: 0.10.2.dev20260603
libtpu: 0.0.44.dev20260713+nightly
codegen_flags: <defaults>
</compile_context>

<pallas_src>
import functools

import jax
import jax.numpy as jnp
from jax import lax
from jax.experimental import pallas as pl
from jax.experimental.pallas import tpu as pltpu
from jax.experimental.pallas import tpu_sc as plsc

N = 10000
C = 128
NPAD = 10240
NC, NS, L = 2, 16, 16
E_ROWS = 2560
GPT = E_ROWS // (NC * NS)
EPB = 4
NCHUNK = GPT // EPB
NSL = NPAD // NS


def _tc_prep_body(x_ref, w_ref, wih_ref, bih_ref, bhh_ref, degp_ref,
                  o_ref, dinv_ref):
    w = w_ref[...]
    gates = lax.dot_general(w, wih_ref[...], (((1,), (1,)), ((), ())),
                            preferred_element_type=jnp.float32)
    gates = gates + bih_ref[...] + bhh_ref[...]
    i_g = gates[:, 0:C]
    g_g = gates[:, 2 * C:3 * C]
    o_g = gates[:, 3 * C:4 * C]
    c = jax.nn.sigmoid(i_g) * jnp.tanh(g_g)
    h = jax.nn.sigmoid(o_g) * jnp.tanh(c)
    o_ref[...] = jnp.dot(x_ref[...], h, preferred_element_type=jnp.float32)
    deg = degp_ref[0:NPAD // C] + degp_ref[NPAD // C:] + 1.0
    dinv_ref[...] = jnp.where(deg > 0, lax.rsqrt(deg), 0.0)


def _tc_prep(x_pad, w, w_ih, b_ih2, b_hh2, degp):
    return pl.pallas_call(
        _tc_prep_body,
        out_shape=(jax.ShapeDtypeStruct((NPAD, C), jnp.float32),
                   jax.ShapeDtypeStruct((NPAD // C, C), jnp.float32)),
    )(x_pad, w, w_ih, b_ih2, b_hh2, degp)


def _tc_comb_body(p_ref, xw_ref, dc_ref, o_ref):
    d2 = dc_ref[0:N] * dc_ref[0:N]
    o_ref[...] = (p_ref[0:N] + p_ref[NPAD:NPAD + N] + xw_ref[0:N] * d2)


def _tc_combine(partials, xw, dinvcol):
    return pl.pallas_call(
        _tc_comb_body,
        out_shape=jax.ShapeDtypeStruct((N, C), jnp.float32),
    )(partials, xw, dinvcol)


def _sc_deg_body(dstR, ewR, out_hbm, deg_sm, deg_t, dst_t, ew_t, sem):
    cid = lax.axis_index("c")
    sid = lax.axis_index("s")
    nbase = sid * NSL
    ebase = cid * (E_ROWS // NC) + sid * GPT

    zeros = jnp.zeros((L,), jnp.float32)

    def fill0(k, _):
        deg_t[pl.ds(k * L, L)] = zeros
        return 0
    lax.fori_loop(0, NSL // L, fill0, 0)
    pltpu.sync_copy(deg_t, deg_sm.at[pl.ds(nbase, NSL)])

    pltpu.sync_copy(dstR.at[pl.ds(ebase, GPT)], dst_t)
    pltpu.sync_copy(ewR.at[pl.ds(ebase, GPT)], ew_t)
    plsc.subcore_barrier()

    def fire(g, _):
        pltpu.async_copy(ew_t.at[g], deg_sm.at[dst_t.at[g]], sem, add=True)
        return 0
    lax.fori_loop(0, GPT, fire, 0)

    def drain(g, _):
        pltpu.make_async_copy(ew_t.at[g], deg_sm.at[dst_t.at[g]], sem).wait()
        return 0
    lax.fori_loop(0, GPT, drain, 0)
    plsc.subcore_barrier()

    pltpu.sync_copy(deg_sm.at[pl.ds(nbase, NSL)],
                    out_hbm.at[pl.ds(cid * NPAD + nbase, NSL)])


def _sc_deg(dstR, ewR):
    mesh = plsc.VectorSubcoreMesh(core_axis_name="c", subcore_axis_name="s",
                                  num_cores=NC, num_subcores=NS)
    f = functools.partial(
        pl.kernel,
        out_type=jax.ShapeDtypeStruct((2 * NPAD,), jnp.float32),
        mesh=mesh,
        compiler_params=pltpu.CompilerParams(needs_layout_passes=False),
        scratch_types=[
            pltpu.VMEM_SHARED((NPAD,), jnp.float32),
            pltpu.VMEM((NSL,), jnp.float32),
            pltpu.VMEM((GPT, 128), jnp.int32),
            pltpu.VMEM((GPT, 128), jnp.float32),
            pltpu.SemaphoreType.DMA,
        ],
    )(_sc_deg_body)
    return f(dstR, ewR)


def _sc_body(srcR, dstR, ewR, xw_hbm, dinv_hbm, out_hbm,
             acc_sm, dinv_t, src_c, dst_c, ewn_c, rows_a, rows_b,
             gsem_a, gsem_b, ssem_a, ssem_b, csem):
    cid = lax.axis_index("c")
    sid = lax.axis_index("s")
    nbase = sid * NSL
    ebase = cid * (E_ROWS // NC) + sid * GPT

    pltpu.sync_copy(dinv_hbm, dinv_t)

    zeros = jnp.zeros((L,), jnp.float32)

    def zrow(e, _):
        for j in range(C // L):
            rows_a[e, pl.ds(j * L, L)] = zeros
        return 0
    lax.fori_loop(0, 128, zrow, 0)
    for ci in range(NSL // 128):
        pltpu.sync_copy(rows_a, acc_sm.at[pl.ds(nbase + ci * 128, 128)])
    plsc.subcore_barrier()

    def stage(c, p):
        r0 = ebase + c * EPB
        pltpu.async_copy(srcR.at[pl.ds(r0, EPB)], src_c.at[p], csem)
        pltpu.async_copy(dstR.at[pl.ds(r0, EPB)], dst_c.at[p], csem)
        pltpu.async_copy(ewR.at[pl.ds(r0, EPB)], ewn_c.at[p], csem)

    def stage_wait():
        pltpu.make_async_copy(srcR.at[pl.ds(ebase, EPB)], src_c.at[0],
                              csem).wait()
        pltpu.make_async_copy(dstR.at[pl.ds(ebase, EPB)], dst_c.at[0],
                              csem).wait()
        pltpu.make_async_copy(ewR.at[pl.ds(ebase, EPB)], ewn_c.at[0],
                              csem).wait()

    def norms(p):
        def norm_g(g, _):
            for k in range(128 // L):
                sv = src_c[p, g, pl.ds(k * L, L)]
                dv = dst_c[p, g, pl.ds(k * L, L)]
                wv = ewn_c[p, g, pl.ds(k * L, L)]
                ewn_c[p, g, pl.ds(k * L, L)] = (
                    plsc.load_gather(dinv_t, [sv])
                    * plsc.load_gather(dinv_t, [dv]) * wv)
            return 0
        lax.fori_loop(0, EPB, norm_g, 0)

    def scale(buf, p, lrow):
        def scale_g(k, _):
            sv = ewn_c[p, lrow, pl.ds(k * L, L)]
            for i in range(L):
                s = sv[i]
                e = k * L + i
                for j in range(C // L):
                    buf[e, pl.ds(j * L, L)] = buf[e, pl.ds(j * L, L)] * s
            return 0
        lax.fori_loop(0, 128 // L, scale_g, 0)

    def gather_issue(buf, p, lrow, sem):
        pltpu.async_copy(xw_hbm.at[src_c.at[p, lrow]], buf, sem)

    def gather_wait(buf, p, lrow, sem):
        pltpu.make_async_copy(xw_hbm.at[src_c.at[p, lrow]], buf, sem).wait()

    def scat_issue(buf, p, lrow, sem):
        pltpu.async_copy(buf, acc_sm.at[dst_c.at[p, lrow]], sem, add=True)

    def scat_wait(buf, p, lrow, sem):
        pltpu.make_async_copy(buf, acc_sm.at[dst_c.at[p, lrow]], sem).wait()

    stage(0, 0)
    stage_wait()
    gather_issue(rows_a, 0, 0, gsem_a)

    def chunk_body(c, _):
        p = c % 2

        @pl.when(c > 0)
        def _():
            scat_wait(rows_b, p, 0, ssem_b)

        @pl.when(c + 1 < NCHUNK)
        def _():
            stage(c + 1, (c + 1) % 2)
        norms(p)

        def pair_body(g2, _):
            l0 = 2 * g2

            @pl.when(g2 > 0)
            def _():
                scat_wait(rows_b, p, l0, ssem_b)
            gather_issue(rows_b, p, l0 + 1, gsem_b)
            gather_wait(rows_a, p, l0, gsem_a)
            scale(rows_a, p, l0)
            scat_issue(rows_a, p, l0, ssem_a)

            @pl.when(g2 < EPB // 2 - 1)
            def _():
                scat_wait(rows_a, p, l0, ssem_a)
                gather_issue(rows_a, p, l0 + 2, gsem_a)

            @pl.when((g2 == EPB // 2 - 1) & (c + 1 < NCHUNK))
            def _():
                stage_wait()
                scat_wait(rows_a, p, l0, ssem_a)
                gather_issue(rows_a, (c + 1) % 2, 0, gsem_a)

            gather_wait(rows_b, p, l0 + 1, gsem_b)
            scale(rows_b, p, l0 + 1)
            scat_issue(rows_b, p, l0 + 1, ssem_b)
            return 0
        lax.fori_loop(0, EPB // 2, pair_body, 0)
        return 0
    lax.fori_loop(0, NCHUNK, chunk_body, 0)
    scat_wait(rows_a, 0, 0, ssem_a)
    scat_wait(rows_b, 0, 0, ssem_b)
    plsc.subcore_barrier()

    pltpu.sync_copy(acc_sm.at[pl.ds(nbase, NSL)],
                    out_hbm.at[pl.ds(cid * NPAD + nbase, NSL)])


def _sc_edge(srcR, dstR, ewR, xw, dinv):
    mesh = plsc.VectorSubcoreMesh(core_axis_name="c", subcore_axis_name="s",
                                  num_cores=NC, num_subcores=NS)
    f = functools.partial(
        pl.kernel,
        out_type=jax.ShapeDtypeStruct((2 * NPAD, C), jnp.float32),
        mesh=mesh,
        compiler_params=pltpu.CompilerParams(needs_layout_passes=False),
        scratch_types=[
            pltpu.VMEM_SHARED((NPAD, C), jnp.float32),
            pltpu.VMEM((NPAD,), jnp.float32),
            pltpu.VMEM((2, EPB, 128), jnp.int32),
            pltpu.VMEM((2, EPB, 128), jnp.int32),
            pltpu.VMEM((2, EPB, 128), jnp.float32),
            pltpu.VMEM((128, C), jnp.float32),
            pltpu.VMEM((128, C), jnp.float32),
            pltpu.SemaphoreType.DMA,
            pltpu.SemaphoreType.DMA,
            pltpu.SemaphoreType.DMA,
            pltpu.SemaphoreType.DMA,
            pltpu.SemaphoreType.DMA,
        ],
    )(_sc_body)
    return f(srcR, dstR, ewR, xw, dinv)


def kernel(X, edge_index, edge_weight, W, W_ih, W_hh, b_ih, b_hh):
    del W_hh
    epad = E_ROWS * 128
    e = edge_index.shape[1]
    base = jnp.arange(epad, dtype=jnp.int32) % N
    src = base.at[:e].set(edge_index[0].astype(jnp.int32))
    dst = base.at[:e].set(edge_index[1].astype(jnp.int32))
    ew = jnp.zeros((epad,), jnp.float32).at[:e].set(edge_weight)
    srcR = src.reshape(E_ROWS, 128)
    dstR = dst.reshape(E_ROWS, 128)
    ewR = ew.reshape(E_ROWS, 128)

    degp = _sc_deg(dstR, ewR)

    x_pad = jnp.zeros((NPAD, C), jnp.float32).at[:N].set(X)
    xw, dinv2d = _tc_prep(x_pad, W, W_ih,
                          b_ih.reshape(1, 4 * C), b_hh.reshape(1, 4 * C),
                          degp.reshape(2 * NPAD // C, C))

    partials = _sc_edge(srcR, dstR, ewR, xw, dinv2d.reshape(NPAD))
    return _tc_combine(partials, xw, dinv2d.reshape(NPAD, 1))

# --- scband reference (transcript-rebuilt; emitter-appended) ---
"""Pipeline reference for scband-evolve-gcno-4896262717837 (READ-ONLY COPY).

The authoritative reference and input builder live on the scoring server;
editing this copy changes nothing except your own understanding.
"""

import jax, jax.numpy as jnp
import numpy as np

IN_CHANNELS = 128
N_NODES = 10000
N_EDGES = 320000


def setup_inputs(seed: int = 0) -> dict:
    key = jax.random.key(seed)
    ks = jax.random.split(key, 8)
    X = jax.random.normal(ks[0], (N_NODES, IN_CHANNELS), dtype=jnp.float32)
    edge_index = jax.random.randint(ks[1], (2, N_EDGES), 0, N_NODES)
    edge_weight = jax.random.uniform(ks[2], (N_EDGES,), dtype=jnp.float32)
    s = 1.0 / np.sqrt(IN_CHANNELS)
    # GCNConv weight [in_channels, out_channels], glorot-ish init
    W = jax.random.uniform(ks[3], (IN_CHANNELS, IN_CHANNELS), minval=-s, maxval=s, dtype=jnp.float32)
    # LSTM parameters (input_size = hidden_size = IN_CHANNELS)
    W_ih = jax.random.uniform(ks[4], (4 * IN_CHANNELS, IN_CHANNELS), minval=-s, maxval=s, dtype=jnp.float32)
    W_hh = jax.random.uniform(ks[5], (4 * IN_CHANNELS, IN_CHANNELS), minval=-s, maxval=s, dtype=jnp.float32)
    b_ih = jax.random.uniform(ks[6], (4 * IN_CHANNELS,), minval=-s, maxval=s, dtype=jnp.float32)
    b_hh = jax.random.uniform(ks[7], (4 * IN_CHANNELS,), minval=-s, maxval=s, dtype=jnp.float32)
    return {"X": X, "edge_index": edge_index, "edge_weight": edge_weight,
            "W": W, "W_ih": W_ih, "W_hh": W_hh, "b_ih": b_ih, "b_hh": b_hh}


def _lstm_evolve(W, W_ih, W_hh, b_ih, b_hh):
    # seq_len=1, batch=IN_CHANNELS rows of W, h0=c0=0
    h0 = jnp.zeros_like(W)
    gates = W @ W_ih.T + b_ih + h0 @ W_hh.T + b_hh
    i, f, g, o = jnp.split(gates, 4, axis=-1)
    c = jax.nn.sigmoid(f) * 0.0 + jax.nn.sigmoid(i) * jnp.tanh(g)
    h = jax.nn.sigmoid(o) * jnp.tanh(c)
    return h


def _gcn_conv(X, edge_index, edge_weight, W):
    n = X.shape[0]
    src = edge_index[0]
    dst = edge_index[1]
    # add self loops with weight 1
    loop = jnp.arange(n, dtype=src.dtype)
    src = jnp.concatenate([src, loop])
    dst = jnp.concatenate([dst, loop])
    ew = jnp.concatenate([edge_weight, jnp.ones((n,), dtype=edge_weight.dtype)])
    # symmetric normalization D^-1/2 A D^-1/2
    deg = jnp.zeros((n,), dtype=ew.dtype).at[dst].add(ew)
    dinv = jnp.where(deg > 0, deg ** -0.5, 0.0)
    norm = dinv[src] * ew * dinv[dst]
    XW = X @ W
    msgs = XW[src] * norm[:, None]
    out = jnp.zeros_like(XW).at[dst].add(msgs)
    return out


def reference(X, edge_index, edge_weight, W, W_ih, W_hh, b_ih, b_hh):
    W_evolved = _lstm_evolve(W, W_ih, W_hh, b_ih, b_hh)
    return _gcn_conv(X, edge_index, edge_weight, W_evolved)

if __name__ == "__main__":
    import jax
    _d = setup_inputs()
    print(jax.jit(kernel)(*tuple(_d.values())))

</pallas_src>

<mosaic_0001>
#map = affine_map<(d0, d1) -> (0, 0)>
#map1 = affine_map<(d0, d1) -> (0)>
module attributes {stable_mosaic.version = 14 : i64} {
  func.func @_sc_body(%arg0: i32, %arg1: i32, %arg2: memref<2560x128xi32, #tpu.memory_space<hbm>>, %arg3: memref<2560x128xi32, #tpu.memory_space<hbm>>, %arg4: memref<2560x128xf32, #tpu.memory_space<hbm>>, %arg5: memref<10240x128xf32, #tpu.memory_space<hbm>>, %arg6: memref<10240xf32, #tpu.memory_space<hbm>>, %arg7: memref<20480x128xf32, #tpu.memory_space<hbm>>, %arg8: memref<10240x128xf32, #tpu.memory_space<vmem_shared>>, %arg9: memref<10240xf32, #tpu.memory_space<vmem>>, %arg10: memref<2x4x128xi32, #tpu.memory_space<vmem>>, %arg11: memref<2x4x128xi32, #tpu.memory_space<vmem>>, %arg12: memref<2x4x128xf32, #tpu.memory_space<vmem>>, %arg13: memref<128x128xf32, #tpu.memory_space<vmem>>, %arg14: memref<128x128xf32, #tpu.memory_space<vmem>>, %arg15: memref<!tpu.dma_semaphore, #tpu.memory_space<semaphore_mem>>, %arg16: memref<!tpu.dma_semaphore, #tpu.memory_space<semaphore_mem>>, %arg17: memref<!tpu.dma_semaphore, #tpu.memory_space<semaphore_mem>>, %arg18: memref<!tpu.dma_semaphore, #tpu.memory_space<semaphore_mem>>, %arg19: memref<!tpu.dma_semaphore, #tpu.memory_space<semaphore_mem>>) attributes {dimension_semantics = [#tpu.dimension_semantics<core_parallel>, #tpu.dimension_semantics<subcore_parallel>], iteration_bounds = array<i64: 2, 16>, scalar_prefetch = 0 : i64, scratch_operands = 12 : i64, tpu.core_type = #tpu.core_type<sc_vector_subcore>, window_params = [{transform_indices = #map}, {transform_indices = #map}, {transform_indices = #map}, {transform_indices = #map}, {transform_indices = #map1}, {transform_indices = #map}]} {
    %mul3A = arith.constant 640 : i32
    %mul3A_0 = arith.muli %arg1, %mul3A : i32
    %mul3A_1 = arith.constant 1280 : i32
    %mul3A_2 = arith.muli %arg0, %mul3A_1 : i32
    %mul3A_3 = arith.constant 80 : i32
    %mul3A_4 = arith.muli %arg1, %mul3A_3 : i32
    %add3A = arith.addi %mul3A_2, %mul3A_4 : i32
    "tpu.region"() ({
      %run_scoped3A = tpu.sem_alloc : memref<!tpu.dma_semaphore, #tpu.memory_space<semaphore_mem>>
      tpu.enqueue_dma source(%arg6 : memref<10240xf32, #tpu.memory_space<hbm>>) target(%arg9 : memref<10240xf32, #tpu.memory_space<vmem>>) target_semaphore(%run_scoped3A : memref<!tpu.dma_semaphore, #tpu.memory_space<semaphore_mem>>)
      tpu.wait_dma2 semaphore(%run_scoped3A : memref<!tpu.dma_semaphore, #tpu.memory_space<semaphore_mem>>) src(%arg6 : memref<10240xf32, #tpu.memory_space<hbm>>) dst(%arg9 : memref<10240xf32, #tpu.memory_space<vmem>>)
      tpu.yield
    }) : () -> ()
    %broadcast_in_dim3A = arith.constant 0.000000e+00 : f32
    %broadcast_in_dim3A_5 = vector.broadcast %broadcast_in_dim3A : f32 to vector<16xf32>
    %scan3A = arith.constant 0 : i32
    %scan3A_6 = arith.constant 0 : i32
    %scan3A_7 = arith.constant 128 : i32
    %scan3A_8 = arith.addi %scan3A_6, %scan3A_7 : i32
    %scan3A_9 = arith.constant 1 : i32
    %scan3A_10 = scf.for %scan3A_135 = %scan3A_6 to %scan3A_8 step %scan3A_9 iter_args(%scan3A_136 = %scan3A) -> (i32)  : i32 {
      %swap3A = arith.index_cast %scan3A_135 : i32 to index
      %swap3A_137 = arith.constant 0 : index
      %swap3A_138 = tpu.vector_load %arg13[%swap3A, %swap3A_137] {strides = array<i32>} : memref<128x128xf32, #tpu.memory_space<vmem>>, vector<16xf32>,
      tpu.vector_store %arg13[%swap3A, %swap3A_137], %broadcast_in_dim3A_5 {strides = array<i32>} : memref<128x128xf32, #tpu.memory_space<vmem>>, vector<16xf32>,
      %swap3A_139 = arith.index_cast %scan3A_135 : i32 to index
      %swap3A_140 = arith.constant 16 : index
      %swap3A_141 = tpu.vector_load %arg13[%swap3A_139, %swap3A_140] {strides = array<i32>} : memref<128x128xf32, #tpu.memory_space<vmem>>, vector<16xf32>,
      tpu.vector_store %arg13[%swap3A_139, %swap3A_140], %broadcast_in_dim3A_5 {strides = array<i32>} : memref<128x128xf32, #tpu.memory_space<vmem>>, vector<16xf32>,
      %swap3A_142 = arith.index_cast %scan3A_135 : i32 to index
      %swap3A_143 = arith.constant 32 : index
      %swap3A_144 = tpu.vector_load %arg13[%swap3A_142, %swap3A_143] {strides = array<i32>} : memref<128x128xf32, #tpu.memory_space<vmem>>, vector<16xf32>,
      tpu.vector_store %arg13[%swap3A_142, %swap3A_143], %broadcast_in_dim3A_5 {strides = array<i32>} : memref<128x128xf32, #tpu.memory_space<vmem>>, vector<16xf32>,
      %swap3A_145 = arith.index_cast %scan3A_135 : i32 to index
      %swap3A_146 = arith.constant 48 : index
      %swap3A_147 = tpu.vector_load %arg13[%swap3A_145, %swap3A_146] {strides = array<i32>} : memref<128x128xf32, #tpu.memory_space<vmem>>, vector<16xf32>,
      tpu.vector_store %arg13[%swap3A_145, %swap3A_146], %broadcast_in_dim3A_5 {strides = array<i32>} : memref<128x128xf32, #tpu.memory_space<vmem>>, vector<16xf32>,
      %swap3A_148 = arith.index_cast %scan3A_135 : i32 to index
      %swap3A_149 = arith.constant 64 : index
      %swap3A_150 = tpu.vector_load %arg13[%swap3A_148, %swap3A_149] {strides = array<i32>} : memref<128x128xf32, #tpu.memory_space<vmem>>, vector<16xf32>,
      tpu.vector_store %arg13[%swap3A_148, %swap3A_149], %broadcast_in_dim3A_5 {strides = array<i32>} : memref<128x128xf32, #tpu.memory_space<vmem>>, vector<16xf32>,
      %swap3A_151 = arith.index_cast %scan3A_135 : i32 to index
      %swap3A_152 = arith.constant 80 : index
      %swap3A_153 = tpu.vector_load %arg13[%swap3A_151, %swap3A_152] {strides = array<i32>} : memref<128x128xf32, #tpu.memory_space<vmem>>, vector<16xf32>,
      tpu.vector_store %arg13[%swap3A_151, %swap3A_152], %broadcast_in_dim3A_5 {strides = array<i32>} : memref<128x128xf32, #tpu.memory_space<vmem>>, vector<16xf32>,
      %swap3A_154 = arith.index_cast %scan3A_135 : i32 to index
      %swap3A_155 = arith.constant 96 : index
      %swap3A_156 = tpu.vector_load %arg13[%swap3A_154, %swap3A_155] {strides = array<i32>} : memref<128x128xf32, #tpu.memory_space<vmem>>, vector<16xf32>,
      tpu.vector_store %arg13[%swap3A_154, %swap3A_155], %broadcast_in_dim3A_5 {strides = array<i32>} : memref<128x128xf32, #tpu.memory_space<vmem>>, vector<16xf32>,
      %swap3A_157 = arith.index_cast %scan3A_135 : i32 to index
      %swap3A_158 = arith.constant 112 : index
      %swap3A_159 = tpu.vector_load %arg13[%swap3A_157, %swap3A_158] {strides = array<i32>} : memref<128x128xf32, #tpu.memory_space<vmem>>, vector<16xf32>,
      tpu.vector_store %arg13[%swap3A_157, %swap3A_158], %broadcast_in_dim3A_5 {strides = array<i32>} : memref<128x128xf32, #tpu.memory_space<vmem>>, vector<16xf32>,
      %scan3A_160 = arith.constant 0 : i32
      scf.yield %scan3A_160 : i32
    }
    %scan3A_11 = arith.constant 128 : i32
    %add3A_12 = arith.constant 0 : i32
    %add3A_13 = arith.addi %mul3A_0, %add3A_12 : i32
    "tpu.region"() ({
      %run_scoped3A = tpu.sem_alloc : memref<!tpu.dma_semaphore, #tpu.memory_space<semaphore_mem>>
      %dma_start3A_135 = arith.constant 0 : i32
      %dma_start3A_136 = tpu.memref_slice %arg8[%add3A_13, %dma_start3A_135] : memref<10240x128xf32, #tpu.memory_space<vmem_shared>> -> memref<128x128xf32, #tpu.memory_space<vmem_shared>>
      %dma_start3A_137 = arith.constant 0 : i32
      %dma_start3A_138 = tpu.memref_slice %arg8[%add3A_13, %dma_start3A_137] : memref<10240x128xf32, #tpu.memory_space<vmem_shared>> -> memref<128x128xf32, #tpu.memory_space<vmem_shared>>
      tpu.enqueue_dma source(%arg13 : memref<128x128xf32, #tpu.memory_space<vmem>>) target(%dma_start3A_138 : memref<128x128xf32, #tpu.memory_space<vmem_shared>>) target_semaphore(%run_scoped3A : memref<!tpu.dma_semaphore, #tpu.memory_space<semaphore_mem>>)
      %dma_wait3A_139 = arith.constant 0 : i32
      %dma_wait3A_140 = tpu.memref_slice %arg8[%add3A_13, %dma_wait3A_139] : memref<10240x128xf32, #tpu.memory_space<vmem_shared>> -> memref<128x128xf32, #tpu.memory_space<vmem_shared>>
      %dma_wait3A_141 = arith.constant 0 : i32
      %dma_wait3A_142 = tpu.memref_slice %arg8[%add3A_13, %dma_wait3A_141] : memref<10240x128xf32, #tpu.memory_space<vmem_shared>> -> memref<128x128xf32, #tpu.memory_space<vmem_shared>>
      tpu.wait_dma2 semaphore(%run_scoped3A : memref<!tpu.dma_semaphore, #tpu.memory_space<semaphore_mem>>) src(%arg13 : memref<128x128xf32, #tpu.memory_space<vmem>>) dst(%dma_wait3A_142 : memref<128x128xf32, #tpu.memory_space<vmem_shared>>)
      tpu.yield
    }) : () -> ()
    %add3A_14 = arith.constant 128 : i32
    %add3A_15 = arith.addi %mul3A_0, %add3A_14 : i32
    "tpu.region"() ({
      %run_scoped3A = tpu.sem_alloc : memref<!tpu.dma_semaphore, #tpu.memory_space<semaphore_mem>>
      %dma_start3A_135 = arith.constant 0 : i32
      %dma_start3A_136 = tpu.memref_slice %arg8[%add3A_15, %dma_start3A_135] : memref<10240x128xf32, #tpu.memory_space<vmem_shared>> -> memref<128x128xf32, #tpu.memory_space<vmem_shared>>
      %dma_start3A_137 = arith.constant 0 : i32
      %dma_start3A_138 = tpu.memref_slice %arg8[%add3A_15, %dma_start3A_137] : memref<10240x128xf32, #tpu.memory_space<vmem_shared>> -> memref<128x128xf32, #tpu.memory_space<vmem_shared>>
      tpu.enqueue_dma source(%arg13 : memref<128x128xf32, #tpu.memory_space<vmem>>) target(%dma_start3A_138 : memref<128x128xf32, #tpu.memory_space<vmem_shared>>) target_semaphore(%run_scoped3A : memref<!tpu.dma_semaphore, #tpu.memory_space<semaphore_mem>>)
      %dma_wait3A_139 = arith.constant 0 : i32
      %dma_wait3A_140 = tpu.memref_slice %arg8[%add3A_15, %dma_wait3A_139] : memref<10240x128xf32, #tpu.memory_space<vmem_shared>> -> memref<128x128xf32, #tpu.memory_space<vmem_shared>>
      %dma_wait3A_141 = arith.constant 0 : i32
      %dma_wait3A_142 = tpu.memref_slice %arg8[%add3A_15, %dma_wait3A_141] : memref<10240x128xf32, #tpu.memory_space<vmem_shared>> -> memref<128x128xf32, #tpu.memory_space<vmem_shared>>
      tpu.wait_dma2 semaphore(%run_scoped3A : memref<!tpu.dma_semaphore, #tpu.memory_space<semaphore_mem>>) src(%arg13 : memref<128x128xf32, #tpu.memory_space<vmem>>) dst(%dma_wait3A_142 : memref<128x128xf32, #tpu.memory_space<vmem_shared>>)
      tpu.yield
    }) : () -> ()
    %add3A_16 = arith.constant 256 : i32
    %add3A_17 = arith.addi %mul3A_0, %add3A_16 : i32
    "tpu.region"() ({
      %run_scoped3A = tpu.sem_alloc : memref<!tpu.dma_semaphore, #tpu.memory_space<semaphore_mem>>
      %dma_start3A_135 = arith.constant 0 : i32
      %dma_start3A_136 = tpu.memref_slice %arg8[%add3A_17, %dma_start3A_135] : memref<10240x128xf32, #tpu.memory_space<vmem_shared>> -> memref<128x128xf32, #tpu.memory_space<vmem_shared>>
      %dma_start3A_137 = arith.constant 0 : i32
      %dma_start3A_138 = tpu.memref_slice %arg8[%add3A_17, %dma_start3A_137] : memref<10240x128xf32, #tpu.memory_space<vmem_shared>> -> memref<128x128xf32, #tpu.memory_space<vmem_shared>>
      tpu.enqueue_dma source(%arg13 : memref<128x128xf32, #tpu.memory_space<vmem>>) target(%dma_start3A_138 : memref<128x128xf32, #tpu.memory_space<vmem_shared>>) target_semaphore(%run_scoped3A : memref<!tpu.dma_semaphore, #tpu.memory_space<semaphore_mem>>)
      %dma_wait3A_139 = arith.constant 0 : i32
      %dma_wait3A_140 = tpu.memref_slice %arg8[%add3A_17, %dma_wait3A_139] : memref<10240x128xf32, #tpu.memory_space<vmem_shared>> -> memref<128x128xf32, #tpu.memory_space<vmem_shared>>
      %dma_wait3A_141 = arith.constant 0 : i32
      %dma_wait3A_142 = tpu.memref_slice %arg8[%add3A_17, %dma_wait3A_141] : memref<10240x128xf32, #tpu.memory_space<vmem_shared>> -> memref<128x128xf32, #tpu.memory_space<vmem_shared>>
      tpu.wait_dma2 semaphore(%run_scoped3A : memref<!tpu.dma_semaphore, #tpu.memory_space<semaphore_mem>>) src(%arg13 : memref<128x128xf32, #tpu.memory_space<vmem>>) dst(%dma_wait3A_142 : memref<128x128xf32, #tpu.memory_space<vmem_shared>>)
      tpu.yield
    }) : () -> ()
    %add3A_18 = arith.constant 384 : i32
    %add3A_19 = arith.addi %mul3A_0, %add3A_18 : i32
    "tpu.region"() ({
      %run_scoped3A = tpu.sem_alloc : memref<!tpu.dma_semaphore, #tpu.memory_space<semaphore_mem>>
      %dma_start3A_135 = arith.constant 0 : i32
      %dma_start3A_136 = tpu.memref_slice %arg8[%add3A_19, %dma_start3A_135] : memref<10240x128xf32, #tpu.memory_space<vmem_shared>> -> memref<128x128xf32, #tpu.memory_space<vmem_shared>>
      %dma_start3A_137 = arith.constant 0 : i32
      %dma_start3A_138 = tpu.memref_slice %arg8[%add3A_19, %dma_start3A_137] : memref<10240x128xf32, #tpu.memory_space<vmem_shared>> -> memref<128x128xf32, #tpu.memory_space<vmem_shared>>
      tpu.enqueue_dma source(%arg13 : memref<128x128xf32, #tpu.memory_space<vmem>>) target(%dma_start3A_138 : memref<128x128xf32, #tpu.memory_space<vmem_shared>>) target_semaphore(%run_scoped3A : memref<!tpu.dma_semaphore, #tpu.memory_space<semaphore_mem>>)
      %dma_wait3A_139 = arith.constant 0 : i32
      %dma_wait3A_140 = tpu.memref_slice %arg8[%add3A_19, %dma_wait3A_139] : memref<10240x128xf32, #tpu.memory_space<vmem_shared>> -> memref<128x128xf32, #tpu.memory_space<vmem_shared>>
      %dma_wait3A_141 = arith.constant 0 : i32
      %dma_wait3A_142 = tpu.memref_slice %arg8[%add3A_19, %dma_wait3A_141] : memref<10240x128xf32, #tpu.memory_space<vmem_shared>> -> memref<128x128xf32, #tpu.memory_space<vmem_shared>>
      tpu.wait_dma2 semaphore(%run_scoped3A : memref<!tpu.dma_semaphore, #tpu.memory_space<semaphore_mem>>) src(%arg13 : memref<128x128xf32, #tpu.memory_space<vmem>>) dst(%dma_wait3A_142 : memref<128x128xf32, #tpu.memory_space<vmem_shared>>)
      tpu.yield
    }) : () -> ()
    %add3A_20 = arith.constant 512 : i32
    %add3A_21 = arith.addi %mul3A_0, %add3A_20 : i32
    "tpu.region"() ({
      %run_scoped3A = tpu.sem_alloc : memref<!tpu.dma_semaphore, #tpu.memory_space<semaphore_mem>>
      %dma_start3A_135 = arith.constant 0 : i32
      %dma_start3A_136 = tpu.memref_slice %arg8[%add3A_21, %dma_start3A_135] : memref<10240x128xf32, #tpu.memory_space<vmem_shared>> -> memref<128x128xf32, #tpu.memory_space<vmem_shared>>
      %dma_start3A_137 = arith.constant 0 : i32
      %dma_start3A_138 = tpu.memref_slice %arg8[%add3A_21, %dma_start3A_137] : memref<10240x128xf32, #tpu.memory_space<vmem_shared>> -> memref<128x128xf32, #tpu.memory_space<vmem_shared>>
      tpu.enqueue_dma source(%arg13 : memref<128x128xf32, #tpu.memory_space<vmem>>) target(%dma_start3A_138 : memref<128x128xf32, #tpu.memory_space<vmem_shared>>) target_semaphore(%run_scoped3A : memref<!tpu.dma_semaphore, #tpu.memory_space<semaphore_mem>>)
      %dma_wait3A_139 = arith.constant 0 : i32
      %dma_wait3A_140 = tpu.memref_slice %arg8[%add3A_21, %dma_wait3A_139] : memref<10240x128xf32, #tpu.memory_space<vmem_shared>> -> memref<128x128xf32, #tpu.memory_space<vmem_shared>>
      %dma_wait3A_141 = arith.constant 0 : i32
      %dma_wait3A_142 = tpu.memref_slice %arg8[%add3A_21, %dma_wait3A_141] : memref<10240x128xf32, #tpu.memory_space<vmem_shared>> -> memref<128x128xf32, #tpu.memory_space<vmem_shared>>
      tpu.wait_dma2 semaphore(%run_scoped3A : memref<!tpu.dma_semaphore, #tpu.memory_space<semaphore_mem>>) src(%arg13 : memref<128x128xf32, #tpu.memory_space<vmem>>) dst(%dma_wait3A_142 : memref<128x128xf32, #tpu.memory_space<vmem_shared>>)
      tpu.yield
    }) : () -> ()
    %barrier3A = arith.constant 0 : index
    tpu.barrier barrier_id(%barrier3A)
    %add3A_22 = arith.constant 0 : i32
    %add3A_23 = arith.addi %add3A, %add3A_22 : i32
    %dma_start3A = arith.constant 0 : i32
    %dma_start3A_24 = arith.constant 0 : i32
    %dma_start3A_25 = arith.constant 0 : i32
    %dma_start3A_26 = tpu.memref_slice %arg10[%dma_start3A, %dma_start3A_24, %dma_start3A_25] : memref<2x4x128xi32, #tpu.memory_space<vmem>> -> memref<1x4x128xi32, #tpu.memory_space<vmem>>
    %dma_start3A_27 = tpu.memref_squeeze %dma_start3A_26 : memref<1x4x128xi32, #tpu.memory_space<vmem>> -> memref<4x128xi32, #tpu.memory_space<vmem>>
    %dma_start3A_28 = arith.constant 0 : i32
    %dma_start3A_29 = tpu.memref_slice %arg2[%add3A_23, %dma_start3A_28] : memref<2560x128xi32, #tpu.memory_space<hbm>> -> memref<4x128xi32, #tpu.memory_space<hbm>>
    %dma_start3A_30 = arith.constant 0 : i32
    %dma_start3A_31 = arith.constant 0 : i32
    %dma_start3A_32 = tpu.memref_slice %arg10[%dma_start3A, %dma_start3A_30, %dma_start3A_31] : memref<2x4x128xi32, #tpu.memory_space<vmem>> -> memref<1x4x128xi32, #tpu.memory_space<vmem>>
    %dma_start3A_33 = tpu.memref_squeeze %dma_start3A_32 : memref<1x4x128xi32, #tpu.memory_space<vmem>> -> memref<4x128xi32, #tpu.memory_space<vmem>>
    %dma_start3A_34 = arith.constant 0 : i32
    %dma_start3A_35 = tpu.memref_slice %arg2[%add3A_23, %dma_start3A_34] : memref<2560x128xi32, #tpu.memory_space<hbm>> -> memref<4x128xi32, #tpu.memory_space<hbm>>
    tpu.enqueue_dma source(%dma_start3A_35 : memref<4x128xi32, #tpu.memory_space<hbm>>) target(%dma_start3A_33 : memref<4x128xi32, #tpu.memory_space<vmem>>) target_semaphore(%arg19 : memref<!tpu.dma_semaphore, #tpu.memory_space<semaphore_mem>>)
    %dma_start3A_36 = arith.constant 0 : i32
    %dma_start3A_37 = arith.constant 0 : i32
    %dma_start3A_38 = arith.constant 0 : i32
    %dma_start3A_39 = tpu.memref_slice %arg11[%dma_start3A_36, %dma_start3A_37, %dma_start3A_38] : memref<2x4x128xi32, #tpu.memory_space<vmem>> -> memref<1x4x128xi32, #tpu.memory_space<vmem>>
    %dma_start3A_40 = tpu.memref_squeeze %dma_start3A_39 : memref<1x4x128xi32, #tpu.memory_space<vmem>> -> memref<4x128xi32, #tpu.memory_space<vmem>>
    %dma_start3A_41 = arith.constant 0 : i32
    %dma_start3A_42 = tpu.memref_slice %arg3[%add3A_23, %dma_start3A_41] : memref<2560x128xi32, #tpu.memory_space<hbm>> -> memref<4x128xi32, #tpu.memory_space<hbm>>
    %dma_start3A_43 = arith.constant 0 : i32
    %dma_start3A_44 = arith.constant 0 : i32
    %dma_start3A_45 = tpu.memref_slice %arg11[%dma_start3A_36, %dma_start3A_43, %dma_start3A_44] : memref<2x4x128xi32, #tpu.memory_space<vmem>> -> memref<1x4x128xi32, #tpu.memory_space<vmem>>
    %dma_start3A_46 = tpu.memref_squeeze %dma_start3A_45 : memref<1x4x128xi32, #tpu.memory_space<vmem>> -> memref<4x128xi32, #tpu.memory_space<vmem>>
    %dma_start3A_47 = arith.constant 0 : i32
    %dma_start3A_48 = tpu.memref_slice %arg3[%add3A_23, %dma_start3A_47] : memref<2560x128xi32, #tpu.memory_space<hbm>> -> memref<4x128xi32, #tpu.memory_space<hbm>>
    tpu.enqueue_dma source(%dma_start3A_48 : memref<4x128xi32, #tpu.memory_space<hbm>>) target(%dma_start3A_46 : memref<4x128xi32, #tpu.memory_space<vmem>>) target_semaphore(%arg19 : memref<!tpu.dma_semaphore, #tpu.memory_space<semaphore_mem>>)
    %dma_start3A_49 = arith.constant 0 : i32
    %dma_start3A_50 = arith.constant 0 : i32
    %dma_start3A_51 = arith.constant 0 : i32
    %dma_start3A_52 = tpu.memref_slice %arg12[%dma_start3A_49, %dma_start3A_50, %dma_start3A_51] : memref<2x4x128xf32, #tpu.memory_space<vmem>> -> memref<1x4x128xf32, #tpu.memory_space<vmem>>
    %dma_start3A_53 = tpu.memref_squeeze %dma_start3A_52 : memref<1x4x128xf32, #tpu.memory_space<vmem>> -> memref<4x128xf32, #tpu.memory_space<vmem>>
    %dma_start3A_54 = arith.constant 0 : i32
    %dma_start3A_55 = tpu.memref_slice %arg4[%add3A_23, %dma_start3A_54] : memref<2560x128xf32, #tpu.memory_space<hbm>> -> memref<4x128xf32, #tpu.memory_space<hbm>>
    %dma_start3A_56 = arith.constant 0 : i32
    %dma_start3A_57 = arith.constant 0 : i32
    %dma_start3A_58 = tpu.memref_slice %arg12[%dma_start3A_49, %dma_start3A_56, %dma_start3A_57] : memref<2x4x128xf32, #tpu.memory_space<vmem>> -> memref<1x4x128xf32, #tpu.memory_space<vmem>>
    %dma_start3A_59 = tpu.memref_squeeze %dma_start3A_58 : memref<1x4x128xf32, #tpu.memory_space<vmem>> -> memref<4x128xf32, #tpu.memory_space<vmem>>
    %dma_start3A_60 = arith.constant 0 : i32
    %dma_start3A_61 = tpu.memref_slice %arg4[%add3A_23, %dma_start3A_60] : memref<2560x128xf32, #tpu.memory_space<hbm>> -> memref<4x128xf32, #tpu.memory_space<hbm>>
    tpu.enqueue_dma source(%dma_start3A_61 : memref<4x128xf32, #tpu.memory_space<hbm>>) target(%dma_start3A_59 : memref<4x128xf32, #tpu.memory_space<vmem>>) target_semaphore(%arg19 : memref<!tpu.dma_semaphore, #tpu.memory_space<semaphore_mem>>)
    %dma_wait3A = arith.constant 0 : i32
    %dma_wait3A_62 = arith.constant 0 : i32
    %dma_wait3A_63 = arith.constant 0 : i32
    %dma_wait3A_64 = tpu.memref_slice %arg10[%dma_wait3A, %dma_wait3A_62, %dma_wait3A_63] : memref<2x4x128xi32, #tpu.memory_space<vmem>> -> memref<1x4x128xi32, #tpu.memory_space<vmem>>
    %dma_wait3A_65 = tpu.memref_squeeze %dma_wait3A_64 : memref<1x4x128xi32, #tpu.memory_space<vmem>> -> memref<4x128xi32, #tpu.memory_space<vmem>>
    %dma_wait3A_66 = arith.constant 0 : i32
    %dma_wait3A_67 = tpu.memref_slice %arg2[%add3A, %dma_wait3A_66] : memref<2560x128xi32, #tpu.memory_space<hbm>> -> memref<4x128xi32, #tpu.memory_space<hbm>>
    %dma_wait3A_68 = arith.constant 0 : i32
    %dma_wait3A_69 = arith.constant 0 : i32
    %dma_wait3A_70 = tpu.memref_slice %arg10[%dma_wait3A, %dma_wait3A_68, %dma_wait3A_69] : memref<2x4x128xi32, #tpu.memory_space<vmem>> -> memref<1x4x128xi32, #tpu.memory_space<vmem>>
    %dma_wait3A_71 = tpu.memref_squeeze %dma_wait3A_70 : memref<1x4x128xi32, #tpu.memory_space<vmem>> -> memref<4x128xi32, #tpu.memory_space<vmem>>
    %dma_wait3A_72 = arith.constant 0 : i32
    %dma_wait3A_73 = tpu.memref_slice %arg2[%add3A, %dma_wait3A_72] : memref<2560x128xi32, #tpu.memory_space<hbm>> -> memref<4x128xi32, #tpu.memory_space<hbm>>
    tpu.wait_dma2 semaphore(%arg19 : memref<!tpu.dma_semaphore, #tpu.memory_space<semaphore_mem>>) src(%dma_wait3A_73 : memref<4x128xi32, #tpu.memory_space<hbm>>) dst(%dma_wait3A_71 : memref<4x128xi32, #tpu.memory_space<vmem>>)
    %dma_wait3A_74 = arith.constant 0 : i32
    %dma_wait3A_75 = arith.constant 0 : i32
    %dma_wait3A_76 = arith.constant 0 : i32
    %dma_wait3A_77 = tpu.memref_slice %arg11[%dma_wait3A_74, %dma_wait3A_75, %dma_wait3A_76] : memref<2x4x128xi32, #tpu.memory_space<vmem>> -> memref<1x4x128xi32, #tpu.memory_space<vmem>>
    %dma_wait3A_78 = tpu.memref_squeeze %dma_wait3A_77 : memref<1x4x128xi32, #tpu.memory_space<vmem>> -> memref<4x128xi32, #tpu.memory_space<vmem>>
    %dma_wait3A_79 = arith.constant 0 : i32
    %dma_wait3A_80 = tpu.memref_slice %arg3[%add3A, %dma_wait3A_79] : memref<2560x128xi32, #tpu.memory_space<hbm>> -> memref<4x128xi32, #tpu.memory_space<hbm>>
    %dma_wait3A_81 = arith.constant 0 : i32
    %dma_wait3A_82 = arith.constant 0 : i32
    %dma_wait3A_83 = tpu.memref_slice %arg11[%dma_wait3A_74, %dma_wait3A_81, %dma_wait3A_82] : memref<2x4x128xi32, #tpu.memory_space<vmem>> -> memref<1x4x128xi32, #tpu.memory_space<vmem>>
    %dma_wait3A_84 = tpu.memref_squeeze %dma_wait3A_83 : memref<1x4x128xi32, #tpu.memory_space<vmem>> -> memref<4x128xi32, #tpu.memory_space<vmem>>
    %dma_wait3A_85 = arith.constant 0 : i32
    %dma_wait3A_86 = tpu.memref_slice %arg3[%add3A, %dma_wait3A_85] : memref<2560x128xi32, #tpu.memory_space<hbm>> -> memref<4x128xi32, #tpu.memory_space<hbm>>
    tpu.wait_dma2 semaphore(%arg19 : memref<!tpu.dma_semaphore, #tpu.memory_space<semaphore_mem>>) src(%dma_wait3A_86 : memref<4x128xi32, #tpu.memory_space<hbm>>) dst(%dma_wait3A_84 : memref<4x128xi32, #tpu.memory_space<vmem>>)
    %dma_wait3A_87 = arith.constant 0 : i32
    %dma_wait3A_88 = arith.constant 0 : i32
    %dma_wait3A_89 = arith.constant 0 : i32
    %dma_wait3A_90 = tpu.memref_slice %arg12[%dma_wait3A_87, %dma_wait3A_88, %dma_wait3A_89] : memref<2x4x128xf32, #tpu.memory_space<vmem>> -> memref<1x4x128xf32, #tpu.memory_space<vmem>>
    %dma_wait3A_91 = tpu.memref_squeeze %dma_wait3A_90 : memref<1x4x128xf32, #tpu.memory_space<vmem>> -> memref<4x128xf32, #tpu.memory_space<vmem>>
    %dma_wait3A_92 = arith.constant 0 : i32
    %dma_wait3A_93 = tpu.memref_slice %arg4[%add3A, %dma_wait3A_92] : memref<2560x128xf32, #tpu.memory_space<hbm>> -> memref<4x128xf32, #tpu.memory_space<hbm>>
    %dma_wait3A_94 = arith.constant 0 : i32
    %dma_wait3A_95 = arith.constant 0 : i32
    %dma_wait3A_96 = tpu.memref_slice %arg12[%dma_wait3A_87, %dma_wait3A_94, %dma_wait3A_95] : memref<2x4x128xf32, #tpu.memory_space<vmem>> -> memref<1x4x128xf32, #tpu.memory_space<vmem>>
    %dma_wait3A_97 = tpu.memref_squeeze %dma_wait3A_96 : memref<1x4x128xf32, #tpu.memory_space<vmem>> -> memref<4x128xf32, #tpu.memory_space<vmem>>
    %dma_wait3A_98 = arith.constant 0 : i32
    %dma_wait3A_99 = tpu.memref_slice %arg4[%add3A, %dma_wait3A_98] : memref<2560x128xf32, #tpu.memory_space<hbm>> -> memref<4x128xf32, #tpu.memory_space<hbm>>
    tpu.wait_dma2 semaphore(%arg19 : memref<!tpu.dma_semaphore, #tpu.memory_space<semaphore_mem>>) src(%dma_wait3A_99 : memref<4x128xf32, #tpu.memory_space<hbm>>) dst(%dma_wait3A_97 : memref<4x128xf32, #tpu.memory_space<vmem>>)
    %dma_start3A_100 = arith.constant 0 : i32
    %dma_start3A_101 = arith.constant 0 : i32
    %dma_start3A_102 = arith.constant 0 : i32
    %dma_start3A_103 = tpu.memref_slice %arg10[%dma_start3A_100, %dma_start3A_101, %dma_start3A_102] : memref<2x4x128xi32, #tpu.memory_space<vmem>> -> memref<1x1x128xi32, #tpu.memory_space<vmem>>
    %dma_start3A_104 = tpu.memref_squeeze %dma_start3A_103 : memref<1x1x128xi32, #tpu.memory_space<vmem>> -> memref<128xi32, #tpu.memory_space<vmem>>
    %dma_start3A_105 = arith.constant 0 : i32
    %dma_start3A_106 = arith.constant 0 : i32
    %dma_start3A_107 = tpu.memref_slice %arg5[%dma_start3A_105, %dma_start3A_106] : memref<10240x128xf32, #tpu.memory_space<hbm>> -> memref<10240x128xf32, #tpu.memory_space<hbm>>
    tpu.enqueue_indirect_dma source(%dma_start3A_107 : memref<10240x128xf32, #tpu.memory_space<hbm>>) target(%arg13 : memref<128x128xf32, #tpu.memory_space<vmem>>) offsets(%dma_start3A_104 : memref<128xi32, #tpu.memory_space<vmem>>) semaphore(%arg15 : memref<!tpu.dma_semaphore, #tpu.memory_space<semaphore_mem>>)
    %scan3A_108 = arith.constant 0 : i32
    %scan3A_109 = arith.constant 0 : i32
    %scan3A_110 = arith.constant 20 : i32
    %scan3A_111 = arith.addi %scan3A_109, %scan3A_110 : i32
    %scan3A_112 = arith.constant 1 : i32
    %scan3A_113 = scf.for %scan3A_135 = %scan3A_109 to %scan3A_111 step %scan3A_112 iter_args(%scan3A_136 = %scan3A_108) -> (i32)  : i32 {
      %jit3A = arith.constant 2 : i32
      %eq3A = arith.constant 0 : i32
      %eq3A_137 = arith.cmpi eq, %jit3A, %eq3A : i32
      %jit3A_138 = arith.constant 1 : i32
      %select_n3A = arith.select %eq3A_137, %jit3A_138, %jit3A : i32
      %rem3A = arith.remsi %scan3A_135, %select_n3A : i32
      %ne3A = arith.constant 0 : i32
      %ne3A_139 = arith.cmpi ne, %rem3A, %ne3A : i32
      %lt3A = arith.constant 0 : i32
      %lt3A_140 = arith.cmpi slt, %rem3A, %lt3A : i32
      %lt3A_141 = arith.constant 0 : i32
      %lt3A_142 = arith.cmpi slt, %select_n3A, %lt3A_141 : i32
      %ne3A_143 = arith.xori %lt3A_140, %lt3A_142 : i1
      %and3A = arith.andi %ne3A_143, %ne3A_139 : i1
      %add3A_144 = arith.addi %rem3A, %select_n3A : i32
      %select_n3A_145 = arith.select %and3A, %add3A_144, %rem3A : i32
      %gt3A = arith.constant 0 : i32
      %gt3A_146 = arith.cmpi sgt, %scan3A_135, %gt3A : i32
      %convert_element_type3A = arith.extui %gt3A_146 : i1 to i32
      %cond3A = arith.constant 0 : i32
      %cond3A_147 = arith.cmpi ne, %convert_element_type3A, %cond3A : i32
      scf.if %cond3A_147 {
        %dma_wait3A_170 = arith.constant 0 : i32
        %dma_wait3A_171 = arith.constant 0 : i32
        %dma_wait3A_172 = tpu.memref_slice %arg11[%select_n3A_145, %dma_wait3A_170, %dma_wait3A_171] : memref<2x4x128xi32, #tpu.memory_space<vmem>> -> memref<1x1x128xi32, #tpu.memory_space<vmem>>
        %dma_wait3A_173 = tpu.memref_squeeze %dma_wait3A_172 : memref<1x1x128xi32, #tpu.memory_space<vmem>> -> memref<128xi32, #tpu.memory_space<vmem>>
        %dma_wait3A_174 = arith.constant 0 : i32
        %dma_wait3A_175 = arith.constant 0 : i32
        %dma_wait3A_176 = tpu.memref_slice %arg8[%dma_wait3A_174, %dma_wait3A_175] : memref<10240x128xf32, #tpu.memory_space<vmem_shared>> -> memref<10240x128xf32, #tpu.memory_space<vmem_shared>>
        tpu.wait_indirect_dma semaphore(%arg18 : memref<!tpu.dma_semaphore, #tpu.memory_space<semaphore_mem>>) src(%arg14 : memref<128x128xf32, #tpu.memory_space<vmem>>) dst(%dma_wait3A_176 : memref<10240x128xf32, #tpu.memory_space<vmem_shared>>)
      } else {
      }
      %add3A_148 = arith.constant 1 : i32
      %add3A_149 = arith.addi %scan3A_135, %add3A_148 : i32
      %lt3A_150 = arith.constant 20 : i32
      %lt3A_151 = arith.cmpi slt, %add3A_149, %lt3A_150 : i32
      %convert_element_type3A_152 = arith.extui %lt3A_151 : i1 to i32
      %cond3A_153 = arith.constant 0 : i32
      %cond3A_154 = arith.cmpi ne, %convert_element_type3A_152, %cond3A_153 : i32
      scf.if %cond3A_154 {
        %add3A_170 = arith.constant 1 : i32
        %add3A_171 = arith.addi %scan3A_135, %add3A_170 : i32
        %add3A_172 = arith.constant 1 : i32
        %add3A_173 = arith.addi %scan3A_135, %add3A_172 : i32
        %jit3A_174 = arith.constant 2 : i32
        %eq3A_175 = arith.constant 0 : i32
        %eq3A_176 = arith.cmpi eq, %jit3A_174, %eq3A_175 : i32
        %jit3A_177 = arith.constant 1 : i32
        %select_n3A_178 = arith.select %eq3A_176, %jit3A_177, %jit3A_174 : i32
        %rem3A_179 = arith.remsi %add3A_173, %select_n3A_178 : i32
        %ne3A_180 = arith.constant 0 : i32
        %ne3A_181 = arith.cmpi ne, %rem3A_179, %ne3A_180 : i32
        %lt3A_182 = arith.constant 0 : i32
        %lt3A_183 = arith.cmpi slt, %rem3A_179, %lt3A_182 : i32
        %lt3A_184 = arith.constant 0 : i32
        %lt3A_185 = arith.cmpi slt, %select_n3A_178, %lt3A_184 : i32
        %ne3A_186 = arith.xori %lt3A_183, %lt3A_185 : i1
        %and3A_187 = arith.andi %ne3A_186, %ne3A_181 : i1
        %add3A_188 = arith.addi %rem3A_179, %select_n3A_178 : i32
        %select_n3A_189 = arith.select %and3A_187, %add3A_188, %rem3A_179 : i32
        %mul3A_190 = arith.constant 4 : i32
        %mul3A_191 = arith.muli %add3A_171, %mul3A_190 : i32
        %add3A_192 = arith.addi %add3A, %mul3A_191 : i32
        %dma_start3A_193 = arith.constant 0 : i32
        %dma_start3A_194 = arith.constant 0 : i32
        %dma_start3A_195 = tpu.memref_slice %arg10[%select_n3A_189, %dma_start3A_193, %dma_start3A_194] : memref<2x4x128xi32, #tpu.memory_space<vmem>> -> memref<1x4x128xi32, #tpu.memory_space<vmem>>
        %dma_start3A_196 = tpu.memref_squeeze %dma_start3A_195 : memref<1x4x128xi32, #tpu.memory_space<vmem>> -> memref<4x128xi32, #tpu.memory_space<vmem>>
        %dma_start3A_197 = arith.constant 0 : i32
        %dma_start3A_198 = tpu.memref_slice %arg2[%add3A_192, %dma_start3A_197] : memref<2560x128xi32, #tpu.memory_space<hbm>> -> memref<4x128xi32, #tpu.memory_space<hbm>>
        %dma_start3A_199 = arith.constant 0 : i32
        %dma_start3A_200 = arith.constant 0 : i32
        %dma_start3A_201 = tpu.memref_slice %arg10[%select_n3A_189, %dma_start3A_199, %dma_start3A_200] : memref<2x4x128xi32, #tpu.memory_space<vmem>> -> memref<1x4x128xi32, #tpu.memory_space<vmem>>
        %dma_start3A_202 = tpu.memref_squeeze %dma_start3A_201 : memref<1x4x128xi32, #tpu.memory_space<vmem>> -> memref<4x128xi32, #tpu.memory_space<vmem>>
        %dma_start3A_203 = arith.constant 0 : i32
        %dma_start3A_204 = tpu.memref_slice %arg2[%add3A_192, %dma_start3A_203] : memref<2560x128xi32, #tpu.memory_space<hbm>> -> memref<4x128xi32, #tpu.memory_space<hbm>>
        tpu.enqueue_dma source(%dma_start3A_204 : memref<4x128xi32, #tpu.memory_space<hbm>>) target(%dma_start3A_202 : memref<4x128xi32, #tpu.memory_space<vmem>>) target_semaphore(%arg19 : memref<!tpu.dma_semaphore, #tpu.memory_space<semaphore_mem>>)
        %dma_start3A_205 = arith.constant 0 : i32
        %dma_start3A_206 = arith.constant 0 : i32
        %dma_start3A_207 = tpu.memref_slice %arg11[%select_n3A_189, %dma_start3A_205, %dma_start3A_206] : memref<2x4x128xi32, #tpu.memory_space<vmem>> -> memref<1x4x128xi32, #tpu.memory_space<vmem>>
        %dma_start3A_208 = tpu.memref_squeeze %dma_start3A_207 : memref<1x4x128xi32, #tpu.memory_space<vmem>> -> memref<4x128xi32, #tpu.memory_space<vmem>>
        %dma_start3A_209 = arith.constant 0 : i32
        %dma_start3A_210 = tpu.memref_slice %arg3[%add3A_192, %dma_start3A_209] : memref<2560x128xi32, #tpu.memory_space<hbm>> -> memref<4x128xi32, #tpu.memory_space<hbm>>
        %dma_start3A_211 = arith.constant 0 : i32
        %dma_start3A_212 = arith.constant 0 : i32
        %dma_start3A_213 = tpu.memref_slice %arg11[%select_n3A_189, %dma_start3A_211, %dma_start3A_212] : memref<2x4x128xi32, #tpu.memory_space<vmem>> -> memref<1x4x128xi32, #tpu.memory_space<vmem>>
        %dma_start3A_214 = tpu.memref_squeeze %dma_start3A_213 : memref<1x4x128xi32, #tpu.memory_space<vmem>> -> memref<4x128xi32, #tpu.memory_space<vmem>>
        %dma_start3A_215 = arith.constant 0 : i32
        %dma_start3A_216 = tpu.memref_slice %arg3[%add3A_192, %dma_start3A_215] : memref<2560x128xi32, #tpu.memory_space<hbm>> -> memref<4x128xi32, #tpu.memory_space<hbm>>
        tpu.enqueue_dma source(%dma_start3A_216 : memref<4x128xi32, #tpu.memory_space<hbm>>) target(%dma_start3A_214 : memref<4x128xi32, #tpu.memory_space<vmem>>) target_semaphore(%arg19 : memref<!tpu.dma_semaphore, #tpu.memory_space<semaphore_mem>>)
        %dma_start3A_217 = arith.constant 0 : i32
        %dma_start3A_218 = arith.constant 0 : i32
        %dma_start3A_219 = tpu.memref_slice %arg12[%select_n3A_189, %dma_start3A_217, %dma_start3A_218] : memref<2x4x128xf32, #tpu.memory_space<vmem>> -> memref<1x4x128xf32, #tpu.memory_space<vmem>>
        %dma_start3A_220 = tpu.memref_squeeze %dma_start3A_219 : memref<1x4x128xf32, #tpu.memory_space<vmem>> -> memref<4x128xf32, #tpu.memory_space<vmem>>
        %dma_start3A_221 = arith.constant 0 : i32
        %dma_start3A_222 = tpu.memref_slice %arg4[%add3A_192, %dma_start3A_221] : memref<2560x128xf32, #tpu.memory_space<hbm>> -> memref<4x128xf32, #tpu.memory_space<hbm>>
        %dma_start3A_223 = arith.constant 0 : i32
        %dma_start3A_224 = arith.constant 0 : i32
        %dma_start3A_225 = tpu.memref_slice %arg12[%select_n3A_189, %dma_start3A_223, %dma_start3A_224] : memref<2x4x128xf32, #tpu.memory_space<vmem>> -> memref<1x4x128xf32, #tpu.memory_space<vmem>>
        %dma_start3A_226 = tpu.memref_squeeze %dma_start3A_225 : memref<1x4x128xf32, #tpu.memory_space<vmem>> -> memref<4x128xf32, #tpu.memory_space<vmem>>
        %dma_start3A_227 = arith.constant 0 : i32
        %dma_start3A_228 = tpu.memref_slice %arg4[%add3A_192, %dma_start3A_227] : memref<2560x128xf32, #tpu.memory_space<hbm>> -> memref<4x128xf32, #tpu.memory_space<hbm>>
        tpu.enqueue_dma source(%dma_start3A_228 : memref<4x128xf32, #tpu.memory_space<hbm>>) target(%dma_start3A_226 : memref<4x128xf32, #tpu.memory_space<vmem>>) target_semaphore(%arg19 : memref<!tpu.dma_semaphore, #tpu.memory_space<semaphore_mem>>)
      } else {
      }
      %scan3A_155 = arith.constant 0 : i32
      %scan3A_156 = arith.constant 0 : i32
      %scan3A_157 = arith.constant 4 : i32
      %scan3A_158 = arith.addi %scan3A_156, %scan3A_157 : i32
      %scan3A_159 = arith.constant 1 : i32
      %scan3A_160 = scf.for %scan3A_170 = %scan3A_156 to %scan3A_158 step %scan3A_159 iter_args(%scan3A_171 = %scan3A_155) -> (i32)  : i32 {
        %get3A = arith.index_cast %select_n3A_145 : i32 to index
        %get3A_172 = arith.index_cast %scan3A_170 : i32 to index
        %get3A_173 = arith.constant 0 : index
        %get3A_174 = tpu.vector_load %arg10[%get3A, %get3A_172, %get3A_173] {strides = array<i32>} : memref<2x4x128xi32, #tpu.memory_space<vmem>>, vector<16xi32>,
        %get3A_175 = arith.index_cast %select_n3A_145 : i32 to index
        %get3A_176 = arith.index_cast %scan3A_170 : i32 to index
        %get3A_177 = arith.constant 0 : index
        %get3A_178 = tpu.vector_load %arg11[%get3A_175, %get3A_176, %get3A_177] {strides = array<i32>} : memref<2x4x128xi32, #tpu.memory_space<vmem>>, vector<16xi32>,
        %get3A_179 = arith.index_cast %select_n3A_145 : i32 to index
        %get3A_180 = arith.index_cast %scan3A_170 : i32 to index
        %get3A_181 = arith.constant 0 : index
        %get3A_182 = tpu.vector_load %arg12[%get3A_179, %get3A_180, %get3A_181] {strides = array<i32>} : memref<2x4x128xf32, #tpu.memory_space<vmem>>, vector<16xf32>,
        %gather3A = tpu.vector_load_idx %arg9[%get3A_174] : memref<10240xf32, #tpu.memory_space<vmem>>[vector<16xi32>], vector<16xf32>,
        %gather3A_183 = tpu.vector_load_idx %arg9[%get3A_178] : memref<10240xf32, #tpu.memory_space<vmem>>[vector<16xi32>], vector<16xf32>,
        %mul3A_184 = arith.mulf %gather3A, %gather3A_183 : vector<16xf32>
        %mul3A_185 = arith.mulf %mul3A_184, %get3A_182 : vector<16xf32>
        %swap3A = arith.index_cast %select_n3A_145 : i32 to index
        %swap3A_186 = arith.index_cast %scan3A_170 : i32 to index
        %swap3A_187 = arith.constant 0 : index
        %swap3A_188 = tpu.vector_load %arg12[%swap3A, %swap3A_186, %swap3A_187] {strides = array<i32>} : memref<2x4x128xf32, #tpu.memory_space<vmem>>, vector<16xf32>,
        tpu.vector_store %arg12[%swap3A, %swap3A_186, %swap3A_187], %mul3A_185 {strides = array<i32>} : memref<2x4x128xf32, #tpu.memory_space<vmem>>, vector<16xf32>,
        %get3A_189 = arith.index_cast %select_n3A_145 : i32 to index
        %get3A_190 = arith.index_cast %scan3A_170 : i32 to index
        %get3A_191 = arith.constant 16 : index
        %get3A_192 = tpu.vector_load %arg10[%get3A_189, %get3A_190, %get3A_191] {strides = array<i32>} : memref<2x4x128xi32, #tpu.memory_space<vmem>>, vector<16xi32>,
        %get3A_193 = arith.index_cast %select_n3A_145 : i32 to index
        %get3A_194 = arith.index_cast %scan3A_170 : i32 to index
        %get3A_195 = arith.constant 16 : index
        %get3A_196 = tpu.vector_load %arg11[%get3A_193, %get3A_194, %get3A_195] {strides = array<i32>} : memref<2x4x128xi32, #tpu.memory_space<vmem>>, vector<16xi32>,
        %get3A_197 = arith.index_cast %select_n3A_145 : i32 to index
        %get3A_198 = arith.index_cast %scan3A_170 : i32 to index
        %get3A_199 = arith.constant 16 : index
        %get3A_200 = tpu.vector_load %arg12[%get3A_197, %get3A_198, %get3A_199] {strides = array<i32>} : memref<2x4x128xf32, #tpu.memory_space<vmem>>, vector<16xf32>,
        %gather3A_201 = tpu.vector_load_idx %arg9[%get3A_192] : memref<10240xf32, #tpu.memory_space<vmem>>[vector<16xi32>], vector<16xf32>,
        %gather3A_202 = tpu.vector_load_idx %arg9[%get3A_196] : memref<10240xf32, #tpu.memory_space<vmem>>[vector<16xi32>], vector<16xf32>,
        %mul3A_203 = arith.mulf %gather3A_201, %gather3A_202 : vector<16xf32>
        %mul3A_204 = arith.mulf %mul3A_203, %get3A_200 : vector<16xf32>
        %swap3A_205 = arith.index_cast %select_n3A_145 : i32 to index
        %swap3A_206 = arith.index_cast %scan3A_170 : i32 to index
        %swap3A_207 = arith.constant 16 : index
        %swap3A_208 = tpu.vector_load %arg12[%swap3A_205, %swap3A_206, %swap3A_207] {strides = array<i32>} : memref<2x4x128xf32, #tpu.memory_space<vmem>>, vector<16xf32>,
        tpu.vector_store %arg12[%swap3A_205, %swap3A_206, %swap3A_207], %mul3A_204 {strides = array<i32>} : memref<2x4x128xf32, #tpu.memory_space<vmem>>, vector<16xf32>,
        %get3A_209 = arith.index_cast %select_n3A_145 : i32 to index
        %get3A_210 = arith.index_cast %scan3A_170 : i32 to index
        %get3A_211 = arith.constant 32 : index
        %get3A_212 = tpu.vector_load %arg10[%get3A_209, %get3A_210, %get3A_211] {strides = array<i32>} : memref<2x4x128xi32, #tpu.memory_space<vmem>>, vector<16xi32>,
        %get3A_213 = arith.index_cast %select_n3A_145 : i32 to index
        %get3A_214 = arith.index_cast %scan3A_170 : i32 to index
        %get3A_215 = arith.constant 32 : index
        %get3A_216 = tpu.vector_load %arg11[%get3A_213, %get3A_214, %get3A_215] {strides = array<i32>} : memref<2x4x128xi32, #tpu.memory_space<vmem>>, vector<16xi32>,
        %get3A_217 = arith.index_cast %select_n3A_145 : i32 to index
        %get3A_218 = arith.index_cast %scan3A_170 : i32 to index
        %get3A_219 = arith.constant 32 : index
        %get3A_220 = tpu.vector_load %arg12[%get3A_217, %get3A_218, %get3A_219] {strides = array<i32>} : memref<2x4x128xf32, #tpu.memory_space<vmem>>, vector<16xf32>,
        %gather3A_221 = tpu.vector_load_idx %arg9[%get3A_212] : memref<10240xf32, #tpu.memory_space<vmem>>[vector<16xi32>], vector<16xf32>,
        %gather3A_222 = tpu.vector_load_idx %arg9[%get3A_216] : memref<10240xf32, #tpu.memory_space<vmem>>[vector<16xi32>], vector<16xf32>,
        %mul3A_223 = arith.mulf %gather3A_221, %gather3A_222 : vector<16xf32>
        %mul3A_224 = arith.mulf %mul3A_223, %get3A_220 : vector<16xf32>
        %swap3A_225 = arith.index_cast %select_n3A_145 : i32 to index
        %swap3A_226 = arith.index_cast %scan3A_170 : i32 to index
        %swap3A_227 = arith.constant 32 : index
        %swap3A_228 = tpu.vector_load %arg12[%swap3A_225, %swap3A_226, %swap3A_227] {strides = array<i32>} : memref<2x4x128xf32, #tpu.memory_space<vmem>>, vector<16xf32>,
        tpu.vector_store %arg12[%swap3A_225, %swap3A_226, %swap3A_227], %mul3A_224 {strides = array<i32>} : memref<2x4x128xf32, #tpu.memory_space<vmem>>, vector<16xf32>,
        %get3A_229 = arith.index_cast %select_n3A_145 : i32 to index
        %get3A_230 = arith.index_cast %scan3A_170 : i32 to index
        %get3A_231 = arith.constant 48 : index
        %get3A_232 = tpu.vector_load %arg10[%get3A_229, %get3A_230, %get3A_231] {strides = array<i32>} : memref<2x4x128xi32, #tpu.memory_space<vmem>>, vector<16xi32>,
        %get3A_233 = arith.index_cast %select_n3A_145 : i32 to index
        %get3A_234 = arith.index_cast %scan3A_170 : i32 to index
        %get3A_235 = arith.constant 48 : index
        %get3A_236 = tpu.vector_load %arg11[%get3A_233, %get3A_234, %get3A_235] {strides = array<i32>} : memref<2x4x128xi32, #tpu.memory_space<vmem>>, vector<16xi32>,
        %get3A_237 = arith.index_cast %select_n3A_145 : i32 to index
        %get3A_238 = arith.index_cast %scan3A_170 : i32 to index
        %get3A_239 = arith.constant 48 : index
        %get3A_240 = tpu.vector_load %arg12[%get3A_237, %get3A_238, %get3A_239] {strides = array<i32>} : memref<2x4x128xf32, #tpu.memory_space<vmem>>, vector<16xf32>,
        %gather3A_241 = tpu.vector_load_idx %arg9[%get3A_232] : memref<10240xf32, #tpu.memory_space<vmem>>[vector<16xi32>], vector<16xf32>,
        %gather3A_242 = tpu.vector_load_idx %arg9[%get3A_236] : memref<10240xf32, #tpu.memory_space<vmem>>[vector<16xi32>], vector<16xf32>,
        %mul3A_243 = arith.mulf %gather3A_241, %gather3A_242 : vector<16xf32>
        %mul3A_244 = arith.mulf %mul3A_243, %get3A_240 : vector<16xf32>
        %swap3A_245 = arith.index_cast %select_n3A_145 : i32 to index
        %swap3A_246 = arith.index_cast %scan3A_170 : i32 to index
        %swap3A_247 = arith.constant 48 : index
        %swap3A_248 = tpu.vector_load %arg12[%swap3A_245, %swap3A_246, %swap3A_247] {strides = array<i32>} : memref<2x4x128xf32, #tpu.memory_space<vmem>>, vector<16xf32>,
        tpu.vector_store %arg12[%swap3A_245, %swap3A_246, %swap3A_247], %mul3A_244 {strides = array<i32>} : memref<2x4x128xf32, #tpu.memory_space<vmem>>, vector<16xf32>,
        %get3A_249 = arith.index_cast %select_n3A_145 : i32 to index
        %get3A_250 = arith.index_cast %scan3A_170 : i32 to index
        %get3A_251 = arith.constant 64 : index
        %get3A_252 = tpu.vector_load %arg10[%get3A_249, %get3A_250, %get3A_251] {strides = array<i32>} : memref<2x4x128xi32, #tpu.memory_space<vmem>>, vector<16xi32>,
        %get3A_253 = arith.index_cast %select_n3A_145 : i32 to index
        %get3A_254 = arith.index_cast %scan3A_170 : i32 to index
        %get3A_255 = arith.constant 64 : index
        %get3A_256 = tpu.vector_load %arg11[%get3A_253, %get3A_254, %get3A_255] {strides = array<i32>} : memref<2x4x128xi32, #tpu.memory_space<vmem>>, vector<16xi32>,
        %get3A_257 = arith.index_cast %select_n3A_145 : i32 to index
        %get3A_258 = arith.index_cast %scan3A_170 : i32 to index
        %get3A_259 = arith.constant 64 : index
        %get3A_260 = tpu.vector_load %arg12[%get3A_257, %get3A_258, %get3A_259] {strides = array<i32>} : memref<2x4x128xf32, #tpu.memory_space<vmem>>, vector<16xf32>,
        %gather3A_261 = tpu.vector_load_idx %arg9[%get3A_252] : memref<10240xf32, #tpu.memory_space<vmem>>[vector<16xi32>], vector<16xf32>,
        %gather3A_262 = tpu.vector_load_idx %arg9[%get3A_256] : memref<10240xf32, #tpu.memory_space<vmem>>[vector<16xi32>], vector<16xf32>,
        %mul3A_263 = arith.mulf %gather3A_261, %gather3A_262 : vector<16xf32>
        %mul3A_264 = arith.mulf %mul3A_263, %get3A_260 : vector<16xf32>
        %swap3A_265 = arith.index_cast %select_n3A_145 : i32 to index
        %swap3A_266 = arith.index_cast %scan3A_170 : i32 to index
        %swap3A_267 = arith.constant 64 : index
        %swap3A_268 = tpu.vector_load %arg12[%swap3A_265, %swap3A_266, %swap3A_267] {strides = array<i32>} : memref<2x4x128xf32, #tpu.memory_space<vmem>>, vector<16xf32>,
        tpu.vector_store %arg12[%swap3A_265, %swap3A_266, %swap3A_267], %mul3A_264 {strides = array<i32>} : memref<2x4x128xf32, #tpu.memory_space<vmem>>, vector<16xf32>,
        %get3A_269 = arith.index_cast %select_n3A_145 : i32 to index
        %get3A_270 = arith.index_cast %scan3A_170 : i32 to index
        %get3A_271 = arith.constant 80 : index
        %get3A_272 = tpu.vector_load %arg10[%get3A_269, %get3A_270, %get3A_271] {strides = array<i32>} : memref<2x4x128xi32, #tpu.memory_space<vmem>>, vector<16xi32>,
        %get3A_273 = arith.index_cast %select_n3A_145 : i32 to index
        %get3A_274 = arith.index_cast %scan3A_170 : i32 to index
        %get3A_275 = arith.constant 80 : index
        %get3A_276 = tpu.vector_load %arg11[%get3A_273, %get3A_274, %get3A_275] {strides = array<i32>} : memref<2x4x128xi32, #tpu.memory_space<vmem>>, vector<16xi32>,
        %get3A_277 = arith.index_cast %select_n3A_145 : i32 to index
        %get3A_278 = arith.index_cast %scan3A_170 : i32 to index
        %get3A_279 = arith.constant 80 : index
        %get3A_280 = tpu.vector_load %arg12[%get3A_277, %get3A_278, %get3A_279] {strides = array<i32>} : memref<2x4x128xf32, #tpu.memory_space<vmem>>, vector<16xf32>,
        %gather3A_281 = tpu.vector_load_idx %arg9[%get3A_272] : memref<10240xf32, #tpu.memory_space<vmem>>[vector<16xi32>], vector<16xf32>,
        %gather3A_282 = tpu.vector_load_idx %arg9[%get3A_276] : memref<10240xf32, #tpu.memory_space<vmem>>[vector<16xi32>], vector<16xf32>,
        %mul3A_283 = arith.mulf %gather3A_281, %gather3A_282 : vector<16xf32>
        %mul3A_284 = arith.mulf %mul3A_283, %get3A_280 : vector<16xf32>
        %swap3A_285 = arith.index_cast %select_n3A_145 : i32 to index
        %swap3A_286 = arith.index_cast %scan3A_170 : i32 to index
        %swap3A_287 = arith.constant 80 : index
        %swap3A_288 = tpu.vector_load %arg12[%swap3A_285, %swap3A_286, %swap3A_287] {strides = array<i32>} : memref<2x4x128xf32, #tpu.memory_space<vmem>>, vector<16xf32>,
        tpu.vector_store %arg12[%swap3A_285, %swap3A_286, %swap3A_287], %mul3A_284 {strides = array<i32>} : memref<2x4x128xf32, #tpu.memory_space<vmem>>, vector<16xf32>,
        %get3A_289 = arith.index_cast %select_n3A_145 : i32 to index
        %get3A_290 = arith.index_cast %scan3A_170 : i32 to index
        %get3A_291 = arith.constant 96 : index
        %get3A_292 = tpu.vector_load %arg10[%get3A_289, %get3A_290, %get3A_291] {strides = array<i32>} : memref<2x4x128xi32, #tpu.memory_space<vmem>>, vector<16xi32>,
        %get3A_293 = arith.index_cast %select_n3A_145 : i32 to index
        %get3A_294 = arith.index_cast %scan3A_170 : i32 to index
        %get3A_295 = arith.constant 96 : index
        %get3A_296 = tpu.vector_load %arg11[%get3A_293, %get3A_294, %get3A_295] {strides = array<i32>} : memref<2x4x128xi32, #tpu.memory_space<vmem>>, vector<16xi32>,
        %get3A_297 = arith.index_cast %select_n3A_145 : i32 to index
        %get3A_298 = arith.index_cast %scan3A_170 : i32 to index
        %get3A_299 = arith.constant 96 : index
        %get3A_300 = tpu.vector_load %arg12[%get3A_297, %get3A_298, %get3A_299] {strides = array<i32>} : memref<2x4x128xf32, #tpu.memory_space<vmem>>, vector<16xf32>,
        %gather3A_301 = tpu.vector_load_idx %arg9[%get3A_292] : memref<10240xf32, #tpu.memory_space<vmem>>[vector<16xi32>], vector<16xf32>,
        %gather3A_302 = tpu.vector_load_idx %arg9[%get3A_296] : memref<10240xf32, #tpu.memory_space<vmem>>[vector<16xi32>], vector<16xf32>,
        %mul3A_303 = arith.mulf %gather3A_301, %gather3A_302 : vector<16xf32>
        %mul3A_304 = arith.mulf %mul3A_303, %get3A_300 : vector<16xf32>
        %swap3A_305 = arith.index_cast %select_n3A_145 : i32 to index
        %swap3A_306 = arith.index_cast %scan3A_170 : i32 to index
        %swap3A_307 = arith.constant 96 : index
        %swap3A_308 = tpu.vector_load %arg12[%swap3A_305, %swap3A_306, %swap3A_307] {strides = array<i32>} : memref<2x4x128xf32, #tpu.memory_space<vmem>>, vector<16xf32>,
        tpu.vector_store %arg12[%swap3A_305, %swap3A_306, %swap3A_307], %mul3A_304 {strides = array<i32>} : memref<2x4x128xf32, #tpu.memory_space<vmem>>, vector<16xf32>,
        %get3A_309 = arith.index_cast %select_n3A_145 : i32 to index
        %get3A_310 = arith.index_cast %scan3A_170 : i32 to index
        %get3A_311 = arith.constant 112 : index
        %get3A_312 = tpu.vector_load %arg10[%get3A_309, %get3A_310, %get3A_311] {strides = array<i32>} : memref<2x4x128xi32, #tpu.memory_space<vmem>>, vector<16xi32>,
        %get3A_313 = arith.index_cast %select_n3A_145 : i32 to index
        %get3A_314 = arith.index_cast %scan3A_170 : i32 to index
        %get3A_315 = arith.constant 112 : index
        %get3A_316 = tpu.vector_load %arg11[%get3A_313, %get3A_314, %get3A_315] {strides = array<i32>} : memref<2x4x128xi32, #tpu.memory_space<vmem>>, vector<16xi32>,
        %get3A_317 = arith.index_cast %select_n3A_145 : i32 to index
        %get3A_318 = arith.index_cast %scan3A_170 : i32 to index
        %get3A_319 = arith.constant 112 : index
        %get3A_320 = tpu.vector_load %arg12[%get3A_317, %get3A_318, %get3A_319] {strides = array<i32>} : memref<2x4x128xf32, #tpu.memory_space<vmem>>, vector<16xf32>,
        %gather3A_321 = tpu.vector_load_idx %arg9[%get3A_312] : memref<10240xf32, #tpu.memory_space<vmem>>[vector<16xi32>], vector<16xf32>,
        %gather3A_322 = tpu.vector_load_idx %arg9[%get3A_316] : memref<10240xf32, #tpu.memory_space<vmem>>[vector<16xi32>], vector<16xf32>,
        %mul3A_323 = arith.mulf %gather3A_321, %gather3A_322 : vector<16xf32>
        %mul3A_324 = arith.mulf %mul3A_323, %get3A_320 : vector<16xf32>
        %swap3A_325 = arith.index_cast %select_n3A_145 : i32 to index
        %swap3A_326 = arith.index_cast %scan3A_170 : i32 to index
        %swap3A_327 = arith.constant 112 : index
        %swap3A_328 = tpu.vector_load %arg12[%swap3A_325, %swap3A_326, %swap3A_327] {strides = array<i32>} : memref<2x4x128xf32, #tpu.memory_space<vmem>>, vector<16xf32>,
        tpu.vector_store %arg12[%swap3A_325, %swap3A_326, %swap3A_327], %mul3A_324 {strides = array<i32>} : memref<2x4x128xf32, #tpu.memory_space<vmem>>, vector<16xf32>,
        %scan3A_329 = arith.constant 0 : i32
        scf.yield %scan3A_329 : i32
      }
      %scan3A_161 = arith.constant 4 : i32
      %scan3A_162 = arith.constant 0 : i32
      %scan3A_163 = arith.constant 0 : i32
      %scan3A_164 = arith.constant 2 : i32
      %scan3A_165 = arith.addi %scan3A_163, %scan3A_164 : i32
      %scan3A_166 = arith.constant 1 : i32
      %scan3A_167 = scf.for %scan3A_170 = %scan3A_163 to %scan3A_165 step %scan3A_166 iter_args(%scan3A_171 = %scan3A_162) -> (i32)  : i32 {
        %mul3A_172 = arith.constant 2 : i32
        %mul3A_173 = arith.muli %mul3A_172, %scan3A_170 : i32
        %gt3A_174 = arith.constant 0 : i32
        %gt3A_175 = arith.cmpi sgt, %scan3A_170, %gt3A_174 : i32
        %convert_element_type3A_176 = arith.extui %gt3A_175 : i1 to i32
        %cond3A_177 = arith.constant 0 : i32
        %cond3A_178 = arith.cmpi ne, %convert_element_type3A_176, %cond3A_177 : i32
        scf.if %cond3A_178 {
          %dma_wait3A_247 = arith.constant 0 : i32
          %dma_wait3A_248 = tpu.memref_slice %arg11[%select_n3A_145, %mul3A_173, %dma_wait3A_247] : memref<2x4x128xi32, #tpu.memory_space<vmem>> -> memref<1x1x128xi32, #tpu.memory_space<vmem>>
          %dma_wait3A_249 = tpu.memref_squeeze %dma_wait3A_248 : memref<1x1x128xi32, #tpu.memory_space<vmem>> -> memref<128xi32, #tpu.memory_space<vmem>>
          %dma_wait3A_250 = arith.constant 0 : i32
          %dma_wait3A_251 = arith.constant 0 : i32
          %dma_wait3A_252 = tpu.memref_slice %arg8[%dma_wait3A_250, %dma_wait3A_251] : memref<10240x128xf32, #tpu.memory_space<vmem_shared>> -> memref<10240x128xf32, #tpu.memory_space<vmem_shared>>
          tpu.wait_indirect_dma semaphore(%arg18 : memref<!tpu.dma_semaphore, #tpu.memory_space<semaphore_mem>>) src(%arg14 : memref<128x128xf32, #tpu.memory_space<vmem>>) dst(%dma_wait3A_252 : memref<10240x128xf32, #tpu.memory_space<vmem_shared>>)
        } else {
        }
        %add3A_179 = arith.constant 1 : i32
        %add3A_180 = arith.addi %mul3A_173, %add3A_179 : i32
        %dma_start3A_181 = arith.constant 0 : i32
        %dma_start3A_182 = tpu.memref_slice %arg10[%select_n3A_145, %add3A_180, %dma_start3A_181] : memref<2x4x128xi32, #tpu.memory_space<vmem>> -> memref<1x1x128xi32, #tpu.memory_space<vmem>>
        %dma_start3A_183 = tpu.memref_squeeze %dma_start3A_182 : memref<1x1x128xi32, #tpu.memory_space<vmem>> -> memref<128xi32, #tpu.memory_space<vmem>>
        %dma_start3A_184 = arith.constant 0 : i32
        %dma_start3A_185 = arith.constant 0 : i32
        %dma_start3A_186 = tpu.memref_slice %arg5[%dma_start3A_184, %dma_start3A_185] : memref<10240x128xf32, #tpu.memory_space<hbm>> -> memref<10240x128xf32, #tpu.memory_space<hbm>>
        tpu.enqueue_indirect_dma source(%dma_start3A_186 : memref<10240x128xf32, #tpu.memory_space<hbm>>) target(%arg14 : memref<128x128xf32, #tpu.memory_space<vmem>>) offsets(%dma_start3A_183 : memref<128xi32, #tpu.memory_space<vmem>>) semaphore(%arg16 : memref<!tpu.dma_semaphore, #tpu.memory_space<semaphore_mem>>)
        %dma_wait3A_187 = arith.constant 0 : i32
        %dma_wait3A_188 = tpu.memref_slice %arg10[%select_n3A_145, %mul3A_173, %dma_wait3A_187] : memref<2x4x128xi32, #tpu.memory_space<vmem>> -> memref<1x1x128xi32, #tpu.memory_space<vmem>>
        %dma_wait3A_189 = tpu.memref_squeeze %dma_wait3A_188 : memref<1x1x128xi32, #tpu.memory_space<vmem>> -> memref<128xi32, #tpu.memory_space<vmem>>
        %dma_wait3A_190 = arith.constant 0 : i32
        %dma_wait3A_191 = arith.constant 0 : i32
        %dma_wait3A_192 = tpu.memref_slice %arg5[%dma_wait3A_190, %dma_wait3A_191] : memref<10240x128xf32, #tpu.memory_space<hbm>> -> memref<10240x128xf32, #tpu.memory_space<hbm>>
        tpu.wait_indirect_dma semaphore(%arg15 : memref<!tpu.dma_semaphore, #tpu.memory_space<semaphore_mem>>) src(%dma_wait3A_192 : memref<10240x128xf32, #tpu.memory_space<hbm>>) dst(%arg13 : memref<128x128xf32, #tpu.memory_space<vmem>>)
        %scan3A_193 = arith.constant 0 : i32
        %scan3A_194 = arith.constant 0 : i32
        %scan3A_195 = arith.constant 8 : i32
        %scan3A_196 = arith.addi %scan3A_194, %scan3A_195 : i32
        %scan3A_197 = arith.constant 1 : i32
        %scan3A_198 = scf.for %scan3A_247 = %scan3A_194 to %scan3A_196 step %scan3A_197 iter_args(%scan3A_248 = %scan3A_193) -> (i32)  : i32 {
          %mul3A_249 = arith.constant 16 : i32
          %mul3A_250 = arith.muli %scan3A_247, %mul3A_249 : i32
          %get3A = arith.index_cast %select_n3A_145 : i32 to index
          %get3A_251 = arith.index_cast %mul3A_173 : i32 to index
          %get3A_252 = arith.index_cast %mul3A_250 : i32 to index
          %get3A_253 = tpu.vector_load %arg12[%get3A, %get3A_251, %get3A_252] {strides = array<i32>} : memref<2x4x128xf32, #tpu.memory_space<vmem>>, vector<16xf32>,
          %slice3A = vector.extract_strided_slice %get3A_253 {offsets = [0], sizes = [1], strides = [1]} : vector<16xf32> to vector<1xf32>
          %squeeze3A = vector.extract %slice3A[0] : f32 from vector<1xf32>
          %mul3A_254 = arith.constant 16 : i32
          %mul3A_255 = arith.muli %scan3A_247, %mul3A_254 : i32
          %add3A_256 = arith.constant 0 : i32
          %add3A_257 = arith.addi %mul3A_255, %add3A_256 : i32
          %get3A_258 = arith.index_cast %add3A_257 : i32 to index
          %get3A_259 = arith.constant 0 : index
          %get3A_260 = tpu.vector_load %arg13[%get3A_258, %get3A_259] {strides = array<i32>} : memref<128x128xf32, #tpu.memory_space<vmem>>, vector<16xf32>,
          %mul3A_261 = vector.broadcast %squeeze3A : f32 to vector<16xf32>
          %mul3A_262 = arith.mulf %get3A_260, %mul3A_261 : vector<16xf32>
          %swap3A = arith.index_cast %add3A_257 : i32 to index
          %swap3A_263 = arith.constant 0 : index
          %swap3A_264 = tpu.vector_load %arg13[%swap3A, %swap3A_263] {strides = array<i32>} : memref<128x128xf32, #tpu.memory_space<vmem>>, vector<16xf32>,
          tpu.vector_store %arg13[%swap3A, %swap3A_263], %mul3A_262 {strides = array<i32>} : memref<128x128xf32, #tpu.memory_space<vmem>>, vector<16xf32>,
          %get3A_265 = arith.index_cast %add3A_257 : i32 to index
          %get3A_266 = arith.constant 16 : index
          %get3A_267 = tpu.vector_load %arg13[%get3A_265, %get3A_266] {strides = array<i32>} : memref<128x128xf32, #tpu.memory_space<vmem>>, vector<16xf32>,
          %mul3A_268 = vector.broadcast %squeeze3A : f32 to vector<16xf32>
          %mul3A_269 = arith.mulf %get3A_267, %mul3A_268 : vector<16xf32>
          %swap3A_270 = arith.index_cast %add3A_257 : i32 to index
          %swap3A_271 = arith.constant 16 : index
          %swap3A_272 = tpu.vector_load %arg13[%swap3A_270, %swap3A_271] {strides = array<i32>} : memref<128x128xf32, #tpu.memory_space<vmem>>, vector<16xf32>,
          tpu.vector_store %arg13[%swap3A_270, %swap3A_271], %mul3A_269 {strides = array<i32>} : memref<128x128xf32, #tpu.memory_space<vmem>>, vector<16xf32>,
          %get3A_273 = arith.index_cast %add3A_257 : i32 to index
          %get3A_274 = arith.constant 32 : index
          %get3A_275 = tpu.vector_load %arg13[%get3A_273, %get3A_274] {strides = array<i32>} : memref<128x128xf32, #tpu.memory_space<vmem>>, vector<16xf32>,
          %mul3A_276 = vector.broadcast %squeeze3A : f32 to vector<16xf32>
          %mul3A_277 = arith.mulf %get3A_275, %mul3A_276 : vector<16xf32>
          %swap3A_278 = arith.index_cast %add3A_257 : i32 to index
          %swap3A_279 = arith.constant 32 : index
          %swap3A_280 = tpu.vector_load %arg13[%swap3A_278, %swap3A_279] {strides = array<i32>} : memref<128x128xf32, #tpu.memory_space<vmem>>, vector<16xf32>,
          tpu.vector_store %arg13[%swap3A_278, %swap3A_279], %mul3A_277 {strides = array<i32>} : memref<128x128xf32, #tpu.memory_space<vmem>>, vector<16xf32>,
          %get3A_281 = arith.index_cast %add3A_257 : i32 to index
          %get3A_282 = arith.constant 48 : index
          %get3A_283 = tpu.vector_load %arg13[%get3A_281, %get3A_282] {strides = array<i32>} : memref<128x128xf32, #tpu.memory_space<vmem>>, vector<16xf32>,
          %mul3A_284 = vector.broadcast %squeeze3A : f32 to vector<16xf32>
          %mul3A_285 = arith.mulf %get3A_283, %mul3A_284 : vector<16xf32>
          %swap3A_286 = arith.index_cast %add3A_257 : i32 to index
          %swap3A_287 = arith.constant 48 : index
          %swap3A_288 = tpu.vector_load %arg13[%swap3A_286, %swap3A_287] {strides = array<i32>} : memref<128x128xf32, #tpu.memory_space<vmem>>, vector<16xf32>,
          tpu.vector_store %arg13[%swap3A_286, %swap3A_287], %mul3A_285 {strides = array<i32>} : memref<128x128xf32, #tpu.memory_space<vmem>>, vector<16xf32>,
          %get3A_289 = arith.index_cast %add3A_257 : i32 to index
          %get3A_290 = arith.constant 64 : index
          %get3A_291 = tpu.vector_load %arg13[%get3A_289, %get3A_290] {strides = array<i32>} : memref<128x128xf32, #tpu.memory_space<vmem>>, vector<16xf32>,
          %mul3A_292 = vector.broadcast %squeeze3A : f32 to vector<16xf32>
          %mul3A_293 = arith.mulf %get3A_291, %mul3A_292 : vector<16xf32>
          %swap3A_294 = arith.index_cast %add3A_257 : i32 to index
          %swap3A_295 = arith.constant 64 : index
          %swap3A_296 = tpu.vector_load %arg13[%swap3A_294, %swap3A_295] {strides = array<i32>} : memref<128x128xf32, #tpu.memory_space<vmem>>, vector<16xf32>,
          tpu.vector_store %arg13[%swap3A_294, %swap3A_295], %mul3A_293 {strides = array<i32>} : memref<128x128xf32, #tpu.memory_space<vmem>>, vector<16xf32>,
          %get3A_297 = arith.index_cast %add3A_257 : i32 to index
          %get3A_298 = arith.constant 80 : index
          %get3A_299 = tpu.vector_load %arg13[%get3A_297, %get3A_298] {strides = array<i32>} : memref<128x128xf32, #tpu.memory_space<vmem>>, vector<16xf32>,
          %mul3A_300 = vector.broadcast %squeeze3A : f32 to vector<16xf32>
          %mul3A_301 = arith.mulf %get3A_299, %mul3A_300 : vector<16xf32>
          %swap3A_302 = arith.index_cast %add3A_257 : i32 to index
          %swap3A_303 = arith.constant 80 : index
          %swap3A_304 = tpu.vector_load %arg13[%swap3A_302, %swap3A_303] {strides = array<i32>} : memref<128x128xf32, #tpu.memory_space<vmem>>, vector<16xf32>,
          tpu.vector_store %arg13[%swap3A_302, %swap3A_303], %mul3A_301 {strides = array<i32>} : memref<128x128xf32, #tpu.memory_space<vmem>>, vector<16xf32>,
          %get3A_305 = arith.index_cast %add3A_257 : i32 to index
          %get3A_306 = arith.constant 96 : index
          %get3A_307 = tpu.vector_load %arg13[%get3A_305, %get3A_306] {strides = array<i32>} : memref<128x128xf32, #tpu.memory_space<vmem>>, vector<16xf32>,
          %mul3A_308 = vector.broadcast %squeeze3A : f32 to vector<16xf32>
          %mul3A_309 = arith.mulf %get3A_307, %mul3A_308 : vector<16xf32>
          %swap3A_310 = arith.index_cast %add3A_257 : i32 to index
          %swap3A_311 = arith.constant 96 : index
          %swap3A_312 = tpu.vector_load %arg13[%swap3A_310, %swap3A_311] {strides = array<i32>} : memref<128x128xf32, #tpu.memory_space<vmem>>, vector<16xf32>,
          tpu.vector_store %arg13[%swap3A_310, %swap3A_311], %mul3A_309 {strides = array<i32>} : memref<128x128xf32, #tpu.memory_space<vmem>>, vector<16xf32>,
          %get3A_313 = arith.index_cast %add3A_257 : i32 to index
          %get3A_314 = arith.constant 112 : index
          %get3A_315 = tpu.vector_load %arg13[%get3A_313, %get3A_314] {strides = array<i32>} : memref<128x128xf32, #tpu.memory_space<vmem>>, vector<16xf32>,
          %mul3A_316 = vector.broadcast %squeeze3A : f32 to vector<16xf32>
          %mul3A_317 = arith.mulf %get3A_315, %mul3A_316 : vector<16xf32>
          %swap3A_318 = arith.index_cast %add3A_257 : i32 to index
          %swap3A_319 = arith.constant 112 : index
          %swap3A_320 = tpu.vector_load %arg13[%swap3A_318, %swap3A_319] {strides = array<i32>} : memref<128x128xf32, #tpu.memory_space<vmem>>, vector<16xf32>,
          tpu.vector_store %arg13[%swap3A_318, %swap3A_319], %mul3A_317 {strides = array<i32>} : memref<128x128xf32, #tpu.memory_space<vmem>>, vector<16xf32>,
          %slice3A_321 = vector.extract_strided_slice %get3A_253 {offsets = [1], sizes = [1], strides = [1]} : vector<16xf32> to vector<1xf32>
          %squeeze3A_322 = vector.extract %slice3A_321[0] : f32 from vector<1xf32>
          %mul3A_323 = arith.constant 16 : i32
          %mul3A_324 = arith.muli %scan3A_247, %mul3A_323 : i32
          %add3A_325 = arith.constant 1 : i32
          %add3A_326 = arith.addi %mul3A_324, %add3A_325 : i32
          %get3A_327 = arith.index_cast %add3A_326 : i32 to index
          %get3A_328 = arith.constant 0 : index
          %get3A_329 = tpu.vector_load %arg13[%get3A_327, %get3A_328] {strides = array<i32>} : memref<128x128xf32, #tpu.memory_space<vmem>>, vector<16xf32>,
          %mul3A_330 = vector.broadcast %squeeze3A_322 : f32 to vector<16xf32>
          %mul3A_331 = arith.mulf %get3A_329, %mul3A_330 : vector<16xf32>
          %swap3A_332 = arith.index_cast %add3A_326 : i32 to index
          %swap3A_333 = arith.constant 0 : index
          %swap3A_334 = tpu.vector_load %arg13[%swap3A_332, %swap3A_333] {strides = array<i32>} : memref<128x128xf32, #tpu.memory_space<vmem>>, vector<16xf32>,
          tpu.vector_store %arg13[%swap3A_332, %swap3A_333], %mul3A_331 {strides = array<i32>} : memref<128x128xf32, #tpu.memory_space<vmem>>, vector<16xf32>,
          %get3A_335 = arith.index_cast %add3A_326 : i32 to index
          %get3A_336 = arith.constant 16 : index
          %get3A_337 = tpu.vector_load %arg13[%get3A_335, %get3A_336] {strides = array<i32>} : memref<128x128xf32, #tpu.memory_space<vmem>>, vector<16xf32>,
          %mul3A_338 = vector.broadcast %squeeze3A_322 : f32 to vector<16xf32>
          %mul3A_339 = arith.mulf %get3A_337, %mul3A_338 : vector<16xf32>
          %swap3A_340 = arith.index_cast %add3A_326 : i32 to index
          %swap3A_341 = arith.constant 16 : index
          %swap3A_342 = tpu.vector_load %arg13[%swap3A_340, %swap3A_341] {strides = array<i32>} : memref<128x128xf32, #tpu.memory_space<vmem>>, vector<16xf32>,
          tpu.vector_store %arg13[%swap3A_340, %swap3A_341], %mul3A_339 {strides = array<i32>} : memref<128x128xf32, #tpu.memory_space<vmem>>, vector<16xf32>,
          %get3A_343 = arith.index_cast %add3A_326 : i32 to index
          %get3A_344 = arith.constant 32 : index
          %get3A_345 = tpu.vector_load %arg13[%get3A_343, %get3A_344] {strides = array<i32>} : memref<128x128xf32, #tpu.memory_space<vmem>>, vector<16xf32>,
          %mul3A_346 = vector.broadcast %squeeze3A_322 : f32 to vector<16xf32>
          %mul3A_347 = arith.mulf %get3A_345, %mul3A_346 : vector<16xf32>
          %swap3A_348 = arith.index_cast %add3A_326 : i32 to index
          %swap3A_349 = arith.constant 32 : index
          %swap3A_350 = tpu.vector_load %arg13[%swap3A_348, %swap3A_349] {strides = array<i32>} : memref<128x128xf32, #tpu.memory_space<vmem>>, vector<16xf32>,
          tpu.vector_store %arg13[%swap3A_348, %swap3A_349], %mul3A_347 {strides = array<i32>} : memref<128x128xf32, #tpu.memory_space<vmem>>, vector<16xf32>,
          %get3A_351 = arith.index_cast %add3A_326 : i32 to index
          %get3A_352 = arith.constant 48 : index
          %get3A_353 = tpu.vector_load %arg13[%get3A_351, %get3A_352] {strides = array<i32>} : memref<128x128xf32, #tpu.memory_space<vmem>>, vector<16xf32>,
          %mul3A_354 = vector.broadcast %squeeze3A_322 : f32 to vector<16xf32>
          %mul3A_355 = arith.mulf %get3A_353, %mul3A_354 : vector<16xf32>
          %swap3A_356 = arith.index_cast %add3A_326 : i32 to index
          %swap3A_357 = arith.constant 48 : index
          %swap3A_358 = tpu.vector_load %arg13[%swap3A_356, %swap3A_357] {strides = array<i32>} : memref<128x128xf32, #tpu.memory_space<vmem>>, vector<16xf32>,
          tpu.vector_store %arg13[%swap3A_356, %swap3A_357], %mul3A_355 {strides = array<i32>} : memref<128x128xf32, #tpu.memory_space<vmem>>, vector<16xf32>,
          %get3A_359 = arith.index_cast %add3A_326 : i32 to index
          %get3A_360 = arith.constant 64 : index
          %get3A_361 = tpu.vector_load %arg13[%get3A_359, %get3A_360] {strides = array<i32>} : memref<128x128xf32, #tpu.memory_space<vmem>>, vector<16xf32>,
          %mul3A_362 = vector.broadcast %squeeze3A_322 : f32 to vector<16xf32>
          %mul3A_363 = arith.mulf %get3A_361, %mul3A_362 : vector<16xf32>
          %swap3A_364 = arith.index_cast %add3A_326 : i32 to index
          %swap3A_365 = arith.constant 64 : index
          %swap3A_366 = tpu.vector_load %arg13[%swap3A_364, %swap3A_365] {strides = array<i32>} : memref<128x128xf32, #tpu.memory_space<vmem>>, vector<16xf32>,
          tpu.vector_store %arg13[%swap3A_364, %swap3A_365], %mul3A_363 {strides = array<i32>} : memref<128x128xf32, #tpu.memory_space<vmem>>, vector<16xf32>,
          %get3A_367 = arith.index_cast %add3A_326 : i32 to index
          %get3A_368 = arith.constant 80 : index
          %get3A_369 = tpu.vector_load %arg13[%get3A_367, %get3A_368] {strides = array<i32>} : memref<128x128xf32, #tpu.memory_space<vmem>>, vector<16xf32>,
          %mul3A_370 = vector.broadcast %squeeze3A_322 : f32 to vector<16xf32>
          %mul3A_371 = arith.mulf %get3A_369, %mul3A_370 : vector<16xf32>
          %swap3A_372 = arith.index_cast %add3A_326 : i32 to index
          %swap3A_373 = arith.constant 80 : index
          %swap3A_374 = tpu.vector_load %arg13[%swap3A_372, %swap3A_373] {strides = array<i32>} : memref<128x128xf32, #tpu.memory_space<vmem>>, vector<16xf32>,
          tpu.vector_store %arg13[%swap3A_372, %swap3A_373], %mul3A_371 {strides = array<i32>} : memref<128x128xf32, #tpu.memory_space<vmem>>, vector<16xf32>,
          %get3A_375 = arith.index_cast %add3A_326 : i32 to index
          %get3A_376 = arith.constant 96 : index
          %get3A_377 = tpu.vector_load %arg13[%get3A_375, %get3A_376] {strides = array<i32>} : memref<128x128xf32, #tpu.memory_space<vmem>>, vector<16xf32>,
          %mul3A_378 = vector.broadcast %squeeze3A_322 : f32 to vector<16xf32>
          %mul3A_379 = arith.mulf %get3A_377, %mul3A_378 : vector<16xf32>
          %swap3A_380 = arith.index_cast %add3A_326 : i32 to index
          %swap3A_381 = arith.constant 96 : index
          %swap3A_382 = tpu.vector_load %arg13[%swap3A_380, %swap3A_381] {strides = array<i32>} : memref<128x128xf32, #tpu.memory_space<vmem>>, vector<16xf32>,
          tpu.vector_store %arg13[%swap3A_380, %swap3A_381], %mul3A_379 {strides = array<i32>} : memref<128x128xf32, #tpu.memory_space<vmem>>, vector<16xf32>,
          %get3A_383 = arith.index_cast %add3A_326 : i32 to index
          %get3A_384 = arith.constant 112 : index
          %get3A_385 = tpu.vector_load %arg13[%get3A_383, %get3A_384] {strides = array<i32>} : memref<128x128xf32, #tpu.memory_space<vmem>>, vector<16xf32>,
          %mul3A_386 = vector.broadcast %squeeze3A_322 : f32 to vector<16xf32>
          %mul3A_387 = arith.mulf %get3A_385, %mul3A_386 : vector<16xf32>
          %swap3A_388 = arith.index_cast %add3A_326 : i32 to index
          %swap3A_389 = arith.constant 112 : index
          %swap3A_390 = tpu.vector_load %arg13[%swap3A_388, %swap3A_389] {strides = array<i32>} : memref<128x128xf32, #tpu.memory_space<vmem>>, vector<16xf32>,
          tpu.vector_store %arg13[%swap3A_388, %swap3A_389], %mul3A_387 {strides = array<i32>} : memref<128x128xf32, #tpu.memory_space<vmem>>, vector<16xf32>,
          %slice3A_391 = vector.extract_strided_slice %get3A_253 {offsets = [2], sizes = [1], strides = [1]} : vector<16xf32> to vector<1xf32>
          %squeeze3A_392 = vector.extract %slice3A_391[0] : f32 from vector<1xf32>
          %mul3A_393 = arith.constant 16 : i32
          %mul3A_394 = arith.muli %scan3A_247, %mul3A_393 : i32
          %add3A_395 = arith.constant 2 : i32
          %add3A_396 = arith.addi %mul3A_394, %add3A_395 : i32
          %get3A_397 = arith.index_cast %add3A_396 : i32 to index
          %get3A_398 = arith.constant 0 : index
          %get3A_399 = tpu.vector_load %arg13[%get3A_397, %get3A_398] {strides = array<i32>} : memref<128x128xf32, #tpu.memory_space<vmem>>, vector<16xf32>,
          %mul3A_400 = vector.broadcast %squeeze3A_392 : f32 to vector<16xf32>
          %mul3A_401 = arith.mulf %get3A_399, %mul3A_400 : vector<16xf32>
          %swap3A_402 = arith.index_cast %add3A_396 : i32 to index
          %swap3A_403 = arith.constant 0 : index
          %swap3A_404 = tpu.vector_load %arg13[%swap3A_402, %swap3A_403] {strides = array<i32>} : memref<128x128xf32, #tpu.memory_space<vmem>>, vector<16xf32>,
          tpu.vector_store %arg13[%swap3A_402, %swap3A_403], %mul3A_401 {strides = array<i32>} : memref<128x128xf32, #tpu.memory_space<vmem>>, vector<16xf32>,
          %get3A_405 = arith.index_cast %add3A_396 : i32 to index
          %get3A_406 = arith.constant 16 : index
          %get3A_407 = tpu.vector_load %arg13[%get3A_405, %get3A_406] {strides = array<i32>} : memref<128x128xf32, #tpu.memory_space<vmem>>, vector<16xf32>,
          %mul3A_408 = vector.broadcast %squeeze3A_392 : f32 to vector<16xf32>
          %mul3A_409 = arith.mulf %get3A_407, %mul3A_408 : vector<16xf32>
          %swap3A_410 = arith.index_cast %add3A_396 : i32 to index
          %swap3A_411 = arith.constant 16 : index
          %swap3A_412 = tpu.vector_load %arg13[%swap3A_410, %swap3A_411] {strides = array<i32>} : memref<128x128xf32, #tpu.memory_space<vmem>>, vector<16xf32>,
          tpu.vector_store %arg13[%swap3A_410, %swap3A_411], %mul3A_409 {strides = array<i32>} : memref<128x128xf32, #tpu.memory_space<vmem>>, vector<16xf32>,
          %get3A_413 = arith.index_cast %add3A_396 : i32 to index
          %get3A_414 = arith.constant 32 : index
          %get3A_415 = tpu.vector_load %arg13[%get3A_413, %get3A_414] {strides = array<i32>} : memref<128x128xf32, #tpu.memory_space<vmem>>, vector<16xf32>,
          %mul3A_416 = vector.broadcast %squeeze3A_392 : f32 to vector<16xf32>
          %mul3A_417 = arith.mulf %get3A_415, %mul3A_416 : vector<16xf32>
          %swap3A_418 = arith.index_cast %add3A_396 : i32 to index
          %swap3A_419 = arith.constant 32 : index
          %swap3A_420 = tpu.vector_load %arg13[%swap3A_418, %swap3A_419] {strides = array<i32>} : memref<128x128xf32, #tpu.memory_space<vmem>>, vector<16xf32>,
          tpu.vector_store %arg13[%swap3A_418, %swap3A_419], %mul3A_417 {strides = array<i32>} : memref<128x128xf32, #tpu.memory_space<vmem>>, vector<16xf32>,
          %get3A_421 = arith.index_cast %add3A_396 : i32 to index
          %get3A_422 = arith.constant 48 : index
          %get3A_423 = tpu.vector_load %arg13[%get3A_421, %get3A_422] {strides = array<i32>} : memref<128x128xf32, #tpu.memory_space<vmem>>, vector<16xf32>,
          %mul3A_424 = vector.broadcast %squeeze3A_392 : f32 to vector<16xf32>
          %mul3A_425 = arith.mulf %get3A_423, %mul3A_424 : vector<16xf32>
          %swap3A_426 = arith.index_cast %add3A_396 : i32 to index
          %swap3A_427 = arith.constant 48 : index
          %swap3A_428 = tpu.vector_load %arg13[%swap3A_426, %swap3A_427] {strides = array<i32>} : memref<128x128xf32, #tpu.memory_space<vmem>>, vector<16xf32>,
          tpu.vector_store %arg13[%swap3A_426, %swap3A_427], %mul3A_425 {strides = array<i32>} : memref<128x128xf32, #tpu.memory_space<vmem>>, vector<16xf32>,
          %get3A_429 = arith.index_cast %add3A_396 : i32 to index
          %get3A_430 = arith.constant 64 : index
          %get3A_431 = tpu.vector_load %arg13[%get3A_429, %get3A_430] {strides = array<i32>} : memref<128x128xf32, #tpu.memory_space<vmem>>, vector<16xf32>,
          %mul3A_432 = vector.broadcast %squeeze3A_392 : f32 to vector<16xf32>
          %mul3A_433 = arith.mulf %get3A_431, %mul3A_432 : vector<16xf32>
          %swap3A_434 = arith.index_cast %add3A_396 : i32 to index
          %swap3A_435 = arith.constant 64 : index
          %swap3A_436 = tpu.vector_load %arg13[%swap3A_434, %swap3A_435] {strides = array<i32>} : memref<128x128xf32, #tpu.memory_space<vmem>>, vector<16xf32>,
          tpu.vector_store %arg13[%swap3A_434, %swap3A_435], %mul3A_433 {strides = array<i32>} : memref<128x128xf32, #tpu.memory_space<vmem>>, vector<16xf32>,
          %get3A_437 = arith.index_cast %add3A_396 : i32 to index
          %get3A_438 = arith.constant 80 : index
          %get3A_439 = tpu.vector_load %arg13[%get3A_437, %get3A_438] {strides = array<i32>} : memref<128x128xf32, #tpu.memory_space<vmem>>, vector<16xf32>,
          %mul3A_440 = vector.broadcast %squeeze3A_392 : f32 to vector<16xf32>
          %mul3A_441 = arith.mulf %get3A_439, %mul3A_440 : vector<16xf32>
          %swap3A_442 = arith.index_cast %add3A_396 : i32 to index
          %swap3A_443 = arith.constant 80 : index
          %swap3A_444 = tpu.vector_load %arg13[%swap3A_442, %swap3A_443] {strides = array<i32>} : memref<128x128xf32, #tpu.memory_space<vmem>>, vector<16xf32>,
          tpu.vector_store %arg13[%swap3A_442, %swap3A_443], %mul3A_441 {strides = array<i32>} : memref<128x128xf32, #tpu.memory_space<vmem>>, vector<16xf32>,
          %get3A_445 = arith.index_cast %add3A_396 : i32 to index
          %get3A_446 = arith.constant 96 : index
          %get3A_447 = tpu.vector_load %arg13[%get3A_445, %get3A_446] {strides = array<i32>} : memref<128x128xf32, #tpu.memory_space<vmem>>, vector<16xf32>,
          %mul3A_448 = vector.broadcast %squeeze3A_392 : f32 to vector<16xf32>
          %mul3A_449 = arith.mulf %get3A_447, %mul3A_448 : vector<16xf32>
          %swap3A_450 = arith.index_cast %add3A_396 : i32 to index
          %swap3A_451 = arith.constant 96 : index
          %swap3A_452 = tpu.vector_load %arg13[%swap3A_450, %swap3A_451] {strides = array<i32>} : memref<128x128xf32, #tpu.memory_space<vmem>>, vector<16xf32>,
          tpu.vector_store %arg13[%swap3A_450, %swap3A_451], %mul3A_449 {strides = array<i32>} : memref<128x128xf32, #tpu.memory_space<vmem>>, vector<16xf32>,
          %get3A_453 = arith.index_cast %add3A_396 : i32 to index
          %get3A_454 = arith.constant 112 : index
          %get3A_455 = tpu.vector_load %arg13[%get3A_453, %get3A_454] {strides = array<i32>} : memref<128x128xf32, #tpu.memory_space<vmem>>, vector<16xf32>,
          %mul3A_456 = vector.broadcast %squeeze3A_392 : f32 to vector<16xf32>
          %mul3A_457 = arith.mulf %get3A_455, %mul3A_456 : vector<16xf32>
          %swap3A_458 = arith.index_cast %add3A_396 : i32 to index
          %swap3A_459 = arith.constant 112 : index
          %swap3A_460 = tpu.vector_load %arg13[%swap3A_458, %swap3A_459] {strides = array<i32>} : memref<128x128xf32, #tpu.memory_space<vmem>>, vector<16xf32>,
          tpu.vector_store %arg13[%swap3A_458, %swap3A_459], %mul3A_457 {strides = array<i32>} : memref<128x128xf32, #tpu.memory_space<vmem>>, vector<16xf32>,
          %slice3A_461 = vector.extract_strided_slice %get3A_253 {offsets = [3], sizes = [1], strides = [1]} : vector<16xf32> to vector<1xf32>
          %squeeze3A_462 = vector.extract %slice3A_461[0] : f32 from vector<1xf32>
          %mul3A_463 = arith.constant 16 : i32
          %mul3A_464 = arith.muli %scan3A_247, %mul3A_463 : i32
          %add3A_465 = arith.constant 3 : i32
          %add3A_466 = arith.addi %mul3A_464, %add3A_465 : i32
          %get3A_467 = arith.index_cast %add3A_466 : i32 to index
          %get3A_468 = arith.constant 0 : index
          %get3A_469 = tpu.vector_load %arg13[%get3A_467, %get3A_468] {strides = array<i32>} : memref<128x128xf32, #tpu.memory_space<vmem>>, vector<16xf32>,
          %mul3A_470 = vector.broadcast %squeeze3A_462 : f32 to vector<16xf32>
          %mul3A_471 = arith.mulf %get3A_469, %mul3A_470 : vector<16xf32>
          %swap3A_472 = arith.index_cast %add3A_466 : i32 to index
          %swap3A_473 = arith.constant 0 : index
          %swap3A_474 = tpu.vector_load %arg13[%swap3A_472, %swap3A_473] {strides = array<i32>} : memref<128x128xf32, #tpu.memory_space<vmem>>, vector<16xf32>,
          tpu.vector_store %arg13[%swap3A_472, %swap3A_473], %mul3A_471 {strides = array<i32>} : memref<128x128xf32, #tpu.memory_space<vmem>>, vector<16xf32>,
          %get3A_475 = arith.index_cast %add3A_466 : i32 to index
          %get3A_476 = arith.constant 16 : index
          %get3A_477 = tpu.vector_load %arg13[%get3A_475, %get3A_476] {strides = array<i32>} : memref<128x128xf32, #tpu.memory_space<vmem>>, vector<16xf32>,
          %mul3A_478 = vector.broadcast %squeeze3A_462 : f32 to vector<16xf32>
          %mul3A_479 = arith.mulf %get3A_477, %mul3A_478 : vector<16xf32>
          %swap3A_480 = arith.index_cast %add3A_466 : i32 to index
          %swap3A_481 = arith.constant 16 : index
          %swap3A_482 = tpu.vector_load %arg13[%swap3A_480, %swap3A_481] {strides = array<i32>} : memref<128x128xf32, #tpu.memory_space<vmem>>, vector<16xf32>,
          tpu.vector_store %arg13[%swap3A_480, %swap3A_481], %mul3A_479 {strides = array<i32>} : memref<128x128xf32, #tpu.memory_space<vmem>>, vector<16xf32>,
          %get3A_483 = arith.index_cast %add3A_466 : i32 to index
          %get3A_484 = arith.constant 32 : index
          %get3A_485 = tpu.vector_load %arg13[%get3A_483, %get3A_484] {strides = array<i32>} : memref<128x128xf32, #tpu.memory_space<vmem>>, vector<16xf32>,
          %mul3A_486 = vector.broadcast %squeeze3A_462 : f32 to vector<16xf32>
          %mul3A_487 = arith.mulf %get3A_485, %mul3A_486 : vector<16xf32>
          %swap3A_488 = arith.index_cast %add3A_466 : i32 to index
          %swap3A_489 = arith.constant 32 : index
          %swap3A_490 = tpu.vector_load %arg13[%swap3A_488, %swap3A_489] {strides = array<i32>} : memref<128x128xf32, #tpu.memory_space<vmem>>, vector<16xf32>,
          tpu.vector_store %arg13[%swap3A_488, %swap3A_489], %mul3A_487 {strides = array<i32>} : memref<128x128xf32, #tpu.memory_space<vmem>>, vector<16xf32>,
          %get3A_491 = arith.index_cast %add3A_466 : i32 to index
          %get3A_492 = arith.constant 48 : index
          %get3A_493 = tpu.vector_load %arg13[%get3A_491, %get3A_492] {strides = array<i32>} : memref<128x128xf32, #tpu.memory_space<vmem>>, vector<16xf32>,
          %mul3A_494 = vector.broadcast %squeeze3A_462 : f32 to vector<16xf32>
          %mul3A_495 = arith.mulf %get3A_493, %mul3A_494 : vector<16xf32>
          %swap3A_496 = arith.index_cast %add3A_466 : i32 to index
          %swap3A_497 = arith.constant 48 : index
          %swap3A_498 = tpu.vector_load %arg13[%swap3A_496, %swap3A_497] {strides = array<i32>} : memref<128x128xf32, #tpu.memory_space<vmem>>, vector<16xf32>,
          tpu.vector_store %arg13[%swap3A_496, %swap3A_497], %mul3A_495 {strides = array<i32>} : memref<128x128xf32, #tpu.memory_space<vmem>>, vector<16xf32>,
          %get3A_499 = arith.index_cast %add3A_466 : i32 to index
          %get3A_500 = arith.constant 64 : index
          %get3A_501 = tpu.vector_load %arg13[%get3A_499, %get3A_500] {strides = array<i32>} : memref<128x128xf32, #tpu.memory_space<vmem>>, vector<16xf32>,
          %mul3A_502 = vector.broadcast %squeeze3A_462 : f32 to vector<16xf32>
          %mul3A_503 = arith.mulf %get3A_501, %mul3A_502 : vector<16xf32>
          %swap3A_504 = arith.index_cast %add3A_466 : i32 to index
          %swap3A_505 = arith.constant 64 : index
          %swap3A_506 = tpu.vector_load %arg13[%swap3A_504, %swap3A_505] {strides = array<i32>} : memref<128x128xf32, #tpu.memory_space<vmem>>, vector<16xf32>,
          tpu.vector_store %arg13[%swap3A_504, %swap3A_505], %mul3A_503 {strides = array<i32>} : memref<128x128xf32, #tpu.memory_space<vmem>>, vector<16xf32>,
          %get3A_507 = arith.index_cast %add3A_466 : i32 to index
          %get3A_508 = arith.constant 80 : index
          %get3A_509 = tpu.vector_load %arg13[%get3A_507, %get3A_508] {strides = array<i32>} : memref<128x128xf32, #tpu.memory_space<vmem>>, vector<16xf32>,
          %mul3A_510 = vector.broadcast %squeeze3A_462 : f32 to vector<16xf32>
          %mul3A_511 = arith.mulf %get3A_509, %mul3A_510 : vector<16xf32>
          %swap3A_512 = arith.index_cast %add3A_466 : i32 to index
          %swap3A_513 = arith.constant 80 : index
          %swap3A_514 = tpu.vector_load %arg13[%swap3A_512, %swap3A_513] {strides = array<i32>} : memref<128x128xf32, #tpu.memory_space<vmem>>, vector<16xf32>,
          tpu.vector_store %arg13[%swap3A_512, %swap3A_513], %mul3A_511 {strides = array<i32>} : memref<128x128xf32, #tpu.memory_space<vmem>>, vector<16xf32>,
          %get3A_515 = arith.index_cast %add3A_466 : i32 to index
          %get3A_516 = arith.constant 96 : index
          %get3A_517 = tpu.vector_load %arg13[%get3A_515, %get3A_516] {strides = array<i32>} : memref<128x128xf32, #tpu.memory_space<vmem>>, vector<16xf32>,
          %mul3A_518 = vector.broadcast %squeeze3A_462 : f32 to vector<16xf32>
          %mul3A_519 = arith.mulf %get3A_517, %mul3A_518 : vector<16xf32>
          %swap3A_520 = arith.index_cast %add3A_466 : i32 to index
          %swap3A_521 = arith.constant 96 : index
          %swap3A_522 = tpu.vector_load %arg13[%swap3A_520, %swap3A_521] {strides = array<i32>} : memref<128x128xf32, #tpu.memory_space<vmem>>, vector<16xf32>,
          tpu.vector_store %arg13[%swap3A_520, %swap3A_521], %mul3A_519 {strides = array<i32>} : memref<128x128xf32, #tpu.memory_space<vmem>>, vector<16xf32>,
          %get3A_523 = arith.index_cast %add3A_466 : i32 to index
          %get3A_524 = arith.constant 112 : index
          %get3A_525 = tpu.vector_load %arg13[%get3A_523, %get3A_524] {strides = array<i32>} : memref<128x128xf32, #tpu.memory_space<vmem>>, vector<16xf32>,
          %mul3A_526 = vector.broadcast %squeeze3A_462 : f32 to vector<16xf32>
          %mul3A_527 = arith.mulf %get3A_525, %mul3A_526 : vector<16xf32>
          %swap3A_528 = arith.index_cast %add3A_466 : i32 to index
          %swap3A_529 = arith.constant 112 : index
          %swap3A_530 = tpu.vector_load %arg13[%swap3A_528, %swap3A_529] {strides = array<i32>} : memref<128x128xf32, #tpu.memory_space<vmem>>, vector<16xf32>,
          tpu.vector_store %arg13[%swap3A_528, %swap3A_529], %mul3A_527 {strides = array<i32>} : memref<128x128xf32, #tpu.memory_space<vmem>>, vector<16xf32>,
          %slice3A_531 = vector.extract_strided_slice %get3A_253 {offsets = [4], sizes = [1], strides = [1]} : vector<16xf32> to vector<1xf32>
          %squeeze3A_532 = vector.extract %slice3A_531[0] : f32 from vector<1xf32>
          %mul3A_533 = arith.constant 16 : i32
          %mul3A_534 = arith.muli %scan3A_247, %mul3A_533 : i32
          %add3A_535 = arith.constant 4 : i32
          %add3A_536 = arith.addi %mul3A_534, %add3A_535 : i32
          %get3A_537 = arith.index_cast %add3A_536 : i32 to index
          %get3A_538 = arith.constant 0 : index
          %get3A_539 = tpu.vector_load %arg13[%get3A_537, %get3A_538] {strides = array<i32>} : memref<128x128xf32, #tpu.memory_space<vmem>>, vector<16xf32>,
          %mul3A_540 = vector.broadcast %squeeze3A_532 : f32 to vector<16xf32>
          %mul3A_541 = arith.mulf %get3A_539, %mul3A_540 : vector<16xf32>
          %swap3A_542 = arith.index_cast %add3A_536 : i32 to index
          %swap3A_543 = arith.constant 0 : index
          %swap3A_544 = tpu.vector_load %arg13[%swap3A_542, %swap3A_543] {strides = array<i32>} : memref<128x128xf32, #tpu.memory_space<vmem>>, vector<16xf32>,
          tpu.vector_store %arg13[%swap3A_542, %swap3A_543], %mul3A_541 {strides = array<i32>} : memref<128x128xf32, #tpu.memory_space<vmem>>, vector<16xf32>,
          %get3A_545 = arith.index_cast %add3A_536 : i32 to index
          %get3A_546 = arith.constant 16 : index
          %get3A_547 = tpu.vector_load %arg13[%get3A_545, %get3A_546] {strides = array<i32>} : memref<128x128xf32, #tpu.memory_space<vmem>>, vector<16xf32>,
          %mul3A_548 = vector.broadcast %squeeze3A_532 : f32 to vector<16xf32>
          %mul3A_549 = arith.mulf %get3A_547, %mul3A_548 : vector<16xf32>
          %swap3A_550 = arith.index_cast %add3A_536 : i32 to index
          %swap3A_551 = arith.constant 16 : index
          %swap3A_552 = tpu.vector_load %arg13[%swap3A_550, %swap3A_551] {strides = array<i32>} : memref<128x128xf32, #tpu.memory_space<vmem>>, vector<16xf32>,
          tpu.vector_store %arg13[%swap3A_550, %swap3A_551], %mul3A_549 {strides = array<i32>} : memref<128x128xf32, #tpu.memory_space<vmem>>, vector<16xf32>,
          %get3A_553 = arith.index_cast %add3A_536 : i32 to index
          %get3A_554 = arith.constant 32 : index
          %get3A_555 = tpu.vector_load %arg13[%get3A_553, %get3A_554] {strides = array<i32>} : memref<128x128xf32, #tpu.memory_space<vmem>>, vector<16xf32>,
          %mul3A_556 = vector.broadcast %squeeze3A_532 : f32 to vector<16xf32>
          %mul3A_557 = arith.mulf %get3A_555, %mul3A_556 : vector<16xf32>
          %swap3A_558 = arith.index_cast %add3A_536 : i32 to index
          %swap3A_559 = arith.constant 32 : index
          %swap3A_560 = tpu.vector_load %arg13[%swap3A_558, %swap3A_559] {strides = array<i32>} : memref<128x128xf32, #tpu.memory_space<vmem>>, vector<16xf32>,
          tpu.vector_store %arg13[%swap3A_558, %swap3A_559], %mul3A_557 {strides = array<i32>} : memref<128x128xf32, #tpu.memory_space<vmem>>, vector<16xf32>,
          %get3A_561 = arith.index_cast %add3A_536 : i32 to index
          %get3A_562 = arith.constant 48 : index
          %get3A_563 = tpu.vector_load %arg13[%get3A_561, %get3A_562] {strides = array<i32>} : memref<128x128xf32, #tpu.memory_space<vmem>>, vector<16xf32>,
          %mul3A_564 = vector.broadcast %squeeze3A_532 : f32 to vector<16xf32>
          %mul3A_565 = arith.mulf %get3A_563, %mul3A_564 : vector<16xf32>
          %swap3A_566 = arith.index_cast %add3A_536 : i32 to index
          %swap3A_567 = arith.constant 48 : index
          %swap3A_568 = tpu.vector_load %arg13[%swap3A_566, %swap3A_567] {strides = array<i32>} : memref<128x128xf32, #tpu.memory_space<vmem>>, vector<16xf32>,
          tpu.vector_store %arg13[%swap3A_566, %swap3A_567], %mul3A_565 {strides = array<i32>} : memref<128x128xf32, #tpu.memory_space<vmem>>, vector<16xf32>,
          %get3A_569 = arith.index_cast %add3A_536 : i32 to index
          %get3A_570 = arith.constant 64 : index
          %get3A_571 = tpu.vector_load %arg13[%get3A_569, %get3A_570] {strides = array<i32>} : memref<128x128xf32, #tpu.memory_space<vmem>>, vector<16xf32>,
          %mul3A_572 = vector.broadcast %squeeze3A_532 : f32 to vector<16xf32>
          %mul3A_573 = arith.mulf %get3A_571, %mul3A_572 : vector<16xf32>
          %swap3A_574 = arith.index_cast %add3A_536 : i32 to index
          %swap3A_575 = arith.constant 64 : index
          %swap3A_576 = tpu.vector_load %arg13[%swap3A_574, %swap3A_575] {strides = array<i32>} : memref<128x128xf32, #tpu.memory_space<vmem>>, vector<16xf32>,
          tpu.vector_store %arg13[%swap3A_574, %swap3A_575], %mul3A_573 {strides = array<i32>} : memref<128x128xf32, #tpu.memory_space<vmem>>, vector<16xf32>,
          %get3A_577 = arith.index_cast %add3A_536 : i32 to index
          %get3A_578 = arith.constant 80 : index
          %get3A_579 = tpu.vector_load %arg13[%get3A_577, %get3A_578] {strides = array<i32>} : memref<128x128xf32, #tpu.memory_space<vmem>>, vector<16xf32>,
          %mul3A_580 = vector.broadcast %squeeze3A_532 : f32 to vector<16xf32>
          %mul3A_581 = arith.mulf %get3A_579, %mul3A_580 : vector<16xf32>
          %swap3A_582 = arith.index_cast %add3A_536 : i32 to index
          %swap3A_583 = arith.constant 80 : index
          %swap3A_584 = tpu.vector_load %arg13[%swap3A_582, %swap3A_583] {strides = array<i32>} : memref<128x128xf32, #tpu.memory_space<vmem>>, vector<16xf32>,
          tpu.vector_store %arg13[%swap3A_582, %swap3A_583], %mul3A_581 {strides = array<i32>} : memref<128x128xf32, #tpu.memory_space<vmem>>, vector<16xf32>,
          %get3A_585 = arith.index_cast %add3A_536 : i32 to index
          %get3A_586 = arith.constant 96 : index
          %get3A_587 = tpu.vector_load %arg13[%get3A_585, %get3A_586] {strides = array<i32>} : memref<128x128xf32, #tpu.memory_space<vmem>>, vector<16xf32>,
          %mul3A_588 = vector.broadcast %squeeze3A_532 : f32 to vector<16xf32>
          %mul3A_589 = arith.mulf %get3A_587, %mul3A_588 : vector<16xf32>
          %swap3A_590 = arith.index_cast %add3A_536 : i32 to index
          %swap3A_591 = arith.constant 96 : index
          %swap3A_592 = tpu.vector_load %arg13[%swap3A_590, %swap3A_591] {strides = array<i32>} : memref<128x128xf32, #tpu.memory_space<vmem>>, vector<16xf32>,
          tpu.vector_store %arg13[%swap3A_590, %swap3A_591], %mul3A_589 {strides = array<i32>} : memref<128x128xf32, #tpu.memory_space<vmem>>, vector<16xf32>,
          %get3A_593 = arith.index_cast %add3A_536 : i32 to index
          %get3A_594 = arith.constant 112 : index
          %get3A_595 = tpu.vector_load %arg13[%get3A_593, %get3A_594] {strides = array<i32>} : memref<128x128xf32, #tpu.memory_space<vmem>>, vector<16xf32>,
          %mul3A_596 = vector.broadcast %squeeze3A_532 : f32 to vector<16xf32>
          %mul3A_597 = arith.mulf %get3A_595, %mul3A_596 : vector<16xf32>
          %swap3A_598 = arith.index_cast %add3A_536 : i32 to index
          %swap3A_599 = arith.constant 112 : index
          %swap3A_600 = tpu.vector_load %arg13[%swap3A_598, %swap3A_599] {strides = array<i32>} : memref<128x128xf32, #tpu.memory_space<vmem>>, vector<16xf32>,
          tpu.vector_store %arg13[%swap3A_598, %swap3A_599], %mul3A_597 {strides = array<i32>} : memref<128x128xf32, #tpu.memory_space<vmem>>, vector<16xf32>,
          %slice3A_601 = vector.extract_strided_slice %get3A_253 {offsets = [5], sizes = [1], strides = [1]} : vector<16xf32> to vector<1xf32>
          %squeeze3A_602 = vector.extract %slice3A_601[0] : f32 from vector<1xf32>
          %mul3A_603 = arith.constant 16 : i32
          %mul3A_604 = arith.muli %scan3A_247, %mul3A_603 : i32
          %add3A_605 = arith.constant 5 : i32
          %add3A_606 = arith.addi %mul3A_604, %add3A_605 : i32
          %get3A_607 = arith.index_cast %add3A_606 : i32 to index
          %get3A_608 = arith.constant 0 : index
          %get3A_609 = tpu.vector_load %arg13[%get3A_607, %get3A_608] {strides = array<i32>} : memref<128x128xf32, #tpu.memory_space<vmem>>, vector<16xf32>,
          %mul3A_610 = vector.broadcast %squeeze3A_602 : f32 to vector<16xf32>
          %mul3A_611 = arith.mulf %get3A_609, %mul3A_610 : vector<16xf32>
          %swap3A_612 = arith.index_cast %add3A_606 : i32 to index
          %swap3A_613 = arith.constant 0 : index
          %swap3A_614 = tpu.vector_load %arg13[%swap3A_612, %swap3A_613] {strides = array<i32>} : memref<128x128xf32, #tpu.memory_space<vmem>>, vector<16xf32>,
          tpu.vector_store %arg13[%swap3A_612, %swap3A_613], %mul3A_611 {strides = array<i32>} : memref<128x128xf32, #tpu.memory_space<vmem>>, vector<16xf32>,
          %get3A_615 = arith.index_cast %add3A_606 : i32 to index
          %get3A_616 = arith.constant 16 : index
          %get3A_617 = tpu.vector_load %arg13[%get3A_615, %get3A_616] {strides = array<i32>} : memref<128x128xf32, #tpu.memory_space<vmem>>, vector<16xf32>,
          %mul3A_618 = vector.broadcast %squeeze3A_602 : f32 to vector<16xf32>
          %mul3A_619 = arith.mulf %get3A_617, %mul3A_618 : vector<16xf32>
          %swap3A_620 = arith.index_cast %add3A_606 : i32 to index
          %swap3A_621 = arith.constant 16 : index
          %swap3A_622 = tpu.vector_load %arg13[%swap3A_620, %swap3A_621] {strides = array<i32>} : memref<128x128xf32, #tpu.memory_space<vmem>>, vector<16xf32>,
          tpu.vector_store %arg13[%swap3A_620, %swap3A_621], %mul3A_619 {strides = array<i32>} : memref<128x128xf32, #tpu.memory_space<vmem>>, vector<16xf32>,
          %get3A_623 = arith.index_cast %add3A_606 : i32 to index
          %get3A_624 = arith.constant 32 : index
          %get3A_625 = tpu.vector_load %arg13[%get3A_623, %get3A_624] {strides = array<i32>} : memref<128x128xf32, #tpu.memory_space<vmem>>, vector<16xf32>,
          %mul3A_626 = vector.broadcast %squeeze3A_602 : f32 to vector<16xf32>
          %mul3A_627 = arith.mulf %get3A_625, %mul3A_626 : vector<16xf32>
          %swap3A_628 = arith.index_cast %add3A_606 : i32 to index
          %swap3A_629 = arith.constant 32 : index
          %swap3A_630 = tpu.vector_load %arg13[%swap3A_628, %swap3A_629] {strides = array<i32>} : memref<128x128xf32, #tpu.memory_space<vmem>>, vector<16xf32>,
          tpu.vector_store %arg13[%swap3A_628, %swap3A_629], %mul3A_627 {strides = array<i32>} : memref<128x128xf32, #tpu.memory_space<vmem>>, vector<16xf32>,
          %get3A_631 = arith.index_cast %add3A_606 : i32 to index
          %get3A_632 = arith.constant 48 : index
          %get3A_633 = tpu.vector_load %arg13[%get3A_631, %get3A_632] {strides = array<i32>} : memref<128x128xf32, #tpu.memory_space<vmem>>, vector<16xf32>,
          %mul3A_634 = vector.broadcast %squeeze3A_602 : f32 to vector<16xf32>
          %mul3A_635 = arith.mulf %get3A_633, %mul3A_634 : vector<16xf32>
          %swap3A_636 = arith.index_cast %add3A_606 : i32 to index
          %swap3A_637 = arith.constant 48 : index
          %swap3A_638 = tpu.vector_load %arg13[%swap3A_636, %swap3A_637] {strides = array<i32>} : memref<128x128xf32, #tpu.memory_space<vmem>>, vector<16xf32>,
          tpu.vector_store %arg13[%swap3A_636, %swap3A_637], %mul3A_635 {strides = array<i32>} : memref<128x128xf32, #tpu.memory_space<vmem>>, vector<16xf32>,
          %get3A_639 = arith.index_cast %add3A_606 : i32 to index
          %get3A_640 = arith.constant 64 : index
          %get3A_641 = tpu.vector_load %arg13[%get3A_639, %get3A_640] {strides = array<i32>} : memref<128x128xf32, #tpu.memory_space<vmem>>, vector<16xf32>,
          %mul3A_642 = vector.broadcast %squeeze3A_602 : f32 to vector<16xf32>
          %mul3A_643 = arith.mulf %get3A_641, %mul3A_642 : vector<16xf32>
          %swap3A_644 = arith.index_cast %add3A_606 : i32 to index
          %swap3A_645 = arith.constant 64 : index
          %swap3A_646 = tpu.vector_load %arg13[%swap3A_644, %swap3A_645] {strides = array<i32>} : memref<128x128xf32, #tpu.memory_space<vmem>>, vector<16xf32>,
          tpu.vector_store %arg13[%swap3A_644, %swap3A_645], %mul3A_643 {strides = array<i32>} : memref<128x128xf32, #tpu.memory_space<vmem>>, vector<16xf32>,
          %get3A_647 = arith.index_cast %add3A_606 : i32 to index
          %get3A_648 = arith.constant 80 : index
          %get3A_649 = tpu.vector_load %arg13[%get3A_647, %get3A_648] {strides = array<i32>} : memref<128x128xf32, #tpu.memory_space<vmem>>, vector<16xf32>,
          %mul3A_650 = vector.broadcast %squeeze3A_602 : f32 to vector<16xf32>
          %mul3A_651 = arith.mulf %get3A_649, %mul3A_650 : vector<16xf32>
          %swap3A_652 = arith.index_cast %add3A_606 : i32 to index
          %swap3A_653 = arith.constant 80 : index
          %swap3A_654 = tpu.vector_load %arg13[%swap3A_652, %swap3A_653] {strides = array<i32>} : memref<128x128xf32, #tpu.memory_space<vmem>>, vector<16xf32>,
          tpu.vector_store %arg13[%swap3A_652, %swap3A_653], %mul3A_651 {strides = array<i32>} : memref<128x128xf32, #tpu.memory_space<vmem>>, vector<16xf32>,
          %get3A_655 = arith.index_cast %add3A_606 : i32 to index
          %get3A_656 = arith.constant 96 : index
          %get3A_657 = tpu.vector_load %arg13[%get3A_655, %get3A_656] {strides = array<i32>} : memref<128x128xf32, #tpu.memory_space<vmem>>, vector<16xf32>,
          %mul3A_658 = vector.broadcast %squeeze3A_602 : f32 to vector<16xf32>
          %mul3A_659 = arith.mulf %get3A_657, %mul3A_658 : vector<16xf32>
          %swap3A_660 = arith.index_cast %add3A_606 : i32 to index
          %swap3A_661 = arith.constant 96 : index
          %swap3A_662 = tpu.vector_load %arg13[%swap3A_660, %swap3A_661] {strides = array<i32>} : memref<128x128xf32, #tpu.memory_space<vmem>>, vector<16xf32>,
          tpu.vector_store %arg13[%swap3A_660, %swap3A_661], %mul3A_659 {strides = array<i32>} : memref<128x128xf32, #tpu.memory_space<vmem>>, vector<16xf32>,
          %get3A_663 = arith.index_cast %add3A_606 : i32 to index
          %get3A_664 = arith.constant 112 : index
          %get3A_665 = tpu.vector_load %arg13[%get3A_663, %get3A_664] {strides = array<i32>} : memref<128x128xf32, #tpu.memory_space<vmem>>, vector<16xf32>,
          %mul3A_666 = vector.broadcast %squeeze3A_602 : f32 to vector<16xf32>
          %mul3A_667 = arith.mulf %get3A_665, %mul3A_666 : vector<16xf32>
          %swap3A_668 = arith.index_cast %add3A_606 : i32 to index
          %swap3A_669 = arith.constant 112 : index
          %swap3A_670 = tpu.vector_load %arg13[%swap3A_668, %swap3A_669] {strides = array<i32>} : memref<128x128xf32, #tpu.memory_space<vmem>>, vector<16xf32>,
          tpu.vector_store %arg13[%swap3A_668, %swap3A_669], %mul3A_667 {strides = array<i32>} : memref<128x128xf32, #tpu.memory_space<vmem>>, vector<16xf32>,
          %slice3A_671 = vector.extract_strided_slice %get3A_253 {offsets = [6], sizes = [1], strides = [1]} : vector<16xf32> to vector<1xf32>
          %squeeze3A_672 = vector.extract %slice3A_671[0] : f32 from vector<1xf32>
          %mul3A_673 = arith.constant 16 : i32
          %mul3A_674 = arith.muli %scan3A_247, %mul3A_673 : i32
          %add3A_675 = arith.constant 6 : i32
          %add3A_676 = arith.addi %mul3A_674, %add3A_675 : i32
          %get3A_677 = arith.index_cast %add3A_676 : i32 to index
          %get3A_678 = arith.constant 0 : index
          %get3A_679 = tpu.vector_load %arg13[%get3A_677, %get3A_678] {strides = array<i32>} : memref<128x128xf32, #tpu.memory_space<vmem>>, vector<16xf32>,
          %mul3A_680 = vector.broadcast %squeeze3A_672 : f32 to vector<16xf32>
          %mul3A_681 = arith.mulf %get3A_679, %mul3A_680 : vector<16xf32>
          %swap3A_682 = arith.index_cast %add3A_676 : i32 to index
          %swap3A_683 = arith.constant 0 : index
          %swap3A_684 = tpu.vector_load %arg13[%swap3A_682, %swap3A_683] {strides = array<i32>} : memref<128x128xf32, #tpu.memory_space<vmem>>, vector<16xf32>,
          tpu.vector_store %arg13[%swap3A_682, %swap3A_683], %mul3A_681 {strides = array<i32>} : memref<128x128xf32, #tpu.memory_space<vmem>>, vector<16xf32>,
          %get3A_685 = arith.index_cast %add3A_676 : i32 to index
          %get3A_686 = arith.constant 16 : index
          %get3A_687 = tpu.vector_load %arg13[%get3A_685, %get3A_686] {strides = array<i32>} : memref<128x128xf32, #tpu.memory_space<vmem>>, vector<16xf32>,
          %mul3A_688 = vector.broadcast %squeeze3A_672 : f32 to vector<16xf32>
          %mul3A_689 = arith.mulf %get3A_687, %mul3A_688 : vector<16xf32>
          %swap3A_690 = arith.index_cast %add3A_676 : i32 to index
          %swap3A_691 = arith.constant 16 : index
          %swap3A_692 = tpu.vector_load %arg13[%swap3A_690, %swap3A_691] {strides = array<i32>} : memref<128x128xf32, #tpu.memory_space<vmem>>, vector<16xf32>,
          tpu.vector_store %arg13[%swap3A_690, %swap3A_691], %mul3A_689 {strides = array<i32>} : memref<128x128xf32, #tpu.memory_space<vmem>>, vector<16xf32>,
          %get3A_693 = arith.index_cast %add3A_676 : i32 to index
          %get3A_694 = arith.constant 32 : index
          %get3A_695 = tpu.vector_load %arg13[%get3A_693, %get3A_694] {strides = array<i32>} : memref<128x128xf32, #tpu.memory_space<vmem>>, vector<16xf32>,
          %mul3A_696 = vector.broadcast %squeeze3A_672 : f32 to vector<16xf32>
          %mul3A_697 = arith.mulf %get3A_695, %mul3A_696 : vector<16xf32>
          %swap3A_698 = arith.index_cast %add3A_676 : i32 to index
          %swap3A_699 = arith.constant 32 : index
          %swap3A_700 = tpu.vector_load %arg13[%swap3A_698, %swap3A_699] {strides = array<i32>} : memref<128x128xf32, #tpu.memory_space<vmem>>, vector<16xf32>,
          tpu.vector_store %arg13[%swap3A_698, %swap3A_699], %mul3A_697 {strides = array<i32>} : memref<128x128xf32, #tpu.memory_space<vmem>>, vector<16xf32>,
          %get3A_701 = arith.index_cast %add3A_676 : i32 to index
          %get3A_702 = arith.constant 48 : index
          %get3A_703 = tpu.vector_load %arg13[%get3A_701, %get3A_702] {strides = array<i32>} : memref<128x128xf32, #tpu.memory_space<vmem>>, vector<16xf32>,
          %mul3A_704 = vector.broadcast %squeeze3A_672 : f32 to vector<16xf32>
          %mul3A_705 = arith.mulf %get3A_703, %mul3A_704 : vector<16xf32>
          %swap3A_706 = arith.index_cast %add3A_676 : i32 to index
          %swap3A_707 = arith.constant 48 : index
          %swap3A_708 = tpu.vector_load %arg13[%swap3A_706, %swap3A_707] {strides = array<i32>} : memref<128x128xf32, #tpu.memory_space<vmem>>, vector<16xf32>,
          tpu.vector_store %arg13[%swap3A_706, %swap3A_707], %mul3A_705 {strides = array<i32>} : memref<128x128xf32, #tpu.memory_space<vmem>>, vector<16xf32>,
          %get3A_709 = arith.index_cast %add3A_676 : i32 to index
          %get3A_710 = arith.constant 64 : index
          %get3A_711 = tpu.vector_load %arg13[%get3A_709, %get3A_710] {strides = array<i32>} : memref<128x128xf32, #tpu.memory_space<vmem>>, vector<16xf32>,
          %mul3A_712 = vector.broadcast %squeeze3A_672 : f32 to vector<16xf32>
          %mul3A_713 = arith.mulf %get3A_711, %mul3A_712 : vector<16xf32>
          %swap3A_714 = arith.index_cast %add3A_676 : i32 to index
          %swap3A_715 = arith.constant 64 : index
          %swap3A_716 = tpu.vector_load %arg13[%swap3A_714, %swap3A_715] {strides = array<i32>} : memref<128x128xf32, #tpu.memory_space<vmem>>, vector<16xf32>,
          tpu.vector_store %arg13[%swap3A_714, %swap3A_715], %mul3A_713 {strides = array<i32>} : memref<128x128xf32, #tpu.memory_space<vmem>>, vector<16xf32>,
          %get3A_717 = arith.index_cast %add3A_676 : i32 to index
          %get3A_718 = arith.constant 80 : index
          %get3A_719 = tpu.vector_load %arg13[%get3A_717, %get3A_718] {strides = array<i32>} : memref<128x128xf32, #tpu.memory_space<vmem>>, vector<16xf32>,
          %mul3A_720 = vector.broadcast %squeeze3A_672 : f32 to vector<16xf32>
          %mul3A_721 = arith.mulf %get3A_719, %mul3A_720 : vector<16xf32>
          %swap3A_722 = arith.index_cast %add3A_676 : i32 to index
          %swap3A_723 = arith.constant 80 : index
          %swap3A_724 = tpu.vector_load %arg13[%swap3A_722, %swap3A_723] {strides = array<i32>} : memref<128x128xf32, #tpu.memory_space<vmem>>, vector<16xf32>,
          tpu.vector_store %arg13[%swap3A_722, %swap3A_723], %mul3A_721 {strides = array<i32>} : memref<128x128xf32, #tpu.memory_space<vmem>>, vector<16xf32>,
          %get3A_725 = arith.index_cast %add3A_676 : i32 to index
          %get3A_726 = arith.constant 96 : index
          %get3A_727 = tpu.vector_load %arg13[%get3A_725, %get3A_726] {strides = array<i32>} : memref<128x128xf32, #tpu.memory_space<vmem>>, vector<16xf32>,
          %mul3A_728 = vector.broadcast %squeeze3A_672 : f32 to vector<16xf32>
          %mul3A_729 = arith.mulf %get3A_727, %mul3A_728 : vector<16xf32>
          %swap3A_730 = arith.index_cast %add3A_676 : i32 to index
          %swap3A_731 = arith.constant 96 : index
          %swap3A_732 = tpu.vector_load %arg13[%swap3A_730, %swap3A_731] {strides = array<i32>} : memref<128x128xf32, #tpu.memory_space<vmem>>, vector<16xf32>,
          tpu.vector_store %arg13[%swap3A_730, %swap3A_731], %mul3A_729 {strides = array<i32>} : memref<128x128xf32, #tpu.memory_space<vmem>>, vector<16xf32>,
          %get3A_733 = arith.index_cast %add3A_676 : i32 to index
          %get3A_734 = arith.constant 112 : index
          %get3A_735 = tpu.vector_load %arg13[%get3A_733, %get3A_734] {strides = array<i32>} : memref<128x128xf32, #tpu.memory_space<vmem>>, vector<16xf32>,
          %mul3A_736 = vector.broadcast %squeeze3A_672 : f32 to vector<16xf32>
          %mul3A_737 = arith.mulf %get3A_735, %mul3A_736 : vector<16xf32>
          %swap3A_738 = arith.index_cast %add3A_676 : i32 to index
          %swap3A_739 = arith.constant 112 : index
          %swap3A_740 = tpu.vector_load %arg13[%swap3A_738, %swap3A_739] {strides = array<i32>} : memref<128x128xf32, #tpu.memory_space<vmem>>, vector<16xf32>,
          tpu.vector_store %arg13[%swap3A_738, %swap3A_739], %mul3A_737 {strides = array<i32>} : memref<128x128xf32, #tpu.memory_space<vmem>>, vector<16xf32>,
          %slice3A_741 = vector.extract_strided_slice %get3A_253 {offsets = [7], sizes = [1], strides = [1]} : vector<16xf32> to vector<1xf32>
          %squeeze3A_742 = vector.extract %slice3A_741[0] : f32 from vector<1xf32>
          %mul3A_743 = arith.constant 16 : i32
          %mul3A_744 = arith.muli %scan3A_247, %mul3A_743 : i32
          %add3A_745 = arith.constant 7 : i32
          %add3A_746 = arith.addi %mul3A_744, %add3A_745 : i32
          %get3A_747 = arith.index_cast %add3A_746 : i32 to index
          %get3A_748 = arith.constant 0 : index
          %get3A_749 = tpu.vector_load %arg13[%get3A_747, %get3A_748] {strides = array<i32>} : memref<128x128xf32, #tpu.memory_space<vmem>>, vector<16xf32>,
          %mul3A_750 = vector.broadcast %squeeze3A_742 : f32 to vector<16xf32>
          %mul3A_751 = arith.mulf %get3A_749, %mul3A_750 : vector<16xf32>
          %swap3A_752 = arith.index_cast %add3A_746 : i32 to index
          %swap3A_753 = arith.constant 0 : index
          %swap3A_754 = tpu.vector_load %arg13[%swap3A_752, %swap3A_753] {strides = array<i32>} : memref<128x128xf32, #tpu.memory_space<vmem>>, vector<16xf32>,
          tpu.vector_store %arg13[%swap3A_752, %swap3A_753], %mul3A_751 {strides = array<i32>} : memref<128x128xf32, #tpu.memory_space<vmem>>, vector<16xf32>,
          %get3A_755 = arith.index_cast %add3A_746 : i32 to index
          %get3A_756 = arith.constant 16 : index
          %get3A_757 = tpu.vector_load %arg13[%get3A_755, %get3A_756] {strides = array<i32>} : memref<128x128xf32, #tpu.memory_space<vmem>>, vector<16xf32>,
          %mul3A_758 = vector.broadcast %squeeze3A_742 : f32 to vector<16xf32>
          %mul3A_759 = arith.mulf %get3A_757, %mul3A_758 : vector<16xf32>
          %swap3A_760 = arith.index_cast %add3A_746 : i32 to index
          %swap3A_761 = arith.constant 16 : index
          %swap3A_762 = tpu.vector_load %arg13[%swap3A_760, %swap3A_761] {strides = array<i32>} : memref<128x128xf32, #tpu.memory_space<vmem>>, vector<16xf32>,
          tpu.vector_store %arg13[%swap3A_760, %swap3A_761], %mul3A_759 {strides = array<i32>} : memref<128x128xf32, #tpu.memory_space<vmem>>, vector<16xf32>,
          %get3A_763 = arith.index_cast %add3A_746 : i32 to index
          %get3A_764 = arith.constant 32 : index
          %get3A_765 = tpu.vector_load %arg13[%get3A_763, %get3A_764] {strides = array<i32>} : memref<128x128xf32, #tpu.memory_space<vmem>>, vector<16xf32>,
          %mul3A_766 = vector.broadcast %squeeze3A_742 : f32 to vector<16xf32>
          %mul3A_767 = arith.mulf %get3A_765, %mul3A_766 : vector<16xf32>
          %swap3A_768 = arith.index_cast %add3A_746 : i32 to index
          %swap3A_769 = arith.constant 32 : index
          %swap3A_770 = tpu.vector_load %arg13[%swap3A_768, %swap3A_769] {strides = array<i32>} : memref<128x128xf32, #tpu.memory_space<vmem>>, vector<16xf32>,
          tpu.vector_store %arg13[%swap3A_768, %swap3A_769], %mul3A_767 {strides = array<i32>} : memref<128x128xf32, #tpu.memory_space<vmem>>, vector<16xf32>,
          %get3A_771 = arith.index_cast %add3A_746 : i32 to index
          %get3A_772 = arith.constant 48 : index
          %get3A_773 = tpu.vector_load %arg13[%get3A_771, %get3A_772] {strides = array<i32>} : memref<128x128xf32, #tpu.memory_space<vmem>>, vector<16xf32>,
          %mul3A_774 = vector.broadcast %squeeze3A_742 : f32 to vector<16xf32>
          %mul3A_775 = arith.mulf %get3A_773, %mul3A_774 : vector<16xf32>
          %swap3A_776 = arith.index_cast %add3A_746 : i32 to index
          %swap3A_777 = arith.constant 48 : index
          %swap3A_778 = tpu.vector_load %arg13[%swap3A_776, %swap3A_777] {strides = array<i32>} : memref<128x128xf32, #tpu.memory_space<vmem>>, vector<16xf32>,
          tpu.vector_store %arg13[%swap3A_776, %swap3A_777], %mul3A_775 {strides = array<i32>} : memref<128x128xf32, #tpu.memory_space<vmem>>, vector<16xf32>,
          %get3A_779 = arith.index_cast %add3A_746 : i32 to index
          %get3A_780 = arith.constant 64 : index
          %get3A_781 = tpu.vector_load %arg13[%get3A_779, %get3A_780] {strides = array<i32>} : memref<128x128xf32, #tpu.memory_space<vmem>>, vector<16xf32>,
          %mul3A_782 = vector.broadcast %squeeze3A_742 : f32 to vector<16xf32>
          %mul3A_783 = arith.mulf %get3A_781, %mul3A_782 : vector<16xf32>
          %swap3A_784 = arith.index_cast %add3A_746 : i32 to index
          %swap3A_785 = arith.constant 64 : index
          %swap3A_786 = tpu.vector_load %arg13[%swap3A_784, %swap3A_785] {strides = array<i32>} : memref<128x128xf32, #tpu.memory_space<vmem>>, vector<16xf32>,
          tpu.vector_store %arg13[%swap3A_784, %swap3A_785], %mul3A_783 {strides = array<i32>} : memref<128x128xf32, #tpu.memory_space<vmem>>, vector<16xf32>,
          %get3A_787 = arith.index_cast %add3A_746 : i32 to index
          %get3A_788 = arith.constant 80 : index
          %get3A_789 = tpu.vector_load %arg13[%get3A_787, %get3A_788] {strides = array<i32>} : memref<128x128xf32, #tpu.memory_space<vmem>>, vector<16xf32>,
          %mul3A_790 = vector.broadcast %squeeze3A_742 : f32 to vector<16xf32>
          %mul3A_791 = arith.mulf %get3A_789, %mul3A_790 : vector<16xf32>
          %swap3A_792 = arith.index_cast %add3A_746 : i32 to index
          %swap3A_793 = arith.constant 80 : index
          %swap3A_794 = tpu.vector_load %arg13[%swap3A_792, %swap3A_793] {strides = array<i32>} : memref<128x128xf32, #tpu.memory_space<vmem>>, vector<16xf32>,
          tpu.vector_store %arg13[%swap3A_792, %swap3A_793], %mul3A_791 {strides = array<i32>} : memref<128x128xf32, #tpu.memory_space<vmem>>, vector<16xf32>,
          %get3A_795 = arith.index_cast %add3A_746 : i32 to index
          %get3A_796 = arith.constant 96 : index
          %get3A_797 = tpu.vector_load %arg13[%get3A_795, %get3A_796] {strides = array<i32>} : memref<128x128xf32, #tpu.memory_space<vmem>>, vector<16xf32>,
          %mul3A_798 = vector.broadcast %squeeze3A_742 : f32 to vector<16xf32>
          %mul3A_799 = arith.mulf %get3A_797, %mul3A_798 : vector<16xf32>
          %swap3A_800 = arith.index_cast %add3A_746 : i32 to index
          %swap3A_801 = arith.constant 96 : index
          %swap3A_802 = tpu.vector_load %arg13[%swap3A_800, %swap3A_801] {strides = array<i32>} : memref<128x128xf32, #tpu.memory_space<vmem>>, vector<16xf32>,
          tpu.vector_store %arg13[%swap3A_800, %swap3A_801], %mul3A_799 {strides = array<i32>} : memref<128x128xf32, #tpu.memory_space<vmem>>, vector<16xf32>,
          %get3A_803 = arith.index_cast %add3A_746 : i32 to index
          %get3A_804 = arith.constant 112 : index
          %get3A_805 = tpu.vector_load %arg13[%get3A_803, %get3A_804] {strides = array<i32>} : memref<128x128xf32, #tpu.memory_space<vmem>>, vector<16xf32>,
          %mul3A_806 = vector.broadcast %squeeze3A_742 : f32 to vector<16xf32>
          %mul3A_807 = arith.mulf %get3A_805, %mul3A_806 : vector<16xf32>
          %swap3A_808 = arith.index_cast %add3A_746 : i32 to index
          %swap3A_809 = arith.constant 112 : index
          %swap3A_810 = tpu.vector_load %arg13[%swap3A_808, %swap3A_809] {strides = array<i32>} : memref<128x128xf32, #tpu.memory_space<vmem>>, vector<16xf32>,
          tpu.vector_store %arg13[%swap3A_808, %swap3A_809], %mul3A_807 {strides = array<i32>} : memref<128x128xf32, #tpu.memory_space<vmem>>, vector<16xf32>,
          %slice3A_811 = vector.extract_strided_slice %get3A_253 {offsets = [8], sizes = [1], strides = [1]} : vector<16xf32> to vector<1xf32>
          %squeeze3A_812 = vector.extract %slice3A_811[0] : f32 from vector<1xf32>
          %mul3A_813 = arith.constant 16 : i32
          %mul3A_814 = arith.muli %scan3A_247, %mul3A_813 : i32
          %add3A_815 = arith.constant 8 : i32
          %add3A_816 = arith.addi %mul3A_814, %add3A_815 : i32
          %get3A_817 = arith.index_cast %add3A_816 : i32 to index
          %get3A_818 = arith.constant 0 : index
          %get3A_819 = tpu.vector_load %arg13[%get3A_817, %get3A_818] {strides = array<i32>} : memref<128x128xf32, #tpu.memory_space<vmem>>, vector<16xf32>,
          %mul3A_820 = vector.broadcast %squeeze3A_812 : f32 to vector<16xf32>
          %mul3A_821 = arith.mulf %get3A_819, %mul3A_820 : vector<16xf32>
          %swap3A_822 = arith.index_cast %add3A_816 : i32 to index
          %swap3A_823 = arith.constant 0 : index
          %swap3A_824 = tpu.vector_load %arg13[%swap3A_822, %swap3A_823] {strides = array<i32>} : memref<128x128xf32, #tpu.memory_space<vmem>>, vector<16xf32>,
          tpu.vector_store %arg13[%swap3A_822, %swap3A_823], %mul3A_821 {strides = array<i32>} : memref<128x128xf32, #tpu.memory_space<vmem>>, vector<16xf32>,
          %get3A_825 = arith.index_cast %add3A_816 : i32 to index
          %get3A_826 = arith.constant 16 : index
          %get3A_827 = tpu.vector_load %arg13[%get3A_825, %get3A_826] {strides = array<i32>} : memref<128x128xf32, #tpu.memory_space<vmem>>, vector<16xf32>,
          %mul3A_828 = vector.broadcast %squeeze3A_812 : f32 to vector<16xf32>
          %mul3A_829 = arith.mulf %get3A_827, %mul3A_828 : vector<16xf32>
          %swap3A_830 = arith.index_cast %add3A_816 : i32 to index
          %swap3A_831 = arith.constant 16 : index
          %swap3A_832 = tpu.vector_load %arg13[%swap3A_830, %swap3A_831] {strides = array<i32>} : memref<128x128xf32, #tpu.memory_space<vmem>>, vector<16xf32>,
          tpu.vector_store %arg13[%swap3A_830, %swap3A_831], %mul3A_829 {strides = array<i32>} : memref<128x128xf32, #tpu.memory_space<vmem>>, vector<16xf32>,
          %get3A_833 = arith.index_cast %add3A_816 : i32 to index
          %get3A_834 = arith.constant 32 : index
          %get3A_835 = tpu.vector_load %arg13[%get3A_833, %get3A_834] {strides = array<i32>} : memref<128x128xf32, #tpu.memory_space<vmem>>, vector<16xf32>,
          %mul3A_836 = vector.broadcast %squeeze3A_812 : f32 to vector<16xf32>
          %mul3A_837 = arith.mulf %get3A_835, %mul3A_836 : vector<16xf32>
          %swap3A_838 = arith.index_cast %add3A_816 : i32 to index
          %swap3A_839 = arith.constant 32 : index
          %swap3A_840 = tpu.vector_load %arg13[%swap3A_838, %swap3A_839] {strides = array<i32>} : memref<128x128xf32, #tpu.memory_space<vmem>>, vector<16xf32>,
          tpu.vector_store %arg13[%swap3A_838, %swap3A_839], %mul3A_837 {strides = array<i32>} : memref<128x128xf32, #tpu.memory_space<vmem>>, vector<16xf32>,
          %get3A_841 = arith.index_cast %add3A_816 : i32 to index
          %get3A_842 = arith.constant 48 : index
          %get3A_843 = tpu.vector_load %arg13[%get3A_841, %get3A_842] {strides = array<i32>} : memref<128x128xf32, #tpu.memory_space<vmem>>, vector<16xf32>,
          %mul3A_844 = vector.broadcast %squeeze3A_812 : f32 to vector<16xf32>
          %mul3A_845 = arith.mulf %get3A_843, %mul3A_844 : vector<16xf32>
          %swap3A_846 = arith.index_cast %add3A_816 : i32 to index
          %swap3A_847 = arith.constant 48 : index
          %swap3A_848 = tpu.vector_load %arg13[%swap3A_846, %swap3A_847] {strides = array<i32>} : memref<128x128xf32, #tpu.memory_space<vmem>>, vector<16xf32>,
          tpu.vector_store %arg13[%swap3A_846, %swap3A_847], %mul3A_845 {strides = array<i32>} : memref<128x128xf32, #tpu.memory_space<vmem>>, vector<16xf32>,
          %get3A_849 = arith.index_cast %add3A_816 : i32 to index
          %get3A_850 = arith.constant 64 : index
          %get3A_851 = tpu.vector_load %arg13[%get3A_849, %get3A_850] {strides = array<i32>} : memref<128x128xf32, #tpu.memory_space<vmem>>, vector<16xf32>,
          %mul3A_852 = vector.broadcast %squeeze3A_812 : f32 to vector<16xf32>
          %mul3A_853 = arith.mulf %get3A_851, %mul3A_852 : vector<16xf32>
          %swap3A_854 = arith.index_cast %add3A_816 : i32 to index
          %swap3A_855 = arith.constant 64 : index
          %swap3A_856 = tpu.vector_load %arg13[%swap3A_854, %swap3A_855] {strides = array<i32>} : memref<128x128xf32, #tpu.memory_space<vmem>>, vector<16xf32>,
          tpu.vector_store %arg13[%swap3A_854, %swap3A_855], %mul3A_853 {strides = array<i32>} : memref<128x128xf32, #tpu.memory_space<vmem>>, vector<16xf32>,
          %get3A_857 = arith.index_cast %add3A_816 : i32 to index
          %get3A_858 = arith.constant 80 : index
          %get3A_859 = tpu.vector_load %arg13[%get3A_857, %get3A_858] {strides = array<i32>} : memref<128x128xf32, #tpu.memory_space<vmem>>, vector<16xf32>,
          %mul3A_860 = vector.broadcast %squeeze3A_812 : f32 to vector<16xf32>
          %mul3A_861 = arith.mulf %get3A_859, %mul3A_860 : vector<16xf32>
          %swap3A_862 = arith.index_cast %add3A_816 : i32 to index
          %swap3A_863 = arith.constant 80 : index
          %swap3A_864 = tpu.vector_load %arg13[%swap3A_862, %swap3A_863] {strides = array<i32>} : memref<128x128xf32, #tpu.memory_space<vmem>>, vector<16xf32>,
          tpu.vector_store %arg13[%swap3A_862, %swap3A_863], %mul3A_861 {strides = array<i32>} : memref<128x128xf32, #tpu.memory_space<vmem>>, vector<16xf32>,
          %get3A_865 = arith.index_cast %add3A_816 : i32 to index
          %get3A_866 = arith.constant 96 : index
          %get3A_867 = tpu.vector_load %arg13[%get3A_865, %get3A_866] {strides = array<i32>} : memref<128x128xf32, #tpu.memory_space<vmem>>, vector<16xf32>,
          %mul3A_868 = vector.broadcast %squeeze3A_812 : f32 to vector<16xf32>
          %mul3A_869 = arith.mulf %get3A_867, %mul3A_868 : vector<16xf32>
          %swap3A_870 = arith.index_cast %add3A_816 : i32 to index
          %swap3A_871 = arith.constant 96 : index
          %swap3A_872 = tpu.vector_load %arg13[%swap3A_870, %swap3A_871] {strides = array<i32>} : memref<128x128xf32, #tpu.memory_space<vmem>>, vector<16xf32>,
          tpu.vector_store %arg13[%swap3A_870, %swap3A_871], %mul3A_869 {strides = array<i32>} : memref<128x128xf32, #tpu.memory_space<vmem>>, vector<16xf32>,
          %get3A_873 = arith.index_cast %add3A_816 : i32 to index
          %get3A_874 = arith.constant 112 : index
          %get3A_875 = tpu.vector_load %arg13[%get3A_873, %get3A_874] {strides = array<i32>} : memref<128x128xf32, #tpu.memory_space<vmem>>, vector<16xf32>,
          %mul3A_876 = vector.broadcast %squeeze3A_812 : f32 to vector<16xf32>
          %mul3A_877 = arith.mulf %get3A_875, %mul3A_876 : vector<16xf32>
          %swap3A_878 = arith.index_cast %add3A_816 : i32 to index
          %swap3A_879 = arith.constant 112 : index
          %swap3A_880 = tpu.vector_load %arg13[%swap3A_878, %swap3A_879] {strides = array<i32>} : memref<128x128xf32, #tpu.memory_space<vmem>>, vector<16xf32>,
          tpu.vector_store %arg13[%swap3A_878, %swap3A_879], %mul3A_877 {strides = array<i32>} : memref<128x128xf32, #tpu.memory_space<vmem>>, vector<16xf32>,
          %slice3A_881 = vector.extract_strided_slice %get3A_253 {offsets = [9], sizes = [1], strides = [1]} : vector<16xf32> to vector<1xf32>
          %squeeze3A_882 = vector.extract %slice3A_881[0] : f32 from vector<1xf32>
          %mul3A_883 = arith.constant 16 : i32
          %mul3A_884 = arith.muli %scan3A_247, %mul3A_883 : i32
          %add3A_885 = arith.constant 9 : i32
          %add3A_886 = arith.addi %mul3A_884, %add3A_885 : i32
          %get3A_887 = arith.index_cast %add3A_886 : i32 to index
          %get3A_888 = arith.constant 0 : index
          %get3A_889 = tpu.vector_load %arg13[%get3A_887, %get3A_888] {strides = array<i32>} : memref<128x128xf32, #tpu.memory_space<vmem>>, vector<16xf32>,
          %mul3A_890 = vector.broadcast %squeeze3A_882 : f32 to vector<16xf32>
          %mul3A_891 = arith.mulf %get3A_889, %mul3A_890 : vector<16xf32>
          %swap3A_892 = arith.index_cast %add3A_886 : i32 to index
          %swap3A_893 = arith.constant 0 : index
          %swap3A_894 = tpu.vector_load %arg13[%swap3A_892, %swap3A_893] {strides = array<i32>} : memref<128x128xf32, #tpu.memory_space<vmem>>, vector<16xf32>,
          tpu.vector_store %arg13[%swap3A_892, %swap3A_893], %mul3A_891 {strides = array<i32>} : memref<128x128xf32, #tpu.memory_space<vmem>>, vector<16xf32>,
          %get3A_895 = arith.index_cast %add3A_886 : i32 to index
          %get3A_896 = arith.constant 16 : index
          %get3A_897 = tpu.vector_load %arg13[%get3A_895, %get3A_896] {strides = array<i32>} : memref<128x128xf32, #tpu.memory_space<vmem>>, vector<16xf32>,
          %mul3A_898 = vector.broadcast %squeeze3A_882 : f32 to vector<16xf32>
          %mul3A_899 = arith.mulf %get3A_897, %mul3A_898 : vector<16xf32>
          %swap3A_900 = arith.index_cast %add3A_886 : i32 to index
          %swap3A_901 = arith.constant 16 : index
          %swap3A_902 = tpu.vector_load %arg13[%swap3A_900, %swap3A_901] {strides = array<i32>} : memref<128x128xf32, #tpu.memory_space<vmem>>, vector<16xf32>,
          tpu.vector_store %arg13[%swap3A_900, %swap3A_901], %mul3A_899 {strides = array<i32>} : memref<128x128xf32, #tpu.memory_space<vmem>>, vector<16xf32>,
          %get3A_903 = arith.index_cast %add3A_886 : i32 to index
          %get3A_904 = arith.constant 32 : index
          %get3A_905 = tpu.vector_load %arg13[%get3A_903, %get3A_904] {strides = array<i32>} : memref<128x128xf32, #tpu.memory_space<vmem>>, vector<16xf32>,
          %mul3A_906 = vector.broadcast %squeeze3A_882 : f32 to vector<16xf32>
          %mul3A_907 = arith.mulf %get3A_905, %mul3A_906 : vector<16xf32>
          %swap3A_908 = arith.index_cast %add3A_886 : i32 to index
          %swap3A_909 = arith.constant 32 : index
          %swap3A_910 = tpu.vector_load %arg13[%swap3A_908, %swap3A_909] {strides = array<i32>} : memref<128x128xf32, #tpu.memory_space<vmem>>, vector<16xf32>,
          tpu.vector_store %arg13[%swap3A_908, %swap3A_909], %mul3A_907 {strides = array<i32>} : memref<128x128xf32, #tpu.memory_space<vmem>>, vector<16xf32>,
          %get3A_911 = arith.index_cast %add3A_886 : i32 to index
          %get3A_912 = arith.constant 48 : index
          %get3A_913 = tpu.vector_load %arg13[%get3A_911, %get3A_912] {strides = array<i32>} : memref<128x128xf32, #tpu.memory_space<vmem>>, vector<16xf32>,
          %mul3A_914 = vector.broadcast %squeeze3A_882 : f32 to vector<16xf32>
          %mul3A_915 = arith.mulf %get3A_913, %mul3A_914 : vector<16xf32>
          %swap3A_916 = arith.index_cast %add3A_886 : i32 to index
          %swap3A_917 = arith.constant 48 : index
          %swap3A_918 = tpu.vector_load %arg13[%swap3A_916, %swap3A_917] {strides = array<i32>} : memref<128x128xf32, #tpu.memory_space<vmem>>, vector<16xf32>,
          tpu.vector_store %arg13[%swap3A_916, %swap3A_917], %mul3A_915 {strides = array<i32>} : memref<128x128xf32, #tpu.memory_space<vmem>>, vector<16xf32>,
          %get3A_919 = arith.index_cast %add3A_886 : i32 to index
          %get3A_920 = arith.constant 64 : index
          %get3A_921 = tpu.vector_load %arg13[%get3A_919, %get3A_920] {strides = array<i32>} : memref<128x128xf32, #tpu.memory_space<vmem>>, vector<16xf32>,
          %mul3A_922 = vector.broadcast %squeeze3A_882 : f32 to vector<16xf32>
          %mul3A_923 = arith.mulf %get3A_921, %mul3A_922 : vector<16xf32>
          %swap3A_924 = arith.index_cast %add3A_886 : i32 to index
          %swap3A_925 = arith.constant 64 : index
          %swap3A_926 = tpu.vector_load %arg13[%swap3A_924, %swap3A_925] {strides = array<i32>} : memref<128x128xf32, #tpu.memory_space<vmem>>, vector<16xf32>,
          tpu.vector_store %arg13[%swap3A_924, %swap3A_925], %mul3A_923 {strides = array<i32>} : memref<128x128xf32, #tpu.memory_space<vmem>>, vector<16xf32>,
          %get3A_927 = arith.index_cast %add3A_886 : i32 to index
          %get3A_928 = arith.constant 80 : index
          %get3A_929 = tpu.vector_load %arg13[%get3A_927, %get3A_928] {strides = array<i32>} : memref<128x128xf32, #tpu.memory_space<vmem>>, vector<16xf32>,
          %mul3A_930 = vector.broadcast %squeeze3A_882 : f32 to vector<16xf32>
          %mul3A_931 = arith.mulf %get3A_929, %mul3A_930 : vector<16xf32>
          %swap3A_932 = arith.index_cast %add3A_886 : i32 to index
          %swap3A_933 = arith.constant 80 : index
          %swap3A_934 = tpu.vector_load %arg13[%swap3A_932, %swap3A_933] {strides = array<i32>} : memref<128x128xf32, #tpu.memory_space<vmem>>, vector<16xf32>,
          tpu.vector_store %arg13[%swap3A_932, %swap3A_933], %mul3A_931 {strides = array<i32>} : memref<128x128xf32, #tpu.memory_space<vmem>>, vector<16xf32>,
          %get3A_935 = arith.index_cast %add3A_886 : i32 to index
          %get3A_936 = arith.constant 96 : index
          %get3A_937 = tpu.vector_load %arg13[%get3A_935, %get3A_936] {strides = array<i32>} : memref<128x128xf32, #tpu.memory_space<vmem>>, vector<16xf32>,
          %mul3A_938 = vector.broadcast %squeeze3A_882 : f32 to vector<16xf32>
          %mul3A_939 = arith.mulf %get3A_937, %mul3A_938 : vector<16xf32>
          %swap3A_940 = arith.index_cast %add3A_886 : i32 to index
          %swap3A_941 = arith.constant 96 : index
          %swap3A_942 = tpu.vector_load %arg13[%swap3A_940, %swap3A_941] {strides = array<i32>} : memref<128x128xf32, #tpu.memory_space<vmem>>, vector<16xf32>,
          tpu.vector_store %arg13[%swap3A_940, %swap3A_941], %mul3A_939 {strides = array<i32>} : memref<128x128xf32, #tpu.memory_space<vmem>>, vector<16xf32>,
          %get3A_943 = arith.index_cast %add3A_886 : i32 to index
          %get3A_944 = arith.constant 112 : index
          %get3A_945 = tpu.vector_load %arg13[%get3A_943, %get3A_944] {strides = array<i32>} : memref<128x128xf32, #tpu.memory_space<vmem>>, vector<16xf32>,
          %mul3A_946 = vector.broadcast %squeeze3A_882 : f32 to vector<16xf32>
          %mul3A_947 = arith.mulf %get3A_945, %mul3A_946 : vector<16xf32>
          %swap3A_948 = arith.index_cast %add3A_886 : i32 to index
          %swap3A_949 = arith.constant 112 : index
          %swap3A_950 = tpu.vector_load %arg13[%swap3A_948, %swap3A_949] {strides = array<i32>} : memref<128x128xf32, #tpu.memory_space<vmem>>, vector<16xf32>,
          tpu.vector_store %arg13[%swap3A_948, %swap3A_949], %mul3A_947 {strides = array<i32>} : memref<128x128xf32, #tpu.memory_space<vmem>>, vector<16xf32>,
          %slice3A_951 = vector.extract_strided_slice %get3A_253 {offsets = [10], sizes = [1], strides = [1]} : vector<16xf32> to vector<1xf32>
          %squeeze3A_952 = vector.extract %slice3A_951[0] : f32 from vector<1xf32>
          %mul3A_953 = arith.constant 16 : i32
          %mul3A_954 = arith.muli %scan3A_247, %mul3A_953 : i32
          %add3A_955 = arith.constant 10 : i32
          %add3A_956 = arith.addi %mul3A_954, %add3A_955 : i32
          %get3A_957 = arith.index_cast %add3A_956 : i32 to index
          %get3A_958 = arith.constant 0 : index
          %get3A_959 = tpu.vector_load %arg13[%get3A_957, %get3A_958] {strides = array<i32>} : memref<128x128xf32, #tpu.memory_space<vmem>>, vector<16xf32>,
          %mul3A_960 = vector.broadcast %squeeze3A_952 : f32 to vector<16xf32>
          %mul3A_961 = arith.mulf %get3A_959, %mul3A_960 : vector<16xf32>
          %swap3A_962 = arith.index_cast %add3A_956 : i32 to index
          %swap3A_963 = arith.constant 0 : index
          %swap3A_964 = tpu.vector_load %arg13[%swap3A_962, %swap3A_963] {strides = array<i32>} : memref<128x128xf32, #tpu.memory_space<vmem>>, vector<16xf32>,
          tpu.vector_store %arg13[%swap3A_962, %swap3A_963], %mul3A_961 {strides = array<i32>} : memref<128x128xf32, #tpu.memory_space<vmem>>, vector<16xf32>,
          %get3A_965 = arith.index_cast %add3A_956 : i32 to index
          %get3A_966 = arith.constant 16 : index
          %get3A_967 = tpu.vector_load %arg13[%get3A_965, %get3A_966] {strides = array<i32>} : memref<128x128xf32, #tpu.memory_space<vmem>>, vector<16xf32>,
          %mul3A_968 = vector.broadcast %squeeze3A_952 : f32 to vector<16xf32>
          %mul3A_969 = arith.mulf %get3A_967, %mul3A_968 : vector<16xf32>
          %swap3A_970 = arith.index_cast %add3A_956 : i32 to index
          %swap3A_971 = arith.constant 16 : index
          %swap3A_972 = tpu.vector_load %arg13[%swap3A_970, %swap3A_971] {strides = array<i32>} : memref<128x128xf32, #tpu.memory_space<vmem>>, vector<16xf32>,
          tpu.vector_store %arg13[%swap3A_970, %swap3A_971], %mul3A_969 {strides = array<i32>} : memref<128x128xf32, #tpu.memory_space<vmem>>, vector<16xf32>,
          %get3A_973 = arith.index_cast %add3A_956 : i32 to index
          %get3A_974 = arith.constant 32 : index
          %get3A_975 = tpu.vector_load %arg13[%get3A_973, %get3A_974] {strides = array<i32>} : memref<128x128xf32, #tpu.memory_space<vmem>>, vector<16xf32>,
          %mul3A_976 = vector.broadcast %squeeze3A_952 : f32 to vector<16xf32>
          %mul3A_977 = arith.mulf %get3A_975, %mul3A_976 : vector<16xf32>
          %swap3A_978 = arith.index_cast %add3A_956 : i32 to index
          %swap3A_979 = arith.constant 32 : index
          %swap3A_980 = tpu.vector_load %arg13[%swap3A_978, %swap3A_979] {strides = array<i32>} : memref<128x128xf32, #tpu.memory_space<vmem>>, vector<16xf32>,
          tpu.vector_store %arg13[%swap3A_978, %swap3A_979], %mul3A_977 {strides = array<i32>} : memref<128x128xf32, #tpu.memory_space<vmem>>, vector<16xf32>,
          %get3A_981 = arith.index_cast %add3A_956 : i32 to index
          %get3A_982 = arith.constant 48 : index
          %get3A_983 = tpu.vector_load %arg13[%get3A_981, %get3A_982] {strides = array<i32>} : memref<128x128xf32, #tpu.memory_space<vmem>>, vector<16xf32>,
          %mul3A_984 = vector.broadcast %squeeze3A_952 : f32 to vector<16xf32>
          %mul3A_985 = arith.mulf %get3A_983, %mul3A_984 : vector<16xf32>
          %swap3A_986 = arith.index_cast %add3A_956 : i32 to index
          %swap3A_987 = arith.constant 48 : index
          %swap3A_988 = tpu.vector_load %arg13[%swap3A_986, %swap3A_987] {strides = array<i32>} : memref<128x128xf32, #tpu.memory_space<vmem>>, vector<16xf32>,
          tpu.vector_store %arg13[%swap3A_986, %swap3A_987], %mul3A_985 {strides = array<i32>} : memref<128x128xf32, #tpu.memory_space<vmem>>, vector<16xf32>,
          %get3A_989 = arith.index_cast %add3A_956 : i32 to index
          %get3A_990 = arith.constant 64 : index
          %get3A_991 = tpu.vector_load %arg13[%get3A_989, %get3A_990] {strides = array<i32>} : memref<128x128xf32, #tpu.memory_space<vmem>>, vector<16xf32>,
          %mul3A_992 = vector.broadcast %squeeze3A_952 : f32 to vector<16xf32>
          %mul3A_993 = arith.mulf %get3A_991, %mul3A_992 : vector<16xf32>
          %swap3A_994 = arith.index_cast %add3A_956 : i32 to index
          %swap3A_995 = arith.constant 64 : index
          %swap3A_996 = tpu.vector_load %arg13[%swap3A_994, %swap3A_995] {strides = array<i32>} : memref<128x128xf32, #tpu.memory_space<vmem>>, vector<16xf32>,
          tpu.vector_store %arg13[%swap3A_994, %swap3A_995], %mul3A_993 {strides = array<i32>} : memref<128x128xf32, #tpu.memory_space<vmem>>, vector<16xf32>,
          %get3A_997 = arith.index_cast %add3A_956 : i32 to index
          %get3A_998 = arith.constant 80 : index
          %get3A_999 = tpu.vector_load %arg13[%get3A_997, %get3A_998] {strides = array<i32>} : memref<128x128xf32, #tpu.memory_space<vmem>>, vector<16xf32>,
          %mul3A_1000 = vector.broadcast %squeeze3A_952 : f32 to vector<16xf32>
          %mul3A_1001 = arith.mulf %get3A_999, %mul3A_1000 : vector<16xf32>
          %swap3A_1002 = arith.index_cast %add3A_956 : i32 to index
          %swap3A_1003 = arith.constant 80 : index
          %swap3A_1004 = tpu.vector_load %arg13[%swap3A_1002, %swap3A_1003] {strides = array<i32>} : memref<128x128xf32, #tpu.memory_space<vmem>>, vector<16xf32>,
          tpu.vector_store %arg13[%swap3A_1002, %swap3A_1003], %mul3A_1001 {strides = array<i32>} : memref<128x128xf32, #tpu.memory_space<vmem>>, vector<16xf32>,
          %get3A_1005 = arith.index_cast %add3A_956 : i32 to index
          %get3A_1006 = arith.constant 96 : index
          %get3A_1007 = tpu.vector_load %arg13[%get3A_1005, %get3A_1006] {strides = array<i32>} : memref<128x128xf32, #tpu.memory_space<vmem>>, vector<16xf32>,
          %mul3A_1008 = vector.broadcast %squeeze3A_952 : f32 to vector<16xf32>
          %mul3A_1009 = arith.mulf %get3A_1007, %mul3A_1008 : vector<16xf32>
          %swap3A_1010 = arith.index_cast %add3A_956 : i32 to index
          %swap3A_1011 = arith.constant 96 : index
          %swap3A_1012 = tpu.vector_load %arg13[%swap3A_1010, %swap3A_1011] {strides = array<i32>} : memref<128x128xf32, #tpu.memory_space<vmem>>, vector<16xf32>,
          tpu.vector_store %arg13[%swap3A_1010, %swap3A_1011], %mul3A_1009 {strides = array<i32>} : memref<128x128xf32, #tpu.memory_space<vmem>>, vector<16xf32>,
          %get3A_1013 = arith.index_cast %add3A_956 : i32 to index
          %get3A_1014 = arith.constant 112 : index
          %get3A_1015 = tpu.vector_load %arg13[%get3A_1013, %get3A_1014] {strides = array<i32>} : memref<128x128xf32, #tpu.memory_space<vmem>>, vector<16xf32>,
          %mul3A_1016 = vector.broadcast %squeeze3A_952 : f32 to vector<16xf32>
          %mul3A_1017 = arith.mulf %get3A_1015, %mul3A_1016 : vector<16xf32>
          %swap3A_1018 = arith.index_cast %add3A_956 : i32 to index
          %swap3A_1019 = arith.constant 112 : index
          %swap3A_1020 = tpu.vector_load %arg13[%swap3A_1018, %swap3A_1019] {strides = array<i32>} : memref<128x128xf32, #tpu.memory_space<vmem>>, vector<16xf32>,
          tpu.vector_store %arg13[%swap3A_1018, %swap3A_1019], %mul3A_1017 {strides = array<i32>} : memref<128x128xf32, #tpu.memory_space<vmem>>, vector<16xf32>,
          %slice3A_1021 = vector.extract_strided_slice %get3A_253 {offsets = [11], sizes = [1], strides = [1]} : vector<16xf32> to vector<1xf32>
          %squeeze3A_1022 = vector.extract %slice3A_1021[0] : f32 from vector<1xf32>
          %mul3A_1023 = arith.constant 16 : i32
          %mul3A_1024 = arith.muli %scan3A_247, %mul3A_1023 : i32
          %add3A_1025 = arith.constant 11 : i32
          %add3A_1026 = arith.addi %mul3A_1024, %add3A_1025 : i32
          %get3A_1027 = arith.index_cast %add3A_1026 : i32 to index
          %get3A_1028 = arith.constant 0 : index
          %get3A_1029 = tpu.vector_load %arg13[%get3A_1027, %get3A_1028] {strides = array<i32>} : memref<128x128xf32, #tpu.memory_space<vmem>>, vector<16xf32>,
          %mul3A_1030 = vector.broadcast %squeeze3A_1022 : f32 to vector<16xf32>
          %mul3A_1031 = arith.mulf %get3A_1029, %mul3A_1030 : vector<16xf32>
          %swap3A_1032 = arith.index_cast %add3A_1026 : i32 to index
          %swap3A_1033 = arith.constant 0 : index
          %swap3A_1034 = tpu.vector_load %arg13[%swap3A_1032, %swap3A_1033] {strides = array<i32>} : memref<128x128xf32, #tpu.memory_space<vmem>>, vector<16xf32>,
          tpu.vector_store %arg13[%swap3A_1032, %swap3A_1033], %mul3A_1031 {strides = array<i32>} : memref<128x128xf32, #tpu.memory_space<vmem>>, vector<16xf32>,
          %get3A_1035 = arith.index_cast %add3A_1026 : i32 to index
          %get3A_1036 = arith.constant 16 : index
          %get3A_1037 = tpu.vector_load %arg13[%get3A_1035, %get3A_1036] {strides = array<i32>} : memref<128x128xf32, #tpu.memory_space<vmem>>, vector<16xf32>,
          %mul3A_1038 = vector.broadcast %squeeze3A_1022 : f32 to vector<16xf32>
          %mul3A_1039 = arith.mulf %get3A_1037, %mul3A_1038 : vector<16xf32>
          %swap3A_1040 = arith.index_cast %add3A_1026 : i32 to index
          %swap3A_1041 = arith.constant 16 : index
          %swap3A_1042 = tpu.vector_load %arg13[%swap3A_1040, %swap3A_1041] {strides = array<i32>} : memref<128x128xf32, #tpu.memory_space<vmem>>, vector<16xf32>,
          tpu.vector_store %arg13[%swap3A_1040, %swap3A_1041], %mul3A_1039 {strides = array<i32>} : memref<128x128xf32, #tpu.memory_space<vmem>>, vector<16xf32>,
          %get3A_1043 = arith.index_cast %add3A_1026 : i32 to index
          %get3A_1044 = arith.constant 32 : index
          %get3A_1045 = tpu.vector_load %arg13[%get3A_1043, %get3A_1044] {strides = array<i32>} : memref<128x128xf32, #tpu.memory_space<vmem>>, vector<16xf32>,
          %mul3A_1046 = vector.broadcast %squeeze3A_1022 : f32 to vector<16xf32>
          %mul3A_1047 = arith.mulf %get3A_1045, %mul3A_1046 : vector<16xf32>
          %swap3A_1048 = arith.index_cast %add3A_1026 : i32 to index
          %swap3A_1049 = arith.constant 32 : index
          %swap3A_1050 = tpu.vector_load %arg13[%swap3A_1048, %swap3A_1049] {strides = array<i32>} : memref<128x128xf32, #tpu.memory_space<vmem>>, vector<16xf32>,
          tpu.vector_store %arg13[%swap3A_1048, %swap3A_1049], %mul3A_1047 {strides = array<i32>} : memref<128x128xf32, #tpu.memory_space<vmem>>, vector<16xf32>,
          %get3A_1051 = arith.index_cast %add3A_1026 : i32 to index
          %get3A_1052 = arith.constant 48 : index
          %get3A_1053 = tpu.vector_load %arg13[%get3A_1051, %get3A_1052] {strides = array<i32>} : memref<128x128xf32, #tpu.memory_space<vmem>>, vector<16xf32>,
          %mul3A_1054 = vector.broadcast %squeeze3A_1022 : f32 to vector<16xf32>
          %mul3A_1055 = arith.mulf %get3A_1053, %mul3A_1054 : vector<16xf32>
          %swap3A_1056 = arith.index_cast %add3A_1026 : i32 to index
          %swap3A_1057 = arith.constant 48 : index
          %swap3A_1058 = tpu.vector_load %arg13[%swap3A_1056, %swap3A_1057] {strides = array<i32>} : memref<128x128xf32, #tpu.memory_space<vmem>>, vector<16xf32>,
          tpu.vector_store %arg13[%swap3A_1056, %swap3A_1057], %mul3A_1055 {strides = array<i32>} : memref<128x128xf32, #tpu.memory_space<vmem>>, vector<16xf32>,
          %get3A_1059 = arith.index_cast %add3A_1026 : i32 to index
          %get3A_1060 = arith.constant 64 : index
          %get3A_1061 = tpu.vector_load %arg13[%get3A_1059, %get3A_1060] {strides = array<i32>} : memref<128x128xf32, #tpu.memory_space<vmem>>, vector<16xf32>,
          %mul3A_1062 = vector.broadcast %squeeze3A_1022 : f32 to vector<16xf32>
          %mul3A_1063 = arith.mulf %get3A_1061, %mul3A_1062 : vector<16xf32>
          %swap3A_1064 = arith.index_cast %add3A_1026 : i32 to index
          %swap3A_1065 = arith.constant 64 : index
          %swap3A_1066 = tpu.vector_load %arg13[%swap3A_1064, %swap3A_1065] {strides = array<i32>} : memref<128x128xf32, #tpu.memory_space<vmem>>, vector<16xf32>,
          tpu.vector_store %arg13[%swap3A_1064, %swap3A_1065], %mul3A_1063 {strides = array<i32>} : memref<128x128xf32, #tpu.memory_space<vmem>>, vector<16xf32>,
          %get3A_1067 = arith.index_cast %add3A_1026 : i32 to index
          %get3A_1068 = arith.constant 80 : index
          %get3A_1069 = tpu.vector_load %arg13[%get3A_1067, %get3A_1068] {strides = array<i32>} : memref<128x128xf32, #tpu.memory_space<vmem>>, vector<16xf32>,
          %mul3A_1070 = vector.broadcast %squeeze3A_1022 : f32 to vector<16xf32>
          %mul3A_1071 = arith.mulf %get3A_1069, %mul3A_1070 : vector<16xf32>
          %swap3A_1072 = arith.index_cast %add3A_1026 : i32 to index
          %swap3A_1073 = arith.constant 80 : index
          %swap3A_1074 = tpu.vector_load %arg13[%swap3A_1072, %swap3A_1073] {strides = array<i32>} : memref<128x128xf32, #tpu.memory_space<vmem>>, vector<16xf32>,
          tpu.vector_store %arg13[%swap3A_1072, %swap3A_1073], %mul3A_1071 {strides = array<i32>} : memref<128x128xf32, #tpu.memory_space<vmem>>, vector<16xf32>,
          %get3A_1075 = arith.index_cast %add3A_1026 : i32 to index
          %get3A_1076 = arith.constant 96 : index
          %get3A_1077 = tpu.vector_load %arg13[%get3A_1075, %get3A_1076] {strides = array<i32>} : memref<128x128xf32, #tpu.memory_space<vmem>>, vector<16xf32>,
          %mul3A_1078 = vector.broadcast %squeeze3A_1022 : f32 to vector<16xf32>
          %mul3A_1079 = arith.mulf %get3A_1077, %mul3A_1078 : vector<16xf32>
          %swap3A_1080 = arith.index_cast %add3A_1026 : i32 to index
          %swap3A_1081 = arith.constant 96 : index
          %swap3A_1082 = tpu.vector_load %arg13[%swap3A_1080, %swap3A_1081] {strides = array<i32>} : memref<128x128xf32, #tpu.memory_space<vmem>>, vector<16xf32>,
          tpu.vector_store %arg13[%swap3A_1080, %swap3A_1081], %mul3A_1079 {strides = array<i32>} : memref<128x128xf32, #tpu.memory_space<vmem>>, vector<16xf32>,
          %get3A_1083 = arith.index_cast %add3A_1026 : i32 to index
          %get3A_1084 = arith.constant 112 : index
          %get3A_1085 = tpu.vector_load %arg13[%get3A_1083, %get3A_1084] {strides = array<i32>} : memref<128x128xf32, #tpu.memory_space<vmem>>, vector<16xf32>,
          %mul3A_1086 = vector.broadcast %squeeze3A_1022 : f32 to vector<16xf32>
          %mul3A_1087 = arith.mulf %get3A_1085, %mul3A_1086 : vector<16xf32>
          %swap3A_1088 = arith.index_cast %add3A_1026 : i32 to index
          %swap3A_1089 = arith.constant 112 : index
          %swap3A_1090 = tpu.vector_load %arg13[%swap3A_1088, %swap3A_1089] {strides = array<i32>} : memref<128x128xf32, #tpu.memory_space<vmem>>, vector<16xf32>,
          tpu.vector_store %arg13[%swap3A_1088, %swap3A_1089], %mul3A_1087 {strides = array<i32>} : memref<128x128xf32, #tpu.memory_space<vmem>>, vector<16xf32>,
          %slice3A_1091 = vector.extract_strided_slice %get3A_253 {offsets = [12], sizes = [1], strides = [1]} : vector<16xf32> to vector<1xf32>
          %squeeze3A_1092 = vector.extract %slice3A_1091[0] : f32 from vector<1xf32>
          %mul3A_1093 = arith.constant 16 : i32
          %mul3A_1094 = arith.muli %scan3A_247, %mul3A_1093 : i32
          %add3A_1095 = arith.constant 12 : i32
          %add3A_1096 = arith.addi %mul3A_1094, %add3A_1095 : i32
          %get3A_1097 = arith.index_cast %add3A_1096 : i32 to index
          %get3A_1098 = arith.constant 0 : index
          %get3A_1099 = tpu.vector_load %arg13[%get3A_1097, %get3A_1098] {strides = array<i32>} : memref<128x128xf32, #tpu.memory_space<vmem>>, vector<16xf32>,
          %mul3A_1100 = vector.broadcast %squeeze3A_1092 : f32 to vector<16xf32>
          %mul3A_1101 = arith.mulf %get3A_1099, %mul3A_1100 : vector<16xf32>
          %swap3A_1102 = arith.index_cast %add3A_1096 : i32 to index
          %swap3A_1103 = arith.constant 0 : index
          %swap3A_1104 = tpu.vector_load %arg13[%swap3A_1102, %swap3A_1103] {strides = array<i32>} : memref<128x128xf32, #tpu.memory_space<vmem>>, vector<16xf32>,
          tpu.vector_store %arg13[%swap3A_1102, %swap3A_1103], %mul3A_1101 {strides = array<i32>} : memref<128x128xf32, #tpu.memory_space<vmem>>, vector<16xf32>,
          %get3A_1105 = arith.index_cast %add3A_1096 : i32 to index
          %get3A_1106 = arith.constant 16 : index
          %get3A_1107 = tpu.vector_load %arg13[%get3A_1105, %get3A_1106] {strides = array<i32>} : memref<128x128xf32, #tpu.memory_space<vmem>>, vector<16xf32>,
          %mul3A_1108 = vector.broadcast %squeeze3A_1092 : f32 to vector<16xf32>
          %mul3A_1109 = arith.mulf %get3A_1107, %mul3A_1108 : vector<16xf32>
          %swap3A_1110 = arith.index_cast %add3A_1096 : i32 to index
          %swap3A_1111 = arith.constant 16 : index
          %swap3A_1112 = tpu.vector_load %arg13[%swap3A_1110, %swap3A_1111] {strides = array<i32>} : memref<128x128xf32, #tpu.memory_space<vmem>>, vector<16xf32>,
          tpu.vector_store %arg13[%swap3A_1110, %swap3A_1111], %mul3A_1109 {strides = array<i32>} : memref<128x128xf32, #tpu.memory_space<vmem>>, vector<16xf32>,
          %get3A_1113 = arith.index_cast %add3A_1096 : i32 to index
          %get3A_1114 = arith.constant 32 : index
          %get3A_1115 = tpu.vector_load %arg13[%get3A_1113, %get3A_1114] {strides = array<i32>} : memref<128x128xf32, #tpu.memory_space<vmem>>, vector<16xf32>,
          %mul3A_1116 = vector.broadcast %squeeze3A_1092 : f32 to vector<16xf32>
          %mul3A_1117 = arith.mulf %get3A_1115, %mul3A_1116 : vector<16xf32>
          %swap3A_1118 = arith.index_cast %add3A_1096 : i32 to index
          %swap3A_1119 = arith.constant 32 : index
          %swap3A_1120 = tpu.vector_load %arg13[%swap3A_1118, %swap3A_1119] {strides = array<i32>} : memref<128x128xf32, #tpu.memory_space<vmem>>, vector<16xf32>,
          tpu.vector_store %arg13[%swap3A_1118, %swap3A_1119], %mul3A_1117 {strides = array<i32>} : memref<128x128xf32, #tpu.memory_space<vmem>>, vector<16xf32>,
          %get3A_1121 = arith.index_cast %add3A_1096 : i32 to index
          %get3A_1122 = arith.constant 48 : index
          %get3A_1123 = tpu.vector_load %arg13[%get3A_1121, %get3A_1122] {strides = array<i32>} : memref<128x128xf32, #tpu.memory_space<vmem>>, vector<16xf32>,
          %mul3A_1124 = vector.broadcast %squeeze3A_1092 : f32 to vector<16xf32>
          %mul3A_1125 = arith.mulf %get3A_1123, %mul3A_1124 : vector<16xf32>
          %swap3A_1126 = arith.index_cast %add3A_1096 : i32 to index
          %swap3A_1127 = arith.constant 48 : index
          %swap3A_1128 = tpu.vector_load %arg13[%swap3A_1126, %swap3A_1127] {strides = array<i32>} : memref<128x128xf32, #tpu.memory_space<vmem>>, vector<16xf32>,
          tpu.vector_store %arg13[%swap3A_1126, %swap3A_1127], %mul3A_1125 {strides = array<i32>} : memref<128x128xf32, #tpu.memory_space<vmem>>, vector<16xf32>,
          %get3A_1129 = arith.index_cast %add3A_1096 : i32 to index
          %get3A_1130 = arith.constant 64 : index
          %get3A_1131 = tpu.vector_load %arg13[%get3A_1129, %get3A_1130] {strides = array<i32>} : memref<128x128xf32, #tpu.memory_space<vmem>>, vector<16xf32>,
          %mul3A_1132 = vector.broadcast %squeeze3A_1092 : f32 to vector<16xf32>
          %mul3A_1133 = arith.mulf %get3A_1131, %mul3A_1132 : vector<16xf32>
          %swap3A_1134 = arith.index_cast %add3A_1096 : i32 to index
          %swap3A_1135 = arith.constant 64 : index
          %swap3A_1136 = tpu.vector_load %arg13[%swap3A_1134, %swap3A_1135] {strides = array<i32>} : memref<128x128xf32, #tpu.memory_space<vmem>>, vector<16xf32>,
          tpu.vector_store %arg13[%swap3A_1134, %swap3A_1135], %mul3A_1133 {strides = array<i32>} : memref<128x128xf32, #tpu.memory_space<vmem>>, vector<16xf32>,
          %get3A_1137 = arith.index_cast %add3A_1096 : i32 to index
          %get3A_1138 = arith.constant 80 : index
          %get3A_1139 = tpu.vector_load %arg13[%get3A_1137, %get3A_1138] {strides = array<i32>} : memref<128x128xf32, #tpu.memory_space<vmem>>, vector<16xf32>,
          %mul3A_1140 = vector.broadcast %squeeze3A_1092 : f32 to vector<16xf32>
          %mul3A_1141 = arith.mulf %get3A_1139, %mul3A_1140 : vector<16xf32>
          %swap3A_1142 = arith.index_cast %add3A_1096 : i32 to index
          %swap3A_1143 = arith.constant 80 : index
          %swap3A_1144 = tpu.vector_load %arg13[%swap3A_1142, %swap3A_1143] {strides = array<i32>} : memref<128x128xf32, #tpu.memory_space<vmem>>, vector<16xf32>,
          tpu.vector_store %arg13[%swap3A_1142, %swap3A_1143], %mul3A_1141 {strides = array<i32>} : memref<128x128xf32, #tpu.memory_space<vmem>>, vector<16xf32>,
          %get3A_1145 = arith.index_cast %add3A_1096 : i32 to index
          %get3A_1146 = arith.constant 96 : index
          %get3A_1147 = tpu.vector_load %arg13[%get3A_1145, %get3A_1146] {strides = array<i32>} : memref<128x128xf32, #tpu.memory_space<vmem>>, vector<16xf32>,
          %mul3A_1148 = vector.broadcast %squeeze3A_1092 : f32 to vector<16xf32>
          %mul3A_1149 = arith.mulf %get3A_1147, %mul3A_1148 : vector<16xf32>
          %swap3A_1150 = arith.index_cast %add3A_1096 : i32 to index
          %swap3A_1151 = arith.constant 96 : index
          %swap3A_1152 = tpu.vector_load %arg13[%swap3A_1150, %swap3A_1151] {strides = array<i32>} : memref<128x128xf32, #tpu.memory_space<vmem>>, vector<16xf32>,
          tpu.vector_store %arg13[%swap3A_1150, %swap3A_1151], %mul3A_1149 {strides = array<i32>} : memref<128x128xf32, #tpu.memory_space<vmem>>, vector<16xf32>,
          %get3A_1153 = arith.index_cast %add3A_1096 : i32 to index
          %get3A_1154 = arith.constant 112 : index
          %get3A_1155 = tpu.vector_load %arg13[%get3A_1153, %get3A_1154] {strides = array<i32>} : memref<128x128xf32, #tpu.memory_space<vmem>>, vector<16xf32>,
          %mul3A_1156 = vector.broadcast %squeeze3A_1092 : f32 to vector<16xf32>
          %mul3A_1157 = arith.mulf %get3A_1155, %mul3A_1156 : vector<16xf32>
          %swap3A_1158 = arith.index_cast %add3A_1096 : i32 to index
          %swap3A_1159 = arith.constant 112 : index
          %swap3A_1160 = tpu.vector_load %arg13[%swap3A_1158, %swap3A_1159] {strides = array<i32>} : memref<128x128xf32, #tpu.memory_space<vmem>>, vector<16xf32>,
          tpu.vector_store %arg13[%swap3A_1158, %swap3A_1159], %mul3A_1157 {strides = array<i32>} : memref<128x128xf32, #tpu.memory_space<vmem>>, vector<16xf32>,
          %slice3A_1161 = vector.extract_strided_slice %get3A_253 {offsets = [13], sizes = [1], strides = [1]} : vector<16xf32> to vector<1xf32>
          %squeeze3A_1162 = vector.extract %slice3A_1161[0] : f32 from vector<1xf32>
          %mul3A_1163 = arith.constant 16 : i32
          %mul3A_1164 = arith.muli %scan3A_247, %mul3A_1163 : i32
          %add3A_1165 = arith.constant 13 : i32
          %add3A_1166 = arith.addi %mul3A_1164, %add3A_1165 : i32
          %get3A_1167 = arith.index_cast %add3A_1166 : i32 to index
          %get3A_1168 = arith.constant 0 : index
          %get3A_1169 = tpu.vector_load %arg13[%get3A_1167, %get3A_1168] {strides = array<i32>} : memref<128x128xf32, #tpu.memory_space<vmem>>, vector<16xf32>,
          %mul3A_1170 = vector.broadcast %squeeze3A_1162 : f32 to vector<16xf32>
          %mul3A_1171 = arith.mulf %get3A_1169, %mul3A_1170 : vector<16xf32>
          %swap3A_1172 = arith.index_cast %add3A_1166 : i32 to index
          %swap3A_1173 = arith.constant 0 : index
          %swap3A_1174 = tpu.vector_load %arg13[%swap3A_1172, %swap3A_1173] {strides = array<i32>} : memref<128x128xf32, #tpu.memory_space<vmem>>, vector<16xf32>,
          tpu.vector_store %arg13[%swap3A_1172, %swap3A_1173], %mul3A_1171 {strides = array<i32>} : memref<128x128xf32, #tpu.memory_space<vmem>>, vector<16xf32>,
          %get3A_1175 = arith.index_cast %add3A_1166 : i32 to index
          %get3A_1176 = arith.constant 16 : index
          %get3A_1177 = tpu.vector_load %arg13[%get3A_1175, %get3A_1176] {strides = array<i32>} : memref<128x128xf32, #tpu.memory_space<vmem>>, vector<16xf32>,
          %mul3A_1178 = vector.broadcast %squeeze3A_1162 : f32 to vector<16xf32>
          %mul3A_1179 = arith.mulf %get3A_1177, %mul3A_1178 : vector<16xf32>
          %swap3A_1180 = arith.index_cast %add3A_1166 : i32 to index
          %swap3A_1181 = arith.constant 16 : index
          %swap3A_1182 = tpu.vector_load %arg13[%swap3A_1180, %swap3A_1181] {strides = array<i32>} : memref<128x128xf32, #tpu.memory_space<vmem>>, vector<16xf32>,
          tpu.vector_store %arg13[%swap3A_1180, %swap3A_1181], %mul3A_1179 {strides = array<i32>} : memref<128x128xf32, #tpu.memory_space<vmem>>, vector<16xf32>,
          %get3A_1183 = arith.index_cast %add3A_1166 : i32 to index
          %get3A_1184 = arith.constant 32 : index
          %get3A_1185 = tpu.vector_load %arg13[%get3A_1183, %get3A_1184] {strides = array<i32>} : memref<128x128xf32, #tpu.memory_space<vmem>>, vector<16xf32>,
          %mul3A_1186 = vector.broadcast %squeeze3A_1162 : f32 to vector<16xf32>
          %mul3A_1187 = arith.mulf %get3A_1185, %mul3A_1186 : vector<16xf32>
          %swap3A_1188 = arith.index_cast %add3A_1166 : i32 to index
          %swap3A_1189 = arith.constant 32 : index
          %swap3A_1190 = tpu.vector_load %arg13[%swap3A_1188, %swap3A_1189] {strides = array<i32>} : memref<128x128xf32, #tpu.memory_space<vmem>>, vector<16xf32>,
          tpu.vector_store %arg13[%swap3A_1188, %swap3A_1189], %mul3A_1187 {strides = array<i32>} : memref<128x128xf32, #tpu.memory_space<vmem>>, vector<16xf32>,
          %get3A_1191 = arith.index_cast %add3A_1166 : i32 to index
          %get3A_1192 = arith.constant 48 : index
          %get3A_1193 = tpu.vector_load %arg13[%get3A_1191, %get3A_1192] {strides = array<i32>} : memref<128x128xf32, #tpu.memory_space<vmem>>, vector<16xf32>,
          %mul3A_1194 = vector.broadcast %squeeze3A_1162 : f32 to vector<16xf32>
          %mul3A_1195 = arith.mulf %get3A_1193, %mul3A_1194 : vector<16xf32>
          %swap3A_1196 = arith.index_cast %add3A_1166 : i32 to index
          %swap3A_1197 = arith.constant 48 : index
          %swap3A_1198 = tpu.vector_load %arg13[%swap3A_1196, %swap3A_1197] {strides = array<i32>} : memref<128x128xf32, #tpu.memory_space<vmem>>, vector<16xf32>,
          tpu.vector_store %arg13[%swap3A_1196, %swap3A_1197], %mul3A_1195 {strides = array<i32>} : memref<128x128xf32, #tpu.memory_space<vmem>>, vector<16xf32>,
          %get3A_1199 = arith.index_cast %add3A_1166 : i32 to index
          %get3A_1200 = arith.constant 64 : index
          %get3A_1201 = tpu.vector_load %arg13[%get3A_1199, %get3A_1200] {strides = array<i32>} : memref<128x128xf32, #tpu.memory_space<vmem>>, vector<16xf32>,
          %mul3A_1202 = vector.broadcast %squeeze3A_1162 : f32 to vector<16xf32>
          %mul3A_1203 = arith.mulf %get3A_1201, %mul3A_1202 : vector<16xf32>
          %swap3A_1204 = arith.index_cast %add3A_1166 : i32 to index
          %swap3A_1205 = arith.constant 64 : index
          %swap3A_1206 = tpu.vector_load %arg13[%swap3A_1204, %swap3A_1205] {strides = array<i32>} : memref<128x128xf32, #tpu.memory_space<vmem>>, vector<16xf32>,
          tpu.vector_store %arg13[%swap3A_1204, %swap3A_1205], %mul3A_1203 {strides = array<i32>} : memref<128x128xf32, #tpu.memory_space<vmem>>, vector<16xf32>,
          %get3A_1207 = arith.index_cast %add3A_1166 : i32 to index
          %get3A_1208 = arith.constant 80 : index
          %get3A_1209 = tpu.vector_load %arg13[%get3A_1207, %get3A_1208] {strides = array<i32>} : memref<128x128xf32, #tpu.memory_space<vmem>>, vector<16xf32>,
          %mul3A_1210 = vector.broadcast %squeeze3A_1162 : f32 to vector<16xf32>
          %mul3A_1211 = arith.mulf %get3A_1209, %mul3A_1210 : vector<16xf32>
          %swap3A_1212 = arith.index_cast %add3A_1166 : i32 to index
          %swap3A_1213 = arith.constant 80 : index
          %swap3A_1214 = tpu.vector_load %arg13[%swap3A_1212, %swap3A_1213] {strides = array<i32>} : memref<128x128xf32, #tpu.memory_space<vmem>>, vector<16xf32>,
          tpu.vector_store %arg13[%swap3A_1212, %swap3A_1213], %mul3A_1211 {strides = array<i32>} : memref<128x128xf32, #tpu.memory_space<vmem>>, vector<16xf32>,
          %get3A_1215 = arith.index_cast %add3A_1166 : i32 to index
          %get3A_1216 = arith.constant 96 : index
          %get3A_1217 = tpu.vector_load %arg13[%get3A_1215, %get3A_1216] {strides = array<i32>} : memref<128x128xf32, #tpu.memory_space<vmem>>, vector<16xf32>,
          %mul3A_1218 = vector.broadcast %squeeze3A_1162 : f32 to vector<16xf32>
          %mul3A_1219 = arith.mulf %get3A_1217, %mul3A_1218 : vector<16xf32>
          %swap3A_1220 = arith.index_cast %add3A_1166 : i32 to index
          %swap3A_1221 = arith.constant 96 : index
          %swap3A_1222 = tpu.vector_load %arg13[%swap3A_1220, %swap3A_1221] {strides = array<i32>} : memref<128x128xf32, #tpu.memory_space<vmem>>, vector<16xf32>,
          tpu.vector_store %arg13[%swap3A_1220, %swap3A_1221], %mul3A_1219 {strides = array<i32>} : memref<128x128xf32, #tpu.memory_space<vmem>>, vector<16xf32>,
          %get3A_1223 = arith.index_cast %add3A_1166 : i32 to index
          %get3A_1224 = arith.constant 112 : index
          %get3A_1225 = tpu.vector_load %arg13[%get3A_1223, %get3A_1224] {strides = array<i32>} : memref<128x128xf32, #tpu.memory_space<vmem>>, vector<16xf32>,
          %mul3A_1226 = vector.broadcast %squeeze3A_1162 : f32 to vector<16xf32>
          %mul3A_1227 = arith.mulf %get3A_1225, %mul3A_1226 : vector<16xf32>
          %swap3A_1228 = arith.index_cast %add3A_1166 : i32 to index
          %swap3A_1229 = arith.constant 112 : index
          %swap3A_1230 = tpu.vector_load %arg13[%swap3A_1228, %swap3A_1229] {strides = array<i32>} : memref<128x128xf32, #tpu.memory_space<vmem>>, vector<16xf32>,
          tpu.vector_store %arg13[%swap3A_1228, %swap3A_1229], %mul3A_1227 {strides = array<i32>} : memref<128x128xf32, #tpu.memory_space<vmem>>, vector<16xf32>,
          %slice3A_1231 = vector.extract_strided_slice %get3A_253 {offsets = [14], sizes = [1], strides = [1]} : vector<16xf32> to vector<1xf32>
          %squeeze3A_1232 = vector.extract %slice3A_1231[0] : f32 from vector<1xf32>
          %mul3A_1233 = arith.constant 16 : i32
          %mul3A_1234 = arith.muli %scan3A_247, %mul3A_1233 : i32
          %add3A_1235 = arith.constant 14 : i32
          %add3A_1236 = arith.addi %mul3A_1234, %add3A_1235 : i32
          %get3A_1237 = arith.index_cast %add3A_1236 : i32 to index
          %get3A_1238 = arith.constant 0 : index
          %get3A_1239 = tpu.vector_load %arg13[%get3A_1237, %get3A_1238] {strides = array<i32>} : memref<128x128xf32, #tpu.memory_space<vmem>>, vector<16xf32>,
          %mul3A_1240 = vector.broadcast %squeeze3A_1232 : f32 to vector<16xf32>
          %mul3A_1241 = arith.mulf %get3A_1239, %mul3A_1240 : vector<16xf32>
          %swap3A_1242 = arith.index_cast %add3A_1236 : i32 to index
          %swap3A_1243 = arith.constant 0 : index
          %swap3A_1244 = tpu.vector_load %arg13[%swap3A_1242, %swap3A_1243] {strides = array<i32>} : memref<128x128xf32, #tpu.memory_space<vmem>>, vector<16xf32>,
          tpu.vector_store %arg13[%swap3A_1242, %swap3A_1243], %mul3A_1241 {strides = array<i32>} : memref<128x128xf32, #tpu.memory_space<vmem>>, vector<16xf32>,
          %get3A_1245 = arith.index_cast %add3A_1236 : i32 to index
          %get3A_1246 = arith.constant 16 : index
          %get3A_1247 = tpu.vector_load %arg13[%get3A_1245, %get3A_1246] {strides = array<i32>} : memref<128x128xf32, #tpu.memory_space<vmem>>, vector<16xf32>,
          %mul3A_1248 = vector.broadcast %squeeze3A_1232 : f32 to vector<16xf32>
          %mul3A_1249 = arith.mulf %get3A_1247, %mul3A_1248 : vector<16xf32>
          %swap3A_1250 = arith.index_cast %add3A_1236 : i32 to index
          %swap3A_1251 = arith.constant 16 : index
          %swap3A_1252 = tpu.vector_load %arg13[%swap3A_1250, %swap3A_1251] {strides = array<i32>} : memref<128x128xf32, #tpu.memory_space<vmem>>, vector<16xf32>,
          tpu.vector_store %arg13[%swap3A_1250, %swap3A_1251], %mul3A_1249 {strides = array<i32>} : memref<128x128xf32, #tpu.memory_space<vmem>>, vector<16xf32>,
          %get3A_1253 = arith.index_cast %add3A_1236 : i32 to index
          %get3A_1254 = arith.constant 32 : index
          %get3A_1255 = tpu.vector_load %arg13[%get3A_1253, %get3A_1254] {strides = array<i32>} : memref<128x128xf32, #tpu.memory_space<vmem>>, vector<16xf32>,
          %mul3A_1256 = vector.broadcast %squeeze3A_1232 : f32 to vector<16xf32>
          %mul3A_1257 = arith.mulf %get3A_1255, %mul3A_1256 : vector<16xf32>
          %swap3A_1258 = arith.index_cast %add3A_1236 : i32 to index
          %swap3A_1259 = arith.constant 32 : index
          %swap3A_1260 = tpu.vector_load %arg13[%swap3A_1258, %swap3A_1259] {strides = array<i32>} : memref<128x128xf32, #tpu.memory_space<vmem>>, vector<16xf32>,
          tpu.vector_store %arg13[%swap3A_1258, %swap3A_1259], %mul3A_1257 {strides = array<i32>} : memref<128x128xf32, #tpu.memory_space<vmem>>, vector<16xf32>,
          %get3A_1261 = arith.index_cast %add3A_1236 : i32 to index
          %get3A_1262 = arith.constant 48 : index
          %get3A_1263 = tpu.vector_load %arg13[%get3A_1261, %get3A_1262] {strides = array<i32>} : memref<128x128xf32, #tpu.memory_space<vmem>>, vector<16xf32>,
          %mul3A_1264 = vector.broadcast %squeeze3A_1232 : f32 to vector<16xf32>
          %mul3A_1265 = arith.mulf %get3A_1263, %mul3A_1264 : vector<16xf32>
          %swap3A_1266 = arith.index_cast %add3A_1236 : i32 to index
          %swap3A_1267 = arith.constant 48 : index
          %swap3A_1268 = tpu.vector_load %arg13[%swap3A_1266, %swap3A_1267] {strides = array<i32>} : memref<128x128xf32, #tpu.memory_space<vmem>>, vector<16xf32>,
          tpu.vector_store %arg13[%swap3A_1266, %swap3A_1267], %mul3A_1265 {strides = array<i32>} : memref<128x128xf32, #tpu.memory_space<vmem>>, vector<16xf32>,
          %get3A_1269 = arith.index_cast %add3A_1236 : i32 to index
          %get3A_1270 = arith.constant 64 : index
          %get3A_1271 = tpu.vector_load %arg13[%get3A_1269, %get3A_1270] {strides = array<i32>} : memref<128x128xf32, #tpu.memory_space<vmem>>, vector<16xf32>,
          %mul3A_1272 = vector.broadcast %squeeze3A_1232 : f32 to vector<16xf32>
          %mul3A_1273 = arith.mulf %get3A_1271, %mul3A_1272 : vector<16xf32>
          %swap3A_1274 = arith.index_cast %add3A_1236 : i32 to index
          %swap3A_1275 = arith.constant 64 : index
          %swap3A_1276 = tpu.vector_load %arg13[%swap3A_1274, %swap3A_1275] {strides = array<i32>} : memref<128x128xf32, #tpu.memory_space<vmem>>, vector<16xf32>,
          tpu.vector_store %arg13[%swap3A_1274, %swap3A_1275], %mul3A_1273 {strides = array<i32>} : memref<128x128xf32, #tpu.memory_space<vmem>>, vector<16xf32>,
          %get3A_1277 = arith.index_cast %add3A_1236 : i32 to index
          %get3A_1278 = arith.constant 80 : index
          %get3A_1279 = tpu.vector_load %arg13[%get3A_1277, %get3A_1278] {strides = array<i32>} : memref<128x128xf32, #tpu.memory_space<vmem>>, vector<16xf32>,
          %mul3A_1280 = vector.broadcast %squeeze3A_1232 : f32 to vector<16xf32>
          %mul3A_1281 = arith.mulf %get3A_1279, %mul3A_1280 : vector<16xf32>
          %swap3A_1282 = arith.index_cast %add3A_1236 : i32 to index
          %swap3A_1283 = arith.constant 80 : index
          %swap3A_1284 = tpu.vector_load %arg13[%swap3A_1282, %swap3A_1283] {strides = array<i32>} : memref<128x128xf32, #tpu.memory_space<vmem>>, vector<16xf32>,
          tpu.vector_store %arg13[%swap3A_1282, %swap3A_1283], %mul3A_1281 {strides = array<i32>} : memref<128x128xf32, #tpu.memory_space<vmem>>, vector<16xf32>,
          %get3A_1285 = arith.index_cast %add3A_1236 : i32 to index
          %get3A_1286 = arith.constant 96 : index
          %get3A_1287 = tpu.vector_load %arg13[%get3A_1285, %get3A_1286] {strides = array<i32>} : memref<128x128xf32, #tpu.memory_space<vmem>>, vector<16xf32>,
          %mul3A_1288 = vector.broadcast %squeeze3A_1232 : f32 to vector<16xf32>
          %mul3A_1289 = arith.mulf %get3A_1287, %mul3A_1288 : vector<16xf32>
          %swap3A_1290 = arith.index_cast %add3A_1236 : i32 to index
          %swap3A_1291 = arith.constant 96 : index
          %swap3A_1292 = tpu.vector_load %arg13[%swap3A_1290, %swap3A_1291] {strides = array<i32>} : memref<128x128xf32, #tpu.memory_space<vmem>>, vector<16xf32>,
          tpu.vector_store %arg13[%swap3A_1290, %swap3A_1291], %mul3A_1289 {strides = array<i32>} : memref<128x128xf32, #tpu.memory_space<vmem>>, vector<16xf32>,
          %get3A_1293 = arith.index_cast %add3A_1236 : i32 to index
          %get3A_1294 = arith.constant 112 : index
          %get3A_1295 = tpu.vector_load %arg13[%get3A_1293, %get3A_1294] {strides = array<i32>} : memref<128x128xf32, #tpu.memory_space<vmem>>, vector<16xf32>,
          %mul3A_1296 = vector.broadcast %squeeze3A_1232 : f32 to vector<16xf32>
          %mul3A_1297 = arith.mulf %get3A_1295, %mul3A_1296 : vector<16xf32>
          %swap3A_1298 = arith.index_cast %add3A_1236 : i32 to index
          %swap3A_1299 = arith.constant 112 : index
          %swap3A_1300 = tpu.vector_load %arg13[%swap3A_1298, %swap3A_1299] {strides = array<i32>} : memref<128x128xf32, #tpu.memory_space<vmem>>, vector<16xf32>,
          tpu.vector_store %arg13[%swap3A_1298, %swap3A_1299], %mul3A_1297 {strides = array<i32>} : memref<128x128xf32, #tpu.memory_space<vmem>>, vector<16xf32>,
          %slice3A_1301 = vector.extract_strided_slice %get3A_253 {offsets = [15], sizes = [1], strides = [1]} : vector<16xf32> to vector<1xf32>
          %squeeze3A_1302 = vector.extract %slice3A_1301[0] : f32 from vector<1xf32>
          %mul3A_1303 = arith.constant 16 : i32
          %mul3A_1304 = arith.muli %scan3A_247, %mul3A_1303 : i32
          %add3A_1305 = arith.constant 15 : i32
          %add3A_1306 = arith.addi %mul3A_1304, %add3A_1305 : i32
          %get3A_1307 = arith.index_cast %add3A_1306 : i32 to index
          %get3A_1308 = arith.constant 0 : index
          %get3A_1309 = tpu.vector_load %arg13[%get3A_1307, %get3A_1308] {strides = array<i32>} : memref<128x128xf32, #tpu.memory_space<vmem>>, vector<16xf32>,
          %mul3A_1310 = vector.broadcast %squeeze3A_1302 : f32 to vector<16xf32>
          %mul3A_1311 = arith.mulf %get3A_1309, %mul3A_1310 : vector<16xf32>
          %swap3A_1312 = arith.index_cast %add3A_1306 : i32 to index
          %swap3A_1313 = arith.constant 0 : index
          %swap3A_1314 = tpu.vector_load %arg13[%swap3A_1312, %swap3A_1313] {strides = array<i32>} : memref<128x128xf32, #tpu.memory_space<vmem>>, vector<16xf32>,
          tpu.vector_store %arg13[%swap3A_1312, %swap3A_1313], %mul3A_1311 {strides = array<i32>} : memref<128x128xf32, #tpu.memory_space<vmem>>, vector<16xf32>,
          %get3A_1315 = arith.index_cast %add3A_1306 : i32 to index
          %get3A_1316 = arith.constant 16 : index
          %get3A_1317 = tpu.vector_load %arg13[%get3A_1315, %get3A_1316] {strides = array<i32>} : memref<128x128xf32, #tpu.memory_space<vmem>>, vector<16xf32>,
          %mul3A_1318 = vector.broadcast %squeeze3A_1302 : f32 to vector<16xf32>
          %mul3A_1319 = arith.mulf %get3A_1317, %mul3A_1318 : vector<16xf32>
          %swap3A_1320 = arith.index_cast %add3A_1306 : i32 to index
          %swap3A_1321 = arith.constant 16 : index
          %swap3A_1322 = tpu.vector_load %arg13[%swap3A_1320, %swap3A_1321] {strides = array<i32>} : memref<128x128xf32, #tpu.memory_space<vmem>>, vector<16xf32>,
          tpu.vector_store %arg13[%swap3A_1320, %swap3A_1321], %mul3A_1319 {strides = array<i32>} : memref<128x128xf32, #tpu.memory_space<vmem>>, vector<16xf32>,
          %get3A_1323 = arith.index_cast %add3A_1306 : i32 to index
          %get3A_1324 = arith.constant 32 : index
          %get3A_1325 = tpu.vector_load %arg13[%get3A_1323, %get3A_1324] {strides = array<i32>} : memref<128x128xf32, #tpu.memory_space<vmem>>, vector<16xf32>,
          %mul3A_1326 = vector.broadcast %squeeze3A_1302 : f32 to vector<16xf32>
          %mul3A_1327 = arith.mulf %get3A_1325, %mul3A_1326 : vector<16xf32>
          %swap3A_1328 = arith.index_cast %add3A_1306 : i32 to index
          %swap3A_1329 = arith.constant 32 : index
          %swap3A_1330 = tpu.vector_load %arg13[%swap3A_1328, %swap3A_1329] {strides = array<i32>} : memref<128x128xf32, #tpu.memory_space<vmem>>, vector<16xf32>,
          tpu.vector_store %arg13[%swap3A_1328, %swap3A_1329], %mul3A_1327 {strides = array<i32>} : memref<128x128xf32, #tpu.memory_space<vmem>>, vector<16xf32>,
          %get3A_1331 = arith.index_cast %add3A_1306 : i32 to index
          %get3A_1332 = arith.constant 48 : index
          %get3A_1333 = tpu.vector_load %arg13[%get3A_1331, %get3A_1332] {strides = array<i32>} : memref<128x128xf32, #tpu.memory_space<vmem>>, vector<16xf32>,
          %mul3A_1334 = vector.broadcast %squeeze3A_1302 : f32 to vector<16xf32>
          %mul3A_1335 = arith.mulf %get3A_1333, %mul3A_1334 : vector<16xf32>
          %swap3A_1336 = arith.index_cast %add3A_1306 : i32 to index
          %swap3A_1337 = arith.constant 48 : index
          %swap3A_1338 = tpu.vector_load %arg13[%swap3A_1336, %swap3A_1337] {strides = array<i32>} : memref<128x128xf32, #tpu.memory_space<vmem>>, vector<16xf32>,
          tpu.vector_store %arg13[%swap3A_1336, %swap3A_1337], %mul3A_1335 {strides = array<i32>} : memref<128x128xf32, #tpu.memory_space<vmem>>, vector<16xf32>,
          %get3A_1339 = arith.index_cast %add3A_1306 : i32 to index
          %get3A_1340 = arith.constant 64 : index
          %get3A_1341 = tpu.vector_load %arg13[%get3A_1339, %get3A_1340] {strides = array<i32>} : memref<128x128xf32, #tpu.memory_space<vmem>>, vector<16xf32>,
          %mul3A_1342 = vector.broadcast %squeeze3A_1302 : f32 to vector<16xf32>
          %mul3A_1343 = arith.mulf %get3A_1341, %mul3A_1342 : vector<16xf32>
          %swap3A_1344 = arith.index_cast %add3A_1306 : i32 to index
          %swap3A_1345 = arith.constant 64 : index
          %swap3A_1346 = tpu.vector_load %arg13[%swap3A_1344, %swap3A_1345] {strides = array<i32>} : memref<128x128xf32, #tpu.memory_space<vmem>>, vector<16xf32>,
          tpu.vector_store %arg13[%swap3A_1344, %swap3A_1345], %mul3A_1343 {strides = array<i32>} : memref<128x128xf32, #tpu.memory_space<vmem>>, vector<16xf32>,
          %get3A_1347 = arith.index_cast %add3A_1306 : i32 to index
          %get3A_1348 = arith.constant 80 : index
          %get3A_1349 = tpu.vector_load %arg13[%get3A_1347, %get3A_1348] {strides = array<i32>} : memref<128x128xf32, #tpu.memory_space<vmem>>, vector<16xf32>,
          %mul3A_1350 = vector.broadcast %squeeze3A_1302 : f32 to vector<16xf32>
          %mul3A_1351 = arith.mulf %get3A_1349, %mul3A_1350 : vector<16xf32>
          %swap3A_1352 = arith.index_cast %add3A_1306 : i32 to index
          %swap3A_1353 = arith.constant 80 : index
          %swap3A_1354 = tpu.vector_load %arg13[%swap3A_1352, %swap3A_1353] {strides = array<i32>} : memref<128x128xf32, #tpu.memory_space<vmem>>, vector<16xf32>,
          tpu.vector_store %arg13[%swap3A_1352, %swap3A_1353], %mul3A_1351 {strides = array<i32>} : memref<128x128xf32, #tpu.memory_space<vmem>>, vector<16xf32>,
          %get3A_1355 = arith.index_cast %add3A_1306 : i32 to index
          %get3A_1356 = arith.constant 96 : index
          %get3A_1357 = tpu.vector_load %arg13[%get3A_1355, %get3A_1356] {strides = array<i32>} : memref<128x128xf32, #tpu.memory_space<vmem>>, vector<16xf32>,
          %mul3A_1358 = vector.broadcast %squeeze3A_1302 : f32 to vector<16xf32>
          %mul3A_1359 = arith.mulf %get3A_1357, %mul3A_1358 : vector<16xf32>
          %swap3A_1360 = arith.index_cast %add3A_1306 : i32 to index
          %swap3A_1361 = arith.constant 96 : index
          %swap3A_1362 = tpu.vector_load %arg13[%swap3A_1360, %swap3A_1361] {strides = array<i32>} : memref<128x128xf32, #tpu.memory_space<vmem>>, vector<16xf32>,
          tpu.vector_store %arg13[%swap3A_1360, %swap3A_1361], %mul3A_1359 {strides = array<i32>} : memref<128x128xf32, #tpu.memory_space<vmem>>, vector<16xf32>,
          %get3A_1363 = arith.index_cast %add3A_1306 : i32 to index
          %get3A_1364 = arith.constant 112 : index
          %get3A_1365 = tpu.vector_load %arg13[%get3A_1363, %get3A_1364] {strides = array<i32>} : memref<128x128xf32, #tpu.memory_space<vmem>>, vector<16xf32>,
          %mul3A_1366 = vector.broadcast %squeeze3A_1302 : f32 to vector<16xf32>
          %mul3A_1367 = arith.mulf %get3A_1365, %mul3A_1366 : vector<16xf32>
          %swap3A_1368 = arith.index_cast %add3A_1306 : i32 to index
          %swap3A_1369 = arith.constant 112 : index
          %swap3A_1370 = tpu.vector_load %arg13[%swap3A_1368, %swap3A_1369] {strides = array<i32>} : memref<128x128xf32, #tpu.memory_space<vmem>>, vector<16xf32>,
          tpu.vector_store %arg13[%swap3A_1368, %swap3A_1369], %mul3A_1367 {strides = array<i32>} : memref<128x128xf32, #tpu.memory_space<vmem>>, vector<16xf32>,
          %scan3A_1371 = arith.constant 0 : i32
          scf.yield %scan3A_1371 : i32
        }
        %scan3A_199 = arith.constant 8 : i32
        %dma_start3A_200 = arith.constant 0 : i32
        %dma_start3A_201 = tpu.memref_slice %arg11[%select_n3A_145, %mul3A_173, %dma_start3A_200] : memref<2x4x128xi32, #tpu.memory_space<vmem>> -> memref<1x1x128xi32, #tpu.memory_space<vmem>>
        %dma_start3A_202 = tpu.memref_squeeze %dma_start3A_201 : memref<1x1x128xi32, #tpu.memory_space<vmem>> -> memref<128xi32, #tpu.memory_space<vmem>>
        %dma_start3A_203 = arith.constant 0 : i32
        %dma_start3A_204 = arith.constant 0 : i32
        %dma_start3A_205 = tpu.memref_slice %arg8[%dma_start3A_203, %dma_start3A_204] : memref<10240x128xf32, #tpu.memory_space<vmem_shared>> -> memref<10240x128xf32, #tpu.memory_space<vmem_shared>>
        tpu.enqueue_indirect_dma source(%arg13 : memref<128x128xf32, #tpu.memory_space<vmem>>) target(%dma_start3A_205 : memref<10240x128xf32, #tpu.memory_space<vmem_shared>>) offsets(%dma_start3A_202 : memref<128xi32, #tpu.memory_space<vmem>>) semaphore(%arg17 : memref<!tpu.dma_semaphore, #tpu.memory_space<semaphore_mem>>) {add = true}
        %lt3A_206 = arith.constant 1 : i32
        %lt3A_207 = arith.cmpi slt, %scan3A_170, %lt3A_206 : i32
        %convert_element_type3A_208 = arith.extui %lt3A_207 : i1 to i32
        %cond3A_209 = arith.constant 0 : i32
        %cond3A_210 = arith.cmpi ne, %convert_element_type3A_208, %cond3A_209 : i32
        scf.if %cond3A_210 {
          %dma_wait3A_247 = arith.constant 0 : i32
          %dma_wait3A_248 = tpu.memref_slice %arg11[%select_n3A_145, %mul3A_173, %dma_wait3A_247] : memref<2x4x128xi32, #tpu.memory_space<vmem>> -> memref<1x1x128xi32, #tpu.memory_space<vmem>>
          %dma_wait3A_249 = tpu.memref_squeeze %dma_wait3A_248 : memref<1x1x128xi32, #tpu.memory_space<vmem>> -> memref<128xi32, #tpu.memory_space<vmem>>
          %dma_wait3A_250 = arith.constant 0 : i32
          %dma_wait3A_251 = arith.constant 0 : i32
          %dma_wait3A_252 = tpu.memref_slice %arg8[%dma_wait3A_250, %dma_wait3A_251] : memref<10240x128xf32, #tpu.memory_space<vmem_shared>> -> memref<10240x128xf32, #tpu.memory_space<vmem_shared>>
          tpu.wait_indirect_dma semaphore(%arg17 : memref<!tpu.dma_semaphore, #tpu.memory_space<semaphore_mem>>) src(%arg13 : memref<128x128xf32, #tpu.memory_space<vmem>>) dst(%dma_wait3A_252 : memref<10240x128xf32, #tpu.memory_space<vmem_shared>>)
          %add3A_253 = arith.constant 2 : i32
          %add3A_254 = arith.addi %mul3A_173, %add3A_253 : i32
          %dma_start3A_255 = arith.constant 0 : i32
          %dma_start3A_256 = tpu.memref_slice %arg10[%select_n3A_145, %add3A_254, %dma_start3A_255] : memref<2x4x128xi32, #tpu.memory_space<vmem>> -> memref<1x1x128xi32, #tpu.memory_space<vmem>>
          %dma_start3A_257 = tpu.memref_squeeze %dma_start3A_256 : memref<1x1x128xi32, #tpu.memory_space<vmem>> -> memref<128xi32, #tpu.memory_space<vmem>>
          %dma_start3A_258 = arith.constant 0 : i32
          %dma_start3A_259 = arith.constant 0 : i32
          %dma_start3A_260 = tpu.memref_slice %arg5[%dma_start3A_258, %dma_start3A_259] : memref<10240x128xf32, #tpu.memory_space<hbm>> -> memref<10240x128xf32, #tpu.memory_space<hbm>>
          tpu.enqueue_indirect_dma source(%dma_start3A_260 : memref<10240x128xf32, #tpu.memory_space<hbm>>) target(%arg13 : memref<128x128xf32, #tpu.memory_space<vmem>>) offsets(%dma_start3A_257 : memref<128xi32, #tpu.memory_space<vmem>>) semaphore(%arg15 : memref<!tpu.dma_semaphore, #tpu.memory_space<semaphore_mem>>)
        } else {
        }
        %eq3A_211 = arith.constant 1 : i32
        %eq3A_212 = arith.cmpi eq, %scan3A_170, %eq3A_211 : i32
        %add3A_213 = arith.constant 1 : i32
        %add3A_214 = arith.addi %scan3A_135, %add3A_213 : i32
        %lt3A_215 = arith.constant 20 : i32
        %lt3A_216 = arith.cmpi slt, %add3A_214, %lt3A_215 : i32
        %and3A_217 = arith.andi %eq3A_212, %lt3A_216 : i1
        %convert_element_type3A_218 = arith.extui %and3A_217 : i1 to i32
        %cond3A_219 = arith.constant 0 : i32
        %cond3A_220 = arith.cmpi ne, %convert_element_type3A_218, %cond3A_219 : i32
        scf.if %cond3A_220 {
          %dma_wait3A_247 = arith.constant 0 : i32
          %dma_wait3A_248 = arith.constant 0 : i32
          %dma_wait3A_249 = arith.constant 0 : i32
          %dma_wait3A_250 = tpu.memref_slice %arg10[%dma_wait3A_247, %dma_wait3A_248, %dma_wait3A_249] : memref<2x4x128xi32, #tpu.memory_space<vmem>> -> memref<1x4x128xi32, #tpu.memory_space<vmem>>
          %dma_wait3A_251 = tpu.memref_squeeze %dma_wait3A_250 : memref<1x4x128xi32, #tpu.memory_space<vmem>> -> memref<4x128xi32, #tpu.memory_space<vmem>>
          %dma_wait3A_252 = arith.constant 0 : i32
          %dma_wait3A_253 = tpu.memref_slice %arg2[%add3A, %dma_wait3A_252] : memref<2560x128xi32, #tpu.memory_space<hbm>> -> memref<4x128xi32, #tpu.memory_space<hbm>>
          %dma_wait3A_254 = arith.constant 0 : i32
          %dma_wait3A_255 = arith.constant 0 : i32
          %dma_wait3A_256 = tpu.memref_slice %arg10[%dma_wait3A_247, %dma_wait3A_254, %dma_wait3A_255] : memref<2x4x128xi32, #tpu.memory_space<vmem>> -> memref<1x4x128xi32, #tpu.memory_space<vmem>>
          %dma_wait3A_257 = tpu.memref_squeeze %dma_wait3A_256 : memref<1x4x128xi32, #tpu.memory_space<vmem>> -> memref<4x128xi32, #tpu.memory_space<vmem>>
          %dma_wait3A_258 = arith.constant 0 : i32
          %dma_wait3A_259 = tpu.memref_slice %arg2[%add3A, %dma_wait3A_258] : memref<2560x128xi32, #tpu.memory_space<hbm>> -> memref<4x128xi32, #tpu.memory_space<hbm>>
          tpu.wait_dma2 semaphore(%arg19 : memref<!tpu.dma_semaphore, #tpu.memory_space<semaphore_mem>>) src(%dma_wait3A_259 : memref<4x128xi32, #tpu.memory_space<hbm>>) dst(%dma_wait3A_257 : memref<4x128xi32, #tpu.memory_space<vmem>>)
          %dma_wait3A_260 = arith.constant 0 : i32
          %dma_wait3A_261 = arith.constant 0 : i32
          %dma_wait3A_262 = arith.constant 0 : i32
          %dma_wait3A_263 = tpu.memref_slice %arg11[%dma_wait3A_260, %dma_wait3A_261, %dma_wait3A_262] : memref<2x4x128xi32, #tpu.memory_space<vmem>> -> memref<1x4x128xi32, #tpu.memory_space<vmem>>
          %dma_wait3A_264 = tpu.memref_squeeze %dma_wait3A_263 : memref<1x4x128xi32, #tpu.memory_space<vmem>> -> memref<4x128xi32, #tpu.memory_space<vmem>>
          %dma_wait3A_265 = arith.constant 0 : i32
          %dma_wait3A_266 = tpu.memref_slice %arg3[%add3A, %dma_wait3A_265] : memref<2560x128xi32, #tpu.memory_space<hbm>> -> memref<4x128xi32, #tpu.memory_space<hbm>>
          %dma_wait3A_267 = arith.constant 0 : i32
          %dma_wait3A_268 = arith.constant 0 : i32
          %dma_wait3A_269 = tpu.memref_slice %arg11[%dma_wait3A_260, %dma_wait3A_267, %dma_wait3A_268] : memref<2x4x128xi32, #tpu.memory_space<vmem>> -> memref<1x4x128xi32, #tpu.memory_space<vmem>>
          %dma_wait3A_270 = tpu.memref_squeeze %dma_wait3A_269 : memref<1x4x128xi32, #tpu.memory_space<vmem>> -> memref<4x128xi32, #tpu.memory_space<vmem>>
          %dma_wait3A_271 = arith.constant 0 : i32
          %dma_wait3A_272 = tpu.memref_slice %arg3[%add3A, %dma_wait3A_271] : memref<2560x128xi32, #tpu.memory_space<hbm>> -> memref<4x128xi32, #tpu.memory_space<hbm>>
          tpu.wait_dma2 semaphore(%arg19 : memref<!tpu.dma_semaphore, #tpu.memory_space<semaphore_mem>>) src(%dma_wait3A_272 : memref<4x128xi32, #tpu.memory_space<hbm>>) dst(%dma_wait3A_270 : memref<4x128xi32, #tpu.memory_space<vmem>>)
          %dma_wait3A_273 = arith.constant 0 : i32
          %dma_wait3A_274 = arith.constant 0 : i32
          %dma_wait3A_275 = arith.constant 0 : i32
          %dma_wait3A_276 = tpu.memref_slice %arg12[%dma_wait3A_273, %dma_wait3A_274, %dma_wait3A_275] : memref<2x4x128xf32, #tpu.memory_space<vmem>> -> memref<1x4x128xf32, #tpu.memory_space<vmem>>
          %dma_wait3A_277 = tpu.memref_squeeze %dma_wait3A_276 : memref<1x4x128xf32, #tpu.memory_space<vmem>> -> memref<4x128xf32, #tpu.memory_space<vmem>>
          %dma_wait3A_278 = arith.constant 0 : i32
          %dma_wait3A_279 = tpu.memref_slice %arg4[%add3A, %dma_wait3A_278] : memref<2560x128xf32, #tpu.memory_space<hbm>> -> memref<4x128xf32, #tpu.memory_space<hbm>>
          %dma_wait3A_280 = arith.constant 0 : i32
          %dma_wait3A_281 = arith.constant 0 : i32
          %dma_wait3A_282 = tpu.memref_slice %arg12[%dma_wait3A_273, %dma_wait3A_280, %dma_wait3A_281] : memref<2x4x128xf32, #tpu.memory_space<vmem>> -> memref<1x4x128xf32, #tpu.memory_space<vmem>>
          %dma_wait3A_283 = tpu.memref_squeeze %dma_wait3A_282 : memref<1x4x128xf32, #tpu.memory_space<vmem>> -> memref<4x128xf32, #tpu.memory_space<vmem>>
          %dma_wait3A_284 = arith.constant 0 : i32
          %dma_wait3A_285 = tpu.memref_slice %arg4[%add3A, %dma_wait3A_284] : memref<2560x128xf32, #tpu.memory_space<hbm>> -> memref<4x128xf32, #tpu.memory_space<hbm>>
          tpu.wait_dma2 semaphore(%arg19 : memref<!tpu.dma_semaphore, #tpu.memory_space<semaphore_mem>>) src(%dma_wait3A_285 : memref<4x128xf32, #tpu.memory_space<hbm>>) dst(%dma_wait3A_283 : memref<4x128xf32, #tpu.memory_space<vmem>>)
          %dma_wait3A_286 = arith.constant 0 : i32
          %dma_wait3A_287 = tpu.memref_slice %arg11[%select_n3A_145, %mul3A_173, %dma_wait3A_286] : memref<2x4x128xi32, #tpu.memory_space<vmem>> -> memref<1x1x128xi32, #tpu.memory_space<vmem>>
          %dma_wait3A_288 = tpu.memref_squeeze %dma_wait3A_287 : memref<1x1x128xi32, #tpu.memory_space<vmem>> -> memref<128xi32, #tpu.memory_space<vmem>>
          %dma_wait3A_289 = arith.constant 0 : i32
          %dma_wait3A_290 = arith.constant 0 : i32
          %dma_wait3A_291 = tpu.memref_slice %arg8[%dma_wait3A_289, %dma_wait3A_290] : memref<10240x128xf32, #tpu.memory_space<vmem_shared>> -> memref<10240x128xf32, #tpu.memory_space<vmem_shared>>
          tpu.wait_indirect_dma semaphore(%arg17 : memref<!tpu.dma_semaphore, #tpu.memory_space<semaphore_mem>>) src(%arg13 : memref<128x128xf32, #tpu.memory_space<vmem>>) dst(%dma_wait3A_291 : memref<10240x128xf32, #tpu.memory_space<vmem_shared>>)
          %add3A_292 = arith.constant 1 : i32
          %add3A_293 = arith.addi %scan3A_135, %add3A_292 : i32
          %jit3A_294 = arith.constant 2 : i32
          %eq3A_295 = arith.constant 0 : i32
          %eq3A_296 = arith.cmpi eq, %jit3A_294, %eq3A_295 : i32
          %jit3A_297 = arith.constant 1 : i32
          %select_n3A_298 = arith.select %eq3A_296, %jit3A_297, %jit3A_294 : i32
          %rem3A_299 = arith.remsi %add3A_293, %select_n3A_298 : i32
          %ne3A_300 = arith.constant 0 : i32
          %ne3A_301 = arith.cmpi ne, %rem3A_299, %ne3A_300 : i32
          %lt3A_302 = arith.constant 0 : i32
          %lt3A_303 = arith.cmpi slt, %rem3A_299, %lt3A_302 : i32
          %lt3A_304 = arith.constant 0 : i32
          %lt3A_305 = arith.cmpi slt, %select_n3A_298, %lt3A_304 : i32
          %ne3A_306 = arith.xori %lt3A_303, %lt3A_305 : i1
          %and3A_307 = arith.andi %ne3A_306, %ne3A_301 : i1
          %add3A_308 = arith.addi %rem3A_299, %select_n3A_298 : i32
          %select_n3A_309 = arith.select %and3A_307, %add3A_308, %rem3A_299 : i32
          %dma_start3A_310 = arith.constant 0 : i32
          %dma_start3A_311 = arith.constant 0 : i32
          %dma_start3A_312 = tpu.memref_slice %arg10[%select_n3A_309, %dma_start3A_310, %dma_start3A_311] : memref<2x4x128xi32, #tpu.memory_space<vmem>> -> memref<1x1x128xi32, #tpu.memory_space<vmem>>
          %dma_start3A_313 = tpu.memref_squeeze %dma_start3A_312 : memref<1x1x128xi32, #tpu.memory_space<vmem>> -> memref<128xi32, #tpu.memory_space<vmem>>
          %dma_start3A_314 = arith.constant 0 : i32
          %dma_start3A_315 = arith.constant 0 : i32
          %dma_start3A_316 = tpu.memref_slice %arg5[%dma_start3A_314, %dma_start3A_315] : memref<10240x128xf32, #tpu.memory_space<hbm>> -> memref<10240x128xf32, #tpu.memory_space<hbm>>
          tpu.enqueue_indirect_dma source(%dma_start3A_316 : memref<10240x128xf32, #tpu.memory_space<hbm>>) target(%arg13 : memref<128x128xf32, #tpu.memory_space<vmem>>) offsets(%dma_start3A_313 : memref<128xi32, #tpu.memory_space<vmem>>) semaphore(%arg15 : memref<!tpu.dma_semaphore, #tpu.memory_space<semaphore_mem>>)
        } else {
        }
        %add3A_221 = arith.constant 1 : i32
        %add3A_222 = arith.addi %mul3A_173, %add3A_221 : i32
        %dma_wait3A_223 = arith.constant 0 : i32
        %dma_wait3A_224 = tpu.memref_slice %arg10[%select_n3A_145, %add3A_222, %dma_wait3A_223] : memref<2x4x128xi32, #tpu.memory_space<vmem>> -> memref<1x1x128xi32, #tpu.memory_space<vmem>>
        %dma_wait3A_225 = tpu.memref_squeeze %dma_wait3A_224 : memref<1x1x128xi32, #tpu.memory_space<vmem>> -> memref<128xi32, #tpu.memory_space<vmem>>
        %dma_wait3A_226 = arith.constant 0 : i32
        %dma_wait3A_227 = arith.constant 0 : i32
        %dma_wait3A_228 = tpu.memref_slice %arg5[%dma_wait3A_226, %dma_wait3A_227] : memref<10240x128xf32, #tpu.memory_space<hbm>> -> memref<10240x128xf32, #tpu.memory_space<hbm>>
        tpu.wait_indirect_dma semaphore(%arg16 : memref<!tpu.dma_semaphore, #tpu.memory_space<semaphore_mem>>) src(%dma_wait3A_228 : memref<10240x128xf32, #tpu.memory_space<hbm>>) dst(%arg14 : memref<128x128xf32, #tpu.memory_space<vmem>>)
        %add3A_229 = arith.constant 1 : i32
        %add3A_230 = arith.addi %mul3A_173, %add3A_229 : i32
        %scan3A_231 = arith.constant 0 : i32
        %scan3A_232 = arith.constant 0 : i32
        %scan3A_233 = arith.constant 8 : i32
        %scan3A_234 = arith.addi %scan3A_232, %scan3A_233 : i32
        %scan3A_235 = arith.constant 1 : i32
        %scan3A_236 = scf.for %scan3A_247 = %scan3A_232 to %scan3A_234 step %scan3A_235 iter_args(%scan3A_248 = %scan3A_231) -> (i32)  : i32 {
          %mul3A_249 = arith.constant 16 : i32
          %mul3A_250 = arith.muli %scan3A_247, %mul3A_249 : i32
          %get3A = arith.index_cast %select_n3A_145 : i32 to index
          %get3A_251 = arith.index_cast %add3A_230 : i32 to index
          %get3A_252 = arith.index_cast %mul3A_250 : i32 to index
          %get3A_253 = tpu.vector_load %arg12[%get3A, %get3A_251, %get3A_252] {strides = array<i32>} : memref<2x4x128xf32, #tpu.memory_space<vmem>>, vector<16xf32>,
          %slice3A = vector.extract_strided_slice %get3A_253 {offsets = [0], sizes = [1], strides = [1]} : vector<16xf32> to vector<1xf32>
          %squeeze3A = vector.extract %slice3A[0] : f32 from vector<1xf32>
          %mul3A_254 = arith.constant 16 : i32
          %mul3A_255 = arith.muli %scan3A_247, %mul3A_254 : i32
          %add3A_256 = arith.constant 0 : i32
          %add3A_257 = arith.addi %mul3A_255, %add3A_256 : i32
          %get3A_258 = arith.index_cast %add3A_257 : i32 to index
          %get3A_259 = arith.constant 0 : index
          %get3A_260 = tpu.vector_load %arg14[%get3A_258, %get3A_259] {strides = array<i32>} : memref<128x128xf32, #tpu.memory_space<vmem>>, vector<16xf32>,
          %mul3A_261 = vector.broadcast %squeeze3A : f32 to vector<16xf32>
          %mul3A_262 = arith.mulf %get3A_260, %mul3A_261 : vector<16xf32>
          %swap3A = arith.index_cast %add3A_257 : i32 to index
          %swap3A_263 = arith.constant 0 : index
          %swap3A_264 = tpu.vector_load %arg14[%swap3A, %swap3A_263] {strides = array<i32>} : memref<128x128xf32, #tpu.memory_space<vmem>>, vector<16xf32>,
          tpu.vector_store %arg14[%swap3A, %swap3A_263], %mul3A_262 {strides = array<i32>} : memref<128x128xf32, #tpu.memory_space<vmem>>, vector<16xf32>,
          %get3A_265 = arith.index_cast %add3A_257 : i32 to index
          %get3A_266 = arith.constant 16 : index
          %get3A_267 = tpu.vector_load %arg14[%get3A_265, %get3A_266] {strides = array<i32>} : memref<128x128xf32, #tpu.memory_space<vmem>>, vector<16xf32>,
          %mul3A_268 = vector.broadcast %squeeze3A : f32 to vector<16xf32>
          %mul3A_269 = arith.mulf %get3A_267, %mul3A_268 : vector<16xf32>
          %swap3A_270 = arith.index_cast %add3A_257 : i32 to index
          %swap3A_271 = arith.constant 16 : index
          %swap3A_272 = tpu.vector_load %arg14[%swap3A_270, %swap3A_271] {strides = array<i32>} : memref<128x128xf32, #tpu.memory_space<vmem>>, vector<16xf32>,
          tpu.vector_store %arg14[%swap3A_270, %swap3A_271], %mul3A_269 {strides = array<i32>} : memref<128x128xf32, #tpu.memory_space<vmem>>, vector<16xf32>,
          %get3A_273 = arith.index_cast %add3A_257 : i32 to index
          %get3A_274 = arith.constant 32 : index
          %get3A_275 = tpu.vector_load %arg14[%get3A_273, %get3A_274] {strides = array<i32>} : memref<128x128xf32, #tpu.memory_space<vmem>>, vector<16xf32>,
          %mul3A_276 = vector.broadcast %squeeze3A : f32 to vector<16xf32>
          %mul3A_277 = arith.mulf %get3A_275, %mul3A_276 : vector<16xf32>
          %swap3A_278 = arith.index_cast %add3A_257 : i32 to index
          %swap3A_279 = arith.constant 32 : index
          %swap3A_280 = tpu.vector_load %arg14[%swap3A_278, %swap3A_279] {strides = array<i32>} : memref<128x128xf32, #tpu.memory_space<vmem>>, vector<16xf32>,
          tpu.vector_store %arg14[%swap3A_278, %swap3A_279], %mul3A_277 {strides = array<i32>} : memref<128x128xf32, #tpu.memory_space<vmem>>, vector<16xf32>,
          %get3A_281 = arith.index_cast %add3A_257 : i32 to index
          %get3A_282 = arith.constant 48 : index
          %get3A_283 = tpu.vector_load %arg14[%get3A_281, %get3A_282] {strides = array<i32>} : memref<128x128xf32, #tpu.memory_space<vmem>>, vector<16xf32>,
          %mul3A_284 = vector.broadcast %squeeze3A : f32 to vector<16xf32>
          %mul3A_285 = arith.mulf %get3A_283, %mul3A_284 : vector<16xf32>
          %swap3A_286 = arith.index_cast %add3A_257 : i32 to index
          %swap3A_287 = arith.constant 48 : index
          %swap3A_288 = tpu.vector_load %arg14[%swap3A_286, %swap3A_287] {strides = array<i32>} : memref<128x128xf32, #tpu.memory_space<vmem>>, vector<16xf32>,
          tpu.vector_store %arg14[%swap3A_286, %swap3A_287], %mul3A_285 {strides = array<i32>} : memref<128x128xf32, #tpu.memory_space<vmem>>, vector<16xf32>,
          %get3A_289 = arith.index_cast %add3A_257 : i32 to index
          %get3A_290 = arith.constant 64 : index
          %get3A_291 = tpu.vector_load %arg14[%get3A_289, %get3A_290] {strides = array<i32>} : memref<128x128xf32, #tpu.memory_space<vmem>>, vector<16xf32>,
          %mul3A_292 = vector.broadcast %squeeze3A : f32 to vector<16xf32>
          %mul3A_293 = arith.mulf %get3A_291, %mul3A_292 : vector<16xf32>
          %swap3A_294 = arith.index_cast %add3A_257 : i32 to index
          %swap3A_295 = arith.constant 64 : index
          %swap3A_296 = tpu.vector_load %arg14[%swap3A_294, %swap3A_295] {strides = array<i32>} : memref<128x128xf32, #tpu.memory_space<vmem>>, vector<16xf32>,
          tpu.vector_store %arg14[%swap3A_294, %swap3A_295], %mul3A_293 {strides = array<i32>} : memref<128x128xf32, #tpu.memory_space<vmem>>, vector<16xf32>,
          %get3A_297 = arith.index_cast %add3A_257 : i32 to index
          %get3A_298 = arith.constant 80 : index
          %get3A_299 = tpu.vector_load %arg14[%get3A_297, %get3A_298] {strides = array<i32>} : memref<128x128xf32, #tpu.memory_space<vmem>>, vector<16xf32>,
          %mul3A_300 = vector.broadcast %squeeze3A : f32 to vector<16xf32>
          %mul3A_301 = arith.mulf %get3A_299, %mul3A_300 : vector<16xf32>
          %swap3A_302 = arith.index_cast %add3A_257 : i32 to index
          %swap3A_303 = arith.constant 80 : index
          %swap3A_304 = tpu.vector_load %arg14[%swap3A_302, %swap3A_303] {strides = array<i32>} : memref<128x128xf32, #tpu.memory_space<vmem>>, vector<16xf32>,
          tpu.vector_store %arg14[%swap3A_302, %swap3A_303], %mul3A_301 {strides = array<i32>} : memref<128x128xf32, #tpu.memory_space<vmem>>, vector<16xf32>,
          %get3A_305 = arith.index_cast %add3A_257 : i32 to index
          %get3A_306 = arith.constant 96 : index
          %get3A_307 = tpu.vector_load %arg14[%get3A_305, %get3A_306] {strides = array<i32>} : memref<128x128xf32, #tpu.memory_space<vmem>>, vector<16xf32>,
          %mul3A_308 = vector.broadcast %squeeze3A : f32 to vector<16xf32>
          %mul3A_309 = arith.mulf %get3A_307, %mul3A_308 : vector<16xf32>
          %swap3A_310 = arith.index_cast %add3A_257 : i32 to index
          %swap3A_311 = arith.constant 96 : index
          %swap3A_312 = tpu.vector_load %arg14[%swap3A_310, %swap3A_311] {strides = array<i32>} : memref<128x128xf32, #tpu.memory_space<vmem>>, vector<16xf32>,
          tpu.vector_store %arg14[%swap3A_310, %swap3A_311], %mul3A_309 {strides = array<i32>} : memref<128x128xf32, #tpu.memory_space<vmem>>, vector<16xf32>,
          %get3A_313 = arith.index_cast %add3A_257 : i32 to index
          %get3A_314 = arith.constant 112 : index
          %get3A_315 = tpu.vector_load %arg14[%get3A_313, %get3A_314] {strides = array<i32>} : memref<128x128xf32, #tpu.memory_space<vmem>>, vector<16xf32>,
          %mul3A_316 = vector.broadcast %squeeze3A : f32 to vector<16xf32>
          %mul3A_317 = arith.mulf %get3A_315, %mul3A_316 : vector<16xf32>
          %swap3A_318 = arith.index_cast %add3A_257 : i32 to index
          %swap3A_319 = arith.constant 112 : index
          %swap3A_320 = tpu.vector_load %arg14[%swap3A_318, %swap3A_319] {strides = array<i32>} : memref<128x128xf32, #tpu.memory_space<vmem>>, vector<16xf32>,
          tpu.vector_store %arg14[%swap3A_318, %swap3A_319], %mul3A_317 {strides = array<i32>} : memref<128x128xf32, #tpu.memory_space<vmem>>, vector<16xf32>,
          %slice3A_321 = vector.extract_strided_slice %get3A_253 {offsets = [1], sizes = [1], strides = [1]} : vector<16xf32> to vector<1xf32>
          %squeeze3A_322 = vector.extract %slice3A_321[0] : f32 from vector<1xf32>
          %mul3A_323 = arith.constant 16 : i32
          %mul3A_324 = arith.muli %scan3A_247, %mul3A_323 : i32
          %add3A_325 = arith.constant 1 : i32
          %add3A_326 = arith.addi %mul3A_324, %add3A_325 : i32
          %get3A_327 = arith.index_cast %add3A_326 : i32 to index
          %get3A_328 = arith.constant 0 : index
          %get3A_329 = tpu.vector_load %arg14[%get3A_327, %get3A_328] {strides = array<i32>} : memref<128x128xf32, #tpu.memory_space<vmem>>, vector<16xf32>,
          %mul3A_330 = vector.broadcast %squeeze3A_322 : f32 to vector<16xf32>
          %mul3A_331 = arith.mulf %get3A_329, %mul3A_330 : vector<16xf32>
          %swap3A_332 = arith.index_cast %add3A_326 : i32 to index
          %swap3A_333 = arith.constant 0 : index
          %swap3A_334 = tpu.vector_load %arg14[%swap3A_332, %swap3A_333] {strides = array<i32>} : memref<128x128xf32, #tpu.memory_space<vmem>>, vector<16xf32>,
          tpu.vector_store %arg14[%swap3A_332, %swap3A_333], %mul3A_331 {strides = array<i32>} : memref<128x128xf32, #tpu.memory_space<vmem>>, vector<16xf32>,
          %get3A_335 = arith.index_cast %add3A_326 : i32 to index
          %get3A_336 = arith.constant 16 : index
          %get3A_337 = tpu.vector_load %arg14[%get3A_335, %get3A_336] {strides = array<i32>} : memref<128x128xf32, #tpu.memory_space<vmem>>, vector<16xf32>,
          %mul3A_338 = vector.broadcast %squeeze3A_322 : f32 to vector<16xf32>
          %mul3A_339 = arith.mulf %get3A_337, %mul3A_338 : vector<16xf32>
          %swap3A_340 = arith.index_cast %add3A_326 : i32 to index
          %swap3A_341 = arith.constant 16 : index
          %swap3A_342 = tpu.vector_load %arg14[%swap3A_340, %swap3A_341] {strides = array<i32>} : memref<128x128xf32, #tpu.memory_space<vmem>>, vector<16xf32>,
          tpu.vector_store %arg14[%swap3A_340, %swap3A_341], %mul3A_339 {strides = array<i32>} : memref<128x128xf32, #tpu.memory_space<vmem>>, vector<16xf32>,
          %get3A_343 = arith.index_cast %add3A_326 : i32 to index
          %get3A_344 = arith.constant 32 : index
          %get3A_345 = tpu.vector_load %arg14[%get3A_343, %get3A_344] {strides = array<i32>} : memref<128x128xf32, #tpu.memory_space<vmem>>, vector<16xf32>,
          %mul3A_346 = vector.broadcast %squeeze3A_322 : f32 to vector<16xf32>
          %mul3A_347 = arith.mulf %get3A_345, %mul3A_346 : vector<16xf32>
          %swap3A_348 = arith.index_cast %add3A_326 : i32 to index
          %swap3A_349 = arith.constant 32 : index
          %swap3A_350 = tpu.vector_load %arg14[%swap3A_348, %swap3A_349] {strides = array<i32>} : memref<128x128xf32, #tpu.memory_space<vmem>>, vector<16xf32>,
          tpu.vector_store %arg14[%swap3A_348, %swap3A_349], %mul3A_347 {strides = array<i32>} : memref<128x128xf32, #tpu.memory_space<vmem>>, vector<16xf32>,
          %get3A_351 = arith.index_cast %add3A_326 : i32 to index
          %get3A_352 = arith.constant 48 : index
          %get3A_353 = tpu.vector_load %arg14[%get3A_351, %get3A_352] {strides = array<i32>} : memref<128x128xf32, #tpu.memory_space<vmem>>, vector<16xf32>,
          %mul3A_354 = vector.broadcast %squeeze3A_322 : f32 to vector<16xf32>
          %mul3A_355 = arith.mulf %get3A_353, %mul3A_354 : vector<16xf32>
          %swap3A_356 = arith.index_cast %add3A_326 : i32 to index
          %swap3A_357 = arith.constant 48 : index
          %swap3A_358 = tpu.vector_load %arg14[%swap3A_356, %swap3A_357] {strides = array<i32>} : memref<128x128xf32, #tpu.memory_space<vmem>>, vector<16xf32>,
          tpu.vector_store %arg14[%swap3A_356, %swap3A_357], %mul3A_355 {strides = array<i32>} : memref<128x128xf32, #tpu.memory_space<vmem>>, vector<16xf32>,
          %get3A_359 = arith.index_cast %add3A_326 : i32 to index
          %get3A_360 = arith.constant 64 : index
          %get3A_361 = tpu.vector_load %arg14[%get3A_359, %get3A_360] {strides = array<i32>} : memref<128x128xf32, #tpu.memory_space<vmem>>, vector<16xf32>,
          %mul3A_362 = vector.broadcast %squeeze3A_322 : f32 to vector<16xf32>
          %mul3A_363 = arith.mulf %get3A_361, %mul3A_362 : vector<16xf32>
          %swap3A_364 = arith.index_cast %add3A_326 : i32 to index
          %swap3A_365 = arith.constant 64 : index
          %swap3A_366 = tpu.vector_load %arg14[%swap3A_364, %swap3A_365] {strides = array<i32>} : memref<128x128xf32, #tpu.memory_space<vmem>>, vector<16xf32>,
          tpu.vector_store %arg14[%swap3A_364, %swap3A_365], %mul3A_363 {strides = array<i32>} : memref<128x128xf32, #tpu.memory_space<vmem>>, vector<16xf32>,
          %get3A_367 = arith.index_cast %add3A_326 : i32 to index
          %get3A_368 = arith.constant 80 : index
          %get3A_369 = tpu.vector_load %arg14[%get3A_367, %get3A_368] {strides = array<i32>} : memref<128x128xf32, #tpu.memory_space<vmem>>, vector<16xf32>,
          %mul3A_370 = vector.broadcast %squeeze3A_322 : f32 to vector<16xf32>
          %mul3A_371 = arith.mulf %get3A_369, %mul3A_370 : vector<16xf32>
          %swap3A_372 = arith.index_cast %add3A_326 : i32 to index
          %swap3A_373 = arith.constant 80 : index
          %swap3A_374 = tpu.vector_load %arg14[%swap3A_372, %swap3A_373] {strides = array<i32>} : memref<128x128xf32, #tpu.memory_space<vmem>>, vector<16xf32>,
          tpu.vector_store %arg14[%swap3A_372, %swap3A_373], %mul3A_371 {strides = array<i32>} : memref<128x128xf32, #tpu.memory_space<vmem>>, vector<16xf32>,
          %get3A_375 = arith.index_cast %add3A_326 : i32 to index
          %get3A_376 = arith.constant 96 : index
          %get3A_377 = tpu.vector_load %arg14[%get3A_375, %get3A_376] {strides = array<i32>} : memref<128x128xf32, #tpu.memory_space<vmem>>, vector<16xf32>,
          %mul3A_378 = vector.broadcast %squeeze3A_322 : f32 to vector<16xf32>
          %mul3A_379 = arith.mulf %get3A_377, %mul3A_378 : vector<16xf32>
          %swap3A_380 = arith.index_cast %add3A_326 : i32 to index
          %swap3A_381 = arith.constant 96 : index
          %swap3A_382 = tpu.vector_load %arg14[%swap3A_380, %swap3A_381] {strides = array<i32>} : memref<128x128xf32, #tpu.memory_space<vmem>>, vector<16xf32>,
          tpu.vector_store %arg14[%swap3A_380, %swap3A_381], %mul3A_379 {strides = array<i32>} : memref<128x128xf32, #tpu.memory_space<vmem>>, vector<16xf32>,
          %get3A_383 = arith.index_cast %add3A_326 : i32 to index
          %get3A_384 = arith.constant 112 : index
          %get3A_385 = tpu.vector_load %arg14[%get3A_383, %get3A_384] {strides = array<i32>} : memref<128x128xf32, #tpu.memory_space<vmem>>, vector<16xf32>,
          %mul3A_386 = vector.broadcast %squeeze3A_322 : f32 to vector<16xf32>
          %mul3A_387 = arith.mulf %get3A_385, %mul3A_386 : vector<16xf32>
          %swap3A_388 = arith.index_cast %add3A_326 : i32 to index
          %swap3A_389 = arith.constant 112 : index
          %swap3A_390 = tpu.vector_load %arg14[%swap3A_388, %swap3A_389] {strides = array<i32>} : memref<128x128xf32, #tpu.memory_space<vmem>>, vector<16xf32>,
          tpu.vector_store %arg14[%swap3A_388, %swap3A_389], %mul3A_387 {strides = array<i32>} : memref<128x128xf32, #tpu.memory_space<vmem>>, vector<16xf32>,
          %slice3A_391 = vector.extract_strided_slice %get3A_253 {offsets = [2], sizes = [1], strides = [1]} : vector<16xf32> to vector<1xf32>
          %squeeze3A_392 = vector.extract %slice3A_391[0] : f32 from vector<1xf32>
          %mul3A_393 = arith.constant 16 : i32
          %mul3A_394 = arith.muli %scan3A_247, %mul3A_393 : i32
          %add3A_395 = arith.constant 2 : i32
          %add3A_396 = arith.addi %mul3A_394, %add3A_395 : i32
          %get3A_397 = arith.index_cast %add3A_396 : i32 to index
          %get3A_398 = arith.constant 0 : index
          %get3A_399 = tpu.vector_load %arg14[%get3A_397, %get3A_398] {strides = array<i32>} : memref<128x128xf32, #tpu.memory_space<vmem>>, vector<16xf32>,
          %mul3A_400 = vector.broadcast %squeeze3A_392 : f32 to vector<16xf32>
          %mul3A_401 = arith.mulf %get3A_399, %mul3A_400 : vector<16xf32>
          %swap3A_402 = arith.index_cast %add3A_396 : i32 to index
          %swap3A_403 = arith.constant 0 : index
          %swap3A_404 = tpu.vector_load %arg14[%swap3A_402, %swap3A_403] {strides = array<i32>} : memref<128x128xf32, #tpu.memory_space<vmem>>, vector<16xf32>,
          tpu.vector_store %arg14[%swap3A_402, %swap3A_403], %mul3A_401 {strides = array<i32>} : memref<128x128xf32, #tpu.memory_space<vmem>>, vector<16xf32>,
          %get3A_405 = arith.index_cast %add3A_396 : i32 to index
          %get3A_406 = arith.constant 16 : index
          %get3A_407 = tpu.vector_load %arg14[%get3A_405, %get3A_406] {strides = array<i32>} : memref<128x128xf32, #tpu.memory_space<vmem>>, vector<16xf32>,
          %mul3A_408 = vector.broadcast %squeeze3A_392 : f32 to vector<16xf32>
          %mul3A_409 = arith.mulf %get3A_407, %mul3A_408 : vector<16xf32>
          %swap3A_410 = arith.index_cast %add3A_396 : i32 to index
          %swap3A_411 = arith.constant 16 : index
          %swap3A_412 = tpu.vector_load %arg14[%swap3A_410, %swap3A_411] {strides = array<i32>} : memref<128x128xf32, #tpu.memory_space<vmem>>, vector<16xf32>,
          tpu.vector_store %arg14[%swap3A_410, %swap3A_411], %mul3A_409 {strides = array<i32>} : memref<128x128xf32, #tpu.memory_space<vmem>>, vector<16xf32>,
          %get3A_413 = arith.index_cast %add3A_396 : i32 to index
          %get3A_414 = arith.constant 32 : index
          %get3A_415 = tpu.vector_load %arg14[%get3A_413, %get3A_414] {strides = array<i32>} : memref<128x128xf32, #tpu.memory_space<vmem>>, vector<16xf32>,
          %mul3A_416 = vector.broadcast %squeeze3A_392 : f32 to vector<16xf32>
          %mul3A_417 = arith.mulf %get3A_415, %mul3A_416 : vector<16xf32>
          %swap3A_418 = arith.index_cast %add3A_396 : i32 to index
          %swap3A_419 = arith.constant 32 : index
          %swap3A_420 = tpu.vector_load %arg14[%swap3A_418, %swap3A_419] {strides = array<i32>} : memref<128x128xf32, #tpu.memory_space<vmem>>, vector<16xf32>,
          tpu.vector_store %arg14[%swap3A_418, %swap3A_419], %mul3A_417 {strides = array<i32>} : memref<128x128xf32, #tpu.memory_space<vmem>>, vector<16xf32>,
          %get3A_421 = arith.index_cast %add3A_396 : i32 to index
          %get3A_422 = arith.constant 48 : index
          %get3A_423 = tpu.vector_load %arg14[%get3A_421, %get3A_422] {strides = array<i32>} : memref<128x128xf32, #tpu.memory_space<vmem>>, vector<16xf32>,
          %mul3A_424 = vector.broadcast %squeeze3A_392 : f32 to vector<16xf32>
          %mul3A_425 = arith.mulf %get3A_423, %mul3A_424 : vector<16xf32>
          %swap3A_426 = arith.index_cast %add3A_396 : i32 to index
          %swap3A_427 = arith.constant 48 : index
          %swap3A_428 = tpu.vector_load %arg14[%swap3A_426, %swap3A_427] {strides = array<i32>} : memref<128x128xf32, #tpu.memory_space<vmem>>, vector<16xf32>,
          tpu.vector_store %arg14[%swap3A_426, %swap3A_427], %mul3A_425 {strides = array<i32>} : memref<128x128xf32, #tpu.memory_space<vmem>>, vector<16xf32>,
          %get3A_429 = arith.index_cast %add3A_396 : i32 to index
          %get3A_430 = arith.constant 64 : index
          %get3A_431 = tpu.vector_load %arg14[%get3A_429, %get3A_430] {strides = array<i32>} : memref<128x128xf32, #tpu.memory_space<vmem>>, vector<16xf32>,
          %mul3A_432 = vector.broadcast %squeeze3A_392 : f32 to vector<16xf32>
          %mul3A_433 = arith.mulf %get3A_431, %mul3A_432 : vector<16xf32>
          %swap3A_434 = arith.index_cast %add3A_396 : i32 to index
          %swap3A_435 = arith.constant 64 : index
          %swap3A_436 = tpu.vector_load %arg14[%swap3A_434, %swap3A_435] {strides = array<i32>} : memref<128x128xf32, #tpu.memory_space<vmem>>, vector<16xf32>,
          tpu.vector_store %arg14[%swap3A_434, %swap3A_435], %mul3A_433 {strides = array<i32>} : memref<128x128xf32, #tpu.memory_space<vmem>>, vector<16xf32>,
          %get3A_437 = arith.index_cast %add3A_396 : i32 to index
          %get3A_438 = arith.constant 80 : index
          %get3A_439 = tpu.vector_load %arg14[%get3A_437, %get3A_438] {strides = array<i32>} : memref<128x128xf32, #tpu.memory_space<vmem>>, vector<16xf32>,
          %mul3A_440 = vector.broadcast %squeeze3A_392 : f32 to vector<16xf32>
          %mul3A_441 = arith.mulf %get3A_439, %mul3A_440 : vector<16xf32>
          %swap3A_442 = arith.index_cast %add3A_396 : i32 to index
          %swap3A_443 = arith.constant 80 : index
          %swap3A_444 = tpu.vector_load %arg14[%swap3A_442, %swap3A_443] {strides = array<i32>} : memref<128x128xf32, #tpu.memory_space<vmem>>, vector<16xf32>,
          tpu.vector_store %arg14[%swap3A_442, %swap3A_443], %mul3A_441 {strides = array<i32>} : memref<128x128xf32, #tpu.memory_space<vmem>>, vector<16xf32>,
          %get3A_445 = arith.index_cast %add3A_396 : i32 to index
          %get3A_446 = arith.constant 96 : index
          %get3A_447 = tpu.vector_load %arg14[%get3A_445, %get3A_446] {strides = array<i32>} : memref<128x128xf32, #tpu.memory_space<vmem>>, vector<16xf32>,
          %mul3A_448 = vector.broadcast %squeeze3A_392 : f32 to vector<16xf32>
          %mul3A_449 = arith.mulf %get3A_447, %mul3A_448 : vector<16xf32>
          %swap3A_450 = arith.index_cast %add3A_396 : i32 to index
          %swap3A_451 = arith.constant 96 : index
          %swap3A_452 = tpu.vector_load %arg14[%swap3A_450, %swap3A_451] {strides = array<i32>} : memref<128x128xf32, #tpu.memory_space<vmem>>, vector<16xf32>,
          tpu.vector_store %arg14[%swap3A_450, %swap3A_451], %mul3A_449 {strides = array<i32>} : memref<128x128xf32, #tpu.memory_space<vmem>>, vector<16xf32>,
          %get3A_453 = arith.index_cast %add3A_396 : i32 to index
          %get3A_454 = arith.constant 112 : index
          %get3A_455 = tpu.vector_load %arg14[%get3A_453, %get3A_454] {strides = array<i32>} : memref<128x128xf32, #tpu.memory_space<vmem>>, vector<16xf32>,
          %mul3A_456 = vector.broadcast %squeeze3A_392 : f32 to vector<16xf32>
          %mul3A_457 = arith.mulf %get3A_455, %mul3A_456 : vector<16xf32>
          %swap3A_458 = arith.index_cast %add3A_396 : i32 to index
          %swap3A_459 = arith.constant 112 : index
          %swap3A_460 = tpu.vector_load %arg14[%swap3A_458, %swap3A_459] {strides = array<i32>} : memref<128x128xf32, #tpu.memory_space<vmem>>, vector<16xf32>,
          tpu.vector_store %arg14[%swap3A_458, %swap3A_459], %mul3A_457 {strides = array<i32>} : memref<128x128xf32, #tpu.memory_space<vmem>>, vector<16xf32>,
          %slice3A_461 = vector.extract_strided_slice %get3A_253 {offsets = [3], sizes = [1], strides = [1]} : vector<16xf32> to vector<1xf32>
          %squeeze3A_462 = vector.extract %slice3A_461[0] : f32 from vector<1xf32>
          %mul3A_463 = arith.constant 16 : i32
          %mul3A_464 = arith.muli %scan3A_247, %mul3A_463 : i32
          %add3A_465 = arith.constant 3 : i32
          %add3A_466 = arith.addi %mul3A_464, %add3A_465 : i32
          %get3A_467 = arith.index_cast %add3A_466 : i32 to index
          %get3A_468 = arith.constant 0 : index
          %get3A_469 = tpu.vector_load %arg14[%get3A_467, %get3A_468] {strides = array<i32>} : memref<128x128xf32, #tpu.memory_space<vmem>>, vector<16xf32>,
          %mul3A_470 = vector.broadcast %squeeze3A_462 : f32 to vector<16xf32>
          %mul3A_471 = arith.mulf %get3A_469, %mul3A_470 : vector<16xf32>
          %swap3A_472 = arith.index_cast %add3A_466 : i32 to index
          %swap3A_473 = arith.constant 0 : index
          %swap3A_474 = tpu.vector_load %arg14[%swap3A_472, %swap3A_473] {strides = array<i32>} : memref<128x128xf32, #tpu.memory_space<vmem>>, vector<16xf32>,
          tpu.vector_store %arg14[%swap3A_472, %swap3A_473], %mul3A_471 {strides = array<i32>} : memref<128x128xf32, #tpu.memory_space<vmem>>, vector<16xf32>,
          %get3A_475 = arith.index_cast %add3A_466 : i32 to index
          %get3A_476 = arith.constant 16 : index
          %get3A_477 = tpu.vector_load %arg14[%get3A_475, %get3A_476] {strides = array<i32>} : memref<128x128xf32, #tpu.memory_space<vmem>>, vector<16xf32>,
          %mul3A_478 = vector.broadcast %squeeze3A_462 : f32 to vector<16xf32>
          %mul3A_479 = arith.mulf %get3A_477, %mul3A_478 : vector<16xf32>
          %swap3A_480 = arith.index_cast %add3A_466 : i32 to index
          %swap3A_481 = arith.constant 16 : index
          %swap3A_482 = tpu.vector_load %arg14[%swap3A_480, %swap3A_481] {strides = array<i32>} : memref<128x128xf32, #tpu.memory_space<vmem>>, vector<16xf32>,
          tpu.vector_store %arg14[%swap3A_480, %swap3A_481], %mul3A_479 {strides = array<i32>} : memref<128x128xf32, #tpu.memory_space<vmem>>, vector<16xf32>,
          %get3A_483 = arith.index_cast %add3A_466 : i32 to index
          %get3A_484 = arith.constant 32 : index
          %get3A_485 = tpu.vector_load %arg14[%get3A_483, %get3A_484] {strides = array<i32>} : memref<128x128xf32, #tpu.memory_space<vmem>>, vector<16xf32>,
          %mul3A_486 = vector.broadcast %squeeze3A_462 : f32 to vector<16xf32>
          %mul3A_487 = arith.mulf %get3A_485, %mul3A_486 : vector<16xf32>
          %swap3A_488 = arith.index_cast %add3A_466 : i32 to index
          %swap3A_489 = arith.constant 32 : index
          %swap3A_490 = tpu.vector_load %arg14[%swap3A_488, %swap3A_489] {strides = array<i32>} : memref<128x128xf32, #tpu.memory_space<vmem>>, vector<16xf32>,
          tpu.vector_store %arg14[%swap3A_488, %swap3A_489], %mul3A_487 {strides = array<i32>} : memref<128x128xf32, #tpu.memory_space<vmem>>, vector<16xf32>,
          %get3A_491 = arith.index_cast %add3A_466 : i32 to index
          %get3A_492 = arith.constant 48 : index
          %get3A_493 = tpu.vector_load %arg14[%get3A_491, %get3A_492] {strides = array<i32>} : memref<128x128xf32, #tpu.memory_space<vmem>>, vector<16xf32>,
          %mul3A_494 = vector.broadcast %squeeze3A_462 : f32 to vector<16xf32>
          %mul3A_495 = arith.mulf %get3A_493, %mul3A_494 : vector<16xf32>
          %swap3A_496 = arith.index_cast %add3A_466 : i32 to index
          %swap3A_497 = arith.constant 48 : index
          %swap3A_498 = tpu.vector_load %arg14[%swap3A_496, %swap3A_497] {strides = array<i32>} : memref<128x128xf32, #tpu.memory_space<vmem>>, vector<16xf32>,
          tpu.vector_store %arg14[%swap3A_496, %swap3A_497], %mul3A_495 {strides = array<i32>} : memref<128x128xf32, #tpu.memory_space<vmem>>, vector<16xf32>,
          %get3A_499 = arith.index_cast %add3A_466 : i32 to index
          %get3A_500 = arith.constant 64 : index
          %get3A_501 = tpu.vector_load %arg14[%get3A_499, %get3A_500] {strides = array<i32>} : memref<128x128xf32, #tpu.memory_space<vmem>>, vector<16xf32>,
          %mul3A_502 = vector.broadcast %squeeze3A_462 : f32 to vector<16xf32>
          %mul3A_503 = arith.mulf %get3A_501, %mul3A_502 : vector<16xf32>
          %swap3A_504 = arith.index_cast %add3A_466 : i32 to index
          %swap3A_505 = arith.constant 64 : index
          %swap3A_506 = tpu.vector_load %arg14[%swap3A_504, %swap3A_505] {strides = array<i32>} : memref<128x128xf32, #tpu.memory_space<vmem>>, vector<16xf32>,
          tpu.vector_store %arg14[%swap3A_504, %swap3A_505], %mul3A_503 {strides = array<i32>} : memref<128x128xf32, #tpu.memory_space<vmem>>, vector<16xf32>,
          %get3A_507 = arith.index_cast %add3A_466 : i32 to index
          %get3A_508 = arith.constant 80 : index
          %get3A_509 = tpu.vector_load %arg14[%get3A_507, %get3A_508] {strides = array<i32>} : memref<128x128xf32, #tpu.memory_space<vmem>>, vector<16xf32>,
          %mul3A_510 = vector.broadcast %squeeze3A_462 : f32 to vector<16xf32>
          %mul3A_511 = arith.mulf %get3A_509, %mul3A_510 : vector<16xf32>
          %swap3A_512 = arith.index_cast %add3A_466 : i32 to index
          %swap3A_513 = arith.constant 80 : index
          %swap3A_514 = tpu.vector_load %arg14[%swap3A_512, %swap3A_513] {strides = array<i32>} : memref<128x128xf32, #tpu.memory_space<vmem>>, vector<16xf32>,
          tpu.vector_store %arg14[%swap3A_512, %swap3A_513], %mul3A_511 {strides = array<i32>} : memref<128x128xf32, #tpu.memory_space<vmem>>, vector<16xf32>,
          %get3A_515 = arith.index_cast %add3A_466 : i32 to index
          %get3A_516 = arith.constant 96 : index
          %get3A_517 = tpu.vector_load %arg14[%get3A_515, %get3A_516] {strides = array<i32>} : memref<128x128xf32, #tpu.memory_space<vmem>>, vector<16xf32>,
          %mul3A_518 = vector.broadcast %squeeze3A_462 : f32 to vector<16xf32>
          %mul3A_519 = arith.mulf %get3A_517, %mul3A_518 : vector<16xf32>
          %swap3A_520 = arith.index_cast %add3A_466 : i32 to index
          %swap3A_521 = arith.constant 96 : index
          %swap3A_522 = tpu.vector_load %arg14[%swap3A_520, %swap3A_521] {strides = array<i32>} : memref<128x128xf32, #tpu.memory_space<vmem>>, vector<16xf32>,
          tpu.vector_store %arg14[%swap3A_520, %swap3A_521], %mul3A_519 {strides = array<i32>} : memref<128x128xf32, #tpu.memory_space<vmem>>, vector<16xf32>,
          %get3A_523 = arith.index_cast %add3A_466 : i32 to index
          %get3A_524 = arith.constant 112 : index
          %get3A_525 = tpu.vector_load %arg14[%get3A_523, %get3A_524] {strides = array<i32>} : memref<128x128xf32, #tpu.memory_space<vmem>>, vector<16xf32>,
          %mul3A_526 = vector.broadcast %squeeze3A_462 : f32 to vector<16xf32>
          %mul3A_527 = arith.mulf %get3A_525, %mul3A_526 : vector<16xf32>
          %swap3A_528 = arith.index_cast %add3A_466 : i32 to index
          %swap3A_529 = arith.constant 112 : index
          %swap3A_530 = tpu.vector_load %arg14[%swap3A_528, %swap3A_529] {strides = array<i32>} : memref<128x128xf32, #tpu.memory_space<vmem>>, vector<16xf32>,
          tpu.vector_store %arg14[%swap3A_528, %swap3A_529], %mul3A_527 {strides = array<i32>} : memref<128x128xf32, #tpu.memory_space<vmem>>, vector<16xf32>,
          %slice3A_531 = vector.extract_strided_slice %get3A_253 {offsets = [4], sizes = [1], strides = [1]} : vector<16xf32> to vector<1xf32>
          %squeeze3A_532 = vector.extract %slice3A_531[0] : f32 from vector<1xf32>
          %mul3A_533 = arith.constant 16 : i32
          %mul3A_534 = arith.muli %scan3A_247, %mul3A_533 : i32
          %add3A_535 = arith.constant 4 : i32
          %add3A_536 = arith.addi %mul3A_534, %add3A_535 : i32
          %get3A_537 = arith.index_cast %add3A_536 : i32 to index
          %get3A_538 = arith.constant 0 : index
          %get3A_539 = tpu.vector_load %arg14[%get3A_537, %get3A_538] {strides = array<i32>} : memref<128x128xf32, #tpu.memory_space<vmem>>, vector<16xf32>,
          %mul3A_540 = vector.broadcast %squeeze3A_532 : f32 to vector<16xf32>
          %mul3A_541 = arith.mulf %get3A_539, %mul3A_540 : vector<16xf32>
          %swap3A_542 = arith.index_cast %add3A_536 : i32 to index
          %swap3A_543 = arith.constant 0 : index
          %swap3A_544 = tpu.vector_load %arg14[%swap3A_542, %swap3A_543] {strides = array<i32>} : memref<128x128xf32, #tpu.memory_space<vmem>>, vector<16xf32>,
          tpu.vector_store %arg14[%swap3A_542, %swap3A_543], %mul3A_541 {strides = array<i32>} : memref<128x128xf32, #tpu.memory_space<vmem>>, vector<16xf32>,
          %get3A_545 = arith.index_cast %add3A_536 : i32 to index
          %get3A_546 = arith.constant 16 : index
          %get3A_547 = tpu.vector_load %arg14[%get3A_545, %get3A_546] {strides = array<i32>} : memref<128x128xf32, #tpu.memory_space<vmem>>, vector<16xf32>,
          %mul3A_548 = vector.broadcast %squeeze3A_532 : f32 to vector<16xf32>
          %mul3A_549 = arith.mulf %get3A_547, %mul3A_548 : vector<16xf32>
          %swap3A_550 = arith.index_cast %add3A_536 : i32 to index
          %swap3A_551 = arith.constant 16 : index
          %swap3A_552 = tpu.vector_load %arg14[%swap3A_550, %swap3A_551] {strides = array<i32>} : memref<128x128xf32, #tpu.memory_space<vmem>>, vector<16xf32>,
          tpu.vector_store %arg14[%swap3A_550, %swap3A_551], %mul3A_549 {strides = array<i32>} : memref<128x128xf32, #tpu.memory_space<vmem>>, vector<16xf32>,
          %get3A_553 = arith.index_cast %add3A_536 : i32 to index
          %get3A_554 = arith.constant 32 : index
          %get3A_555 = tpu.vector_load %arg14[%get3A_553, %get3A_554] {strides = array<i32>} : memref<128x128xf32, #tpu.memory_space<vmem>>, vector<16xf32>,
          %mul3A_556 = vector.broadcast %squeeze3A_532 : f32 to vector<16xf32>
          %mul3A_557 = arith.mulf %get3A_555, %mul3A_556 : vector<16xf32>
          %swap3A_558 = arith.index_cast %add3A_536 : i32 to index
          %swap3A_559 = arith.constant 32 : index
          %swap3A_560 = tpu.vector_load %arg14[%swap3A_558, %swap3A_559] {strides = array<i32>} : memref<128x128xf32, #tpu.memory_space<vmem>>, vector<16xf32>,
          tpu.vector_store %arg14[%swap3A_558, %swap3A_559], %mul3A_557 {strides = array<i32>} : memref<128x128xf32, #tpu.memory_space<vmem>>, vector<16xf32>,
          %get3A_561 = arith.index_cast %add3A_536 : i32 to index
          %get3A_562 = arith.constant 48 : index
          %get3A_563 = tpu.vector_load %arg14[%get3A_561, %get3A_562] {strides = array<i32>} : memref<128x128xf32, #tpu.memory_space<vmem>>, vector<16xf32>,
          %mul3A_564 = vector.broadcast %squeeze3A_532 : f32 to vector<16xf32>
          %mul3A_565 = arith.mulf %get3A_563, %mul3A_564 : vector<16xf32>
          %swap3A_566 = arith.index_cast %add3A_536 : i32 to index
          %swap3A_567 = arith.constant 48 : index
          %swap3A_568 = tpu.vector_load %arg14[%swap3A_566, %swap3A_567] {strides = array<i32>} : memref<128x128xf32, #tpu.memory_space<vmem>>, vector<16xf32>,
          tpu.vector_store %arg14[%swap3A_566, %swap3A_567], %mul3A_565 {strides = array<i32>} : memref<128x128xf32, #tpu.memory_space<vmem>>, vector<16xf32>,
          %get3A_569 = arith.index_cast %add3A_536 : i32 to index
          %get3A_570 = arith.constant 64 : index
          %get3A_571 = tpu.vector_load %arg14[%get3A_569, %get3A_570] {strides = array<i32>} : memref<128x128xf32, #tpu.memory_space<vmem>>, vector<16xf32>,
          %mul3A_572 = vector.broadcast %squeeze3A_532 : f32 to vector<16xf32>
          %mul3A_573 = arith.mulf %get3A_571, %mul3A_572 : vector<16xf32>
          %swap3A_574 = arith.index_cast %add3A_536 : i32 to index
          %swap3A_575 = arith.constant 64 : index
          %swap3A_576 = tpu.vector_load %arg14[%swap3A_574, %swap3A_575] {strides = array<i32>} : memref<128x128xf32, #tpu.memory_space<vmem>>, vector<16xf32>,
          tpu.vector_store %arg14[%swap3A_574, %swap3A_575], %mul3A_573 {strides = array<i32>} : memref<128x128xf32, #tpu.memory_space<vmem>>, vector<16xf32>,
          %get3A_577 = arith.index_cast %add3A_536 : i32 to index
          %get3A_578 = arith.constant 80 : index
          %get3A_579 = tpu.vector_load %arg14[%get3A_577, %get3A_578] {strides = array<i32>} : memref<128x128xf32, #tpu.memory_space<vmem>>, vector<16xf32>,
          %mul3A_580 = vector.broadcast %squeeze3A_532 : f32 to vector<16xf32>
          %mul3A_581 = arith.mulf %get3A_579, %mul3A_580 : vector<16xf32>
          %swap3A_582 = arith.index_cast %add3A_536 : i32 to index
          %swap3A_583 = arith.constant 80 : index
          %swap3A_584 = tpu.vector_load %arg14[%swap3A_582, %swap3A_583] {strides = array<i32>} : memref<128x128xf32, #tpu.memory_space<vmem>>, vector<16xf32>,
          tpu.vector_store %arg14[%swap3A_582, %swap3A_583], %mul3A_581 {strides = array<i32>} : memref<128x128xf32, #tpu.memory_space<vmem>>, vector<16xf32>,
          %get3A_585 = arith.index_cast %add3A_536 : i32 to index
          %get3A_586 = arith.constant 96 : index
          %get3A_587 = tpu.vector_load %arg14[%get3A_585, %get3A_586] {strides = array<i32>} : memref<128x128xf32, #tpu.memory_space<vmem>>, vector<16xf32>,
          %mul3A_588 = vector.broadcast %squeeze3A_532 : f32 to vector<16xf32>
          %mul3A_589 = arith.mulf %get3A_587, %mul3A_588 : vector<16xf32>
          %swap3A_590 = arith.index_cast %add3A_536 : i32 to index
          %swap3A_591 = arith.constant 96 : index
          %swap3A_592 = tpu.vector_load %arg14[%swap3A_590, %swap3A_591] {strides = array<i32>} : memref<128x128xf32, #tpu.memory_space<vmem>>, vector<16xf32>,
          tpu.vector_store %arg14[%swap3A_590, %swap3A_591], %mul3A_589 {strides = array<i32>} : memref<128x128xf32, #tpu.memory_space<vmem>>, vector<16xf32>,
          %get3A_593 = arith.index_cast %add3A_536 : i32 to index
          %get3A_594 = arith.constant 112 : index
          %get3A_595 = tpu.vector_load %arg14[%get3A_593, %get3A_594] {strides = array<i32>} : memref<128x128xf32, #tpu.memory_space<vmem>>, vector<16xf32>,
          %mul3A_596 = vector.broadcast %squeeze3A_532 : f32 to vector<16xf32>
          %mul3A_597 = arith.mulf %get3A_595, %mul3A_596 : vector<16xf32>
          %swap3A_598 = arith.index_cast %add3A_536 : i32 to index
          %swap3A_599 = arith.constant 112 : index
          %swap3A_600 = tpu.vector_load %arg14[%swap3A_598, %swap3A_599] {strides = array<i32>} : memref<128x128xf32, #tpu.memory_space<vmem>>, vector<16xf32>,
          tpu.vector_store %arg14[%swap3A_598, %swap3A_599], %mul3A_597 {strides = array<i32>} : memref<128x128xf32, #tpu.memory_space<vmem>>, vector<16xf32>,
          %slice3A_601 = vector.extract_strided_slice %get3A_253 {offsets = [5], sizes = [1], strides = [1]} : vector<16xf32> to vector<1xf32>
          %squeeze3A_602 = vector.extract %slice3A_601[0] : f32 from vector<1xf32>
          %mul3A_603 = arith.constant 16 : i32
          %mul3A_604 = arith.muli %scan3A_247, %mul3A_603 : i32
          %add3A_605 = arith.constant 5 : i32
          %add3A_606 = arith.addi %mul3A_604, %add3A_605 : i32
          %get3A_607 = arith.index_cast %add3A_606 : i32 to index
          %get3A_608 = arith.constant 0 : index
          %get3A_609 = tpu.vector_load %arg14[%get3A_607, %get3A_608] {strides = array<i32>} : memref<128x128xf32, #tpu.memory_space<vmem>>, vector<16xf32>,
          %mul3A_610 = vector.broadcast %squeeze3A_602 : f32 to vector<16xf32>
          %mul3A_611 = arith.mulf %get3A_609, %mul3A_610 : vector<16xf32>
          %swap3A_612 = arith.index_cast %add3A_606 : i32 to index
          %swap3A_613 = arith.constant 0 : index
          %swap3A_614 = tpu.vector_load %arg14[%swap3A_612, %swap3A_613] {strides = array<i32>} : memref<128x128xf32, #tpu.memory_space<vmem>>, vector<16xf32>,
          tpu.vector_store %arg14[%swap3A_612, %swap3A_613], %mul3A_611 {strides = array<i32>} : memref<128x128xf32, #tpu.memory_space<vmem>>, vector<16xf32>,
          %get3A_615 = arith.index_cast %add3A_606 : i32 to index
          %get3A_616 = arith.constant 16 : index
          %get3A_617 = tpu.vector_load %arg14[%get3A_615, %get3A_616] {strides = array<i32>} : memref<128x128xf32, #tpu.memory_space<vmem>>, vector<16xf32>,
          %mul3A_618 = vector.broadcast %squeeze3A_602 : f32 to vector<16xf32>
          %mul3A_619 = arith.mulf %get3A_617, %mul3A_618 : vector<16xf32>
          %swap3A_620 = arith.index_cast %add3A_606 : i32 to index
          %swap3A_621 = arith.constant 16 : index
          %swap3A_622 = tpu.vector_load %arg14[%swap3A_620, %swap3A_621] {strides = array<i32>} : memref<128x128xf32, #tpu.memory_space<vmem>>, vector<16xf32>,
          tpu.vector_store %arg14[%swap3A_620, %swap3A_621], %mul3A_619 {strides = array<i32>} : memref<128x128xf32, #tpu.memory_space<vmem>>, vector<16xf32>,
          %get3A_623 = arith.index_cast %add3A_606 : i32 to index
          %get3A_624 = arith.constant 32 : index
          %get3A_625 = tpu.vector_load %arg14[%get3A_623, %get3A_624] {strides = array<i32>} : memref<128x128xf32, #tpu.memory_space<vmem>>, vector<16xf32>,
          %mul3A_626 = vector.broadcast %squeeze3A_602 : f32 to vector<16xf32>
          %mul3A_627 = arith.mulf %get3A_625, %mul3A_626 : vector<16xf32>
          %swap3A_628 = arith.index_cast %add3A_606 : i32 to index
          %swap3A_629 = arith.constant 32 : index
          %swap3A_630 = tpu.vector_load %arg14[%swap3A_628, %swap3A_629] {strides = array<i32>} : memref<128x128xf32, #tpu.memory_space<vmem>>, vector<16xf32>,
          tpu.vector_store %arg14[%swap3A_628, %swap3A_629], %mul3A_627 {strides = array<i32>} : memref<128x128xf32, #tpu.memory_space<vmem>>, vector<16xf32>,
          %get3A_631 = arith.index_cast %add3A_606 : i32 to index
          %get3A_632 = arith.constant 48 : index
          %get3A_633 = tpu.vector_load %arg14[%get3A_631, %get3A_632] {strides = array<i32>} : memref<128x128xf32, #tpu.memory_space<vmem>>, vector<16xf32>,
          %mul3A_634 = vector.broadcast %squeeze3A_602 : f32 to vector<16xf32>
          %mul3A_635 = arith.mulf %get3A_633, %mul3A_634 : vector<16xf32>
          %swap3A_636 = arith.index_cast %add3A_606 : i32 to index
          %swap3A_637 = arith.constant 48 : index
          %swap3A_638 = tpu.vector_load %arg14[%swap3A_636, %swap3A_637] {strides = array<i32>} : memref<128x128xf32, #tpu.memory_space<vmem>>, vector<16xf32>,
          tpu.vector_store %arg14[%swap3A_636, %swap3A_637], %mul3A_635 {strides = array<i32>} : memref<128x128xf32, #tpu.memory_space<vmem>>, vector<16xf32>,
          %get3A_639 = arith.index_cast %add3A_606 : i32 to index
          %get3A_640 = arith.constant 64 : index
          %get3A_641 = tpu.vector_load %arg14[%get3A_639, %get3A_640] {strides = array<i32>} : memref<128x128xf32, #tpu.memory_space<vmem>>, vector<16xf32>,
          %mul3A_642 = vector.broadcast %squeeze3A_602 : f32 to vector<16xf32>
          %mul3A_643 = arith.mulf %get3A_641, %mul3A_642 : vector<16xf32>
          %swap3A_644 = arith.index_cast %add3A_606 : i32 to index
          %swap3A_645 = arith.constant 64 : index
          %swap3A_646 = tpu.vector_load %arg14[%swap3A_644, %swap3A_645] {strides = array<i32>} : memref<128x128xf32, #tpu.memory_space<vmem>>, vector<16xf32>,
          tpu.vector_store %arg14[%swap3A_644, %swap3A_645], %mul3A_643 {strides = array<i32>} : memref<128x128xf32, #tpu.memory_space<vmem>>, vector<16xf32>,
          %get3A_647 = arith.index_cast %add3A_606 : i32 to index
          %get3A_648 = arith.constant 80 : index
          %get3A_649 = tpu.vector_load %arg14[%get3A_647, %get3A_648] {strides = array<i32>} : memref<128x128xf32, #tpu.memory_space<vmem>>, vector<16xf32>,
          %mul3A_650 = vector.broadcast %squeeze3A_602 : f32 to vector<16xf32>
          %mul3A_651 = arith.mulf %get3A_649, %mul3A_650 : vector<16xf32>
          %swap3A_652 = arith.index_cast %add3A_606 : i32 to index
          %swap3A_653 = arith.constant 80 : index
          %swap3A_654 = tpu.vector_load %arg14[%swap3A_652, %swap3A_653] {strides = array<i32>} : memref<128x128xf32, #tpu.memory_space<vmem>>, vector<16xf32>,
          tpu.vector_store %arg14[%swap3A_652, %swap3A_653], %mul3A_651 {strides = array<i32>} : memref<128x128xf32, #tpu.memory_space<vmem>>, vector<16xf32>,
          %get3A_655 = arith.index_cast %add3A_606 : i32 to index
          %get3A_656 = arith.constant 96 : index
          %get3A_657 = tpu.vector_load %arg14[%get3A_655, %get3A_656] {strides = array<i32>} : memref<128x128xf32, #tpu.memory_space<vmem>>, vector<16xf32>,
          %mul3A_658 = vector.broadcast %squeeze3A_602 : f32 to vector<16xf32>
          %mul3A_659 = arith.mulf %get3A_657, %mul3A_658 : vector<16xf32>
          %swap3A_660 = arith.index_cast %add3A_606 : i32 to index
          %swap3A_661 = arith.constant 96 : index
          %swap3A_662 = tpu.vector_load %arg14[%swap3A_660, %swap3A_661] {strides = array<i32>} : memref<128x128xf32, #tpu.memory_space<vmem>>, vector<16xf32>,
          tpu.vector_store %arg14[%swap3A_660, %swap3A_661], %mul3A_659 {strides = array<i32>} : memref<128x128xf32, #tpu.memory_space<vmem>>, vector<16xf32>,
          %get3A_663 = arith.index_cast %add3A_606 : i32 to index
          %get3A_664 = arith.constant 112 : index
          %get3A_665 = tpu.vector_load %arg14[%get3A_663, %get3A_664] {strides = array<i32>} : memref<128x128xf32, #tpu.memory_space<vmem>>, vector<16xf32>,
          %mul3A_666 = vector.broadcast %squeeze3A_602 : f32 to vector<16xf32>
          %mul3A_667 = arith.mulf %get3A_665, %mul3A_666 : vector<16xf32>
          %swap3A_668 = arith.index_cast %add3A_606 : i32 to index
          %swap3A_669 = arith.constant 112 : index
          %swap3A_670 = tpu.vector_load %arg14[%swap3A_668, %swap3A_669] {strides = array<i32>} : memref<128x128xf32, #tpu.memory_space<vmem>>, vector<16xf32>,
          tpu.vector_store %arg14[%swap3A_668, %swap3A_669], %mul3A_667 {strides = array<i32>} : memref<128x128xf32, #tpu.memory_space<vmem>>, vector<16xf32>,
          %slice3A_671 = vector.extract_strided_slice %get3A_253 {offsets = [6], sizes = [1], strides = [1]} : vector<16xf32> to vector<1xf32>
          %squeeze3A_672 = vector.extract %slice3A_671[0] : f32 from vector<1xf32>
          %mul3A_673 = arith.constant 16 : i32
          %mul3A_674 = arith.muli %scan3A_247, %mul3A_673 : i32
          %add3A_675 = arith.constant 6 : i32
          %add3A_676 = arith.addi %mul3A_674, %add3A_675 : i32
          %get3A_677 = arith.index_cast %add3A_676 : i32 to index
          %get3A_678 = arith.constant 0 : index
          %get3A_679 = tpu.vector_load %arg14[%get3A_677, %get3A_678] {strides = array<i32>} : memref<128x128xf32, #tpu.memory_space<vmem>>, vector<16xf32>,
          %mul3A_680 = vector.broadcast %squeeze3A_672 : f32 to vector<16xf32>
          %mul3A_681 = arith.mulf %get3A_679, %mul3A_680 : vector<16xf32>
          %swap3A_682 = arith.index_cast %add3A_676 : i32 to index
          %swap3A_683 = arith.constant 0 : index
          %swap3A_684 = tpu.vector_load %arg14[%swap3A_682, %swap3A_683] {strides = array<i32>} : memref<128x128xf32, #tpu.memory_space<vmem>>, vector<16xf32>,
          tpu.vector_store %arg14[%swap3A_682, %swap3A_683], %mul3A_681 {strides = array<i32>} : memref<128x128xf32, #tpu.memory_space<vmem>>, vector<16xf32>,
          %get3A_685 = arith.index_cast %add3A_676 : i32 to index
          %get3A_686 = arith.constant 16 : index
          %get3A_687 = tpu.vector_load %arg14[%get3A_685, %get3A_686] {strides = array<i32>} : memref<128x128xf32, #tpu.memory_space<vmem>>, vector<16xf32>,
          %mul3A_688 = vector.broadcast %squeeze3A_672 : f32 to vector<16xf32>
          %mul3A_689 = arith.mulf %get3A_687, %mul3A_688 : vector<16xf32>
          %swap3A_690 = arith.index_cast %add3A_676 : i32 to index
          %swap3A_691 = arith.constant 16 : index
          %swap3A_692 = tpu.vector_load %arg14[%swap3A_690, %swap3A_691] {strides = array<i32>} : memref<128x128xf32, #tpu.memory_space<vmem>>, vector<16xf32>,
          tpu.vector_store %arg14[%swap3A_690, %swap3A_691], %mul3A_689 {strides = array<i32>} : memref<128x128xf32, #tpu.memory_space<vmem>>, vector<16xf32>,
          %get3A_693 = arith.index_cast %add3A_676 : i32 to index
          %get3A_694 = arith.constant 32 : index
          %get3A_695 = tpu.vector_load %arg14[%get3A_693, %get3A_694] {strides = array<i32>} : memref<128x128xf32, #tpu.memory_space<vmem>>, vector<16xf32>,
          %mul3A_696 = vector.broadcast %squeeze3A_672 : f32 to vector<16xf32>
          %mul3A_697 = arith.mulf %get3A_695, %mul3A_696 : vector<16xf32>
          %swap3A_698 = arith.index_cast %add3A_676 : i32 to index
          %swap3A_699 = arith.constant 32 : index
          %swap3A_700 = tpu.vector_load %arg14[%swap3A_698, %swap3A_699] {strides = array<i32>} : memref<128x128xf32, #tpu.memory_space<vmem>>, vector<16xf32>,
          tpu.vector_store %arg14[%swap3A_698, %swap3A_699], %mul3A_697 {strides = array<i32>} : memref<128x128xf32, #tpu.memory_space<vmem>>, vector<16xf32>,
          %get3A_701 = arith.index_cast %add3A_676 : i32 to index
          %get3A_702 = arith.constant 48 : index
          %get3A_703 = tpu.vector_load %arg14[%get3A_701, %get3A_702] {strides = array<i32>} : memref<128x128xf32, #tpu.memory_space<vmem>>, vector<16xf32>,
          %mul3A_704 = vector.broadcast %squeeze3A_672 : f32 to vector<16xf32>
          %mul3A_705 = arith.mulf %get3A_703, %mul3A_704 : vector<16xf32>
          %swap3A_706 = arith.index_cast %add3A_676 : i32 to index
          %swap3A_707 = arith.constant 48 : index
          %swap3A_708 = tpu.vector_load %arg14[%swap3A_706, %swap3A_707] {strides = array<i32>} : memref<128x128xf32, #tpu.memory_space<vmem>>, vector<16xf32>,
          tpu.vector_store %arg14[%swap3A_706, %swap3A_707], %mul3A_705 {strides = array<i32>} : memref<128x128xf32, #tpu.memory_space<vmem>>, vector<16xf32>,
          %get3A_709 = arith.index_cast %add3A_676 : i32 to index
          %get3A_710 = arith.constant 64 : index
          %get3A_711 = tpu.vector_load %arg14[%get3A_709, %get3A_710] {strides = array<i32>} : memref<128x128xf32, #tpu.memory_space<vmem>>, vector<16xf32>,
          %mul3A_712 = vector.broadcast %squeeze3A_672 : f32 to vector<16xf32>
          %mul3A_713 = arith.mulf %get3A_711, %mul3A_712 : vector<16xf32>
          %swap3A_714 = arith.index_cast %add3A_676 : i32 to index
          %swap3A_715 = arith.constant 64 : index
          %swap3A_716 = tpu.vector_load %arg14[%swap3A_714, %swap3A_715] {strides = array<i32>} : memref<128x128xf32, #tpu.memory_space<vmem>>, vector<16xf32>,
          tpu.vector_store %arg14[%swap3A_714, %swap3A_715], %mul3A_713 {strides = array<i32>} : memref<128x128xf32, #tpu.memory_space<vmem>>, vector<16xf32>,
          %get3A_717 = arith.index_cast %add3A_676 : i32 to index
          %get3A_718 = arith.constant 80 : index
          %get3A_719 = tpu.vector_load %arg14[%get3A_717, %get3A_718] {strides = array<i32>} : memref<128x128xf32, #tpu.memory_space<vmem>>, vector<16xf32>,
          %mul3A_720 = vector.broadcast %squeeze3A_672 : f32 to vector<16xf32>
          %mul3A_721 = arith.mulf %get3A_719, %mul3A_720 : vector<16xf32>
          %swap3A_722 = arith.index_cast %add3A_676 : i32 to index
          %swap3A_723 = arith.constant 80 : index
          %swap3A_724 = tpu.vector_load %arg14[%swap3A_722, %swap3A_723] {strides = array<i32>} : memref<128x128xf32, #tpu.memory_space<vmem>>, vector<16xf32>,
          tpu.vector_store %arg14[%swap3A_722, %swap3A_723], %mul3A_721 {strides = array<i32>} : memref<128x128xf32, #tpu.memory_space<vmem>>, vector<16xf32>,
          %get3A_725 = arith.index_cast %add3A_676 : i32 to index
          %get3A_726 = arith.constant 96 : index
          %get3A_727 = tpu.vector_load %arg14[%get3A_725, %get3A_726] {strides = array<i32>} : memref<128x128xf32, #tpu.memory_space<vmem>>, vector<16xf32>,
          %mul3A_728 = vector.broadcast %squeeze3A_672 : f32 to vector<16xf32>
          %mul3A_729 = arith.mulf %get3A_727, %mul3A_728 : vector<16xf32>
          %swap3A_730 = arith.index_cast %add3A_676 : i32 to index
          %swap3A_731 = arith.constant 96 : index
          %swap3A_732 = tpu.vector_load %arg14[%swap3A_730, %swap3A_731] {strides = array<i32>} : memref<128x128xf32, #tpu.memory_space<vmem>>, vector<16xf32>,
          tpu.vector_store %arg14[%swap3A_730, %swap3A_731], %mul3A_729 {strides = array<i32>} : memref<128x128xf32, #tpu.memory_space<vmem>>, vector<16xf32>,
          %get3A_733 = arith.index_cast %add3A_676 : i32 to index
          %get3A_734 = arith.constant 112 : index
          %get3A_735 = tpu.vector_load %arg14[%get3A_733, %get3A_734] {strides = array<i32>} : memref<128x128xf32, #tpu.memory_space<vmem>>, vector<16xf32>,
          %mul3A_736 = vector.broadcast %squeeze3A_672 : f32 to vector<16xf32>
          %mul3A_737 = arith.mulf %get3A_735, %mul3A_736 : vector<16xf32>
          %swap3A_738 = arith.index_cast %add3A_676 : i32 to index
          %swap3A_739 = arith.constant 112 : index
          %swap3A_740 = tpu.vector_load %arg14[%swap3A_738, %swap3A_739] {strides = array<i32>} : memref<128x128xf32, #tpu.memory_space<vmem>>, vector<16xf32>,
          tpu.vector_store %arg14[%swap3A_738, %swap3A_739], %mul3A_737 {strides = array<i32>} : memref<128x128xf32, #tpu.memory_space<vmem>>, vector<16xf32>,
          %slice3A_741 = vector.extract_strided_slice %get3A_253 {offsets = [7], sizes = [1], strides = [1]} : vector<16xf32> to vector<1xf32>
          %squeeze3A_742 = vector.extract %slice3A_741[0] : f32 from vector<1xf32>
          %mul3A_743 = arith.constant 16 : i32
          %mul3A_744 = arith.muli %scan3A_247, %mul3A_743 : i32
          %add3A_745 = arith.constant 7 : i32
          %add3A_746 = arith.addi %mul3A_744, %add3A_745 : i32
          %get3A_747 = arith.index_cast %add3A_746 : i32 to index
          %get3A_748 = arith.constant 0 : index
          %get3A_749 = tpu.vector_load %arg14[%get3A_747, %get3A_748] {strides = array<i32>} : memref<128x128xf32, #tpu.memory_space<vmem>>, vector<16xf32>,
          %mul3A_750 = vector.broadcast %squeeze3A_742 : f32 to vector<16xf32>
          %mul3A_751 = arith.mulf %get3A_749, %mul3A_750 : vector<16xf32>
          %swap3A_752 = arith.index_cast %add3A_746 : i32 to index
          %swap3A_753 = arith.constant 0 : index
          %swap3A_754 = tpu.vector_load %arg14[%swap3A_752, %swap3A_753] {strides = array<i32>} : memref<128x128xf32, #tpu.memory_space<vmem>>, vector<16xf32>,
          tpu.vector_store %arg14[%swap3A_752, %swap3A_753], %mul3A_751 {strides = array<i32>} : memref<128x128xf32, #tpu.memory_space<vmem>>, vector<16xf32>,
          %get3A_755 = arith.index_cast %add3A_746 : i32 to index
          %get3A_756 = arith.constant 16 : index
          %get3A_757 = tpu.vector_load %arg14[%get3A_755, %get3A_756] {strides = array<i32>} : memref<128x128xf32, #tpu.memory_space<vmem>>, vector<16xf32>,
          %mul3A_758 = vector.broadcast %squeeze3A_742 : f32 to vector<16xf32>
          %mul3A_759 = arith.mulf %get3A_757, %mul3A_758 : vector<16xf32>
          %swap3A_760 = arith.index_cast %add3A_746 : i32 to index
          %swap3A_761 = arith.constant 16 : index
          %swap3A_762 = tpu.vector_load %arg14[%swap3A_760, %swap3A_761] {strides = array<i32>} : memref<128x128xf32, #tpu.memory_space<vmem>>, vector<16xf32>,
          tpu.vector_store %arg14[%swap3A_760, %swap3A_761], %mul3A_759 {strides = array<i32>} : memref<128x128xf32, #tpu.memory_space<vmem>>, vector<16xf32>,
          %get3A_763 = arith.index_cast %add3A_746 : i32 to index
          %get3A_764 = arith.constant 32 : index
          %get3A_765 = tpu.vector_load %arg14[%get3A_763, %get3A_764] {strides = array<i32>} : memref<128x128xf32, #tpu.memory_space<vmem>>, vector<16xf32>,
          %mul3A_766 = vector.broadcast %squeeze3A_742 : f32 to vector<16xf32>
          %mul3A_767 = arith.mulf %get3A_765, %mul3A_766 : vector<16xf32>
          %swap3A_768 = arith.index_cast %add3A_746 : i32 to index
          %swap3A_769 = arith.constant 32 : index
          %swap3A_770 = tpu.vector_load %arg14[%swap3A_768, %swap3A_769] {strides = array<i32>} : memref<128x128xf32, #tpu.memory_space<vmem>>, vector<16xf32>,
          tpu.vector_store %arg14[%swap3A_768, %swap3A_769], %mul3A_767 {strides = array<i32>} : memref<128x128xf32, #tpu.memory_space<vmem>>, vector<16xf32>,
          %get3A_771 = arith.index_cast %add3A_746 : i32 to index
          %get3A_772 = arith.constant 48 : index
          %get3A_773 = tpu.vector_load %arg14[%get3A_771, %get3A_772] {strides = array<i32>} : memref<128x128xf32, #tpu.memory_space<vmem>>, vector<16xf32>,
          %mul3A_774 = vector.broadcast %squeeze3A_742 : f32 to vector<16xf32>
          %mul3A_775 = arith.mulf %get3A_773, %mul3A_774 : vector<16xf32>
          %swap3A_776 = arith.index_cast %add3A_746 : i32 to index
          %swap3A_777 = arith.constant 48 : index
          %swap3A_778 = tpu.vector_load %arg14[%swap3A_776, %swap3A_777] {strides = array<i32>} : memref<128x128xf32, #tpu.memory_space<vmem>>, vector<16xf32>,
          tpu.vector_store %arg14[%swap3A_776, %swap3A_777], %mul3A_775 {strides = array<i32>} : memref<128x128xf32, #tpu.memory_space<vmem>>, vector<16xf32>,
          %get3A_779 = arith.index_cast %add3A_746 : i32 to index
          %get3A_780 = arith.constant 64 : index
          %get3A_781 = tpu.vector_load %arg14[%get3A_779, %get3A_780] {strides = array<i32>} : memref<128x128xf32, #tpu.memory_space<vmem>>, vector<16xf32>,
          %mul3A_782 = vector.broadcast %squeeze3A_742 : f32 to vector<16xf32>
          %mul3A_783 = arith.mulf %get3A_781, %mul3A_782 : vector<16xf32>
          %swap3A_784 = arith.index_cast %add3A_746 : i32 to index
          %swap3A_785 = arith.constant 64 : index
          %swap3A_786 = tpu.vector_load %arg14[%swap3A_784, %swap3A_785] {strides = array<i32>} : memref<128x128xf32, #tpu.memory_space<vmem>>, vector<16xf32>,
          tpu.vector_store %arg14[%swap3A_784, %swap3A_785], %mul3A_783 {strides = array<i32>} : memref<128x128xf32, #tpu.memory_space<vmem>>, vector<16xf32>,
          %get3A_787 = arith.index_cast %add3A_746 : i32 to index
          %get3A_788 = arith.constant 80 : index
          %get3A_789 = tpu.vector_load %arg14[%get3A_787, %get3A_788] {strides = array<i32>} : memref<128x128xf32, #tpu.memory_space<vmem>>, vector<16xf32>,
          %mul3A_790 = vector.broadcast %squeeze3A_742 : f32 to vector<16xf32>
          %mul3A_791 = arith.mulf %get3A_789, %mul3A_790 : vector<16xf32>
          %swap3A_792 = arith.index_cast %add3A_746 : i32 to index
          %swap3A_793 = arith.constant 80 : index
          %swap3A_794 = tpu.vector_load %arg14[%swap3A_792, %swap3A_793] {strides = array<i32>} : memref<128x128xf32, #tpu.memory_space<vmem>>, vector<16xf32>,
          tpu.vector_store %arg14[%swap3A_792, %swap3A_793], %mul3A_791 {strides = array<i32>} : memref<128x128xf32, #tpu.memory_space<vmem>>, vector<16xf32>,
          %get3A_795 = arith.index_cast %add3A_746 : i32 to index
          %get3A_796 = arith.constant 96 : index
          %get3A_797 = tpu.vector_load %arg14[%get3A_795, %get3A_796] {strides = array<i32>} : memref<128x128xf32, #tpu.memory_space<vmem>>, vector<16xf32>,
          %mul3A_798 = vector.broadcast %squeeze3A_742 : f32 to vector<16xf32>
          %mul3A_799 = arith.mulf %get3A_797, %mul3A_798 : vector<16xf32>
          %swap3A_800 = arith.index_cast %add3A_746 : i32 to index
          %swap3A_801 = arith.constant 96 : index
          %swap3A_802 = tpu.vector_load %arg14[%swap3A_800, %swap3A_801] {strides = array<i32>} : memref<128x128xf32, #tpu.memory_space<vmem>>, vector<16xf32>,
          tpu.vector_store %arg14[%swap3A_800, %swap3A_801], %mul3A_799 {strides = array<i32>} : memref<128x128xf32, #tpu.memory_space<vmem>>, vector<16xf32>,
          %get3A_803 = arith.index_cast %add3A_746 : i32 to index
          %get3A_804 = arith.constant 112 : index
          %get3A_805 = tpu.vector_load %arg14[%get3A_803, %get3A_804] {strides = array<i32>} : memref<128x128xf32, #tpu.memory_space<vmem>>, vector<16xf32>,
          %mul3A_806 = vector.broadcast %squeeze3A_742 : f32 to vector<16xf32>
          %mul3A_807 = arith.mulf %get3A_805, %mul3A_806 : vector<16xf32>
          %swap3A_808 = arith.index_cast %add3A_746 : i32 to index
          %swap3A_809 = arith.constant 112 : index
          %swap3A_810 = tpu.vector_load %arg14[%swap3A_808, %swap3A_809] {strides = array<i32>} : memref<128x128xf32, #tpu.memory_space<vmem>>, vector<16xf32>,
          tpu.vector_store %arg14[%swap3A_808, %swap3A_809], %mul3A_807 {strides = array<i32>} : memref<128x128xf32, #tpu.memory_space<vmem>>, vector<16xf32>,
          %slice3A_811 = vector.extract_strided_slice %get3A_253 {offsets = [8], sizes = [1], strides = [1]} : vector<16xf32> to vector<1xf32>
          %squeeze3A_812 = vector.extract %slice3A_811[0] : f32 from vector<1xf32>
          %mul3A_813 = arith.constant 16 : i32
          %mul3A_814 = arith.muli %scan3A_247, %mul3A_813 : i32
          %add3A_815 = arith.constant 8 : i32
          %add3A_816 = arith.addi %mul3A_814, %add3A_815 : i32
          %get3A_817 = arith.index_cast %add3A_816 : i32 to index
          %get3A_818 = arith.constant 0 : index
          %get3A_819 = tpu.vector_load %arg14[%get3A_817, %get3A_818] {strides = array<i32>} : memref<128x128xf32, #tpu.memory_space<vmem>>, vector<16xf32>,
          %mul3A_820 = vector.broadcast %squeeze3A_812 : f32 to vector<16xf32>
          %mul3A_821 = arith.mulf %get3A_819, %mul3A_820 : vector<16xf32>
          %swap3A_822 = arith.index_cast %add3A_816 : i32 to index
          %swap3A_823 = arith.constant 0 : index
          %swap3A_824 = tpu.vector_load %arg14[%swap3A_822, %swap3A_823] {strides = array<i32>} : memref<128x128xf32, #tpu.memory_space<vmem>>, vector<16xf32>,
          tpu.vector_store %arg14[%swap3A_822, %swap3A_823], %mul3A_821 {strides = array<i32>} : memref<128x128xf32, #tpu.memory_space<vmem>>, vector<16xf32>,
          %get3A_825 = arith.index_cast %add3A_816 : i32 to index
          %get3A_826 = arith.constant 16 : index
          %get3A_827 = tpu.vector_load %arg14[%get3A_825, %get3A_826] {strides = array<i32>} : memref<128x128xf32, #tpu.memory_space<vmem>>, vector<16xf32>,
          %mul3A_828 = vector.broadcast %squeeze3A_812 : f32 to vector<16xf32>
          %mul3A_829 = arith.mulf %get3A_827, %mul3A_828 : vector<16xf32>
          %swap3A_830 = arith.index_cast %add3A_816 : i32 to index
          %swap3A_831 = arith.constant 16 : index
          %swap3A_832 = tpu.vector_load %arg14[%swap3A_830, %swap3A_831] {strides = array<i32>} : memref<128x128xf32, #tpu.memory_space<vmem>>, vector<16xf32>,
          tpu.vector_store %arg14[%swap3A_830, %swap3A_831], %mul3A_829 {strides = array<i32>} : memref<128x128xf32, #tpu.memory_space<vmem>>, vector<16xf32>,
          %get3A_833 = arith.index_cast %add3A_816 : i32 to index
          %get3A_834 = arith.constant 32 : index
          %get3A_835 = tpu.vector_load %arg14[%get3A_833, %get3A_834] {strides = array<i32>} : memref<128x128xf32, #tpu.memory_space<vmem>>, vector<16xf32>,
          %mul3A_836 = vector.broadcast %squeeze3A_812 : f32 to vector<16xf32>
          %mul3A_837 = arith.mulf %get3A_835, %mul3A_836 : vector<16xf32>
          %swap3A_838 = arith.index_cast %add3A_816 : i32 to index
          %swap3A_839 = arith.constant 32 : index
          %swap3A_840 = tpu.vector_load %arg14[%swap3A_838, %swap3A_839] {strides = array<i32>} : memref<128x128xf32, #tpu.memory_space<vmem>>, vector<16xf32>,
          tpu.vector_store %arg14[%swap3A_838, %swap3A_839], %mul3A_837 {strides = array<i32>} : memref<128x128xf32, #tpu.memory_space<vmem>>, vector<16xf32>,
          %get3A_841 = arith.index_cast %add3A_816 : i32 to index
          %get3A_842 = arith.constant 48 : index
          %get3A_843 = tpu.vector_load %arg14[%get3A_841, %get3A_842] {strides = array<i32>} : memref<128x128xf32, #tpu.memory_space<vmem>>, vector<16xf32>,
          %mul3A_844 = vector.broadcast %squeeze3A_812 : f32 to vector<16xf32>
          %mul3A_845 = arith.mulf %get3A_843, %mul3A_844 : vector<16xf32>
          %swap3A_846 = arith.index_cast %add3A_816 : i32 to index
          %swap3A_847 = arith.constant 48 : index
          %swap3A_848 = tpu.vector_load %arg14[%swap3A_846, %swap3A_847] {strides = array<i32>} : memref<128x128xf32, #tpu.memory_space<vmem>>, vector<16xf32>,
          tpu.vector_store %arg14[%swap3A_846, %swap3A_847], %mul3A_845 {strides = array<i32>} : memref<128x128xf32, #tpu.memory_space<vmem>>, vector<16xf32>,
          %get3A_849 = arith.index_cast %add3A_816 : i32 to index
          %get3A_850 = arith.constant 64 : index
          %get3A_851 = tpu.vector_load %arg14[%get3A_849, %get3A_850] {strides = array<i32>} : memref<128x128xf32, #tpu.memory_space<vmem>>, vector<16xf32>,
          %mul3A_852 = vector.broadcast %squeeze3A_812 : f32 to vector<16xf32>
          %mul3A_853 = arith.mulf %get3A_851, %mul3A_852 : vector<16xf32>
          %swap3A_854 = arith.index_cast %add3A_816 : i32 to index
          %swap3A_855 = arith.constant 64 : index
          %swap3A_856 = tpu.vector_load %arg14[%swap3A_854, %swap3A_855] {strides = array<i32>} : memref<128x128xf32, #tpu.memory_space<vmem>>, vector<16xf32>,
          tpu.vector_store %arg14[%swap3A_854, %swap3A_855], %mul3A_853 {strides = array<i32>} : memref<128x128xf32, #tpu.memory_space<vmem>>, vector<16xf32>,
          %get3A_857 = arith.index_cast %add3A_816 : i32 to index
          %get3A_858 = arith.constant 80 : index
          %get3A_859 = tpu.vector_load %arg14[%get3A_857, %get3A_858] {strides = array<i32>} : memref<128x128xf32, #tpu.memory_space<vmem>>, vector<16xf32>,
          %mul3A_860 = vector.broadcast %squeeze3A_812 : f32 to vector<16xf32>
          %mul3A_861 = arith.mulf %get3A_859, %mul3A_860 : vector<16xf32>
          %swap3A_862 = arith.index_cast %add3A_816 : i32 to index
          %swap3A_863 = arith.constant 80 : index
          %swap3A_864 = tpu.vector_load %arg14[%swap3A_862, %swap3A_863] {strides = array<i32>} : memref<128x128xf32, #tpu.memory_space<vmem>>, vector<16xf32>,
          tpu.vector_store %arg14[%swap3A_862, %swap3A_863], %mul3A_861 {strides = array<i32>} : memref<128x128xf32, #tpu.memory_space<vmem>>, vector<16xf32>,
          %get3A_865 = arith.index_cast %add3A_816 : i32 to index
          %get3A_866 = arith.constant 96 : index
          %get3A_867 = tpu.vector_load %arg14[%get3A_865, %get3A_866] {strides = array<i32>} : memref<128x128xf32, #tpu.memory_space<vmem>>, vector<16xf32>,
          %mul3A_868 = vector.broadcast %squeeze3A_812 : f32 to vector<16xf32>
          %mul3A_869 = arith.mulf %get3A_867, %mul3A_868 : vector<16xf32>
          %swap3A_870 = arith.index_cast %add3A_816 : i32 to index
          %swap3A_871 = arith.constant 96 : index
          %swap3A_872 = tpu.vector_load %arg14[%swap3A_870, %swap3A_871] {strides = array<i32>} : memref<128x128xf32, #tpu.memory_space<vmem>>, vector<16xf32>,
          tpu.vector_store %arg14[%swap3A_870, %swap3A_871], %mul3A_869 {strides = array<i32>} : memref<128x128xf32, #tpu.memory_space<vmem>>, vector<16xf32>,
          %get3A_873 = arith.index_cast %add3A_816 : i32 to index
          %get3A_874 = arith.constant 112 : index
          %get3A_875 = tpu.vector_load %arg14[%get3A_873, %get3A_874] {strides = array<i32>} : memref<128x128xf32, #tpu.memory_space<vmem>>, vector<16xf32>,
          %mul3A_876 = vector.broadcast %squeeze3A_812 : f32 to vector<16xf32>
          %mul3A_877 = arith.mulf %get3A_875, %mul3A_876 : vector<16xf32>
          %swap3A_878 = arith.index_cast %add3A_816 : i32 to index
          %swap3A_879 = arith.constant 112 : index
          %swap3A_880 = tpu.vector_load %arg14[%swap3A_878, %swap3A_879] {strides = array<i32>} : memref<128x128xf32, #tpu.memory_space<vmem>>, vector<16xf32>,
          tpu.vector_store %arg14[%swap3A_878, %swap3A_879], %mul3A_877 {strides = array<i32>} : memref<128x128xf32, #tpu.memory_space<vmem>>, vector<16xf32>,
          %slice3A_881 = vector.extract_strided_slice %get3A_253 {offsets = [9], sizes = [1], strides = [1]} : vector<16xf32> to vector<1xf32>
          %squeeze3A_882 = vector.extract %slice3A_881[0] : f32 from vector<1xf32>
          %mul3A_883 = arith.constant 16 : i32
          %mul3A_884 = arith.muli %scan3A_247, %mul3A_883 : i32
          %add3A_885 = arith.constant 9 : i32
          %add3A_886 = arith.addi %mul3A_884, %add3A_885 : i32
          %get3A_887 = arith.index_cast %add3A_886 : i32 to index
          %get3A_888 = arith.constant 0 : index
          %get3A_889 = tpu.vector_load %arg14[%get3A_887, %get3A_888] {strides = array<i32>} : memref<128x128xf32, #tpu.memory_space<vmem>>, vector<16xf32>,
          %mul3A_890 = vector.broadcast %squeeze3A_882 : f32 to vector<16xf32>
          %mul3A_891 = arith.mulf %get3A_889, %mul3A_890 : vector<16xf32>
          %swap3A_892 = arith.index_cast %add3A_886 : i32 to index
          %swap3A_893 = arith.constant 0 : index
          %swap3A_894 = tpu.vector_load %arg14[%swap3A_892, %swap3A_893] {strides = array<i32>} : memref<128x128xf32, #tpu.memory_space<vmem>>, vector<16xf32>,
          tpu.vector_store %arg14[%swap3A_892, %swap3A_893], %mul3A_891 {strides = array<i32>} : memref<128x128xf32, #tpu.memory_space<vmem>>, vector<16xf32>,
          %get3A_895 = arith.index_cast %add3A_886 : i32 to index
          %get3A_896 = arith.constant 16 : index
          %get3A_897 = tpu.vector_load %arg14[%get3A_895, %get3A_896] {strides = array<i32>} : memref<128x128xf32, #tpu.memory_space<vmem>>, vector<16xf32>,
          %mul3A_898 = vector.broadcast %squeeze3A_882 : f32 to vector<16xf32>
          %mul3A_899 = arith.mulf %get3A_897, %mul3A_898 : vector<16xf32>
          %swap3A_900 = arith.index_cast %add3A_886 : i32 to index
          %swap3A_901 = arith.constant 16 : index
          %swap3A_902 = tpu.vector_load %arg14[%swap3A_900, %swap3A_901] {strides = array<i32>} : memref<128x128xf32, #tpu.memory_space<vmem>>, vector<16xf32>,
          tpu.vector_store %arg14[%swap3A_900, %swap3A_901], %mul3A_899 {strides = array<i32>} : memref<128x128xf32, #tpu.memory_space<vmem>>, vector<16xf32>,
          %get3A_903 = arith.index_cast %add3A_886 : i32 to index
          %get3A_904 = arith.constant 32 : index
          %get3A_905 = tpu.vector_load %arg14[%get3A_903, %get3A_904] {strides = array<i32>} : memref<128x128xf32, #tpu.memory_space<vmem>>, vector<16xf32>,
          %mul3A_906 = vector.broadcast %squeeze3A_882 : f32 to vector<16xf32>
          %mul3A_907 = arith.mulf %get3A_905, %mul3A_906 : vector<16xf32>
          %swap3A_908 = arith.index_cast %add3A_886 : i32 to index
          %swap3A_909 = arith.constant 32 : index
          %swap3A_910 = tpu.vector_load %arg14[%swap3A_908, %swap3A_909] {strides = array<i32>} : memref<128x128xf32, #tpu.memory_space<vmem>>, vector<16xf32>,
          tpu.vector_store %arg14[%swap3A_908, %swap3A_909], %mul3A_907 {strides = array<i32>} : memref<128x128xf32, #tpu.memory_space<vmem>>, vector<16xf32>,
          %get3A_911 = arith.index_cast %add3A_886 : i32 to index
          %get3A_912 = arith.constant 48 : index
          %get3A_913 = tpu.vector_load %arg14[%get3A_911, %get3A_912] {strides = array<i32>} : memref<128x128xf32, #tpu.memory_space<vmem>>, vector<16xf32>,
          %mul3A_914 = vector.broadcast %squeeze3A_882 : f32 to vector<16xf32>
          %mul3A_915 = arith.mulf %get3A_913, %mul3A_914 : vector<16xf32>
          %swap3A_916 = arith.index_cast %add3A_886 : i32 to index
          %swap3A_917 = arith.constant 48 : index
          %swap3A_918 = tpu.vector_load %arg14[%swap3A_916, %swap3A_917] {strides = array<i32>} : memref<128x128xf32, #tpu.memory_space<vmem>>, vector<16xf32>,
          tpu.vector_store %arg14[%swap3A_916, %swap3A_917], %mul3A_915 {strides = array<i32>} : memref<128x128xf32, #tpu.memory_space<vmem>>, vector<16xf32>,
          %get3A_919 = arith.index_cast %add3A_886 : i32 to index
          %get3A_920 = arith.constant 64 : index
          %get3A_921 = tpu.vector_load %arg14[%get3A_919, %get3A_920] {strides = array<i32>} : memref<128x128xf32, #tpu.memory_space<vmem>>, vector<16xf32>,
          %mul3A_922 = vector.broadcast %squeeze3A_882 : f32 to vector<16xf32>
          %mul3A_923 = arith.mulf %get3A_921, %mul3A_922 : vector<16xf32>
          %swap3A_924 = arith.index_cast %add3A_886 : i32 to index
          %swap3A_925 = arith.constant 64 : index
          %swap3A_926 = tpu.vector_load %arg14[%swap3A_924, %swap3A_925] {strides = array<i32>} : memref<128x128xf32, #tpu.memory_space<vmem>>, vector<16xf32>,
          tpu.vector_store %arg14[%swap3A_924, %swap3A_925], %mul3A_923 {strides = array<i32>} : memref<128x128xf32, #tpu.memory_space<vmem>>, vector<16xf32>,
          %get3A_927 = arith.index_cast %add3A_886 : i32 to index
          %get3A_928 = arith.constant 80 : index
          %get3A_929 = tpu.vector_load %arg14[%get3A_927, %get3A_928] {strides = array<i32>} : memref<128x128xf32, #tpu.memory_space<vmem>>, vector<16xf32>,
          %mul3A_930 = vector.broadcast %squeeze3A_882 : f32 to vector<16xf32>
          %mul3A_931 = arith.mulf %get3A_929, %mul3A_930 : vector<16xf32>
          %swap3A_932 = arith.index_cast %add3A_886 : i32 to index
          %swap3A_933 = arith.constant 80 : index
          %swap3A_934 = tpu.vector_load %arg14[%swap3A_932, %swap3A_933] {strides = array<i32>} : memref<128x128xf32, #tpu.memory_space<vmem>>, vector<16xf32>,
          tpu.vector_store %arg14[%swap3A_932, %swap3A_933], %mul3A_931 {strides = array<i32>} : memref<128x128xf32, #tpu.memory_space<vmem>>, vector<16xf32>,
          %get3A_935 = arith.index_cast %add3A_886 : i32 to index
          %get3A_936 = arith.constant 96 : index
          %get3A_937 = tpu.vector_load %arg14[%get3A_935, %get3A_936] {strides = array<i32>} : memref<128x128xf32, #tpu.memory_space<vmem>>, vector<16xf32>,
          %mul3A_938 = vector.broadcast %squeeze3A_882 : f32 to vector<16xf32>
          %mul3A_939 = arith.mulf %get3A_937, %mul3A_938 : vector<16xf32>
          %swap3A_940 = arith.index_cast %add3A_886 : i32 to index
          %swap3A_941 = arith.constant 96 : index
          %swap3A_942 = tpu.vector_load %arg14[%swap3A_940, %swap3A_941] {strides = array<i32>} : memref<128x128xf32, #tpu.memory_space<vmem>>, vector<16xf32>,
          tpu.vector_store %arg14[%swap3A_940, %swap3A_941], %mul3A_939 {strides = array<i32>} : memref<128x128xf32, #tpu.memory_space<vmem>>, vector<16xf32>,
          %get3A_943 = arith.index_cast %add3A_886 : i32 to index
          %get3A_944 = arith.constant 112 : index
          %get3A_945 = tpu.vector_load %arg14[%get3A_943, %get3A_944] {strides = array<i32>} : memref<128x128xf32, #tpu.memory_space<vmem>>, vector<16xf32>,
          %mul3A_946 = vector.broadcast %squeeze3A_882 : f32 to vector<16xf32>
          %mul3A_947 = arith.mulf %get3A_945, %mul3A_946 : vector<16xf32>
          %swap3A_948 = arith.index_cast %add3A_886 : i32 to index
          %swap3A_949 = arith.constant 112 : index
          %swap3A_950 = tpu.vector_load %arg14[%swap3A_948, %swap3A_949] {strides = array<i32>} : memref<128x128xf32, #tpu.memory_space<vmem>>, vector<16xf32>,
          tpu.vector_store %arg14[%swap3A_948, %swap3A_949], %mul3A_947 {strides = array<i32>} : memref<128x128xf32, #tpu.memory_space<vmem>>, vector<16xf32>,
          %slice3A_951 = vector.extract_strided_slice %get3A_253 {offsets = [10], sizes = [1], strides = [1]} : vector<16xf32> to vector<1xf32>
          %squeeze3A_952 = vector.extract %slice3A_951[0] : f32 from vector<1xf32>
          %mul3A_953 = arith.constant 16 : i32
          %mul3A_954 = arith.muli %scan3A_247, %mul3A_953 : i32
          %add3A_955 = arith.constant 10 : i32
          %add3A_956 = arith.addi %mul3A_954, %add3A_955 : i32
          %get3A_957 = arith.index_cast %add3A_956 : i32 to index
          %get3A_958 = arith.constant 0 : index
          %get3A_959 = tpu.vector_load %arg14[%get3A_957, %get3A_958] {strides = array<i32>} : memref<128x128xf32, #tpu.memory_space<vmem>>, vector<16xf32>,
          %mul3A_960 = vector.broadcast %squeeze3A_952 : f32 to vector<16xf32>
          %mul3A_961 = arith.mulf %get3A_959, %mul3A_960 : vector<16xf32>
          %swap3A_962 = arith.index_cast %add3A_956 : i32 to index
          %swap3A_963 = arith.constant 0 : index
          %swap3A_964 = tpu.vector_load %arg14[%swap3A_962, %swap3A_963] {strides = array<i32>} : memref<128x128xf32, #tpu.memory_space<vmem>>, vector<16xf32>,
          tpu.vector_store %arg14[%swap3A_962, %swap3A_963], %mul3A_961 {strides = array<i32>} : memref<128x128xf32, #tpu.memory_space<vmem>>, vector<16xf32>,
          %get3A_965 = arith.index_cast %add3A_956 : i32 to index
          %get3A_966 = arith.constant 16 : index
          %get3A_967 = tpu.vector_load %arg14[%get3A_965, %get3A_966] {strides = array<i32>} : memref<128x128xf32, #tpu.memory_space<vmem>>, vector<16xf32>,
          %mul3A_968 = vector.broadcast %squeeze3A_952 : f32 to vector<16xf32>
          %mul3A_969 = arith.mulf %get3A_967, %mul3A_968 : vector<16xf32>
          %swap3A_970 = arith.index_cast %add3A_956 : i32 to index
          %swap3A_971 = arith.constant 16 : index
          %swap3A_972 = tpu.vector_load %arg14[%swap3A_970, %swap3A_971] {strides = array<i32>} : memref<128x128xf32, #tpu.memory_space<vmem>>, vector<16xf32>,
          tpu.vector_store %arg14[%swap3A_970, %swap3A_971], %mul3A_969 {strides = array<i32>} : memref<128x128xf32, #tpu.memory_space<vmem>>, vector<16xf32>,
          %get3A_973 = arith.index_cast %add3A_956 : i32 to index
          %get3A_974 = arith.constant 32 : index
          %get3A_975 = tpu.vector_load %arg14[%get3A_973, %get3A_974] {strides = array<i32>} : memref<128x128xf32, #tpu.memory_space<vmem>>, vector<16xf32>,
          %mul3A_976 = vector.broadcast %squeeze3A_952 : f32 to vector<16xf32>
          %mul3A_977 = arith.mulf %get3A_975, %mul3A_976 : vector<16xf32>
          %swap3A_978 = arith.index_cast %add3A_956 : i32 to index
          %swap3A_979 = arith.constant 32 : index
          %swap3A_980 = tpu.vector_load %arg14[%swap3A_978, %swap3A_979] {strides = array<i32>} : memref<128x128xf32, #tpu.memory_space<vmem>>, vector<16xf32>,
          tpu.vector_store %arg14[%swap3A_978, %swap3A_979], %mul3A_977 {strides = array<i32>} : memref<128x128xf32, #tpu.memory_space<vmem>>, vector<16xf32>,
          %get3A_981 = arith.index_cast %add3A_956 : i32 to index
          %get3A_982 = arith.constant 48 : index
          %get3A_983 = tpu.vector_load %arg14[%get3A_981, %get3A_982] {strides = array<i32>} : memref<128x128xf32, #tpu.memory_space<vmem>>, vector<16xf32>,
          %mul3A_984 = vector.broadcast %squeeze3A_952 : f32 to vector<16xf32>
          %mul3A_985 = arith.mulf %get3A_983, %mul3A_984 : vector<16xf32>
          %swap3A_986 = arith.index_cast %add3A_956 : i32 to index
          %swap3A_987 = arith.constant 48 : index
          %swap3A_988 = tpu.vector_load %arg14[%swap3A_986, %swap3A_987] {strides = array<i32>} : memref<128x128xf32, #tpu.memory_space<vmem>>, vector<16xf32>,
          tpu.vector_store %arg14[%swap3A_986, %swap3A_987], %mul3A_985 {strides = array<i32>} : memref<128x128xf32, #tpu.memory_space<vmem>>, vector<16xf32>,
          %get3A_989 = arith.index_cast %add3A_956 : i32 to index
          %get3A_990 = arith.constant 64 : index
          %get3A_991 = tpu.vector_load %arg14[%get3A_989, %get3A_990] {strides = array<i32>} : memref<128x128xf32, #tpu.memory_space<vmem>>, vector<16xf32>,
          %mul3A_992 = vector.broadcast %squeeze3A_952 : f32 to vector<16xf32>
          %mul3A_993 = arith.mulf %get3A_991, %mul3A_992 : vector<16xf32>
          %swap3A_994 = arith.index_cast %add3A_956 : i32 to index
          %swap3A_995 = arith.constant 64 : index
          %swap3A_996 = tpu.vector_load %arg14[%swap3A_994, %swap3A_995] {strides = array<i32>} : memref<128x128xf32, #tpu.memory_space<vmem>>, vector<16xf32>,
          tpu.vector_store %arg14[%swap3A_994, %swap3A_995], %mul3A_993 {strides = array<i32>} : memref<128x128xf32, #tpu.memory_space<vmem>>, vector<16xf32>,
          %get3A_997 = arith.index_cast %add3A_956 : i32 to index
          %get3A_998 = arith.constant 80 : index
          %get3A_999 = tpu.vector_load %arg14[%get3A_997, %get3A_998] {strides = array<i32>} : memref<128x128xf32, #tpu.memory_space<vmem>>, vector<16xf32>,
          %mul3A_1000 = vector.broadcast %squeeze3A_952 : f32 to vector<16xf32>
          %mul3A_1001 = arith.mulf %get3A_999, %mul3A_1000 : vector<16xf32>
          %swap3A_1002 = arith.index_cast %add3A_956 : i32 to index
          %swap3A_1003 = arith.constant 80 : index
          %swap3A_1004 = tpu.vector_load %arg14[%swap3A_1002, %swap3A_1003] {strides = array<i32>} : memref<128x128xf32, #tpu.memory_space<vmem>>, vector<16xf32>,
          tpu.vector_store %arg14[%swap3A_1002, %swap3A_1003], %mul3A_1001 {strides = array<i32>} : memref<128x128xf32, #tpu.memory_space<vmem>>, vector<16xf32>,
          %get3A_1005 = arith.index_cast %add3A_956 : i32 to index
          %get3A_1006 = arith.constant 96 : index
          %get3A_1007 = tpu.vector_load %arg14[%get3A_1005, %get3A_1006] {strides = array<i32>} : memref<128x128xf32, #tpu.memory_space<vmem>>, vector<16xf32>,
          %mul3A_1008 = vector.broadcast %squeeze3A_952 : f32 to vector<16xf32>
          %mul3A_1009 = arith.mulf %get3A_1007, %mul3A_1008 : vector<16xf32>
          %swap3A_1010 = arith.index_cast %add3A_956 : i32 to index
          %swap3A_1011 = arith.constant 96 : index
          %swap3A_1012 = tpu.vector_load %arg14[%swap3A_1010, %swap3A_1011] {strides = array<i32>} : memref<128x128xf32, #tpu.memory_space<vmem>>, vector<16xf32>,
          tpu.vector_store %arg14[%swap3A_1010, %swap3A_1011], %mul3A_1009 {strides = array<i32>} : memref<128x128xf32, #tpu.memory_space<vmem>>, vector<16xf32>,
          %get3A_1013 = arith.index_cast %add3A_956 : i32 to index
          %get3A_1014 = arith.constant 112 : index
          %get3A_1015 = tpu.vector_load %arg14[%get3A_1013, %get3A_1014] {strides = array<i32>} : memref<128x128xf32, #tpu.memory_space<vmem>>, vector<16xf32>,
          %mul3A_1016 = vector.broadcast %squeeze3A_952 : f32 to vector<16xf32>
          %mul3A_1017 = arith.mulf %get3A_1015, %mul3A_1016 : vector<16xf32>
          %swap3A_1018 = arith.index_cast %add3A_956 : i32 to index
          %swap3A_1019 = arith.constant 112 : index
          %swap3A_1020 = tpu.vector_load %arg14[%swap3A_1018, %swap3A_1019] {strides = array<i32>} : memref<128x128xf32, #tpu.memory_space<vmem>>, vector<16xf32>,
          tpu.vector_store %arg14[%swap3A_1018, %swap3A_1019], %mul3A_1017 {strides = array<i32>} : memref<128x128xf32, #tpu.memory_space<vmem>>, vector<16xf32>,
          %slice3A_1021 = vector.extract_strided_slice %get3A_253 {offsets = [11], sizes = [1], strides = [1]} : vector<16xf32> to vector<1xf32>
          %squeeze3A_1022 = vector.extract %slice3A_1021[0] : f32 from vector<1xf32>
          %mul3A_1023 = arith.constant 16 : i32
          %mul3A_1024 = arith.muli %scan3A_247, %mul3A_1023 : i32
          %add3A_1025 = arith.constant 11 : i32
          %add3A_1026 = arith.addi %mul3A_1024, %add3A_1025 : i32
          %get3A_1027 = arith.index_cast %add3A_1026 : i32 to index
          %get3A_1028 = arith.constant 0 : index
          %get3A_1029 = tpu.vector_load %arg14[%get3A_1027, %get3A_1028] {strides = array<i32>} : memref<128x128xf32, #tpu.memory_space<vmem>>, vector<16xf32>,
          %mul3A_1030 = vector.broadcast %squeeze3A_1022 : f32 to vector<16xf32>
          %mul3A_1031 = arith.mulf %get3A_1029, %mul3A_1030 : vector<16xf32>
          %swap3A_1032 = arith.index_cast %add3A_1026 : i32 to index
          %swap3A_1033 = arith.constant 0 : index
          %swap3A_1034 = tpu.vector_load %arg14[%swap3A_1032, %swap3A_1033] {strides = array<i32>} : memref<128x128xf32, #tpu.memory_space<vmem>>, vector<16xf32>,
          tpu.vector_store %arg14[%swap3A_1032, %swap3A_1033], %mul3A_1031 {strides = array<i32>} : memref<128x128xf32, #tpu.memory_space<vmem>>, vector<16xf32>,
          %get3A_1035 = arith.index_cast %add3A_1026 : i32 to index
          %get3A_1036 = arith.constant 16 : index
          %get3A_1037 = tpu.vector_load %arg14[%get3A_1035, %get3A_1036] {strides = array<i32>} : memref<128x128xf32, #tpu.memory_space<vmem>>, vector<16xf32>,
          %mul3A_1038 = vector.broadcast %squeeze3A_1022 : f32 to vector<16xf32>
          %mul3A_1039 = arith.mulf %get3A_1037, %mul3A_1038 : vector<16xf32>
          %swap3A_1040 = arith.index_cast %add3A_1026 : i32 to index
          %swap3A_1041 = arith.constant 16 : index
          %swap3A_1042 = tpu.vector_load %arg14[%swap3A_1040, %swap3A_1041] {strides = array<i32>} : memref<128x128xf32, #tpu.memory_space<vmem>>, vector<16xf32>,
          tpu.vector_store %arg14[%swap3A_1040, %swap3A_1041], %mul3A_1039 {strides = array<i32>} : memref<128x128xf32, #tpu.memory_space<vmem>>, vector<16xf32>,
          %get3A_1043 = arith.index_cast %add3A_1026 : i32 to index
          %get3A_1044 = arith.constant 32 : index
          %get3A_1045 = tpu.vector_load %arg14[%get3A_1043, %get3A_1044] {strides = array<i32>} : memref<128x128xf32, #tpu.memory_space<vmem>>, vector<16xf32>,
          %mul3A_1046 = vector.broadcast %squeeze3A_1022 : f32 to vector<16xf32>
          %mul3A_1047 = arith.mulf %get3A_1045, %mul3A_1046 : vector<16xf32>
          %swap3A_1048 = arith.index_cast %add3A_1026 : i32 to index
          %swap3A_1049 = arith.constant 32 : index
          %swap3A_1050 = tpu.vector_load %arg14[%swap3A_1048, %swap3A_1049] {strides = array<i32>} : memref<128x128xf32, #tpu.memory_space<vmem>>, vector<16xf32>,
          tpu.vector_store %arg14[%swap3A_1048, %swap3A_1049], %mul3A_1047 {strides = array<i32>} : memref<128x128xf32, #tpu.memory_space<vmem>>, vector<16xf32>,
          %get3A_1051 = arith.index_cast %add3A_1026 : i32 to index
          %get3A_1052 = arith.constant 48 : index
          %get3A_1053 = tpu.vector_load %arg14[%get3A_1051, %get3A_1052] {strides = array<i32>} : memref<128x128xf32, #tpu.memory_space<vmem>>, vector<16xf32>,
          %mul3A_1054 = vector.broadcast %squeeze3A_1022 : f32 to vector<16xf32>
          %mul3A_1055 = arith.mulf %get3A_1053, %mul3A_1054 : vector<16xf32>
          %swap3A_1056 = arith.index_cast %add3A_1026 : i32 to index
          %swap3A_1057 = arith.constant 48 : index
          %swap3A_1058 = tpu.vector_load %arg14[%swap3A_1056, %swap3A_1057] {strides = array<i32>} : memref<128x128xf32, #tpu.memory_space<vmem>>, vector<16xf32>,
          tpu.vector_store %arg14[%swap3A_1056, %swap3A_1057], %mul3A_1055 {strides = array<i32>} : memref<128x128xf32, #tpu.memory_space<vmem>>, vector<16xf32>,
          %get3A_1059 = arith.index_cast %add3A_1026 : i32 to index
          %get3A_1060 = arith.constant 64 : index
          %get3A_1061 = tpu.vector_load %arg14[%get3A_1059, %get3A_1060] {strides = array<i32>} : memref<128x128xf32, #tpu.memory_space<vmem>>, vector<16xf32>,
          %mul3A_1062 = vector.broadcast %squeeze3A_1022 : f32 to vector<16xf32>
          %mul3A_1063 = arith.mulf %get3A_1061, %mul3A_1062 : vector<16xf32>
          %swap3A_1064 = arith.index_cast %add3A_1026 : i32 to index
          %swap3A_1065 = arith.constant 64 : index
          %swap3A_1066 = tpu.vector_load %arg14[%swap3A_1064, %swap3A_1065] {strides = array<i32>} : memref<128x128xf32, #tpu.memory_space<vmem>>, vector<16xf32>,
          tpu.vector_store %arg14[%swap3A_1064, %swap3A_1065], %mul3A_1063 {strides = array<i32>} : memref<128x128xf32, #tpu.memory_space<vmem>>, vector<16xf32>,
          %get3A_1067 = arith.index_cast %add3A_1026 : i32 to index
          %get3A_1068 = arith.constant 80 : index
          %get3A_1069 = tpu.vector_load %arg14[%get3A_1067, %get3A_1068] {strides = array<i32>} : memref<128x128xf32, #tpu.memory_space<vmem>>, vector<16xf32>,
          %mul3A_1070 = vector.broadcast %squeeze3A_1022 : f32 to vector<16xf32>
          %mul3A_1071 = arith.mulf %get3A_1069, %mul3A_1070 : vector<16xf32>
          %swap3A_1072 = arith.index_cast %add3A_1026 : i32 to index
          %swap3A_1073 = arith.constant 80 : index
          %swap3A_1074 = tpu.vector_load %arg14[%swap3A_1072, %swap3A_1073] {strides = array<i32>} : memref<128x128xf32, #tpu.memory_space<vmem>>, vector<16xf32>,
          tpu.vector_store %arg14[%swap3A_1072, %swap3A_1073], %mul3A_1071 {strides = array<i32>} : memref<128x128xf32, #tpu.memory_space<vmem>>, vector<16xf32>,
          %get3A_1075 = arith.index_cast %add3A_1026 : i32 to index
          %get3A_1076 = arith.constant 96 : index
          %get3A_1077 = tpu.vector_load %arg14[%get3A_1075, %get3A_1076] {strides = array<i32>} : memref<128x128xf32, #tpu.memory_space<vmem>>, vector<16xf32>,
          %mul3A_1078 = vector.broadcast %squeeze3A_1022 : f32 to vector<16xf32>
          %mul3A_1079 = arith.mulf %get3A_1077, %mul3A_1078 : vector<16xf32>
          %swap3A_1080 = arith.index_cast %add3A_1026 : i32 to index
          %swap3A_1081 = arith.constant 96 : index
          %swap3A_1082 = tpu.vector_load %arg14[%swap3A_1080, %swap3A_1081] {strides = array<i32>} : memref<128x128xf32, #tpu.memory_space<vmem>>, vector<16xf32>,
          tpu.vector_store %arg14[%swap3A_1080, %swap3A_1081], %mul3A_1079 {strides = array<i32>} : memref<128x128xf32, #tpu.memory_space<vmem>>, vector<16xf32>,
          %get3A_1083 = arith.index_cast %add3A_1026 : i32 to index
          %get3A_1084 = arith.constant 112 : index
          %get3A_1085 = tpu.vector_load %arg14[%get3A_1083, %get3A_1084] {strides = array<i32>} : memref<128x128xf32, #tpu.memory_space<vmem>>, vector<16xf32>,
          %mul3A_1086 = vector.broadcast %squeeze3A_1022 : f32 to vector<16xf32>
          %mul3A_1087 = arith.mulf %get3A_1085, %mul3A_1086 : vector<16xf32>
          %swap3A_1088 = arith.index_cast %add3A_1026 : i32 to index
          %swap3A_1089 = arith.constant 112 : index
          %swap3A_1090 = tpu.vector_load %arg14[%swap3A_1088, %swap3A_1089] {strides = array<i32>} : memref<128x128xf32, #tpu.memory_space<vmem>>, vector<16xf32>,
          tpu.vector_store %arg14[%swap3A_1088, %swap3A_1089], %mul3A_1087 {strides = array<i32>} : memref<128x128xf32, #tpu.memory_space<vmem>>, vector<16xf32>,
          %slice3A_1091 = vector.extract_strided_slice %get3A_253 {offsets = [12], sizes = [1], strides = [1]} : vector<16xf32> to vector<1xf32>
          %squeeze3A_1092 = vector.extract %slice3A_1091[0] : f32 from vector<1xf32>
          %mul3A_1093 = arith.constant 16 : i32
          %mul3A_1094 = arith.muli %scan3A_247, %mul3A_1093 : i32
          %add3A_1095 = arith.constant 12 : i32
          %add3A_1096 = arith.addi %mul3A_1094, %add3A_1095 : i32
          %get3A_1097 = arith.index_cast %add3A_1096 : i32 to index
          %get3A_1098 = arith.constant 0 : index
          %get3A_1099 = tpu.vector_load %arg14[%get3A_1097, %get3A_1098] {strides = array<i32>} : memref<128x128xf32, #tpu.memory_space<vmem>>, vector<16xf32>,
          %mul3A_1100 = vector.broadcast %squeeze3A_1092 : f32 to vector<16xf32>
          %mul3A_1101 = arith.mulf %get3A_1099, %mul3A_1100 : vector<16xf32>
          %swap3A_1102 = arith.index_cast %add3A_1096 : i32 to index
          %swap3A_1103 = arith.constant 0 : index
          %swap3A_1104 = tpu.vector_load %arg14[%swap3A_1102, %swap3A_1103] {strides = array<i32>} : memref<128x128xf32, #tpu.memory_space<vmem>>, vector<16xf32>,
          tpu.vector_store %arg14[%swap3A_1102, %swap3A_1103], %mul3A_1101 {strides = array<i32>} : memref<128x128xf32, #tpu.memory_space<vmem>>, vector<16xf32>,
          %get3A_1105 = arith.index_cast %add3A_1096 : i32 to index
          %get3A_1106 = arith.constant 16 : index
          %get3A_1107 = tpu.vector_load %arg14[%get3A_1105, %get3A_1106] {strides = array<i32>} : memref<128x128xf32, #tpu.memory_space<vmem>>, vector<16xf32>,
          %mul3A_1108 = vector.broadcast %squeeze3A_1092 : f32 to vector<16xf32>
          %mul3A_1109 = arith.mulf %get3A_1107, %mul3A_1108 : vector<16xf32>
          %swap3A_1110 = arith.index_cast %add3A_1096 : i32 to index
          %swap3A_1111 = arith.constant 16 : index
          %swap3A_1112 = tpu.vector_load %arg14[%swap3A_1110, %swap3A_1111] {strides = array<i32>} : memref<128x128xf32, #tpu.memory_space<vmem>>, vector<16xf32>,
          tpu.vector_store %arg14[%swap3A_1110, %swap3A_1111], %mul3A_1109 {strides = array<i32>} : memref<128x128xf32, #tpu.memory_space<vmem>>, vector<16xf32>,
          %get3A_1113 = arith.index_cast %add3A_1096 : i32 to index
          %get3A_1114 = arith.constant 32 : index
          %get3A_1115 = tpu.vector_load %arg14[%get3A_1113, %get3A_1114] {strides = array<i32>} : memref<128x128xf32, #tpu.memory_space<vmem>>, vector<16xf32>,
          %mul3A_1116 = vector.broadcast %squeeze3A_1092 : f32 to vector<16xf32>
          %mul3A_1117 = arith.mulf %get3A_1115, %mul3A_1116 : vector<16xf32>
          %swap3A_1118 = arith.index_cast %add3A_1096 : i32 to index
          %swap3A_1119 = arith.constant 32 : index
          %swap3A_1120 = tpu.vector_load %arg14[%swap3A_1118, %swap3A_1119] {strides = array<i32>} : memref<128x128xf32, #tpu.memory_space<vmem>>, vector<16xf32>,
          tpu.vector_store %arg14[%swap3A_1118, %swap3A_1119], %mul3A_1117 {strides = array<i32>} : memref<128x128xf32, #tpu.memory_space<vmem>>, vector<16xf32>,
          %get3A_1121 = arith.index_cast %add3A_1096 : i32 to index
          %get3A_1122 = arith.constant 48 : index
          %get3A_1123 = tpu.vector_load %arg14[%get3A_1121, %get3A_1122] {strides = array<i32>} : memref<128x128xf32, #tpu.memory_space<vmem>>, vector<16xf32>,
          %mul3A_1124 = vector.broadcast %squeeze3A_1092 : f32 to vector<16xf32>
          %mul3A_1125 = arith.mulf %get3A_1123, %mul3A_1124 : vector<16xf32>
          %swap3A_1126 = arith.index_cast %add3A_1096 : i32 to index
          %swap3A_1127 = arith.constant 48 : index
          %swap3A_1128 = tpu.vector_load %arg14[%swap3A_1126, %swap3A_1127] {strides = array<i32>} : memref<128x128xf32, #tpu.memory_space<vmem>>, vector<16xf32>,
          tpu.vector_store %arg14[%swap3A_1126, %swap3A_1127], %mul3A_1125 {strides = array<i32>} : memref<128x128xf32, #tpu.memory_space<vmem>>, vector<16xf32>,
          %get3A_1129 = arith.index_cast %add3A_1096 : i32 to index
          %get3A_1130 = arith.constant 64 : index
          %get3A_1131 = tpu.vector_load %arg14[%get3A_1129, %get3A_1130] {strides = array<i32>} : memref<128x128xf32, #tpu.memory_space<vmem>>, vector<16xf32>,
          %mul3A_1132 = vector.broadcast %squeeze3A_1092 : f32 to vector<16xf32>
          %mul3A_1133 = arith.mulf %get3A_1131, %mul3A_1132 : vector<16xf32>
          %swap3A_1134 = arith.index_cast %add3A_1096 : i32 to index
          %swap3A_1135 = arith.constant 64 : index
          %swap3A_1136 = tpu.vector_load %arg14[%swap3A_1134, %swap3A_1135] {strides = array<i32>} : memref<128x128xf32, #tpu.memory_space<vmem>>, vector<16xf32>,
          tpu.vector_store %arg14[%swap3A_1134, %swap3A_1135], %mul3A_1133 {strides = array<i32>} : memref<128x128xf32, #tpu.memory_space<vmem>>, vector<16xf32>,
          %get3A_1137 = arith.index_cast %add3A_1096 : i32 to index
          %get3A_1138 = arith.constant 80 : index
          %get3A_1139 = tpu.vector_load %arg14[%get3A_1137, %get3A_1138] {strides = array<i32>} : memref<128x128xf32, #tpu.memory_space<vmem>>, vector<16xf32>,
          %mul3A_1140 = vector.broadcast %squeeze3A_1092 : f32 to vector<16xf32>
          %mul3A_1141 = arith.mulf %get3A_1139, %mul3A_1140 : vector<16xf32>
          %swap3A_1142 = arith.index_cast %add3A_1096 : i32 to index
          %swap3A_1143 = arith.constant 80 : index
          %swap3A_1144 = tpu.vector_load %arg14[%swap3A_1142, %swap3A_1143] {strides = array<i32>} : memref<128x128xf32, #tpu.memory_space<vmem>>, vector<16xf32>,
          tpu.vector_store %arg14[%swap3A_1142, %swap3A_1143], %mul3A_1141 {strides = array<i32>} : memref<128x128xf32, #tpu.memory_space<vmem>>, vector<16xf32>,
          %get3A_1145 = arith.index_cast %add3A_1096 : i32 to index
          %get3A_1146 = arith.constant 96 : index
          %get3A_1147 = tpu.vector_load %arg14[%get3A_1145, %get3A_1146] {strides = array<i32>} : memref<128x128xf32, #tpu.memory_space<vmem>>, vector<16xf32>,
          %mul3A_1148 = vector.broadcast %squeeze3A_1092 : f32 to vector<16xf32>
          %mul3A_1149 = arith.mulf %get3A_1147, %mul3A_1148 : vector<16xf32>
          %swap3A_1150 = arith.index_cast %add3A_1096 : i32 to index
          %swap3A_1151 = arith.constant 96 : index
          %swap3A_1152 = tpu.vector_load %arg14[%swap3A_1150, %swap3A_1151] {strides = array<i32>} : memref<128x128xf32, #tpu.memory_space<vmem>>, vector<16xf32>,
          tpu.vector_store %arg14[%swap3A_1150, %swap3A_1151], %mul3A_1149 {strides = array<i32>} : memref<128x128xf32, #tpu.memory_space<vmem>>, vector<16xf32>,
          %get3A_1153 = arith.index_cast %add3A_1096 : i32 to index
          %get3A_1154 = arith.constant 112 : index
          %get3A_1155 = tpu.vector_load %arg14[%get3A_1153, %get3A_1154] {strides = array<i32>} : memref<128x128xf32, #tpu.memory_space<vmem>>, vector<16xf32>,
          %mul3A_1156 = vector.broadcast %squeeze3A_1092 : f32 to vector<16xf32>
          %mul3A_1157 = arith.mulf %get3A_1155, %mul3A_1156 : vector<16xf32>
          %swap3A_1158 = arith.index_cast %add3A_1096 : i32 to index
          %swap3A_1159 = arith.constant 112 : index
          %swap3A_1160 = tpu.vector_load %arg14[%swap3A_1158, %swap3A_1159] {strides = array<i32>} : memref<128x128xf32, #tpu.memory_space<vmem>>, vector<16xf32>,
          tpu.vector_store %arg14[%swap3A_1158, %swap3A_1159], %mul3A_1157 {strides = array<i32>} : memref<128x128xf32, #tpu.memory_space<vmem>>, vector<16xf32>,
          %slice3A_1161 = vector.extract_strided_slice %get3A_253 {offsets = [13], sizes = [1], strides = [1]} : vector<16xf32> to vector<1xf32>
          %squeeze3A_1162 = vector.extract %slice3A_1161[0] : f32 from vector<1xf32>
          %mul3A_1163 = arith.constant 16 : i32
          %mul3A_1164 = arith.muli %scan3A_247, %mul3A_1163 : i32
          %add3A_1165 = arith.constant 13 : i32
          %add3A_1166 = arith.addi %mul3A_1164, %add3A_1165 : i32
          %get3A_1167 = arith.index_cast %add3A_1166 : i32 to index
          %get3A_1168 = arith.constant 0 : index
          %get3A_1169 = tpu.vector_load %arg14[%get3A_1167, %get3A_1168] {strides = array<i32>} : memref<128x128xf32, #tpu.memory_space<vmem>>, vector<16xf32>,
          %mul3A_1170 = vector.broadcast %squeeze3A_1162 : f32 to vector<16xf32>
          %mul3A_1171 = arith.mulf %get3A_1169, %mul3A_1170 : vector<16xf32>
          %swap3A_1172 = arith.index_cast %add3A_1166 : i32 to index
          %swap3A_1173 = arith.constant 0 : index
          %swap3A_1174 = tpu.vector_load %arg14[%swap3A_1172, %swap3A_1173] {strides = array<i32>} : memref<128x128xf32, #tpu.memory_space<vmem>>, vector<16xf32>,
          tpu.vector_store %arg14[%swap3A_1172, %swap3A_1173], %mul3A_1171 {strides = array<i32>} : memref<128x128xf32, #tpu.memory_space<vmem>>, vector<16xf32>,
          %get3A_1175 = arith.index_cast %add3A_1166 : i32 to index
          %get3A_1176 = arith.constant 16 : index
          %get3A_1177 = tpu.vector_load %arg14[%get3A_1175, %get3A_1176] {strides = array<i32>} : memref<128x128xf32, #tpu.memory_space<vmem>>, vector<16xf32>,
          %mul3A_1178 = vector.broadcast %squeeze3A_1162 : f32 to vector<16xf32>
          %mul3A_1179 = arith.mulf %get3A_1177, %mul3A_1178 : vector<16xf32>
          %swap3A_1180 = arith.index_cast %add3A_1166 : i32 to index
          %swap3A_1181 = arith.constant 16 : index
          %swap3A_1182 = tpu.vector_load %arg14[%swap3A_1180, %swap3A_1181] {strides = array<i32>} : memref<128x128xf32, #tpu.memory_space<vmem>>, vector<16xf32>,
          tpu.vector_store %arg14[%swap3A_1180, %swap3A_1181], %mul3A_1179 {strides = array<i32>} : memref<128x128xf32, #tpu.memory_space<vmem>>, vector<16xf32>,
          %get3A_1183 = arith.index_cast %add3A_1166 : i32 to index
          %get3A_1184 = arith.constant 32 : index
          %get3A_1185 = tpu.vector_load %arg14[%get3A_1183, %get3A_1184] {strides = array<i32>} : memref<128x128xf32, #tpu.memory_space<vmem>>, vector<16xf32>,
          %mul3A_1186 = vector.broadcast %squeeze3A_1162 : f32 to vector<16xf32>
          %mul3A_1187 = arith.mulf %get3A_1185, %mul3A_1186 : vector<16xf32>
          %swap3A_1188 = arith.index_cast %add3A_1166 : i32 to index
          %swap3A_1189 = arith.constant 32 : index
          %swap3A_1190 = tpu.vector_load %arg14[%swap3A_1188, %swap3A_1189] {strides = array<i32>} : memref<128x128xf32, #tpu.memory_space<vmem>>, vector<16xf32>,
          tpu.vector_store %arg14[%swap3A_1188, %swap3A_1189], %mul3A_1187 {strides = array<i32>} : memref<128x128xf32, #tpu.memory_space<vmem>>, vector<16xf32>,
          %get3A_1191 = arith.index_cast %add3A_1166 : i32 to index
          %get3A_1192 = arith.constant 48 : index
          %get3A_1193 = tpu.vector_load %arg14[%get3A_1191, %get3A_1192] {strides = array<i32>} : memref<128x128xf32, #tpu.memory_space<vmem>>, vector<16xf32>,
          %mul3A_1194 = vector.broadcast %squeeze3A_1162 : f32 to vector<16xf32>
          %mul3A_1195 = arith.mulf %get3A_1193, %mul3A_1194 : vector<16xf32>
          %swap3A_1196 = arith.index_cast %add3A_1166 : i32 to index
          %swap3A_1197 = arith.constant 48 : index
          %swap3A_1198 = tpu.vector_load %arg14[%swap3A_1196, %swap3A_1197] {strides = array<i32>} : memref<128x128xf32, #tpu.memory_space<vmem>>, vector<16xf32>,
          tpu.vector_store %arg14[%swap3A_1196, %swap3A_1197], %mul3A_1195 {strides = array<i32>} : memref<128x128xf32, #tpu.memory_space<vmem>>, vector<16xf32>,
          %get3A_1199 = arith.index_cast %add3A_1166 : i32 to index
          %get3A_1200 = arith.constant 64 : index
          %get3A_1201 = tpu.vector_load %arg14[%get3A_1199, %get3A_1200] {strides = array<i32>} : memref<128x128xf32, #tpu.memory_space<vmem>>, vector<16xf32>,
          %mul3A_1202 = vector.broadcast %squeeze3A_1162 : f32 to vector<16xf32>
          %mul3A_1203 = arith.mulf %get3A_1201, %mul3A_1202 : vector<16xf32>
          %swap3A_1204 = arith.index_cast %add3A_1166 : i32 to index
          %swap3A_1205 = arith.constant 64 : index
          %swap3A_1206 = tpu.vector_load %arg14[%swap3A_1204, %swap3A_1205] {strides = array<i32>} : memref<128x128xf32, #tpu.memory_space<vmem>>, vector<16xf32>,
          tpu.vector_store %arg14[%swap3A_1204, %swap3A_1205], %mul3A_1203 {strides = array<i32>} : memref<128x128xf32, #tpu.memory_space<vmem>>, vector<16xf32>,
          %get3A_1207 = arith.index_cast %add3A_1166 : i32 to index
          %get3A_1208 = arith.constant 80 : index
          %get3A_1209 = tpu.vector_load %arg14[%get3A_1207, %get3A_1208] {strides = array<i32>} : memref<128x128xf32, #tpu.memory_space<vmem>>, vector<16xf32>,
          %mul3A_1210 = vector.broadcast %squeeze3A_1162 : f32 to vector<16xf32>
          %mul3A_1211 = arith.mulf %get3A_1209, %mul3A_1210 : vector<16xf32>
          %swap3A_1212 = arith.index_cast %add3A_1166 : i32 to index
          %swap3A_1213 = arith.constant 80 : index
          %swap3A_1214 = tpu.vector_load %arg14[%swap3A_1212, %swap3A_1213] {strides = array<i32>} : memref<128x128xf32, #tpu.memory_space<vmem>>, vector<16xf32>,
          tpu.vector_store %arg14[%swap3A_1212, %swap3A_1213], %mul3A_1211 {strides = array<i32>} : memref<128x128xf32, #tpu.memory_space<vmem>>, vector<16xf32>,
          %get3A_1215 = arith.index_cast %add3A_1166 : i32 to index
          %get3A_1216 = arith.constant 96 : index
          %get3A_1217 = tpu.vector_load %arg14[%get3A_1215, %get3A_1216] {strides = array<i32>} : memref<128x128xf32, #tpu.memory_space<vmem>>, vector<16xf32>,
          %mul3A_1218 = vector.broadcast %squeeze3A_1162 : f32 to vector<16xf32>
          %mul3A_1219 = arith.mulf %get3A_1217, %mul3A_1218 : vector<16xf32>
          %swap3A_1220 = arith.index_cast %add3A_1166 : i32 to index
          %swap3A_1221 = arith.constant 96 : index
          %swap3A_1222 = tpu.vector_load %arg14[%swap3A_1220, %swap3A_1221] {strides = array<i32>} : memref<128x128xf32, #tpu.memory_space<vmem>>, vector<16xf32>,
          tpu.vector_store %arg14[%swap3A_1220, %swap3A_1221], %mul3A_1219 {strides = array<i32>} : memref<128x128xf32, #tpu.memory_space<vmem>>, vector<16xf32>,
          %get3A_1223 = arith.index_cast %add3A_1166 : i32 to index
          %get3A_1224 = arith.constant 112 : index
          %get3A_1225 = tpu.vector_load %arg14[%get3A_1223, %get3A_1224] {strides = array<i32>} : memref<128x128xf32, #tpu.memory_space<vmem>>, vector<16xf32>,
          %mul3A_1226 = vector.broadcast %squeeze3A_1162 : f32 to vector<16xf32>
          %mul3A_1227 = arith.mulf %get3A_1225, %mul3A_1226 : vector<16xf32>
          %swap3A_1228 = arith.index_cast %add3A_1166 : i32 to index
          %swap3A_1229 = arith.constant 112 : index
          %swap3A_1230 = tpu.vector_load %arg14[%swap3A_1228, %swap3A_1229] {strides = array<i32>} : memref<128x128xf32, #tpu.memory_space<vmem>>, vector<16xf32>,
          tpu.vector_store %arg14[%swap3A_1228, %swap3A_1229], %mul3A_1227 {strides = array<i32>} : memref<128x128xf32, #tpu.memory_space<vmem>>, vector<16xf32>,
          %slice3A_1231 = vector.extract_strided_slice %get3A_253 {offsets = [14], sizes = [1], strides = [1]} : vector<16xf32> to vector<1xf32>
          %squeeze3A_1232 = vector.extract %slice3A_1231[0] : f32 from vector<1xf32>
          %mul3A_1233 = arith.constant 16 : i32
          %mul3A_1234 = arith.muli %scan3A_247, %mul3A_1233 : i32
          %add3A_1235 = arith.constant 14 : i32
          %add3A_1236 = arith.addi %mul3A_1234, %add3A_1235 : i32
          %get3A_1237 = arith.index_cast %add3A_1236 : i32 to index
          %get3A_1238 = arith.constant 0 : index
          %get3A_1239 = tpu.vector_load %arg14[%get3A_1237, %get3A_1238] {strides = array<i32>} : memref<128x128xf32, #tpu.memory_space<vmem>>, vector<16xf32>,
          %mul3A_1240 = vector.broadcast %squeeze3A_1232 : f32 to vector<16xf32>
          %mul3A_1241 = arith.mulf %get3A_1239, %mul3A_1240 : vector<16xf32>
          %swap3A_1242 = arith.index_cast %add3A_1236 : i32 to index
          %swap3A_1243 = arith.constant 0 : index
          %swap3A_1244 = tpu.vector_load %arg14[%swap3A_1242, %swap3A_1243] {strides = array<i32>} : memref<128x128xf32, #tpu.memory_space<vmem>>, vector<16xf32>,
          tpu.vector_store %arg14[%swap3A_1242, %swap3A_1243], %mul3A_1241 {strides = array<i32>} : memref<128x128xf32, #tpu.memory_space<vmem>>, vector<16xf32>,
          %get3A_1245 = arith.index_cast %add3A_1236 : i32 to index
          %get3A_1246 = arith.constant 16 : index
          %get3A_1247 = tpu.vector_load %arg14[%get3A_1245, %get3A_1246] {strides = array<i32>} : memref<128x128xf32, #tpu.memory_space<vmem>>, vector<16xf32>,
          %mul3A_1248 = vector.broadcast %squeeze3A_1232 : f32 to vector<16xf32>
          %mul3A_1249 = arith.mulf %get3A_1247, %mul3A_1248 : vector<16xf32>
          %swap3A_1250 = arith.index_cast %add3A_1236 : i32 to index
          %swap3A_1251 = arith.constant 16 : index
          %swap3A_1252 = tpu.vector_load %arg14[%swap3A_1250, %swap3A_1251] {strides = array<i32>} : memref<128x128xf32, #tpu.memory_space<vmem>>, vector<16xf32>,
          tpu.vector_store %arg14[%swap3A_1250, %swap3A_1251], %mul3A_1249 {strides = array<i32>} : memref<128x128xf32, #tpu.memory_space<vmem>>, vector<16xf32>,
          %get3A_1253 = arith.index_cast %add3A_1236 : i32 to index
          %get3A_1254 = arith.constant 32 : index
          %get3A_1255 = tpu.vector_load %arg14[%get3A_1253, %get3A_1254] {strides = array<i32>} : memref<128x128xf32, #tpu.memory_space<vmem>>, vector<16xf32>,
          %mul3A_1256 = vector.broadcast %squeeze3A_1232 : f32 to vector<16xf32>
          %mul3A_1257 = arith.mulf %get3A_1255, %mul3A_1256 : vector<16xf32>
          %swap3A_1258 = arith.index_cast %add3A_1236 : i32 to index
          %swap3A_1259 = arith.constant 32 : index
          %swap3A_1260 = tpu.vector_load %arg14[%swap3A_1258, %swap3A_1259] {strides = array<i32>} : memref<128x128xf32, #tpu.memory_space<vmem>>, vector<16xf32>,
          tpu.vector_store %arg14[%swap3A_1258, %swap3A_1259], %mul3A_1257 {strides = array<i32>} : memref<128x128xf32, #tpu.memory_space<vmem>>, vector<16xf32>,
          %get3A_1261 = arith.index_cast %add3A_1236 : i32 to index
          %get3A_1262 = arith.constant 48 : index
          %get3A_1263 = tpu.vector_load %arg14[%get3A_1261, %get3A_1262] {strides = array<i32>} : memref<128x128xf32, #tpu.memory_space<vmem>>, vector<16xf32>,
          %mul3A_1264 = vector.broadcast %squeeze3A_1232 : f32 to vector<16xf32>
          %mul3A_1265 = arith.mulf %get3A_1263, %mul3A_1264 : vector<16xf32>
          %swap3A_1266 = arith.index_cast %add3A_1236 : i32 to index
          %swap3A_1267 = arith.constant 48 : index
          %swap3A_1268 = tpu.vector_load %arg14[%swap3A_1266, %swap3A_1267] {strides = array<i32>} : memref<128x128xf32, #tpu.memory_space<vmem>>, vector<16xf32>,
          tpu.vector_store %arg14[%swap3A_1266, %swap3A_1267], %mul3A_1265 {strides = array<i32>} : memref<128x128xf32, #tpu.memory_space<vmem>>, vector<16xf32>,
          %get3A_1269 = arith.index_cast %add3A_1236 : i32 to index
          %get3A_1270 = arith.constant 64 : index
          %get3A_1271 = tpu.vector_load %arg14[%get3A_1269, %get3A_1270] {strides = array<i32>} : memref<128x128xf32, #tpu.memory_space<vmem>>, vector<16xf32>,
          %mul3A_1272 = vector.broadcast %squeeze3A_1232 : f32 to vector<16xf32>
          %mul3A_1273 = arith.mulf %get3A_1271, %mul3A_1272 : vector<16xf32>
          %swap3A_1274 = arith.index_cast %add3A_1236 : i32 to index
          %swap3A_1275 = arith.constant 64 : index
          %swap3A_1276 = tpu.vector_load %arg14[%swap3A_1274, %swap3A_1275] {strides = array<i32>} : memref<128x128xf32, #tpu.memory_space<vmem>>, vector<16xf32>,
          tpu.vector_store %arg14[%swap3A_1274, %swap3A_1275], %mul3A_1273 {strides = array<i32>} : memref<128x128xf32, #tpu.memory_space<vmem>>, vector<16xf32>,
          %get3A_1277 = arith.index_cast %add3A_1236 : i32 to index
          %get3A_1278 = arith.constant 80 : index
          %get3A_1279 = tpu.vector_load %arg14[%get3A_1277, %get3A_1278] {strides = array<i32>} : memref<128x128xf32, #tpu.memory_space<vmem>>, vector<16xf32>,
          %mul3A_1280 = vector.broadcast %squeeze3A_1232 : f32 to vector<16xf32>
          %mul3A_1281 = arith.mulf %get3A_1279, %mul3A_1280 : vector<16xf32>
          %swap3A_1282 = arith.index_cast %add3A_1236 : i32 to index
          %swap3A_1283 = arith.constant 80 : index
          %swap3A_1284 = tpu.vector_load %arg14[%swap3A_1282, %swap3A_1283] {strides = array<i32>} : memref<128x128xf32, #tpu.memory_space<vmem>>, vector<16xf32>,
          tpu.vector_store %arg14[%swap3A_1282, %swap3A_1283], %mul3A_1281 {strides = array<i32>} : memref<128x128xf32, #tpu.memory_space<vmem>>, vector<16xf32>,
          %get3A_1285 = arith.index_cast %add3A_1236 : i32 to index
          %get3A_1286 = arith.constant 96 : index
          %get3A_1287 = tpu.vector_load %arg14[%get3A_1285, %get3A_1286] {strides = array<i32>} : memref<128x128xf32, #tpu.memory_space<vmem>>, vector<16xf32>,
          %mul3A_1288 = vector.broadcast %squeeze3A_1232 : f32 to vector<16xf32>
          %mul3A_1289 = arith.mulf %get3A_1287, %mul3A_1288 : vector<16xf32>
          %swap3A_1290 = arith.index_cast %add3A_1236 : i32 to index
          %swap3A_1291 = arith.constant 96 : index
          %swap3A_1292 = tpu.vector_load %arg14[%swap3A_1290, %swap3A_1291] {strides = array<i32>} : memref<128x128xf32, #tpu.memory_space<vmem>>, vector<16xf32>,
          tpu.vector_store %arg14[%swap3A_1290, %swap3A_1291], %mul3A_1289 {strides = array<i32>} : memref<128x128xf32, #tpu.memory_space<vmem>>, vector<16xf32>,
          %get3A_1293 = arith.index_cast %add3A_1236 : i32 to index
          %get3A_1294 = arith.constant 112 : index
          %get3A_1295 = tpu.vector_load %arg14[%get3A_1293, %get3A_1294] {strides = array<i32>} : memref<128x128xf32, #tpu.memory_space<vmem>>, vector<16xf32>,
          %mul3A_1296 = vector.broadcast %squeeze3A_1232 : f32 to vector<16xf32>
          %mul3A_1297 = arith.mulf %get3A_1295, %mul3A_1296 : vector<16xf32>
          %swap3A_1298 = arith.index_cast %add3A_1236 : i32 to index
          %swap3A_1299 = arith.constant 112 : index
          %swap3A_1300 = tpu.vector_load %arg14[%swap3A_1298, %swap3A_1299] {strides = array<i32>} : memref<128x128xf32, #tpu.memory_space<vmem>>, vector<16xf32>,
          tpu.vector_store %arg14[%swap3A_1298, %swap3A_1299], %mul3A_1297 {strides = array<i32>} : memref<128x128xf32, #tpu.memory_space<vmem>>, vector<16xf32>,
          %slice3A_1301 = vector.extract_strided_slice %get3A_253 {offsets = [15], sizes = [1], strides = [1]} : vector<16xf32> to vector<1xf32>
          %squeeze3A_1302 = vector.extract %slice3A_1301[0] : f32 from vector<1xf32>
          %mul3A_1303 = arith.constant 16 : i32
          %mul3A_1304 = arith.muli %scan3A_247, %mul3A_1303 : i32
          %add3A_1305 = arith.constant 15 : i32
          %add3A_1306 = arith.addi %mul3A_1304, %add3A_1305 : i32
          %get3A_1307 = arith.index_cast %add3A_1306 : i32 to index
          %get3A_1308 = arith.constant 0 : index
          %get3A_1309 = tpu.vector_load %arg14[%get3A_1307, %get3A_1308] {strides = array<i32>} : memref<128x128xf32, #tpu.memory_space<vmem>>, vector<16xf32>,
          %mul3A_1310 = vector.broadcast %squeeze3A_1302 : f32 to vector<16xf32>
          %mul3A_1311 = arith.mulf %get3A_1309, %mul3A_1310 : vector<16xf32>
          %swap3A_1312 = arith.index_cast %add3A_1306 : i32 to index
          %swap3A_1313 = arith.constant 0 : index
          %swap3A_1314 = tpu.vector_load %arg14[%swap3A_1312, %swap3A_1313] {strides = array<i32>} : memref<128x128xf32, #tpu.memory_space<vmem>>, vector<16xf32>,
          tpu.vector_store %arg14[%swap3A_1312, %swap3A_1313], %mul3A_1311 {strides = array<i32>} : memref<128x128xf32, #tpu.memory_space<vmem>>, vector<16xf32>,
          %get3A_1315 = arith.index_cast %add3A_1306 : i32 to index
          %get3A_1316 = arith.constant 16 : index
          %get3A_1317 = tpu.vector_load %arg14[%get3A_1315, %get3A_1316] {strides = array<i32>} : memref<128x128xf32, #tpu.memory_space<vmem>>, vector<16xf32>,
          %mul3A_1318 = vector.broadcast %squeeze3A_1302 : f32 to vector<16xf32>
          %mul3A_1319 = arith.mulf %get3A_1317, %mul3A_1318 : vector<16xf32>
          %swap3A_1320 = arith.index_cast %add3A_1306 : i32 to index
          %swap3A_1321 = arith.constant 16 : index
          %swap3A_1322 = tpu.vector_load %arg14[%swap3A_1320, %swap3A_1321] {strides = array<i32>} : memref<128x128xf32, #tpu.memory_space<vmem>>, vector<16xf32>,
          tpu.vector_store %arg14[%swap3A_1320, %swap3A_1321], %mul3A_1319 {strides = array<i32>} : memref<128x128xf32, #tpu.memory_space<vmem>>, vector<16xf32>,
          %get3A_1323 = arith.index_cast %add3A_1306 : i32 to index
          %get3A_1324 = arith.constant 32 : index
          %get3A_1325 = tpu.vector_load %arg14[%get3A_1323, %get3A_1324] {strides = array<i32>} : memref<128x128xf32, #tpu.memory_space<vmem>>, vector<16xf32>,
          %mul3A_1326 = vector.broadcast %squeeze3A_1302 : f32 to vector<16xf32>
          %mul3A_1327 = arith.mulf %get3A_1325, %mul3A_1326 : vector<16xf32>
          %swap3A_1328 = arith.index_cast %add3A_1306 : i32 to index
          %swap3A_1329 = arith.constant 32 : index
          %swap3A_1330 = tpu.vector_load %arg14[%swap3A_1328, %swap3A_1329] {strides = array<i32>} : memref<128x128xf32, #tpu.memory_space<vmem>>, vector<16xf32>,
          tpu.vector_store %arg14[%swap3A_1328, %swap3A_1329], %mul3A_1327 {strides = array<i32>} : memref<128x128xf32, #tpu.memory_space<vmem>>, vector<16xf32>,
          %get3A_1331 = arith.index_cast %add3A_1306 : i32 to index
          %get3A_1332 = arith.constant 48 : index
          %get3A_1333 = tpu.vector_load %arg14[%get3A_1331, %get3A_1332] {strides = array<i32>} : memref<128x128xf32, #tpu.memory_space<vmem>>, vector<16xf32>,
          %mul3A_1334 = vector.broadcast %squeeze3A_1302 : f32 to vector<16xf32>
          %mul3A_1335 = arith.mulf %get3A_1333, %mul3A_1334 : vector<16xf32>
          %swap3A_1336 = arith.index_cast %add3A_1306 : i32 to index
          %swap3A_1337 = arith.constant 48 : index
          %swap3A_1338 = tpu.vector_load %arg14[%swap3A_1336, %swap3A_1337] {strides = array<i32>} : memref<128x128xf32, #tpu.memory_space<vmem>>, vector<16xf32>,
          tpu.vector_store %arg14[%swap3A_1336, %swap3A_1337], %mul3A_1335 {strides = array<i32>} : memref<128x128xf32, #tpu.memory_space<vmem>>, vector<16xf32>,
          %get3A_1339 = arith.index_cast %add3A_1306 : i32 to index
          %get3A_1340 = arith.constant 64 : index
          %get3A_1341 = tpu.vector_load %arg14[%get3A_1339, %get3A_1340] {strides = array<i32>} : memref<128x128xf32, #tpu.memory_space<vmem>>, vector<16xf32>,
          %mul3A_1342 = vector.broadcast %squeeze3A_1302 : f32 to vector<16xf32>
          %mul3A_1343 = arith.mulf %get3A_1341, %mul3A_1342 : vector<16xf32>
          %swap3A_1344 = arith.index_cast %add3A_1306 : i32 to index
          %swap3A_1345 = arith.constant 64 : index
          %swap3A_1346 = tpu.vector_load %arg14[%swap3A_1344, %swap3A_1345] {strides = array<i32>} : memref<128x128xf32, #tpu.memory_space<vmem>>, vector<16xf32>,
          tpu.vector_store %arg14[%swap3A_1344, %swap3A_1345], %mul3A_1343 {strides = array<i32>} : memref<128x128xf32, #tpu.memory_space<vmem>>, vector<16xf32>,
          %get3A_1347 = arith.index_cast %add3A_1306 : i32 to index
          %get3A_1348 = arith.constant 80 : index
          %get3A_1349 = tpu.vector_load %arg14[%get3A_1347, %get3A_1348] {strides = array<i32>} : memref<128x128xf32, #tpu.memory_space<vmem>>, vector<16xf32>,
          %mul3A_1350 = vector.broadcast %squeeze3A_1302 : f32 to vector<16xf32>
          %mul3A_1351 = arith.mulf %get3A_1349, %mul3A_1350 : vector<16xf32>
          %swap3A_1352 = arith.index_cast %add3A_1306 : i32 to index
          %swap3A_1353 = arith.constant 80 : index
          %swap3A_1354 = tpu.vector_load %arg14[%swap3A_1352, %swap3A_1353] {strides = array<i32>} : memref<128x128xf32, #tpu.memory_space<vmem>>, vector<16xf32>,
          tpu.vector_store %arg14[%swap3A_1352, %swap3A_1353], %mul3A_1351 {strides = array<i32>} : memref<128x128xf32, #tpu.memory_space<vmem>>, vector<16xf32>,
          %get3A_1355 = arith.index_cast %add3A_1306 : i32 to index
          %get3A_1356 = arith.constant 96 : index
          %get3A_1357 = tpu.vector_load %arg14[%get3A_1355, %get3A_1356] {strides = array<i32>} : memref<128x128xf32, #tpu.memory_space<vmem>>, vector<16xf32>,
          %mul3A_1358 = vector.broadcast %squeeze3A_1302 : f32 to vector<16xf32>
          %mul3A_1359 = arith.mulf %get3A_1357, %mul3A_1358 : vector<16xf32>
          %swap3A_1360 = arith.index_cast %add3A_1306 : i32 to index
          %swap3A_1361 = arith.constant 96 : index
          %swap3A_1362 = tpu.vector_load %arg14[%swap3A_1360, %swap3A_1361] {strides = array<i32>} : memref<128x128xf32, #tpu.memory_space<vmem>>, vector<16xf32>,
          tpu.vector_store %arg14[%swap3A_1360, %swap3A_1361], %mul3A_1359 {strides = array<i32>} : memref<128x128xf32, #tpu.memory_space<vmem>>, vector<16xf32>,
          %get3A_1363 = arith.index_cast %add3A_1306 : i32 to index
          %get3A_1364 = arith.constant 112 : index
          %get3A_1365 = tpu.vector_load %arg14[%get3A_1363, %get3A_1364] {strides = array<i32>} : memref<128x128xf32, #tpu.memory_space<vmem>>, vector<16xf32>,
          %mul3A_1366 = vector.broadcast %squeeze3A_1302 : f32 to vector<16xf32>
          %mul3A_1367 = arith.mulf %get3A_1365, %mul3A_1366 : vector<16xf32>
          %swap3A_1368 = arith.index_cast %add3A_1306 : i32 to index
          %swap3A_1369 = arith.constant 112 : index
          %swap3A_1370 = tpu.vector_load %arg14[%swap3A_1368, %swap3A_1369] {strides = array<i32>} : memref<128x128xf32, #tpu.memory_space<vmem>>, vector<16xf32>,
          tpu.vector_store %arg14[%swap3A_1368, %swap3A_1369], %mul3A_1367 {strides = array<i32>} : memref<128x128xf32, #tpu.memory_space<vmem>>, vector<16xf32>,
          %scan3A_1371 = arith.constant 0 : i32
          scf.yield %scan3A_1371 : i32
        }
        %scan3A_237 = arith.constant 8 : i32
        %add3A_238 = arith.constant 1 : i32
        %add3A_239 = arith.addi %mul3A_173, %add3A_238 : i32
        %dma_start3A_240 = arith.constant 0 : i32
        %dma_start3A_241 = tpu.memref_slice %arg11[%select_n3A_145, %add3A_239, %dma_start3A_240] : memref<2x4x128xi32, #tpu.memory_space<vmem>> -> memref<1x1x128xi32, #tpu.memory_space<vmem>>
        %dma_start3A_242 = tpu.memref_squeeze %dma_start3A_241 : memref<1x1x128xi32, #tpu.memory_space<vmem>> -> memref<128xi32, #tpu.memory_space<vmem>>
        %dma_start3A_243 = arith.constant 0 : i32
        %dma_start3A_244 = arith.constant 0 : i32
        %dma_start3A_245 = tpu.memref_slice %arg8[%dma_start3A_243, %dma_start3A_244] : memref<10240x128xf32, #tpu.memory_space<vmem_shared>> -> memref<10240x128xf32, #tpu.memory_space<vmem_shared>>
        tpu.enqueue_indirect_dma source(%arg14 : memref<128x128xf32, #tpu.memory_space<vmem>>) target(%dma_start3A_245 : memref<10240x128xf32, #tpu.memory_space<vmem_shared>>) offsets(%dma_start3A_242 : memref<128xi32, #tpu.memory_space<vmem>>) semaphore(%arg18 : memref<!tpu.dma_semaphore, #tpu.memory_space<semaphore_mem>>) {add = true}
        %scan3A_246 = arith.constant 0 : i32
        scf.yield %scan3A_246 : i32
      }
      %scan3A_168 = arith.constant 2 : i32
      %scan3A_169 = arith.constant 0 : i32
      scf.yield %scan3A_169 : i32
    }
    %scan3A_114 = arith.constant 20 : i32
    %dma_wait3A_115 = arith.constant 0 : i32
    %dma_wait3A_116 = arith.constant 0 : i32
    %dma_wait3A_117 = arith.constant 0 : i32
    %dma_wait3A_118 = tpu.memref_slice %arg11[%dma_wait3A_115, %dma_wait3A_116, %dma_wait3A_117] : memref<2x4x128xi32, #tpu.memory_space<vmem>> -> memref<1x1x128xi32, #tpu.memory_space<vmem>>
    %dma_wait3A_119 = tpu.memref_squeeze %dma_wait3A_118 : memref<1x1x128xi32, #tpu.memory_space<vmem>> -> memref<128xi32, #tpu.memory_space<vmem>>
    %dma_wait3A_120 = arith.constant 0 : i32
    %dma_wait3A_121 = arith.constant 0 : i32
    %dma_wait3A_122 = tpu.memref_slice %arg8[%dma_wait3A_120, %dma_wait3A_121] : memref<10240x128xf32, #tpu.memory_space<vmem_shared>> -> memref<10240x128xf32, #tpu.memory_space<vmem_shared>>
    tpu.wait_indirect_dma semaphore(%arg17 : memref<!tpu.dma_semaphore, #tpu.memory_space<semaphore_mem>>) src(%arg13 : memref<128x128xf32, #tpu.memory_space<vmem>>) dst(%dma_wait3A_122 : memref<10240x128xf32, #tpu.memory_space<vmem_shared>>)
    %dma_wait3A_123 = arith.constant 0 : i32
    %dma_wait3A_124 = arith.constant 0 : i32
    %dma_wait3A_125 = arith.constant 0 : i32
    %dma_wait3A_126 = tpu.memref_slice %arg11[%dma_wait3A_123, %dma_wait3A_124, %dma_wait3A_125] : memref<2x4x128xi32, #tpu.memory_space<vmem>> -> memref<1x1x128xi32, #tpu.memory_space<vmem>>
    %dma_wait3A_127 = tpu.memref_squeeze %dma_wait3A_126 : memref<1x1x128xi32, #tpu.memory_space<vmem>> -> memref<128xi32, #tpu.memory_space<vmem>>
    %dma_wait3A_128 = arith.constant 0 : i32
    %dma_wait3A_129 = arith.constant 0 : i32
    %dma_wait3A_130 = tpu.memref_slice %arg8[%dma_wait3A_128, %dma_wait3A_129] : memref<10240x128xf32, #tpu.memory_space<vmem_shared>> -> memref<10240x128xf32, #tpu.memory_space<vmem_shared>>
    tpu.wait_indirect_dma semaphore(%arg18 : memref<!tpu.dma_semaphore, #tpu.memory_space<semaphore_mem>>) src(%arg14 : memref<128x128xf32, #tpu.memory_space<vmem>>) dst(%dma_wait3A_130 : memref<10240x128xf32, #tpu.memory_space<vmem_shared>>)
    %barrier3A_131 = arith.constant 0 : index
    tpu.barrier barrier_id(%barrier3A_131)
    %mul3A_132 = arith.constant 10240 : i32
    %mul3A_133 = arith.muli %arg0, %mul3A_132 : i32
    %add3A_134 = arith.addi %mul3A_133, %mul3A_0 : i32
    "tpu.region"() ({
      %run_scoped3A = tpu.sem_alloc : memref<!tpu.dma_semaphore, #tpu.memory_space<semaphore_mem>>
      %dma_start3A_135 = arith.constant 0 : i32
      %dma_start3A_136 = tpu.memref_slice %arg7[%add3A_134, %dma_start3A_135] : memref<20480x128xf32, #tpu.memory_space<hbm>> -> memref<640x128xf32, #tpu.memory_space<hbm>>
      %dma_start3A_137 = arith.constant 0 : i32
      %dma_start3A_138 = tpu.memref_slice %arg8[%mul3A_0, %dma_start3A_137] : memref<10240x128xf32, #tpu.memory_space<vmem_shared>> -> memref<640x128xf32, #tpu.memory_space<vmem_shared>>
      tpu.enqueue_dma source(%dma_start3A_138 : memref<640x128xf32, #tpu.memory_space<vmem_shared>>) target(%dma_start3A_136 : memref<640x128xf32, #tpu.memory_space<hbm>>) target_semaphore(%run_scoped3A : memref<!tpu.dma_semaphore, #tpu.memory_space<semaphore_mem>>)
      %dma_wait3A_139 = arith.constant 0 : i32
      %dma_wait3A_140 = tpu.memref_slice %arg7[%add3A_134, %dma_wait3A_139] : memref<20480x128xf32, #tpu.memory_space<hbm>> -> memref<640x128xf32, #tpu.memory_space<hbm>>
      %dma_wait3A_141 = arith.constant 0 : i32
      %dma_wait3A_142 = tpu.memref_slice %arg8[%mul3A_0, %dma_wait3A_141] : memref<10240x128xf32, #tpu.memory_space<vmem_shared>> -> memref<640x128xf32, #tpu.memory_space<vmem_shared>>
      tpu.wait_dma2 semaphore(%run_scoped3A : memref<!tpu.dma_semaphore, #tpu.memory_space<semaphore_mem>>) src(%dma_wait3A_142 : memref<640x128xf32, #tpu.memory_space<vmem_shared>>) dst(%dma_wait3A_140 : memref<640x128xf32, #tpu.memory_space<hbm>>)
      tpu.yield
    }) : () -> ()
    return
  }
}

#map = affine_map<(d0, d1) -> (0, 0)>
#map1 = affine_map<(d0, d1) -> (0)>
module attributes {stable_mosaic.version = 14 : i64} {
  func.func @_sc_deg_body(%arg0: i32, %arg1: i32, %arg2: memref<2560x128xi32, #tpu.memory_space<hbm>>, %arg3: memref<2560x128xf32, #tpu.memory_space<hbm>>, %arg4: memref<20480xf32, #tpu.memory_space<hbm>>, %arg5: memref<10240xf32, #tpu.memory_space<vmem_shared>>, %arg6: memref<640xf32, #tpu.memory_space<vmem>>, %arg7: memref<80x128xi32, #tpu.memory_space<vmem>>, %arg8: memref<80x128xf32, #tpu.memory_space<vmem>>, %arg9: memref<!tpu.dma_semaphore, #tpu.memory_space<semaphore_mem>>) attributes {dimension_semantics = [#tpu.dimension_semantics<core_parallel>, #tpu.dimension_semantics<subcore_parallel>], iteration_bounds = array<i64: 2, 16>, scalar_prefetch = 0 : i64, scratch_operands = 5 : i64, tpu.core_type = #tpu.core_type<sc_vector_subcore>, window_params = [{transform_indices = #map}, {transform_indices = #map}, {transform_indices = #map1}]} {
    %mul3A = arith.constant 640 : i32
    %mul3A_0 = arith.muli %arg1, %mul3A : i32
    %mul3A_1 = arith.constant 1280 : i32
    %mul3A_2 = arith.muli %arg0, %mul3A_1 : i32
    %mul3A_3 = arith.constant 80 : i32
    %mul3A_4 = arith.muli %arg1, %mul3A_3 : i32
    %add3A = arith.addi %mul3A_2, %mul3A_4 : i32
    %broadcast_in_dim3A = arith.constant 0.000000e+00 : f32
    %broadcast_in_dim3A_5 = vector.broadcast %broadcast_in_dim3A : f32 to vector<16xf32>
    %scan3A = arith.constant 0 : i32
    %scan3A_6 = arith.constant 0 : i32
    %scan3A_7 = arith.constant 40 : i32
    %scan3A_8 = arith.addi %scan3A_6, %scan3A_7 : i32
    %scan3A_9 = arith.constant 1 : i32
    %scan3A_10 = scf.for %scan3A_30 = %scan3A_6 to %scan3A_8 step %scan3A_9 iter_args(%scan3A_31 = %scan3A) -> (i32)  : i32 {
      %mul3A_32 = arith.constant 16 : i32
      %mul3A_33 = arith.muli %scan3A_30, %mul3A_32 : i32
      %swap3A = arith.index_cast %mul3A_33 : i32 to index
      %swap3A_34 = tpu.vector_load %arg6[%swap3A] {strides = array<i32>} : memref<640xf32, #tpu.memory_space<vmem>>, vector<16xf32>,
      tpu.vector_store %arg6[%swap3A], %broadcast_in_dim3A_5 {strides = array<i32>} : memref<640xf32, #tpu.memory_space<vmem>>, vector<16xf32>,
      %scan3A_35 = arith.constant 0 : i32
      scf.yield %scan3A_35 : i32
    }
    %scan3A_11 = arith.constant 40 : i32
    "tpu.region"() ({
      %run_scoped3A = tpu.sem_alloc : memref<!tpu.dma_semaphore, #tpu.memory_space<semaphore_mem>>
      %dma_start3A = tpu.memref_slice %arg5[%mul3A_0] : memref<10240xf32, #tpu.memory_space<vmem_shared>> -> memref<640xf32, #tpu.memory_space<vmem_shared>>
      %dma_start3A_30 = tpu.memref_slice %arg5[%mul3A_0] : memref<10240xf32, #tpu.memory_space<vmem_shared>> -> memref<640xf32, #tpu.memory_space<vmem_shared>>
      tpu.enqueue_dma source(%arg6 : memref<640xf32, #tpu.memory_space<vmem>>) target(%dma_start3A_30 : memref<640xf32, #tpu.memory_space<vmem_shared>>) target_semaphore(%run_scoped3A : memref<!tpu.dma_semaphore, #tpu.memory_space<semaphore_mem>>)
      %dma_wait3A = tpu.memref_slice %arg5[%mul3A_0] : memref<10240xf32, #tpu.memory_space<vmem_shared>> -> memref<640xf32, #tpu.memory_space<vmem_shared>>
      %dma_wait3A_31 = tpu.memref_slice %arg5[%mul3A_0] : memref<10240xf32, #tpu.memory_space<vmem_shared>> -> memref<640xf32, #tpu.memory_space<vmem_shared>>
      tpu.wait_dma2 semaphore(%run_scoped3A : memref<!tpu.dma_semaphore, #tpu.memory_space<semaphore_mem>>) src(%arg6 : memref<640xf32, #tpu.memory_space<vmem>>) dst(%dma_wait3A_31 : memref<640xf32, #tpu.memory_space<vmem_shared>>)
      tpu.yield
    }) : () -> ()
    "tpu.region"() ({
      %run_scoped3A = tpu.sem_alloc : memref<!tpu.dma_semaphore, #tpu.memory_space<semaphore_mem>>
      %dma_start3A = arith.constant 0 : i32
      %dma_start3A_30 = tpu.memref_slice %arg2[%add3A, %dma_start3A] : memref<2560x128xi32, #tpu.memory_space<hbm>> -> memref<80x128xi32, #tpu.memory_space<hbm>>
      %dma_start3A_31 = arith.constant 0 : i32
      %dma_start3A_32 = tpu.memref_slice %arg2[%add3A, %dma_start3A_31] : memref<2560x128xi32, #tpu.memory_space<hbm>> -> memref<80x128xi32, #tpu.memory_space<hbm>>
      tpu.enqueue_dma source(%dma_start3A_32 : memref<80x128xi32, #tpu.memory_space<hbm>>) target(%arg7 : memref<80x128xi32, #tpu.memory_space<vmem>>) target_semaphore(%run_scoped3A : memref<!tpu.dma_semaphore, #tpu.memory_space<semaphore_mem>>)
      %dma_wait3A = arith.constant 0 : i32
      %dma_wait3A_33 = tpu.memref_slice %arg2[%add3A, %dma_wait3A] : memref<2560x128xi32, #tpu.memory_space<hbm>> -> memref<80x128xi32, #tpu.memory_space<hbm>>
      %dma_wait3A_34 = arith.constant 0 : i32
      %dma_wait3A_35 = tpu.memref_slice %arg2[%add3A, %dma_wait3A_34] : memref<2560x128xi32, #tpu.memory_space<hbm>> -> memref<80x128xi32, #tpu.memory_space<hbm>>
      tpu.wait_dma2 semaphore(%run_scoped3A : memref<!tpu.dma_semaphore, #tpu.memory_space<semaphore_mem>>) src(%dma_wait3A_35 : memref<80x128xi32, #tpu.memory_space<hbm>>) dst(%arg7 : memref<80x128xi32, #tpu.memory_space<vmem>>)
      tpu.yield
    }) : () -> ()
    "tpu.region"() ({
      %run_scoped3A = tpu.sem_alloc : memref<!tpu.dma_semaphore, #tpu.memory_space<semaphore_mem>>
      %dma_start3A = arith.constant 0 : i32
      %dma_start3A_30 = tpu.memref_slice %arg3[%add3A, %dma_start3A] : memref<2560x128xf32, #tpu.memory_space<hbm>> -> memref<80x128xf32, #tpu.memory_space<hbm>>
      %dma_start3A_31 = arith.constant 0 : i32
      %dma_start3A_32 = tpu.memref_slice %arg3[%add3A, %dma_start3A_31] : memref<2560x128xf32, #tpu.memory_space<hbm>> -> memref<80x128xf32, #tpu.memory_space<hbm>>
      tpu.enqueue_dma source(%dma_start3A_32 : memref<80x128xf32, #tpu.memory_space<hbm>>) target(%arg8 : memref<80x128xf32, #tpu.memory_space<vmem>>) target_semaphore(%run_scoped3A : memref<!tpu.dma_semaphore, #tpu.memory_space<semaphore_mem>>)
      %dma_wait3A = arith.constant 0 : i32
      %dma_wait3A_33 = tpu.memref_slice %arg3[%add3A, %dma_wait3A] : memref<2560x128xf32, #tpu.memory_space<hbm>> -> memref<80x128xf32, #tpu.memory_space<hbm>>
      %dma_wait3A_34 = arith.constant 0 : i32
      %dma_wait3A_35 = tpu.memref_slice %arg3[%add3A, %dma_wait3A_34] : memref<2560x128xf32, #tpu.memory_space<hbm>> -> memref<80x128xf32, #tpu.memory_space<hbm>>
      tpu.wait_dma2 semaphore(%run_scoped3A : memref<!tpu.dma_semaphore, #tpu.memory_space<semaphore_mem>>) src(%dma_wait3A_35 : memref<80x128xf32, #tpu.memory_space<hbm>>) dst(%arg8 : memref<80x128xf32, #tpu.memory_space<vmem>>)
      tpu.yield
    }) : () -> ()
    %barrier3A = arith.constant 0 : index
    tpu.barrier barrier_id(%barrier3A)
    %scan3A_12 = arith.constant 0 : i32
    %scan3A_13 = arith.constant 0 : i32
    %scan3A_14 = arith.constant 80 : i32
    %scan3A_15 = arith.addi %scan3A_13, %scan3A_14 : i32
    %scan3A_16 = arith.constant 1 : i32
    %scan3A_17 = scf.for %scan3A_30 = %scan3A_13 to %scan3A_15 step %scan3A_16 iter_args(%scan3A_31 = %scan3A_12) -> (i32)  : i32 {
      %dma_start3A = arith.constant 0 : i32
      %dma_start3A_32 = tpu.memref_slice %arg8[%scan3A_30, %dma_start3A] : memref<80x128xf32, #tpu.memory_space<vmem>> -> memref<1x128xf32, #tpu.memory_space<vmem>>
      %dma_start3A_33 = tpu.memref_squeeze %dma_start3A_32 : memref<1x128xf32, #tpu.memory_space<vmem>> -> memref<128xf32, #tpu.memory_space<vmem>>
      %dma_start3A_34 = arith.constant 0 : i32
      %dma_start3A_35 = tpu.memref_slice %arg7[%scan3A_30, %dma_start3A_34] : memref<80x128xi32, #tpu.memory_space<vmem>> -> memref<1x128xi32, #tpu.memory_space<vmem>>
      %dma_start3A_36 = tpu.memref_squeeze %dma_start3A_35 : memref<1x128xi32, #tpu.memory_space<vmem>> -> memref<128xi32, #tpu.memory_space<vmem>>
      %dma_start3A_37 = arith.constant 0 : i32
      %dma_start3A_38 = tpu.memref_slice %arg5[%dma_start3A_37] : memref<10240xf32, #tpu.memory_space<vmem_shared>> -> memref<10240xf32, #tpu.memory_space<vmem_shared>>
      tpu.enqueue_indirect_dma source(%dma_start3A_33 : memref<128xf32, #tpu.memory_space<vmem>>) target(%dma_start3A_38 : memref<10240xf32, #tpu.memory_space<vmem_shared>>) offsets(%dma_start3A_36 : memref<128xi32, #tpu.memory_space<vmem>>) semaphore(%arg9 : memref<!tpu.dma_semaphore, #tpu.memory_space<semaphore_mem>>) {add = true}
      %scan3A_39 = arith.constant 0 : i32
      scf.yield %scan3A_39 : i32
    }
    %scan3A_18 = arith.constant 80 : i32
    %scan3A_19 = arith.constant 0 : i32
    %scan3A_20 = arith.constant 0 : i32
    %scan3A_21 = arith.constant 80 : i32
    %scan3A_22 = arith.addi %scan3A_20, %scan3A_21 : i32
    %scan3A_23 = arith.constant 1 : i32
    %scan3A_24 = scf.for %scan3A_30 = %scan3A_20 to %scan3A_22 step %scan3A_23 iter_args(%scan3A_31 = %scan3A_19) -> (i32)  : i32 {
      %dma_wait3A = arith.constant 0 : i32
      %dma_wait3A_32 = tpu.memref_slice %arg8[%scan3A_30, %dma_wait3A] : memref<80x128xf32, #tpu.memory_space<vmem>> -> memref<1x128xf32, #tpu.memory_space<vmem>>
      %dma_wait3A_33 = tpu.memref_squeeze %dma_wait3A_32 : memref<1x128xf32, #tpu.memory_space<vmem>> -> memref<128xf32, #tpu.memory_space<vmem>>
      %dma_wait3A_34 = arith.constant 0 : i32
      %dma_wait3A_35 = tpu.memref_slice %arg7[%scan3A_30, %dma_wait3A_34] : memref<80x128xi32, #tpu.memory_space<vmem>> -> memref<1x128xi32, #tpu.memory_space<vmem>>
      %dma_wait3A_36 = tpu.memref_squeeze %dma_wait3A_35 : memref<1x128xi32, #tpu.memory_space<vmem>> -> memref<128xi32, #tpu.memory_space<vmem>>
      %dma_wait3A_37 = arith.constant 0 : i32
      %dma_wait3A_38 = tpu.memref_slice %arg5[%dma_wait3A_37] : memref<10240xf32, #tpu.memory_space<vmem_shared>> -> memref<10240xf32, #tpu.memory_space<vmem_shared>>
      tpu.wait_indirect_dma semaphore(%arg9 : memref<!tpu.dma_semaphore, #tpu.memory_space<semaphore_mem>>) src(%dma_wait3A_33 : memref<128xf32, #tpu.memory_space<vmem>>) dst(%dma_wait3A_38 : memref<10240xf32, #tpu.memory_space<vmem_shared>>)
      %scan3A_39 = arith.constant 0 : i32
      scf.yield %scan3A_39 : i32
    }
    %scan3A_25 = arith.constant 80 : i32
    %barrier3A_26 = arith.constant 0 : index
    tpu.barrier barrier_id(%barrier3A_26)
    %mul3A_27 = arith.constant 10240 : i32
    %mul3A_28 = arith.muli %arg0, %mul3A_27 : i32
    %add3A_29 = arith.addi %mul3A_28, %mul3A_0 : i32
    "tpu.region"() ({
      %run_scoped3A = tpu.sem_alloc : memref<!tpu.dma_semaphore, #tpu.memory_space<semaphore_mem>>
      %dma_start3A = tpu.memref_slice %arg4[%add3A_29] : memref<20480xf32, #tpu.memory_space<hbm>> -> memref<640xf32, #tpu.memory_space<hbm>>
      %dma_start3A_30 = tpu.memref_slice %arg5[%mul3A_0] : memref<10240xf32, #tpu.memory_space<vmem_shared>> -> memref<640xf32, #tpu.memory_space<vmem_shared>>
      tpu.enqueue_dma source(%dma_start3A_30 : memref<640xf32, #tpu.memory_space<vmem_shared>>) target(%dma_start3A : memref<640xf32, #tpu.memory_space<hbm>>) target_semaphore(%run_scoped3A : memref<!tpu.dma_semaphore, #tpu.memory_space<semaphore_mem>>)
      %dma_wait3A = tpu.memref_slice %arg4[%add3A_29] : memref<20480xf32, #tpu.memory_space<hbm>> -> memref<640xf32, #tpu.memory_space<hbm>>
      %dma_wait3A_31 = tpu.memref_slice %arg5[%mul3A_0] : memref<10240xf32, #tpu.memory_space<vmem_shared>> -> memref<640xf32, #tpu.memory_space<vmem_shared>>
      tpu.wait_dma2 semaphore(%run_scoped3A : memref<!tpu.dma_semaphore, #tpu.memory_space<semaphore_mem>>) src(%dma_wait3A_31 : memref<640xf32, #tpu.memory_space<vmem_shared>>) dst(%dma_wait3A : memref<640xf32, #tpu.memory_space<hbm>>)
      tpu.yield
    }) : () -> ()
    return
  }
}

module attributes {stable_mosaic.version = 14 : i64} {
  func.func @_tc_prep_body(%arg0: memref<10240x128xf32, #tpu.memory_space<vmem>>, %arg1: memref<128x128xf32, #tpu.memory_space<vmem>>, %arg2: memref<512x128xf32, #tpu.memory_space<vmem>>, %arg3: memref<1x512xf32, #tpu.memory_space<vmem>>, %arg4: memref<1x512xf32, #tpu.memory_space<vmem>>, %arg5: memref<160x128xf32, #tpu.memory_space<vmem>>, %arg6: memref<10240x128xf32, #tpu.memory_space<vmem>>, %arg7: memref<80x128xf32, #tpu.memory_space<vmem>>) attributes {dimension_semantics = [], scalar_prefetch = 0 : i64, scratch_operands = 0 : i64, tpu.core_type = #tpu.core_type<tc>} {
    %get3A = arith.constant 0 : index
    %get3A_0 = arith.constant 0 : index
    %get3A_1 = vector.load %arg1[%get3A, %get3A_0] : memref<128x128xf32, #tpu.memory_space<vmem>>, vector<128x128xf32>
    %get3A_2 = arith.constant 0 : index
    %get3A_3 = arith.constant 0 : index
    %get3A_4 = vector.load %arg2[%get3A_2, %get3A_3] : memref<512x128xf32, #tpu.memory_space<vmem>>, vector<512x128xf32>
    %dot_general3A = arith.constant dense<0.000000e+00> : vector<128x512xf32>
    %dot_general3A_5 = tpu.matmul %get3A_1, %get3A_4, %dot_general3A {dimension_numbers = #tpu.dot_dimension_numbers<[1], [1], [0], [0], [0, 0, 1, 0], [], []>, transpose_lhs_hint = false} : vector<128x128xf32>, vector<512x128xf32>, vector<128x512xf32> -> vector<128x512xf32>
    %get3A_6 = arith.constant 0 : index
    %get3A_7 = arith.constant 0 : index
    %get3A_8 = vector.load %arg3[%get3A_6, %get3A_7] : memref<1x512xf32, #tpu.memory_space<vmem>>, vector<1x512xf32>
    %add3A = vector.broadcast %get3A_8 : vector<1x512xf32> to vector<128x512xf32>
    %add3A_9 = arith.addf %dot_general3A_5, %add3A : vector<128x512xf32>
    %get3A_10 = arith.constant 0 : index
    %get3A_11 = arith.constant 0 : index
    %get3A_12 = vector.load %arg4[%get3A_10, %get3A_11] : memref<1x512xf32, #tpu.memory_space<vmem>>, vector<1x512xf32>
    %add3A_13 = vector.broadcast %get3A_12 : vector<1x512xf32> to vector<128x512xf32>
    %add3A_14 = arith.addf %add3A_9, %add3A_13 : vector<128x512xf32>
    %slice3A = vector.extract_strided_slice %add3A_14 {offsets = [0, 0], sizes = [128, 128], strides = [1, 1]} : vector<128x512xf32> to vector<128x128xf32>
    %slice3A_15 = vector.extract_strided_slice %add3A_14 {offsets = [0, 256], sizes = [128, 128], strides = [1, 1]} : vector<128x512xf32> to vector<128x128xf32>
    %slice3A_16 = vector.extract_strided_slice %add3A_14 {offsets = [0, 384], sizes = [128, 128], strides = [1, 1]} : vector<128x512xf32> to vector<128x128xf32>
    %logistic3A = arith.negf %slice3A : vector<128x128xf32>
    %logistic3A_17 = math.exp %logistic3A : vector<128x128xf32>
    %logistic3A_18 = arith.constant 1.000000e+00 : f32
    %logistic3A_19 = vector.broadcast %logistic3A_18 : f32 to vector<128x128xf32>
    %logistic3A_20 = arith.addf %logistic3A_19, %logistic3A_17 : vector<128x128xf32>
    %logistic3A_21 = arith.divf %logistic3A_19, %logistic3A_20 : vector<128x128xf32>
    %tanh3A = math.tanh %slice3A_15 : vector<128x128xf32>
    %mul3A = arith.mulf %logistic3A_21, %tanh3A : vector<128x128xf32>
    %logistic3A_22 = arith.negf %slice3A_16 : vector<128x128xf32>
    %logistic3A_23 = math.exp %logistic3A_22 : vector<128x128xf32>
    %logistic3A_24 = arith.constant 1.000000e+00 : f32
    %logistic3A_25 = vector.broadcast %logistic3A_24 : f32 to vector<128x128xf32>
    %logistic3A_26 = arith.addf %logistic3A_25, %logistic3A_23 : vector<128x128xf32>
    %logistic3A_27 = arith.divf %logistic3A_25, %logistic3A_26 : vector<128x128xf32>
    %tanh3A_28 = math.tanh %mul3A : vector<128x128xf32>
    %mul3A_29 = arith.mulf %logistic3A_27, %tanh3A_28 : vector<128x128xf32>
    %get3A_30 = arith.constant 0 : index
    %get3A_31 = arith.constant 0 : index
    %get3A_32 = vector.load %arg0[%get3A_30, %get3A_31] : memref<10240x128xf32, #tpu.memory_space<vmem>>, vector<10240x128xf32>
    %dot_general3A_33 = arith.constant dense<0.000000e+00> : vector<10240x128xf32>
    %dot_general3A_34 = tpu.matmul %get3A_32, %mul3A_29, %dot_general3A_33 {dimension_numbers = #tpu.dot_dimension_numbers<[1], [0], [0], [1], [0, 0, 1, 1], [], []>, transpose_lhs_hint = false} : vector<10240x128xf32>, vector<128x128xf32>, vector<10240x128xf32> -> vector<10240x128xf32>
    %swap3A = arith.constant 0 : index
    %swap3A_35 = arith.constant 0 : index
    %swap3A_36 = vector.load %arg6[%swap3A, %swap3A_35] : memref<10240x128xf32, #tpu.memory_space<vmem>>, vector<10240x128xf32>
    tpu.vector_store %arg6[%swap3A, %swap3A_35], %dot_general3A_34 {strides = array<i32>} : memref<10240x128xf32, #tpu.memory_space<vmem>>, vector<10240x128xf32>,
    %get3A_37 = arith.constant 0 : index
    %get3A_38 = arith.constant 0 : index
    %get3A_39 = vector.load %arg5[%get3A_37, %get3A_38] : memref<160x128xf32, #tpu.memory_space<vmem>>, vector<80x128xf32>
    %get3A_40 = arith.constant 80 : index
    %get3A_41 = arith.constant 0 : index
    %get3A_42 = vector.load %arg5[%get3A_40, %get3A_41] : memref<160x128xf32, #tpu.memory_space<vmem>>, vector<80x128xf32>
    %add3A_43 = arith.addf %get3A_39, %get3A_42 : vector<80x128xf32>
    %add3A_44 = arith.constant 1.000000e+00 : f32
    %add3A_45 = vector.broadcast %add3A_44 : f32 to vector<80x128xf32>
    %add3A_46 = arith.addf %add3A_43, %add3A_45 : vector<80x128xf32>
    %gt3A = arith.constant 0.000000e+00 : f32
    %gt3A_47 = vector.broadcast %gt3A : f32 to vector<80x128xf32>
    %gt3A_48 = arith.cmpf ogt, %add3A_46, %gt3A_47 : vector<80x128xf32>
    %rsqrt3A = math.rsqrt %add3A_46 : vector<80x128xf32>
    %jit3A = arith.constant 0.000000e+00 : f32
    %broadcast_in_dim3A = vector.broadcast %jit3A : f32 to vector<80x128xf32>
    %select_n3A = arith.select %gt3A_48, %rsqrt3A, %broadcast_in_dim3A : vector<80x128xi1>, vector<80x128xf32>
    %swap3A_49 = arith.constant 0 : index
    %swap3A_50 = arith.constant 0 : index
    %swap3A_51 = vector.load %arg7[%swap3A_49, %swap3A_50] : memref<80x128xf32, #tpu.memory_space<vmem>>, vector<80x128xf32>
    tpu.vector_store %arg7[%swap3A_49, %swap3A_50], %select_n3A {strides = array<i32>} : memref<80x128xf32, #tpu.memory_space<vmem>>, vector<80x128xf32>,
    return
  }
}

module attributes {stable_mosaic.version = 14 : i64} {
  func.func @_tc_comb_body(%arg0: memref<20480x128xf32, #tpu.memory_space<vmem>>, %arg1: memref<10240x128xf32, #tpu.memory_space<vmem>>, %arg2: memref<10240x1xf32, #tpu.memory_space<vmem>>, %arg3: memref<10000x128xf32, #tpu.memory_space<vmem>>) attributes {dimension_semantics = [], scalar_prefetch = 0 : i64, scratch_operands = 0 : i64, tpu.core_type = #tpu.core_type<tc>} {
    %get3A = arith.constant 0 : index
    %get3A_0 = arith.constant 0 : index
    %get3A_1 = vector.load %arg2[%get3A, %get3A_0] : memref<10240x1xf32, #tpu.memory_space<vmem>>, vector<10000x1xf32>
    %get3A_2 = arith.constant 0 : index
    %get3A_3 = arith.constant 0 : index
    %get3A_4 = vector.load %arg2[%get3A_2, %get3A_3] : memref<10240x1xf32, #tpu.memory_space<vmem>>, vector<10000x1xf32>
    %mul3A = arith.mulf %get3A_1, %get3A_4 : vector<10000x1xf32>
    %get3A_5 = arith.constant 0 : index
    %get3A_6 = arith.constant 0 : index
    %get3A_7 = vector.load %arg0[%get3A_5, %get3A_6] : memref<20480x128xf32, #tpu.memory_space<vmem>>, vector<10000x128xf32>
    %get3A_8 = arith.constant 10240 : index
    %get3A_9 = arith.constant 0 : index
    %get3A_10 = vector.load %arg0[%get3A_8, %get3A_9] : memref<20480x128xf32, #tpu.memory_space<vmem>>, vector<10000x128xf32>
    %add3A = arith.addf %get3A_7, %get3A_10 : vector<10000x128xf32>
    %get3A_11 = arith.constant 0 : index
    %get3A_12 = arith.constant 0 : index
    %get3A_13 = vector.load %arg1[%get3A_11, %get3A_12] : memref<10240x128xf32, #tpu.memory_space<vmem>>, vector<10000x128xf32>
    %mul3A_14 = vector.broadcast %mul3A : vector<10000x1xf32> to vector<10000x128xf32>
    %mul3A_15 = arith.mulf %get3A_13, %mul3A_14 : vector<10000x128xf32>
    %add3A_16 = arith.addf %add3A, %mul3A_15 : vector<10000x128xf32>
    %swap3A = arith.constant 0 : index
    %swap3A_17 = arith.constant 0 : index
    %swap3A_18 = vector.load %arg3[%swap3A, %swap3A_17] : memref<10000x128xf32, #tpu.memory_space<vmem>>, vector<10000x128xf32>
    tpu.vector_store %arg3[%swap3A, %swap3A_17], %add3A_16 {strides = array<i32>} : memref<10000x128xf32, #tpu.memory_space<vmem>>, vector<10000x128xf32>,
    return
  }
}

</mosaic_0001>

<sc_bundles>
// kernel: kernel.6.cloned.1.call-start
scs
__scs_entry_jumppad:
0x0: {  	(pc) =	sbr.rel $0x88, $3  }
0x1: {  	(tag) =	ssettag $0x0;
	lr =	simm.s32 $0x1  }
0x2: {  	[smem:$0x3F9A] =	sst lr;
	_ =	strace $0xD0000000  }
0x3: {  	_ = 	snop  }
0x4: {  	_ = 	snop  }
0x5: {  	_ = 	snop  }
0x6: {  	_ = 	snop  }
0x7: {  	_ = 	snop  }
__scs_overlays_trampoline_lowered:
0x8: {  	[smem:$0x3FA9] =	sst s0  }
0x9: {  	[smem:$0x3FAA] =	sst s1  }
0xa: {  	[smem:$0x3FAB] =	sst s2  }
0xb: {  	[smem:$0x3FAC] =	sst s3  }
0xc: {  	[smem:$0x3FAD] =	sst s4  }
0xd: {  	[smem:$0x3FAE] =	sst s5  }
0xe: {  	[smem:$0x3FAF] =	sst s6  }
0xf: {  	[smem:$0x3FB0] =	sst s7  }
0x10: {  	[smem:$0x3FB1] =	sst s8  }
0x11: {  	[smem:$0x3FB2] =	sst s9;
	s0 =	simm.s32 @!p0 $0x0  }
0x12: {  	s1 =	sld [smem:$0x3F98];
	s0 =	simm.s32 @p0 $0x1  }
0x13: {  	[smem:$0x3FB3] =	sst s0;
	s0 =	simm.s32 @!p1 $0x0  }
0x14: {  	s2 =	sld [smem:$0x3F97];
	s0 =	simm.s32 @p1 $0x1  }
0x15: {  	[smem:$0x3FB4] =	sst s0;
	s0 =	simm.s32 @!p2 $0x0  }
0x16: {  	s3 =	sld [smem:$0x3FDB];
	s0 =	simm.s32 @p2 $0x1  }
0x17: {  	s4 =	simm.s32 $0x1BF5;
	[smem:$0x3FB6] =	sst s0  }
0x18: {  	s0 =	sld [smem:$0x3F99];
	_ =	swait.ge [sflag:s4], $0x0  }
0x19: {  	s7 =	sld [smem:$0x3F9A]  }
0x1a: {  	s8 =	sadd.s32 $0xFFFFE003, lr  }
0x1b: {  	s9 =	sadd.s32 $0xFFFFFEF7, lr;
	s5 =	simm.s32 $0xFFFFFFFF;
	p2 =	slt.u32 s8, $0xFFFFF086  }
0x1c: {  	p1 =	slt.u32 s9, $0xF7A;
	s5 =	simm.s32 @!p2 $0x0  }
0x1d: {  	s5 =	simm.s32 @p1 $0x1;
	p0 =	seq.s32 s7, s2  }
0x1e: {  	s7 =	smul.u32 @!p0 $0xF7A, s2;
	p2 =	seq.s32 @!p0 s5, $0x0  }
0x1f: {  	s9 =	smul.u32 $0xF7A, s1;
	s8 =	simm.s32 @!p0 $0x1BF5;
	p2 =	por !p2, p0  }
0x20: {  	[sflag:s8] =	ssyncset.s32 @!p0 $0xFFFFF086;
	s6 =	sadd.s32 @!p0 s3, s7;
	s7 =	simm.s32 @!p0 $0x108  }
0x21: {  	s3 =	sadd.s32 s3, s9;
	s6 =	sadd.s32 @!p0 $0x88, s6;
	s7 =	simm.s32 @p2 $0x1082  }
0x22: {  	[simem:s7], [sflag:s8] =	dma.local @!p0 [hbm:s6], $0xF7A  }
0x23: {  	s9 =	sor.u32 $0xD0000000, s2;
	s6 =	simm.s32 $0x108;
	_ =	swait.ge @!p0 [sflag:s8], $0x0  }
0x24: {  	s3 =	sadd.s32 $0x88, s3;
	s6 =	simm.s32 @!p1 $0x1082;
	[sflag:s4] =	ssyncset.s32 $0xFFFFF086  }
0x25: {  	[simem:s6], [sflag:s4] =	dma.local [hbm:s3], $0xF7A  }
0x26: {  	[smem:$0x3F9A] =	sst s1;
	(tag) =	ssettag s2;
	_ =	strace s9  }
0x27: {  	s1 =	sld [smem:$0x3FAA]  }
0x28: {  	s2 =	sld [smem:$0x3FAB]  }
0x29: {  	s4 =	sld [smem:$0x3FAD]  }
0x2a: {  	p0 =	seq.s32 s5, $0x0;
	s5 =	sld [smem:$0x3FAE]  }
0x2b: {  	s6 =	sld [smem:$0x3FAF]  }
0x2c: {  	s7 =	sld [smem:$0x3FB0]  }
0x2d: {  	s3 =	simm.s32 $0x108;
	s8 =	sld [smem:$0x3FB1]  }
0x2e: {  	s3 =	simm.s32 @!p0 $0x1082;
	s9 =	sld [smem:$0x3FB2]  }
0x2f: {  	lr =	sadd.s32 s0, s3;
	s0 =	sld [smem:$0x3FA9]  }
0x30: {  	s3 =	sld [smem:$0x3FAC]  }
0x31: {  	[smem:$0x3FB5] =	sst s10  }
0x32: {  	s10 =	sld [smem:$0x3FB3];
	_ =	sdelay $0x3  }
0x33: {  	p0 =	seq.s32 s10, $0x1;
	s10 =	sld [smem:$0x3FB5];
	_ =	sdelay $0x3  }
0x34: {  	[smem:$0x3FB5] =	sst s10  }
0x35: {  	s10 =	sld [smem:$0x3FB4];
	_ =	sdelay $0x3  }
0x36: {  	p1 =	seq.s32 s10, $0x1;
	s10 =	sld [smem:$0x3FB5];
	_ =	sdelay $0x3  }
0x37: {  	[smem:$0x3FB5] =	sst s10  }
0x38: {  	s10 =	sld [smem:$0x3FB6]  }
0x39: {  	_ = 	snop;
	(pc) =	sbr.ind lr, $3  }
0x3a: {  	_ = 	snop  }
0x3b: {  	_ = 	snop  }
0x3c: {  	p2 =	seq.s32 s10, $0x1;
	s10 =	sld [smem:$0x3FB5]  }
0x3d: {  	_ =	shalt  }
0x3e: {  	_ =	shalt  }
0x3f: {  	_ =	shalt  }
0x40: {  	_ =	shalt  }
0x41: {  	_ =	shalt  }
0x42: {  	_ =	shalt  }
0x43: {  	_ =	shalt  }
0x44: {  	_ =	shalt  }
0x45: {  	_ =	shalt  }
0x46: {  	_ =	shalt  }
0x47: {  	_ =	shalt  }
0x48: {  	_ =	shalt  }
0x49: {  	_ =	shalt  }
0x4a: {  	_ =	shalt  }
0x4b: {  	_ =	shalt  }
0x4c: {  	_ =	shalt  }
0x4d: {  	_ =	shalt  }
0x4e: {  	_ =	shalt  }
0x4f: {  	_ =	shalt  }
0x50: {  	_ =	shalt  }
0x51: {  	_ =	shalt  }
0x52: {  	_ =	shalt  }
0x53: {  	_ =	shalt  }
0x54: {  	_ =	shalt  }
0x55: {  	_ =	shalt  }
0x56: {  	_ =	shalt  }
0x57: {  	_ =	shalt  }
0x58: {  	_ =	shalt  }
0x59: {  	_ =	shalt  }
0x5a: {  	_ =	shalt  }
0x5b: {  	_ =	shalt  }
0x5c: {  	_ =	shalt  }
0x5d: {  	_ =	shalt  }
0x5e: {  	_ =	shalt  }
0x5f: {  	_ =	shalt  }
0x60: {  	_ =	shalt  }
0x61: {  	_ =	shalt  }
0x62: {  	_ =	shalt  }
0x63: {  	_ =	shalt  }
0x64: {  	_ =	shalt  }
0x65: {  	_ =	shalt  }
0x66: {  	_ =	shalt  }
0x67: {  	_ =	shalt  }
0x68: {  	_ =	shalt  }
0x69: {  	_ =	shalt  }
0x6a: {  	_ =	shalt  }
0x6b: {  	_ =	shalt  }
0x6c: {  	_ =	shalt  }
0x6d: {  	_ =	shalt  }
0x6e: {  	_ =	shalt  }
0x6f: {  	_ =	shalt  }
0x70: {  	_ =	shalt  }
0x71: {  	_ =	shalt  }
0x72: {  	_ =	shalt  }
0x73: {  	_ =	shalt  }
0x74: {  	_ =	shalt  }
0x75: {  	_ =	shalt  }
0x76: {  	_ =	shalt  }
0x77: {  	_ =	shalt  }
0x78: {  	_ =	shalt  }
0x79: {  	_ =	shalt  }
0x7a: {  	_ =	shalt  }
0x7b: {  	_ =	shalt  }
0x7c: {  	_ =	shalt  }
0x7d: {  	_ =	shalt  }
0x7e: {  	_ =	shalt  }
0x7f: {  	_ =	shalt  }
0x80: {  	_ =	shalt  }
0x81: {  	_ =	shalt  }
0x82: {  	_ =	shalt  }
0x83: {  	_ =	shalt  }
0x84: {  	_ =	shalt  }
0x85: {  	_ =	shalt  }
0x86: {  	_ =	shalt  }
0x87: {  	_ =	shalt  }
.Lfunc_end0:
.L_simem_size_0:
called_computation_lowered:
.L_overlay_start_0:
0x88: {  	s2 =	sld [smem:$0x3FD9]  }
0x89: {  	s3 =	sld [smem:$0x3FFE];
	_ =	sdelay $0x1  }
0x8a: {  	s1 =	srdreg.scid  }
0x8b: {  	s0 =	sand.u32 $0x1, s1  }
0x8c: {  	s16 =	sshll.u32 s0, $0xA;
	s2 =	sadd.s32 s3, s2  }
0x8d: {  	s2 =	sadd.s32 s2, s16  }
0x8e: {  	[smem:$0x3FC1] =	sst s2  }
0x8f: {  	_ = 	snop  }
0x90: {  	(tm) =	ssettm $0x1  }
0x91: {  	s17 =	sld [smem:$0x3FFB];
	_ =	sdelay $0x3  }
0x92: {  	_ =	strace s17  }
0x93: {  	s2 =	sld [smem:$0x3FFC];
	_ =	sdelay $0x3  }
0x94: {  	_ =	strace s2  }
0x95: {  	s2 =	sld [smem:$0x3FFD];
	_ =	sdelay $0x3  }
0x96: {  	_ =	strace s2  }
0x97: {  	_ =	strace $0x8FFFFFFF  }
0x98: {  	s18 =	sld [smem:$0x3FDB];
	_ =	sdelay $0x1  }
0x99: {  	s19 =	simm.s32 $_scs_section_size  }
0x9a: {  	s4 =	simm.s32 $_size__tile_overlayer_lowered;
	s5 =	simm.s32 $_tile_overlayer_lowered  }
0x9b: {  	s22 =	simm.s32 $0x1BFF;
	s21 =	sshll.u32 s5, $0x1;
	s2 =	sadd.s32 s19, s18  }
0x9c: {  	s6 =	simm.s32 $0x0;
	s20 =	sshll.u32 s4, $0x1;
	s4 =	sadd.s32 s21, s2  }
0x9d: {  	[timem:s6], [sflag:s22] =	dma.local [hbm:s4], s20  }
0x9e: {  	_ =	swait.ge [sflag:s22], s20  }
0x9f: {  	s3 =	ssub.s32 $0x0, s20;
	[sflag:s22] =	ssyncset.done $0x0  }
0xa0: {  	[sflag:s22] =	ssyncadd.s32 s3;
	_ =	sdelay $0x1  }
0xa1: {  	s23 =	simm.s32 $0x1B8B  }
0xa2: {  	_ =	swait.ge [sflag:s23], $0x1  }
0xa3: {  	[sflag:s23] =	ssyncset.done $0x0  }
0xa4: {  	s25 =	simm.s32 $0x1B8E;
	s24 =	sld [smem:$0x3FFE];
	[sflag:s23] =	ssyncadd.s32 $0xFFFFFFFF  }
0xa5: {  	s26 =	simm.s32 $execute0_lowered;
	[smem:$0x3FD2] =	sst s25  }
0xa6: {  	s4 =	sshll.u32 s26, $0x1;
	_ =	strace $0x80000046;
	[dreg:$0x1] =	wrdreg $0xFFFFFFFF  }
0xa7: {  	s28 =	simm.s32 $_size_execute0_lowered;
	s2 =	sadd.s32 s2, s4;
	[dreg:$0x0] =	wrdreg $0x0  }
0xa8: {  	s4 =	sshll.u32 s28, $0x1;
	[dreg:$0x2] =	wrdreg s2  }
0xa9: {  	[dreg:$0x3] =	wrdreg s4  }
0xaa: {  	[dreg:$0x4] =	wrdreg $0xC0  }
0xab: {  	_ =	task [dreg:s6], $0x5FFFF  }
0xac: {  	[dreg:$0x1] =	wrdreg $0xFFFFFFFF  }
0xad: {  	[dreg:$0x0] =	wrdreg $0x60  }
0xae: {  	[dreg:$0x2] =	wrdreg s24  }
0xaf: {  	[dreg:$0x3] =	wrdreg $0x0  }
0xb0: {  	[dreg:$0x4] =	wrdreg $0x9  }
0xb1: {  	_ =	task.clear_ibuf [dreg:s6], $0x5FFFF;
	_ =	strace $0x90000046  }
0xb2: {  	s29 =	simm.s32 $0x9;
	_ =	strace $0x80000048  }
0xb3: {  	_ =	swait.ge [sflag:s29], $0x1  }
0xb4: {  	[sflag:s29] =	ssyncadd.s32 $0xFFFFFFFF  }
0xb5: {  	_ =	strace $0x90000048  }
0xb6: {  	_ =	sfence  }
0xb7: {  	s30 =	sld [smem:$0x0];
	_ =	sdelay $0x2  }
0xb8: {  	s31 =	sshll.u32 s1, $0xD;
	s1 =	sshrl.u32 s1, $0x2  }
0xb9: {  	s3 =	sand.u32 $0x4000, s31;
	s1 =	sadd.s32 s1, s30  }
0xba: {  	s0 =	sor.u32 s3, s0;
	s1 =	sshll.u32 s1, $0x11  }
0xbb: {  	s0 =	sor.u32 s1, s0  }
0xbc: {  	s0 =	sadd.s32 $0x8F2B, s0  }
0xbd: {  	[sflag:s0] =	ssyncadd.remote.s32 $0x1  }
0xbe: {  	_ =	sfence.sel $0xFFFF  }
0xbf: {  	[dreg:$0x0] =	wrdreg $0xFFFFFFFF;
	(pc) =	sbr.abs _section_cstart, $3  }
0xc0: {  	[dreg:$0x1] =	wrdreg $0xFFFFFFFF  }
0xc1: {  	_ =	task.clear_ibuf [dreg:s6], $0x2FFFF;
	_ =	strace $0x9FFFFFFF  }
0xc2: {  	(tm) =	ssettm $0x7FFFFFFF  }
0xc3: {  	_ =	shalt  }
tec
execute0_lowered:
.L_overlay_start_1:
0x0: {  	(tag) =	ssettag $0x1  }
0x1: {  	s4 =	rddreg [dreg:$0x0]  }
0x2: {  	s2 =	rddreg [dreg:$0x1]  }
0x3: {  	s0 =	srdreg.scid;
	s1 =	rddreg [dreg:$0x2]  }
0x4: {  	s3 =	simm.s32 $0x0;
	s10 =	simm.s32 $0x2;
	s5 =	sand.u32 $0x1, s0  }
0x5: {  	s11 =	simm.s32 $0x500;
	s0 =	stileid.u32;
	s6 =	smul.u32 $0x500, s5  }
0x6: {  	s12 =	simm.s32 $0x2D00;
	s13 =	simm.s32 $0x80;
	s7 =	smul.u32 $0x50, s0  }
0x7: {  	s14 =	simm.s32 $0x1;
	s17 =	simm.s32 $0x0;
	s8 =	smul.u32 $0x280, s0  }
0x8: {  	[smem:$0x7FF] =	sst s3;
	s9 =	smul.u32 $0x2800, s5;
	s5 =	ssub.s32 $0x2, s5  }
0x9: {  	_ =	strace $0x80000047;
	s15 =	sshll.u32 s0, $0x6;
	s31 =	sshrl.u32 s5, $0x1  }
0xa: {  	s15 =	sor.u32 $0x1C02, s15;
	s6 =	sadd.s32 s7, s6;
	s30 =	sadd.s32 s8, s9  }
0xb: {  	s9 =	ssub.s32 s5, s31;
	s6 =	sshll.u32 s6, $0x4;
	s7 =	sshrl.u32 s30, $0x3  }
0xc: {  	s6 =	sadd.s32 s6, s4;
	s7 =	sadd.s32 s7, s4;
	s4 =	sadd.s32 s8, s2  }
0xd: {  	s8 =	smax.u32 s9, $0x1;
	s9 =	simm.s32 $0x280;
	s5 =	sadd.s32 $0xC600, s6  }
0xe: {  	v0 =	vimm.f32 $0.0e+00;
	s6 =	sadd.s32 $0x2600, s6;
	s7 =	sadd.s32 $0x16600, s7;
	s16 =	sshrl.u32 s4, $0x3  }
.LBB2_1:
0xf: {  	[tilespmem:$0x280] =	vst v0  }
0x10: {  	[tilespmem:$0x290] =	vst v0  }
0x11: {  	[tilespmem:$0x2A0] =	vst v0  }
0x12: {  	[tilespmem:$0x2B0] =	vst v0  }
0x13: {  	[tilespmem:$0x2C0] =	vst v0  }
0x14: {  	[tilespmem:$0x2D0] =	vst v0  }
0x15: {  	[tilespmem:$0x2E0] =	vst v0  }
0x16: {  	[tilespmem:$0x2F0] =	vst v0  }
0x17: {  	[tilespmem:$0x300] =	vst v0  }
0x18: {  	[tilespmem:$0x310] =	vst v0  }
0x19: {  	[tilespmem:$0x320] =	vst v0  }
0x1a: {  	[tilespmem:$0x330] =	vst v0  }
0x1b: {  	[tilespmem:$0x340] =	vst v0  }
0x1c: {  	[tilespmem:$0x350] =	vst v0  }
0x1d: {  	[tilespmem:$0x360] =	vst v0  }
0x1e: {  	[tilespmem:$0x370] =	vst v0  }
0x1f: {  	[tilespmem:$0x380] =	vst v0  }
0x20: {  	[tilespmem:$0x390] =	vst v0  }
0x21: {  	[tilespmem:$0x3A0] =	vst v0  }
0x22: {  	[tilespmem:$0x3B0] =	vst v0  }
0x23: {  	[tilespmem:$0x3C0] =	vst v0  }
0x24: {  	[tilespmem:$0x3D0] =	vst v0  }
0x25: {  	[tilespmem:$0x3E0] =	vst v0  }
0x26: {  	[tilespmem:$0x3F0] =	vst v0  }
0x27: {  	[tilespmem:$0x400] =	vst v0  }
0x28: {  	[tilespmem:$0x410] =	vst v0  }
0x29: {  	[tilespmem:$0x420] =	vst v0  }
0x2a: {  	[tilespmem:$0x430] =	vst v0  }
0x2b: {  	[tilespmem:$0x440] =	vst v0  }
0x2c: {  	[tilespmem:$0x450] =	vst v0  }
0x2d: {  	[tilespmem:$0x460] =	vst v0  }
0x2e: {  	[tilespmem:$0x470] =	vst v0  }
0x2f: {  	[tilespmem:$0x480] =	vst v0  }
0x30: {  	[tilespmem:$0x490] =	vst v0  }
0x31: {  	[tilespmem:$0x4A0] =	vst v0  }
0x32: {  	[tilespmem:$0x4B0] =	vst v0  }
0x33: {  	[tilespmem:$0x4C0] =	vst v0  }
0x34: {  	[tilespmem:$0x4D0] =	vst v0  }
0x35: {  	[tilespmem:$0x4E0] =	vst v0  }
0x36: {  	[tilespmem:$0x4F0] =	vst v0  }
0x37: {  	[spmem:s4] =	stream.linear.scatter [tilespmem:s9], [sflag:$0x2], $0x280, $0x38;
	[tilespmem:$0x5500] =	vst v63  }
0x38: {  	_ =	swait.ge [sflag:s10], $0x280  }
0x39: {  	[sflag:s10] =	ssyncset.done $0x0  }
0x3a: {  	[sflag:s10] =	ssyncadd.s32 $0xFFFFFD80  }
0x3b: {  	[tilespmem:s11], [sflag:$0x2] =	stream.linear.gather [hbm4b:s5+s3], $0x2800, $0x38;
	[tilespmem:$0x5500] =	vst v63  }
0x3c: {  	_ =	swait.ge [sflag:s10], $0x2800  }
0x3d: {  	[sflag:s10] =	ssyncset.done $0x0  }
0x3e: {  	[sflag:s10] =	ssyncadd.s32 $0xFFFFD800  }
0x3f: {  	[tilespmem:s12], [sflag:$0x2] =	stream.linear.gather [hbm4b:s6+s3], $0x2800, $0x38;
	[tilespmem:$0x5500] =	vst v63  }
0x40: {  	_ =	swait.ge [sflag:s10], $0x2800  }
0x41: {  	[sflag:s10] =	ssyncset.done $0x0  }
0x42: {  	[sflag:s10] =	ssyncadd.s32 $0xFFFFD800  }
0x43: {  	s18 =	simm.s32 $0x0;
	[bflag:$0x0] =	sbarrier.arrive $0xFFFF  }
.LBB2_2:
0x44: {  	p0 =	sne.s32 s18, $0x9E00  }
.Ltmp0:
0x45: {  	_ = 	snop;
	(pc) =	sbr.rel @p0 .LBB2_2-.Ltmp0, $4  }
0x46: {  	_ = 	snop  }
0x47: {  	s19 =	sshra.s32 s18, $0x2  }
0x48: {  	s18 =	sadd.s32 $0x200, s18;
	s20 =	sadd.s32 $0x2D00, s19;
	s19 =	sadd.s32 $0x500, s19  }
0x49: {  	[spmem:s2] =	stream.indirect.scatter.add.f32 [tilespmem:s20], [sflag:$0x1], $0x1, s19, s13, $0xb8;
	[tilespmem:$0x5500] =	vst v63  }
0x4a: {  	_ =	swait.ge [sflag:s14], $0x80  }
0x4b: {  	s18 =	simm.s32 $0x4F;
	[sflag:s14] =	ssyncset.done $0x0  }
.LBB2_4:
0x4c: {  	p0 =	sne.s32 s18, $0x1;
	s18 =	sadd.s32 $0xFFFFFFFF, s18;
	[sflag:s14] =	ssyncadd.s32 $0xFFFFFF80  }
.Ltmp1:
0x4d: {  	(pc) =	sbr.rel @p0 .LBB2_4-.Ltmp1, $3  }
0x4e: {  	_ =	sdelay $0x1  }
0x4f: {  	_ =	swait.ge [sflag:s14], $0x80  }
0x50: {  	[sflag:s14] =	ssyncset.done $0x0  }
0x51: {  	s17 =	sadd.s32 $0x1, s17  }
0x52: {  	[sflag:s14] =	ssyncadd.s32 $0xFFFFFF80;
	p0 =	sne.s32 s17, s8  }
.Ltmp2:
0x53: {  	[bflag:$0x0] =	sbarrier.arrive $0xFFFF;
	(pc) =	sbr.rel @p0 .LBB2_1-.Ltmp2, $4  }
0x54: {  	[hbm:s7], [sflag:s15] =	dma.local [spmem:s16], $0x50  }
0x55: {  	_ =	swait.ge [sflag:s10], $0x50  }
0x56: {  	[sflag:s10] =	ssyncset.done $0x0  }
0x57: {  	[sflag:s10] =	ssyncadd.s32 $0xFFFFFFB0  }
0x58: {  	_ =	sfence.sel $0x180000  }
0x59: {  	[bflag:$0x0] =	sbarrier.arrive $0xFFFF  }
0x5a: {  	p0 =	sne.s32 s0, $0x0;
	_ =	strace $0x90000047  }
0x5b: {  	s0 =	sadd.s32 @!p0 $0x100000, s1;
	[bflag:$0x2] =	sbarrier.arrive $0xFFFF  }
0x5c: {  	[sflag:s0] =	ssyncadd.tile.s32 @!p0 $0x1;
	_ =	shalt  }
.Lfunc_end2:
_tile_overlayer_lowered:
.L_overlay_start_2:
0x5d: {  	(tag) =	ssettag $0x2  }
0x5e: {  	s0 =	rddreg [dreg:$0x0];
	s2 =	stileid.u32  }
0x5f: {  	s1 =	rddreg [dreg:$0x1];
	p0 =	sne.s32 s2, $0x0  }
0x60: {  	s3 =	rddreg [dreg:$0x2];
	[bflag:$0x3] =	sbarrier.arrive $0xFFFF;
	s2 =	simm.s32 @!p0 $0x1C02  }
0x61: {  	[timem:s3], [sflag:s2] =	dma.local @!p0 [hbm:s0], s1  }
0x62: {  	s0 =	simm.s32 @!p0 $0x2  }
0x63: {  	_ =	swait.ge @!p0 [sflag:s0], s1  }
0x64: {  	s1 =	ssub.s32 @!p0 $0x0, s1;
	[sflag:s0] =	ssyncset.done @!p0 $0x0  }
0x65: {  	[sflag:s0] =	ssyncadd.s32 @!p0 s1  }
0x66: {  	[bflag:$0x3] =	sbarrier.arrive $0xFFFF  }
0x67: {  	_ =	shalt  }

// kernel: kernel.9.cloned.1.call-start
scs
__scs_entry_jumppad:
0x0: {  	(pc) =	sbr.rel $0x88, $3  }
0x1: {  	(tag) =	ssettag $0x0;
	lr =	simm.s32 $0x1  }
0x2: {  	[smem:$0x3F9A] =	sst lr;
	_ =	strace $0xD0000000  }
0x3: {  	_ = 	snop  }
0x4: {  	_ = 	snop  }
0x5: {  	_ = 	snop  }
0x6: {  	_ = 	snop  }
0x7: {  	_ = 	snop  }
__scs_overlays_trampoline_lowered:
0x8: {  	[smem:$0x3FA9] =	sst s0  }
0x9: {  	[smem:$0x3FAA] =	sst s1  }
0xa: {  	[smem:$0x3FAB] =	sst s2  }
0xb: {  	[smem:$0x3FAC] =	sst s3  }
0xc: {  	[smem:$0x3FAD] =	sst s4  }
0xd: {  	[smem:$0x3FAE] =	sst s5  }
0xe: {  	[smem:$0x3FAF] =	sst s6  }
0xf: {  	[smem:$0x3FB0] =	sst s7  }
0x10: {  	[smem:$0x3FB1] =	sst s8  }
0x11: {  	[smem:$0x3FB2] =	sst s9;
	s0 =	simm.s32 @!p0 $0x0  }
0x12: {  	s1 =	sld [smem:$0x3F98];
	s0 =	simm.s32 @p0 $0x1  }
0x13: {  	[smem:$0x3FB3] =	sst s0;
	s0 =	simm.s32 @!p1 $0x0  }
0x14: {  	s2 =	sld [smem:$0x3F97];
	s0 =	simm.s32 @p1 $0x1  }
0x15: {  	[smem:$0x3FB4] =	sst s0;
	s0 =	simm.s32 @!p2 $0x0  }
0x16: {  	s3 =	sld [smem:$0x3FDB];
	s0 =	simm.s32 @p2 $0x1  }
0x17: {  	s4 =	simm.s32 $0x1BF5;
	[smem:$0x3FB6] =	sst s0  }
0x18: {  	s0 =	sld [smem:$0x3F99];
	_ =	swait.ge [sflag:s4], $0x0  }
0x19: {  	s7 =	sld [smem:$0x3F9A]  }
0x1a: {  	s8 =	sadd.s32 $0xFFFFE003, lr  }
0x1b: {  	s9 =	sadd.s32 $0xFFFFFEF7, lr;
	s5 =	simm.s32 $0xFFFFFFFF;
	p2 =	slt.u32 s8, $0xFFFFF086  }
0x1c: {  	p1 =	slt.u32 s9, $0xF7A;
	s5 =	simm.s32 @!p2 $0x0  }
0x1d: {  	s5 =	simm.s32 @p1 $0x1;
	p0 =	seq.s32 s7, s2  }
0x1e: {  	s7 =	smul.u32 @!p0 $0xF7A, s2;
	p2 =	seq.s32 @!p0 s5, $0x0  }
0x1f: {  	s9 =	smul.u32 $0xF7A, s1;
	s8 =	simm.s32 @!p0 $0x1BF5;
	p2 =	por !p2, p0  }
0x20: {  	[sflag:s8] =	ssyncset.s32 @!p0 $0xFFFFF086;
	s6 =	sadd.s32 @!p0 s3, s7;
	s7 =	simm.s32 @!p0 $0x108  }
0x21: {  	s3 =	sadd.s32 s3, s9;
	s6 =	sadd.s32 @!p0 $0x88, s6;
	s7 =	simm.s32 @p2 $0x1082  }
0x22: {  	[simem:s7], [sflag:s8] =	dma.local @!p0 [hbm:s6], $0xF7A  }
0x23: {  	s9 =	sor.u32 $0xD0000000, s2;
	s6 =	simm.s32 $0x108;
	_ =	swait.ge @!p0 [sflag:s8], $0x0  }
0x24: {  	s3 =	sadd.s32 $0x88, s3;
	s6 =	simm.s32 @!p1 $0x1082;
	[sflag:s4] =	ssyncset.s32 $0xFFFFF086  }
0x25: {  	[simem:s6], [sflag:s4] =	dma.local [hbm:s3], $0xF7A  }
0x26: {  	[smem:$0x3F9A] =	sst s1;
	(tag) =	ssettag s2;
	_ =	strace s9  }
0x27: {  	s1 =	sld [smem:$0x3FAA]  }
0x28: {  	s2 =	sld [smem:$0x3FAB]  }
0x29: {  	s4 =	sld [smem:$0x3FAD]  }
0x2a: {  	p0 =	seq.s32 s5, $0x0;
	s5 =	sld [smem:$0x3FAE]  }
0x2b: {  	s6 =	sld [smem:$0x3FAF]  }
0x2c: {  	s7 =	sld [smem:$0x3FB0]  }
0x2d: {  	s3 =	simm.s32 $0x108;
	s8 =	sld [smem:$0x3FB1]  }
0x2e: {  	s3 =	simm.s32 @!p0 $0x1082;
	s9 =	sld [smem:$0x3FB2]  }
0x2f: {  	lr =	sadd.s32 s0, s3;
	s0 =	sld [smem:$0x3FA9]  }
0x30: {  	s3 =	sld [smem:$0x3FAC]  }
0x31: {  	[smem:$0x3FB5] =	sst s10  }
0x32: {  	s10 =	sld [smem:$0x3FB3];
	_ =	sdelay $0x3  }
0x33: {  	p0 =	seq.s32 s10, $0x1;
	s10 =	sld [smem:$0x3FB5];
	_ =	sdelay $0x3  }
0x34: {  	[smem:$0x3FB5] =	sst s10  }
0x35: {  	s10 =	sld [smem:$0x3FB4];
	_ =	sdelay $0x3  }
0x36: {  	p1 =	seq.s32 s10, $0x1;
	s10 =	sld [smem:$0x3FB5];
	_ =	sdelay $0x3  }
0x37: {  	[smem:$0x3FB5] =	sst s10  }
0x38: {  	s10 =	sld [smem:$0x3FB6]  }
0x39: {  	_ = 	snop;
	(pc) =	sbr.ind lr, $3  }
0x3a: {  	_ = 	snop  }
0x3b: {  	_ = 	snop  }
0x3c: {  	p2 =	seq.s32 s10, $0x1;
	s10 =	sld [smem:$0x3FB5]  }
0x3d: {  	_ =	shalt  }
0x3e: {  	_ =	shalt  }
0x3f: {  	_ =	shalt  }
0x40: {  	_ =	shalt  }
0x41: {  	_ =	shalt  }
0x42: {  	_ =	shalt  }
0x43: {  	_ =	shalt  }
0x44: {  	_ =	shalt  }
0x45: {  	_ =	shalt  }
0x46: {  	_ =	shalt  }
0x47: {  	_ =	shalt  }
0x48: {  	_ =	shalt  }
0x49: {  	_ =	shalt  }
0x4a: {  	_ =	shalt  }
0x4b: {  	_ =	shalt  }
0x4c: {  	_ =	shalt  }
0x4d: {  	_ =	shalt  }
0x4e: {  	_ =	shalt  }
0x4f: {  	_ =	shalt  }
0x50: {  	_ =	shalt  }
0x51: {  	_ =	shalt  }
0x52: {  	_ =	shalt  }
0x53: {  	_ =	shalt  }
0x54: {  	_ =	shalt  }
0x55: {  	_ =	shalt  }
0x56: {  	_ =	shalt  }
0x57: {  	_ =	shalt  }
0x58: {  	_ =	shalt  }
0x59: {  	_ =	shalt  }
0x5a: {  	_ =	shalt  }
0x5b: {  	_ =	shalt  }
0x5c: {  	_ =	shalt  }
0x5d: {  	_ =	shalt  }
0x5e: {  	_ =	shalt  }
0x5f: {  	_ =	shalt  }
0x60: {  	_ =	shalt  }
0x61: {  	_ =	shalt  }
0x62: {  	_ =	shalt  }
0x63: {  	_ =	shalt  }
0x64: {  	_ =	shalt  }
0x65: {  	_ =	shalt  }
0x66: {  	_ =	shalt  }
0x67: {  	_ =	shalt  }
0x68: {  	_ =	shalt  }
0x69: {  	_ =	shalt  }
0x6a: {  	_ =	shalt  }
0x6b: {  	_ =	shalt  }
0x6c: {  	_ =	shalt  }
0x6d: {  	_ =	shalt  }
0x6e: {  	_ =	shalt  }
0x6f: {  	_ =	shalt  }
0x70: {  	_ =	shalt  }
0x71: {  	_ =	shalt  }
0x72: {  	_ =	shalt  }
0x73: {  	_ =	shalt  }
0x74: {  	_ =	shalt  }
0x75: {  	_ =	shalt  }
0x76: {  	_ =	shalt  }
0x77: {  	_ =	shalt  }
0x78: {  	_ =	shalt  }
0x79: {  	_ =	shalt  }
0x7a: {  	_ =	shalt  }
0x7b: {  	_ =	shalt  }
0x7c: {  	_ =	shalt  }
0x7d: {  	_ =	shalt  }
0x7e: {  	_ =	shalt  }
0x7f: {  	_ =	shalt  }
0x80: {  	_ =	shalt  }
0x81: {  	_ =	shalt  }
0x82: {  	_ =	shalt  }
0x83: {  	_ =	shalt  }
0x84: {  	_ =	shalt  }
0x85: {  	_ =	shalt  }
0x86: {  	_ =	shalt  }
0x87: {  	_ =	shalt  }
.Lfunc_end0:
.L_simem_size_0:
called_computation.1_lowered:
.L_overlay_start_0:
0x88: {  	s2 =	sld [smem:$0x3FD9]  }
0x89: {  	s3 =	sld [smem:$0x3FFE];
	_ =	sdelay $0x1  }
0x8a: {  	s1 =	srdreg.scid  }
0x8b: {  	s0 =	sand.u32 $0x1, s1  }
0x8c: {  	s17 =	sshll.u32 s0, $0xA;
	s2 =	sadd.s32 s3, s2  }
0x8d: {  	s2 =	sadd.s32 s2, s17  }
0x8e: {  	[smem:$0x3FC1] =	sst s2  }
0x8f: {  	_ = 	snop  }
0x90: {  	s2 =	sld [smem:$0x3FD0];
	(tm) =	ssettm $0x1  }
0x91: {  	s18 =	sld [smem:$0x3FFB];
	_ =	sdelay $0x3  }
0x92: {  	_ =	strace s18  }
0x93: {  	s3 =	sld [smem:$0x3FFC];
	_ =	sdelay $0x3  }
0x94: {  	_ =	strace s3  }
0x95: {  	s3 =	sld [smem:$0x3FFD];
	_ =	sdelay $0x3  }
0x96: {  	_ =	strace s3  }
0x97: {  	_ =	strace $0x8FFFFFFF  }
0x98: {  	s19 =	sld [smem:$0x3FDB];
	_ =	sdelay $0x1  }
0x99: {  	s4 =	simm.s32 $_scs_section_size  }
0x9a: {  	s5 =	simm.s32 $_size__tile_overlayer_lowered;
	s6 =	simm.s32 $_tile_overlayer_lowered  }
0x9b: {  	s22 =	simm.s32 $0x1BFF;
	s21 =	sshll.u32 s6, $0x1;
	s3 =	sadd.s32 s4, s19  }
0x9c: {  	s7 =	simm.s32 $0x0;
	s20 =	sshll.u32 s5, $0x1;
	s5 =	sadd.s32 s21, s3  }
0x9d: {  	[timem:s7], [sflag:s22] =	dma.local [hbm:s5], s20  }
0x9e: {  	_ =	swait.ge [sflag:s22], s20  }
0x9f: {  	s4 =	ssub.s32 $0x0, s20;
	[sflag:s22] =	ssyncset.done $0x0  }
0xa0: {  	[sflag:s22] =	ssyncadd.s32 s4;
	_ =	sdelay $0x1  }
0xa1: {  	s23 =	simm.s32 $0x1B8B  }
0xa2: {  	_ =	swait.ge [sflag:s23], $0x1  }
0xa3: {  	[sflag:s23] =	ssyncset.done $0x0  }
0xa4: {  	s25 =	simm.s32 $0x1B8E;
	s24 =	sld [smem:$0x3FFE];
	[sflag:s23] =	ssyncadd.s32 $0xFFFFFFFF  }
0xa5: {  	s26 =	simm.s32 $execute0_lowered;
	[smem:$0x3FD2] =	sst s25  }
0xa6: {  	s5 =	sshll.u32 s26, $0x1;
	_ =	strace $0x80000049;
	[dreg:$0x1] =	wrdreg $0xFFFFFFFF  }
0xa7: {  	s28 =	simm.s32 $_size_execute0_lowered;
	s3 =	sadd.s32 s3, s5;
	[dreg:$0x0] =	wrdreg $0x0  }
0xa8: {  	s5 =	sshll.u32 s28, $0x1;
	[dreg:$0x2] =	wrdreg s3  }
0xa9: {  	[dreg:$0x3] =	wrdreg s5  }
0xaa: {  	[dreg:$0x4] =	wrdreg $0xC0  }
0xab: {  	_ =	task [dreg:s7], $0x5FFFF  }
0xac: {  	[dreg:$0x1] =	wrdreg $0xFFFFFFFF  }
0xad: {  	[dreg:$0x0] =	wrdreg $0x60  }
0xae: {  	[dreg:$0x2] =	wrdreg s2  }
0xaf: {  	[dreg:$0x3] =	wrdreg s24  }
0xb0: {  	[dreg:$0x4] =	wrdreg $0x0  }
0xb1: {  	[dreg:$0x5] =	wrdreg $0x9  }
0xb2: {  	_ =	task.clear_ibuf [dreg:s7], $0x6FFFF;
	_ =	strace $0x90000049  }
0xb3: {  	s29 =	simm.s32 $0x9;
	_ =	strace $0x8000004B  }
0xb4: {  	_ =	swait.ge [sflag:s29], $0x1  }
0xb5: {  	[sflag:s29] =	ssyncadd.s32 $0xFFFFFFFF  }
0xb6: {  	_ =	strace $0x9000004B  }
0xb7: {  	_ =	sfence  }
0xb8: {  	s30 =	sld [smem:$0x0];
	_ =	sdelay $0x2  }
0xb9: {  	s31 =	sshll.u32 s1, $0xD;
	s1 =	sshrl.u32 s1, $0x2  }
0xba: {  	s3 =	sand.u32 $0x4000, s31;
	s1 =	sadd.s32 s1, s30  }
0xbb: {  	s0 =	sor.u32 s3, s0;
	s1 =	sshll.u32 s1, $0x11  }
0xbc: {  	s0 =	sor.u32 s1, s0  }
0xbd: {  	s0 =	sadd.s32 $0x8F2B, s0  }
0xbe: {  	[sflag:s0] =	ssyncadd.remote.s32 $0x1  }
0xbf: {  	_ =	sfence.sel $0xFFFF  }
0xc0: {  	[dreg:$0x0] =	wrdreg $0xFFFFFFFF;
	(pc) =	sbr.abs _section_cstart, $3  }
0xc1: {  	[dreg:$0x1] =	wrdreg $0xFFFFFFFF  }
0xc2: {  	_ =	task.clear_ibuf [dreg:s7], $0x2FFFF;
	_ =	strace $0x9FFFFFFF  }
0xc3: {  	(tm) =	ssettm $0x7FFFFFFF  }
tec
execute0_lowered:
.L_overlay_start_1:
0x0: {  	(tag) =	ssettag $0x1  }
0x1: {  	s1 =	rddreg [dreg:$0x0]  }
0x2: {  	s0 =	rddreg [dreg:$0x1]  }
0x3: {  	s3 =	rddreg [dreg:$0x2];
	s4 =	simm.s32 $0x0;
	s2 =	srdreg.scid  }
0x4: {  	s12 =	stileid.u32;
	s28 =	simm.s32 $0x80;
	s29 =	simm.s32 $0x1  }
0x5: {  	s30 =	simm.s32 $0x1B400;
	s31 =	simm.s32 $0x3;
	[smem:$0x7FF] =	sst s4  }
0x6: {  	s2 =	sand.u32 $0x1, s2;
	s8 =	smul.u32 $0x2800, s12;
	s5 =	sadd.s32 $0xC600, s0  }
0x7: {  	s6 =	sadd.s32 $0x2600, s0;
	s7 =	sadd.s32 $0x16600, s0;
	s16 =	smul.u32 $0x50000, s12  }
0x8: {  	s11 =	sadd.s32 $0x3E600, s0;
	_ =	strace $0x8000004A;
	s9 =	smul.u32 $0x28000, s2  }
0x9: {  	s10 =	smul.u32 $0x500, s2;
	[dreg:$0x4] =	wrdreg s11;
	s11 =	sshrl.u32 s16, $0x2  }
0xa: {  	s2 =	ssub.s32 $0x2, s2;
	s8 =	sadd.s32 s8, s9;
	s9 =	sadd.s32 s11, s3  }
0xb: {  	s17 =	smul.u32 $0x50, s12;
	s18 =	sshrl.u32 s2, $0x1;
	s20 =	sadd.s32 $0x4000, s9  }
0xc: {  	s2 =	ssub.s32 s2, s18;
	s21 =	sadd.s32 $0x8000, s9;
	[dreg:$0x5] =	wrdreg s20  }
0xd: {  	s19 =	sadd.s32 s17, s10;
	s22 =	sadd.s32 $0xC000, s9;
	[dreg:$0x6] =	wrdreg s21  }
0xe: {  	s12 =	sshll.u32 s19, $0x4;
	s23 =	sadd.s32 $0x10000, s9;
	[dreg:$0x7] =	wrdreg s22  }
0xf: {  	s0 =	sadd.s32 s8, s0;
	[dreg:$0x8] =	wrdreg s23;
	s24 =	sadd.s32 s1, s12  }
0x10: {  	s19 =	smax.u32 s2, $0x1;
	s25 =	sadd.s32 s5, s12;
	[dreg:$0x9] =	wrdreg s24  }
0x11: {  	s26 =	sadd.s32 s6, s12;
	s0 =	sadd.s32 $0x3EC00, s0;
	[dreg:$0xa] =	wrdreg s25  }
0x12: {  	s20 =	simm.s32 $0x14000;
	s21 =	simm.s32 $0x6;
	[dreg:$0xb] =	wrdreg s26  }
0x13: {  	s22 =	simm.s32 $0x17400;
	[dreg:$0xc] =	wrdreg s0;
	s26 =	simm.s32 $0x5  }
0x14: {  	v0 =	vimm.f32 $0.0e+00;
	s0 =	simm.s32 $0x2;
	s24 =	simm.s32 $0x4;
	s25 =	simm.s32 $0x0  }
.LBB2_1:
0x15: {  	s2 =	rddreg [dreg:$0x4]  }
0x16: {  	[tilespmem:s20], [sflag:$0x6] =	stream.linear.gather [hbm4b:s2+s4], $0x2800, $0x38;
	[tilespmem:$0x1F400] =	vst v63  }
0x17: {  	_ =	swait.ge [sflag:s21], $0x2800  }
0x18: {  	[sflag:s21] =	ssyncset.done $0x0  }
0x19: {  	s8 =	simm.s32 $0x200;
	s2 =	simm.s32 $0x0;
	[sflag:s21] =	ssyncadd.s32 $0xFFFFD800  }
.LBB2_2:
0x1a: {  	p0 =	sne.s32 s8, $0xFE00;
	[tilespmem:s2+$0x17470] =	vst v0  }
0x1b: {  	[tilespmem:s2+$0x17400] =	vst v0  }
0x1c: {  	[tilespmem:s2+$0x17410] =	vst v0  }
.Ltmp0:
0x1d: {  	[tilespmem:s2+$0x17420] =	vst v0;
	(pc) =	sbr.rel @p0 .LBB2_2-.Ltmp0, $4  }
0x1e: {  	[tilespmem:s2+$0x17430] =	vst v0  }
0x1f: {  	[tilespmem:s2+$0x17440] =	vst v0  }
0x20: {  	[tilespmem:s2+$0x17450] =	vst v0  }
0x21: {  	[tilespmem:s2+$0x17460] =	vst v0;
	s2 =	sshra.s32 s8, $0x2;
	s8 =	sadd.s32 $0x200, s8  }
0x22: {  	[tilespmem:s2+$0x17470] =	vst v0  }
0x23: {  	[tilespmem:s2+$0x17400] =	vst v0  }
0x24: {  	[tilespmem:s2+$0x17410] =	vst v0  }
0x25: {  	[tilespmem:s2+$0x17420] =	vst v0  }
0x26: {  	[tilespmem:s2+$0x17430] =	vst v0  }
0x27: {  	[tilespmem:s2+$0x17440] =	vst v0  }
0x28: {  	[tilespmem:s2+$0x17450] =	vst v0  }
0x29: {  	[tilespmem:s2+$0x17460] =	vst v0  }
0x2a: {  	[spmem:s9] =	stream.linear.scatter [tilespmem:s22], [sflag:$0x6], $0x4000, $0x38;
	[tilespmem:$0x1F400] =	vst v63  }
0x2b: {  	_ =	swait.ge [sflag:s21], $0x4000  }
0x2c: {  	[sflag:s21] =	ssyncset.done $0x0  }
0x2d: {  	s11 =	rddreg [dreg:$0x5];
	[sflag:s21] =	ssyncadd.s32 $0xFFFFC000  }
0x2e: {  	[spmem:s11] =	stream.linear.scatter [tilespmem:s22], [sflag:$0x6], $0x4000, $0x38;
	[tilespmem:$0x1F400] =	vst v63  }
0x2f: {  	_ =	swait.ge [sflag:s21], $0x4000  }
0x30: {  	[sflag:s21] =	ssyncset.done $0x0  }
0x31: {  	s13 =	rddreg [dreg:$0x6];
	[sflag:s21] =	ssyncadd.s32 $0xFFFFC000  }
0x32: {  	[spmem:s13] =	stream.linear.scatter [tilespmem:s22], [sflag:$0x6], $0x4000, $0x38;
	[tilespmem:$0x1F400] =	vst v63  }
0x33: {  	_ =	swait.ge [sflag:s21], $0x4000  }
0x34: {  	[sflag:s21] =	ssyncset.done $0x0  }
0x35: {  	s14 =	rddreg [dreg:$0x7];
	[sflag:s21] =	ssyncadd.s32 $0xFFFFC000  }
0x36: {  	[spmem:s14] =	stream.linear.scatter [tilespmem:s22], [sflag:$0x6], $0x4000, $0x38;
	[tilespmem:$0x1F400] =	vst v63  }
0x37: {  	_ =	swait.ge [sflag:s21], $0x4000  }
0x38: {  	[sflag:s21] =	ssyncset.done $0x0  }
0x39: {  	s15 =	rddreg [dreg:$0x8];
	[sflag:s21] =	ssyncadd.s32 $0xFFFFC000  }
0x3a: {  	[spmem:s15] =	stream.linear.scatter [tilespmem:s22], [sflag:$0x6], $0x4000, $0x38;
	[tilespmem:$0x1F400] =	vst v63  }
0x3b: {  	_ =	swait.ge [sflag:s21], $0x4000  }
0x3c: {  	[sflag:s21] =	ssyncset.done $0x0  }
0x3d: {  	[sflag:s21] =	ssyncadd.s32 $0xFFFFC000  }
0x3e: {  	[bflag:$0x0] =	sbarrier.arrive $0xFFFF  }
0x3f: {  	s8 =	simm.s32 $0x0;
	s10 =	simm.s32 $0x16800;
	s16 =	rddreg [dreg:$0x9]  }
0x40: {  	[tilespmem:s10], [sflag:$0x5] =	stream.linear.gather [hbm4b:s16+s8], $0x200, $0x38;
	[tilespmem:$0x1F400] =	vst v63  }
0x41: {  	s11 =	simm.s32 $0x16C00;
	s17 =	rddreg [dreg:$0xa]  }
0x42: {  	[tilespmem:s11], [sflag:$0x5] =	stream.linear.gather [hbm4b:s17+s8], $0x200, $0x38;
	[tilespmem:$0x1F400] =	vst v63  }
0x43: {  	s23 =	simm.s32 $0x17000;
	s18 =	rddreg [dreg:$0xb]  }
0x44: {  	[tilespmem:s23], [sflag:$0x5] =	stream.linear.gather [hbm4b:s18+s8], $0x200, $0x38;
	[tilespmem:$0x1F400] =	vst v63  }
0x45: {  	_ =	swait.ge [sflag:s26], $0x200  }
0x46: {  	[sflag:s26] =	ssyncset.done $0x0  }
0x47: {  	[sflag:s26] =	ssyncadd.s32 $0xFFFFFE00  }
0x48: {  	_ =	swait.ge [sflag:s26], $0x200  }
0x49: {  	[sflag:s26] =	ssyncset.done $0x0  }
0x4a: {  	[sflag:s26] =	ssyncadd.s32 $0xFFFFFE00  }
0x4b: {  	_ =	swait.ge [sflag:s26], $0x200  }
0x4c: {  	[sflag:s26] =	ssyncset.done $0x0  }
0x4d: {  	[sflag:s26] =	ssyncadd.s32 $0xFFFFFE00  }
0x4e: {  	[tilespmem:s22], [sflag:$0x1] =	stream.indirect.gather [hbm4b:s7+s28], $0x80, s10, s28, $0xb8;
	[tilespmem:$0x1F400] =	vst v63  }
.LBB2_5:
0x4f: {  	p0 =	seq.s32 s8, $0x0  }
0x50: {  	p1 =	seq.s32 @!p0 s8, $0x13  }
0x51: {  	p1 =	por p0, !p1  }
.Ltmp1:
0x52: {  	_ = 	snop;
	(pc) =	sbr.rel @p1 .LBB2_7-.Ltmp1, $4  }
0x53: {  	s2 =	simm.s32 @!p0 $0x4  }
0x54: {  	_ =	swait.ge @!p0 [sflag:s2], $0x4000  }
0x55: {  	[sflag:s2] =	ssyncset.done @!p0 $0x0  }
0x56: {  	[sflag:s2] =	ssyncadd.s32 @!p0 $0xFFFFC000  }
.Ltmp2:
0x57: {  	(pc) =	sbr.rel .LBB2_8-.Ltmp2, $2  }
0x58: {  	_ =	sdelay $0x2  }
0x59: {  	s2 =	simm.s32 @!p0 $0x14;
	p0 =	por @!p0 $0x0, $0x0  }
.LBB2_7:
0x5a: {  	s2 =	sadd.s32 @!p0 $0x1, s8  }
0x5b: {  	s2 =	simm.s32 @p0 $0x1  }
0x5c: {  	s10 =	sshll.u32 s2, $0x6  }
0x5d: {  	s11 =	sadd.s32 s12, s10  }
0x5e: {  	s13 =	sshll.u32 s2, $0x9;
	s10 =	sand.u32 $0x40, s10;
	s11 =	sand.u32 $0x1FF80, s11  }
0x5f: {  	s13 =	sand.u32 $0x200, s13;
	s10 =	sor.u32 s10, s11  }
0x60: {  	s16 =	sor.u32 $0x16800, s13;
	s14 =	sadd.s32 s1, s10  }
0x61: {  	[tilespmem:s16], [sflag:$0x5] =	stream.linear.gather [hbm4b:s14+s4], $0x200, $0x38;
	[tilespmem:$0x1F400] =	vst v63  }
0x62: {  	s17 =	sor.u32 $0x16C00, s13;
	s18 =	sadd.s32 s5, s10  }
0x63: {  	[tilespmem:s17], [sflag:$0x5] =	stream.linear.gather [hbm4b:s18+s4], $0x200, $0x38;
	[tilespmem:$0x1F400] =	vst v63  }
0x64: {  	p0 =	por $0x1, $0x1;
	s23 =	sor.u32 $0x17000, s13;
	s10 =	sadd.s32 s6, s10  }
0x65: {  	[tilespmem:s23], [sflag:$0x5] =	stream.linear.gather [hbm4b:s10+s4], $0x200, $0x38;
	[tilespmem:$0x1F400] =	vst v63  }
.LBB2_8:
0x66: {  	s8 =	sshll.u32 s8, $0x9  }
0x67: {  	s11 =	sand.u32 $0x200, s8  }
0x68: {  	s10 =	sor.u32 $0x16840, s11  }
0x69: {  	s13 =	sor.u32 $0x16C70, s11;
	v1 =	vmov s10  }
0x6a: {  	v2 =	vmov s13  }
0x6b: {  	s14 =	sor.u32 $0x17070, s11  }
0x6c: {  	s8 =	simm.s32 $0x0;
	v3 =	vmov s14  }
.LBB2_9:
0x6d: {  	s10 =	sshra.s32 s8, $0x2  }
0x6e: {  	v4 =	vld.idx.msk [tilespmem:v1+s10+$0xFFFFFFC0 ss:$0x1], $0xffff  }
0x6f: {  	v5 =	vld.idx.msk [tilespmem:v2+s10+$0xFFFFFF90 ss:$0x1], $0xffff;
	_ =	sdelay $0x6  }
0x70: {  	v4 =	vld.idx.msk [tilespmem:v4+s20+$0x0], $0xffff  }
0x71: {  	v5 =	vld.idx.msk [tilespmem:v5+s20+$0x0], $0xffff;
	_ =	sdelay $0x1  }
0x72: {  	v6 =	vld.idx.msk [tilespmem:v3+s10+$0xFFFFFF90 ss:$0x1], $0xffff;
	_ =	sdelay $0x2  }
0x73: {  	v4 =	vmul.f32 v5, v4;
	_ =	sdelay $0x1  }
0x74: {  	v4 =	vmul.f32 v4, v6;
	_ =	sdelay $0x1  }
0x75: {  	[tilespmem:v3+s10+$0xFFFFFF90 ss:$0x1] =	vst.idx.msk $0xffff, v4  }
0x76: {  	v4 =	vld.idx.msk [tilespmem:v1+s10+$0xFFFFFFD0 ss:$0x1], $0xffff  }
0x77: {  	v5 =	vld.idx.msk [tilespmem:v2+s10+$0xFFFFFFA0 ss:$0x1], $0xffff;
	_ =	sdelay $0x6  }
0x78: {  	v4 =	vld.idx.msk [tilespmem:v4+s20+$0x0], $0xffff  }
0x79: {  	v5 =	vld.idx.msk [tilespmem:v5+s20+$0x0], $0xffff;
	_ =	sdelay $0x1  }
0x7a: {  	v57 =	vld.idx.msk [tilespmem:v3+s10+$0xFFFFFFA0 ss:$0x1], $0xffff;
	_ =	sdelay $0x2  }
0x7b: {  	v4 =	vmul.f32 v5, v4;
	_ =	sdelay $0x1  }
0x7c: {  	v4 =	vmul.f32 v4, v57;
	_ =	sdelay $0x1  }
0x7d: {  	[tilespmem:v3+s10+$0xFFFFFFA0 ss:$0x1] =	vst.idx.msk $0xffff, v4  }
0x7e: {  	v4 =	vld.idx.msk [tilespmem:v1+s10+$0xFFFFFFE0 ss:$0x1], $0xffff  }
0x7f: {  	v5 =	vld.idx.msk [tilespmem:v2+s10+$0xFFFFFFB0 ss:$0x1], $0xffff;
	_ =	sdelay $0x6  }
0x80: {  	v4 =	vld.idx.msk [tilespmem:v4+s20+$0x0], $0xffff  }
0x81: {  	v5 =	vld.idx.msk [tilespmem:v5+s20+$0x0], $0xffff;
	_ =	sdelay $0x1  }
0x82: {  	v58 =	vld.idx.msk [tilespmem:v3+s10+$0xFFFFFFB0 ss:$0x1], $0xffff;
	_ =	sdelay $0x2  }
0x83: {  	v4 =	vmul.f32 v5, v4;
	_ =	sdelay $0x1  }
0x84: {  	v4 =	vmul.f32 v4, v58;
	_ =	sdelay $0x1  }
0x85: {  	[tilespmem:v3+s10+$0xFFFFFFB0 ss:$0x1] =	vst.idx.msk $0xffff, v4  }
0x86: {  	v4 =	vld.idx.msk [tilespmem:v1+s10+$0xFFFFFFF0 ss:$0x1], $0xffff  }
0x87: {  	v5 =	vld.idx.msk [tilespmem:v2+s10+$0xFFFFFFC0 ss:$0x1], $0xffff;
	_ =	sdelay $0x6  }
0x88: {  	v4 =	vld.idx.msk [tilespmem:v4+s20+$0x0], $0xffff  }
0x89: {  	v5 =	vld.idx.msk [tilespmem:v5+s20+$0x0], $0xffff;
	_ =	sdelay $0x1  }
0x8a: {  	v59 =	vld.idx.msk [tilespmem:v3+s10+$0xFFFFFFC0 ss:$0x1], $0xffff;
	_ =	sdelay $0x2  }
0x8b: {  	v4 =	vmul.f32 v5, v4;
	_ =	sdelay $0x1  }
0x8c: {  	v4 =	vmul.f32 v4, v59;
	_ =	sdelay $0x1  }
0x8d: {  	[tilespmem:v3+s10+$0xFFFFFFC0 ss:$0x1] =	vst.idx.msk $0xffff, v4  }
0x8e: {  	v4 =	vld.idx.msk [tilespmem:v1+s10+$0x0 ss:$0x1], $0xffff  }
0x8f: {  	v5 =	vld.idx.msk [tilespmem:v2+s10+$0xFFFFFFD0 ss:$0x1], $0xffff;
	_ =	sdelay $0x6  }
0x90: {  	v4 =	vld.idx.msk [tilespmem:v4+s20+$0x0], $0xffff  }
0x91: {  	v5 =	vld.idx.msk [tilespmem:v5+s20+$0x0], $0xffff;
	_ =	sdelay $0x1  }
0x92: {  	v60 =	vld.idx.msk [tilespmem:v3+s10+$0xFFFFFFD0 ss:$0x1], $0xffff;
	_ =	sdelay $0x2  }
0x93: {  	v4 =	vmul.f32 v5, v4;
	_ =	sdelay $0x1  }
0x94: {  	v4 =	vmul.f32 v4, v60;
	_ =	sdelay $0x1  }
0x95: {  	[tilespmem:v3+s10+$0xFFFFFFD0 ss:$0x1] =	vst.idx.msk $0xffff, v4  }
0x96: {  	v4 =	vld.idx.msk [tilespmem:v1+s10+$0x10 ss:$0x1], $0xffff  }
0x97: {  	v5 =	vld.idx.msk [tilespmem:v2+s10+$0xFFFFFFE0 ss:$0x1], $0xffff;
	_ =	sdelay $0x6  }
0x98: {  	v4 =	vld.idx.msk [tilespmem:v4+s20+$0x0], $0xffff  }
0x99: {  	v5 =	vld.idx.msk [tilespmem:v5+s20+$0x0], $0xffff;
	_ =	sdelay $0x1  }
0x9a: {  	v61 =	vld.idx.msk [tilespmem:v3+s10+$0xFFFFFFE0 ss:$0x1], $0xffff;
	_ =	sdelay $0x2  }
0x9b: {  	v4 =	vmul.f32 v5, v4;
	_ =	sdelay $0x1  }
0x9c: {  	v4 =	vmul.f32 v4, v61;
	_ =	sdelay $0x1  }
0x9d: {  	[tilespmem:v3+s10+$0xFFFFFFE0 ss:$0x1] =	vst.idx.msk $0xffff, v4  }
0x9e: {  	v4 =	vld.idx.msk [tilespmem:v1+s10+$0x20 ss:$0x1], $0xffff  }
0x9f: {  	v5 =	vld.idx.msk [tilespmem:v2+s10+$0xFFFFFFF0 ss:$0x1], $0xffff;
	_ =	sdelay $0x6  }
0xa0: {  	v4 =	vld.idx.msk [tilespmem:v4+s20+$0x0], $0xffff  }
0xa1: {  	v5 =	vld.idx.msk [tilespmem:v5+s20+$0x0], $0xffff;
	_ =	sdelay $0x1  }
0xa2: {  	v62 =	vld.idx.msk [tilespmem:v3+s10+$0xFFFFFFF0 ss:$0x1], $0xffff;
	_ =	sdelay $0x2  }
0xa3: {  	v4 =	vmul.f32 v5, v4;
	_ =	sdelay $0x1  }
0xa4: {  	v4 =	vmul.f32 v4, v62;
	_ =	sdelay $0x1  }
0xa5: {  	[tilespmem:v3+s10+$0xFFFFFFF0 ss:$0x1] =	vst.idx.msk $0xffff, v4  }
0xa6: {  	v4 =	vld.idx.msk [tilespmem:v1+s10+$0x30 ss:$0x1], $0xffff  }
0xa7: {  	v5 =	vld.idx.msk [tilespmem:v2+s10+$0x0 ss:$0x1], $0xffff;
	_ =	sdelay $0x6  }
0xa8: {  	v4 =	vld.idx.msk [tilespmem:v4+s20+$0x0], $0xffff  }
0xa9: {  	v5 =	vld.idx.msk [tilespmem:v5+s20+$0x0], $0xffff;
	_ =	sdelay $0x1  }
0xaa: {  	v63 =	vld.idx.msk [tilespmem:v3+s10+$0x0 ss:$0x1], $0xffff;
	_ =	sdelay $0x1  }
0xab: {  	p1 =	seq.s32 s8, $0x600  }
.Ltmp3:
0xac: {  	v4 =	vmul.f32 v5, v4;
	(pc) =	sbr.rel @!p1 .LBB2_9-.Ltmp3, $3  }
0xad: {  	_ = 	snop  }
0xae: {  	v4 =	vmul.f32 v4, v63;
	_ =	sdelay $0x1  }
0xaf: {  	s8 =	sadd.s32 $0x200, s8;
	[tilespmem:v3+s10+$0x0 ss:$0x1] =	vst.idx.msk $0xffff, v4  }
0xb0: {  	s10 =	sshll.u32 s2, $0x9  }
0xb1: {  	s23 =	sor.u32 $0x80, s11;
	s8 =	sor.u32 $0x17000, s11;
	s14 =	simm.s32 $0x0  }
0xb2: {  	p3 =	por $0x1, $0x1;
	p2 =	por $0x0, $0x0;
	s13 =	sand.u32 $0x200, s10  }
0xb3: {  	s10 =	sor.u32 $0x16C00, s11;
	s11 =	sadd.s32 $0x16900, s11;
	s13 =	sor.u32 $0x16800, s13  }
.LBB2_11:
0xb4: {  	s16 =	simm.s32 @p2 $0x4;
	s15 =	sshll.u32 s14, $0xA  }
0xb5: {  	s17 =	sshll.u32 s14, $0x8;
	_ =	swait.ge @p2 [sflag:s16], $0x4000;
	s15 =	sshrl.u32 s15, $0x2  }
0xb6: {  	s14 =	sor.u32 s23, s17;
	[sflag:s16] =	ssyncset.done @p2 $0x0;
	s17 =	sadd.s32 s15, s8  }
0xb7: {  	s18 =	sadd.s32 $0x16800, s14;
	[sflag:s16] =	ssyncadd.s32 @p2 $0xFFFFC000;
	v1 =	vmov s17  }
0xb8: {  	[tilespmem:s30], [sflag:$0x2] =	stream.indirect.gather [hbm4b:s7+s28], $0x80, s18, s28, $0xb8;
	[tilespmem:$0x1F400] =	vst v63  }
0xb9: {  	_ =	swait.ge [sflag:s29], $0x4000  }
0xba: {  	s17 =	simm.s32 $0x0;
	[sflag:s29] =	ssyncset.done $0x0  }
0xbb: {  	s16 =	sand.u32 $0x3FFFFFF0, s17;
	s18 =	simm.s32 $0x0;
	[sflag:s29] =	ssyncadd.s32 $0xFFFFC000  }
0xbc: {  	v2 =	vld.idx.msk [tilespmem:v1+s16+$0x0 ss:$0x1], $0xffff;
	s16 =	sand.u32 $0x3FFFF800, s18  }
0xbd: {  	v8 =	vld [tilespmem:s16+$0x174C0]  }
0xbe: {  	v4 =	vld [tilespmem:s16+$0x17420]  }
0xbf: {  	v5 =	vld [tilespmem:s16+$0x17430]  }
0xc0: {  	v11 =	vld [tilespmem:s16+$0x17460]  }
0xc1: {  	v12 =	vld [tilespmem:s16+$0x17470];
	v3 =	vbroadcast v2, $0x0  }
0xc2: {  	v13 =	vld [tilespmem:s16+$0x17480]  }
0xc3: {  	v14 =	vld [tilespmem:s16+$0x17490];
	v4 =	vmul.f32 v4, v3  }
0xc4: {  	v15 =	vld [tilespmem:s16+$0x174A0];
	v5 =	vmul.f32 v5, v3  }
0xc5: {  	v10 =	vld [tilespmem:s16+$0x174B0];
	v21 =	vbroadcast v2, $0x1;
	v20 =	vmul.f32 v11, v3;
	[tilespmem:s16+$0x17420] =	vst v4  }
0xc6: {  	v9 =	vld [tilespmem:s16+$0x174D0];
	v12 =	vmul.f32 v12, v3;
	[tilespmem:s16+$0x17430] =	vst v5  }
0xc7: {  	v7 =	vld [tilespmem:s16+$0x17970];
	v13 =	vmul.f32 v13, v21;
	[tilespmem:s16+$0x17460] =	vst v20  }
0xc8: {  	v23 =	vld [tilespmem:s16+$0x174F0];
	v14 =	vmul.f32 v14, v21;
	[tilespmem:s16+$0x17470] =	vst v12  }
0xc9: {  	v24 =	vld [tilespmem:s16+$0x17500];
	v15 =	vmul.f32 v15, v21;
	[tilespmem:s16+$0x17480] =	vst v13  }
0xca: {  	v25 =	vld [tilespmem:s16+$0x17510];
	v10 =	vmul.f32 v10, v21;
	[tilespmem:s16+$0x17490] =	vst v14  }
0xcb: {  	v22 =	vld [tilespmem:s16+$0x174E0];
	v8 =	vmul.f32 v8, v21;
	[tilespmem:s16+$0x174A0] =	vst v15  }
0xcc: {  	v26 =	vld [tilespmem:s16+$0x17520];
	v16 =	vbroadcast v2, $0x2;
	v9 =	vmul.f32 v9, v21;
	[tilespmem:s16+$0x174B0] =	vst v10  }
0xcd: {  	v27 =	vld [tilespmem:s16+$0x17530];
	v11 =	vmul.f32 v23, v21;
	[tilespmem:s16+$0x174C0] =	vst v8  }
0xce: {  	v28 =	vld [tilespmem:s16+$0x17540];
	v6 =	vbroadcast v2, $0xA;
	v30 =	vmul.f32 v24, v16;
	[tilespmem:s16+$0x174D0] =	vst v9  }
0xcf: {  	v29 =	vld [tilespmem:s16+$0x17550];
	v32 =	vmul.f32 v25, v16;
	[tilespmem:s16+$0x174F0] =	vst v11  }
0xd0: {  	v31 =	vld [tilespmem:s16+$0x17560];
	v4 =	vmul.f32 v7, v6;
	[tilespmem:s16+$0x17500] =	vst v30  }
0xd1: {  	v33 =	vld [tilespmem:s16+$0x17570];
	v12 =	vmul.f32 v22, v21;
	[tilespmem:s16+$0x17510] =	vst v32  }
0xd2: {  	v34 =	vld [tilespmem:s16+$0x17580];
	v10 =	vmul.f32 v26, v16;
	[tilespmem:s16+$0x17970] =	vst v4  }
0xd3: {  	v35 =	vld [tilespmem:s16+$0x17590];
	v8 =	vmul.f32 v27, v16;
	[tilespmem:s16+$0x174E0] =	vst v12  }
0xd4: {  	v36 =	vld [tilespmem:s16+$0x175A0];
	v9 =	vmul.f32 v28, v16;
	[tilespmem:s16+$0x17520] =	vst v10  }
0xd5: {  	v37 =	vld [tilespmem:s16+$0x175B0];
	v39 =	vbroadcast v2, $0x3;
	v11 =	vmul.f32 v31, v16;
	[tilespmem:s16+$0x17530] =	vst v8  }
0xd6: {  	v38 =	vld [tilespmem:s16+$0x175C0];
	v13 =	vmul.f32 v33, v16;
	[tilespmem:s16+$0x17540] =	vst v9  }
0xd7: {  	v40 =	vld [tilespmem:s16+$0x175D0];
	v14 =	vmul.f32 v34, v39;
	[tilespmem:s16+$0x17560] =	vst v11  }
0xd8: {  	v41 =	vld [tilespmem:s16+$0x175E0];
	v12 =	vmul.f32 v29, v16;
	[tilespmem:s16+$0x17570] =	vst v13  }
0xd9: {  	v42 =	vld [tilespmem:s16+$0x175F0];
	v10 =	vmul.f32 v35, v39;
	[tilespmem:s16+$0x17580] =	vst v14  }
0xda: {  	v43 =	vld [tilespmem:s16+$0x17600];
	v8 =	vmul.f32 v36, v39;
	[tilespmem:s16+$0x17550] =	vst v12  }
0xdb: {  	v44 =	vld [tilespmem:s16+$0x17610];
	v9 =	vmul.f32 v37, v39;
	[tilespmem:s16+$0x17590] =	vst v10  }
0xdc: {  	v45 =	vld [tilespmem:s16+$0x17620];
	v11 =	vmul.f32 v40, v39;
	[tilespmem:s16+$0x175A0] =	vst v8  }
0xdd: {  	v46 =	vld [tilespmem:s16+$0x17630];
	v13 =	vmul.f32 v41, v39;
	[tilespmem:s16+$0x175B0] =	vst v9  }
0xde: {  	v47 =	vld [tilespmem:s16+$0x17640];
	v48 =	vbroadcast v2, $0x4;
	v14 =	vmul.f32 v42, v39;
	[tilespmem:s16+$0x175D0] =	vst v11  }
0xdf: {  	v49 =	vld [tilespmem:s16+$0x17650];
	v12 =	vmul.f32 v38, v39;
	[tilespmem:s16+$0x175E0] =	vst v13  }
0xe0: {  	v50 =	vld [tilespmem:s16+$0x17660];
	v10 =	vmul.f32 v43, v48;
	[tilespmem:s16+$0x175F0] =	vst v14  }
0xe1: {  	v51 =	vld [tilespmem:s16+$0x17670];
	v8 =	vmul.f32 v44, v48;
	[tilespmem:s16+$0x175C0] =	vst v12  }
0xe2: {  	v52 =	vld [tilespmem:s16+$0x17680];
	v9 =	vmul.f32 v45, v48;
	[tilespmem:s16+$0x17600] =	vst v10  }
0xe3: {  	v53 =	vld [tilespmem:s16+$0x17690];
	v11 =	vmul.f32 v47, v48;
	[tilespmem:s16+$0x17610] =	vst v8  }
0xe4: {  	v54 =	vld [tilespmem:s16+$0x176A0];
	v13 =	vmul.f32 v49, v48;
	[tilespmem:s16+$0x17620] =	vst v9  }
0xe5: {  	v55 =	vld [tilespmem:s16+$0x176B0];
	v14 =	vmul.f32 v50, v48;
	[tilespmem:s16+$0x17640] =	vst v11  }
0xe6: {  	v56 =	vld [tilespmem:s16+$0x176C0];
	v57 =	vbroadcast v2, $0x5;
	v12 =	vmul.f32 v46, v48;
	[tilespmem:s16+$0x17650] =	vst v13  }
0xe7: {  	v58 =	vld [tilespmem:s16+$0x176D0];
	v10 =	vmul.f32 v51, v48;
	[tilespmem:s16+$0x17660] =	vst v14  }
0xe8: {  	v59 =	vld [tilespmem:s16+$0x176E0];
	v8 =	vmul.f32 v52, v57;
	[tilespmem:s16+$0x17630] =	vst v12  }
0xe9: {  	v60 =	vld [tilespmem:s16+$0x176F0];
	v9 =	vmul.f32 v53, v57;
	[tilespmem:s16+$0x17670] =	vst v10  }
0xea: {  	v61 =	vld [tilespmem:s16+$0x17700];
	v11 =	vmul.f32 v55, v57;
	[tilespmem:s16+$0x17680] =	vst v8  }
0xeb: {  	v62 =	vld [tilespmem:s16+$0x17710];
	v13 =	vmul.f32 v56, v57;
	[tilespmem:s16+$0x17690] =	vst v9  }
0xec: {  	v63 =	vld [tilespmem:s16+$0x17720];
	v14 =	vmul.f32 v58, v57;
	[tilespmem:s16+$0x176B0] =	vst v11  }
0xed: {  	v20 =	vld [tilespmem:s16+$0x17730];
	v12 =	vmul.f32 v54, v57;
	[tilespmem:s16+$0x176C0] =	vst v13  }
0xee: {  	v21 =	vld [tilespmem:s16+$0x17740];
	v22 =	vbroadcast v2, $0x6;
	v10 =	vmul.f32 v59, v57;
	[tilespmem:s16+$0x176D0] =	vst v14  }
0xef: {  	v23 =	vld [tilespmem:s16+$0x17750];
	v8 =	vmul.f32 v60, v57;
	[tilespmem:s16+$0x176A0] =	vst v12  }
0xf0: {  	v24 =	vld [tilespmem:s16+$0x17760];
	v9 =	vmul.f32 v61, v22;
	[tilespmem:s16+$0x176E0] =	vst v10  }
0xf1: {  	v25 =	vld [tilespmem:s16+$0x17770];
	v11 =	vmul.f32 v63, v22;
	[tilespmem:s16+$0x176F0] =	vst v8  }
0xf2: {  	v5 =	vld [tilespmem:s16+$0x17980];
	v13 =	vmul.f32 v20, v22;
	[tilespmem:s16+$0x17700] =	vst v9  }
0xf3: {  	v27 =	vld [tilespmem:s16+$0x17790];
	v14 =	vmul.f32 v21, v22;
	[tilespmem:s16+$0x17720] =	vst v11  }
0xf4: {  	v28 =	vld [tilespmem:s16+$0x177A0];
	v12 =	vmul.f32 v62, v22;
	[tilespmem:s16+$0x17730] =	vst v13  }
0xf5: {  	v29 =	vld [tilespmem:s16+$0x177B0];
	v10 =	vmul.f32 v23, v22;
	[tilespmem:s16+$0x17740] =	vst v14  }
0xf6: {  	v31 =	vbroadcast v2, $0x7;
	v53 =	vld [tilespmem:s16+$0x17900];
	v8 =	vmul.f32 v24, v22;
	[tilespmem:s16+$0x17710] =	vst v12  }
0xf7: {  	v58 =	vld [tilespmem:s16+$0x17950];
	v9 =	vmul.f32 v25, v22;
	[tilespmem:s16+$0x17750] =	vst v10  }
0xf8: {  	v26 =	vld [tilespmem:s16+$0x17780];
	v11 =	vmul.f32 v27, v31;
	[tilespmem:s16+$0x17760] =	vst v8  }
0xf9: {  	v30 =	vld [tilespmem:s16+$0x177C0];
	v13 =	vmul.f32 v28, v31;
	[tilespmem:s16+$0x17770] =	vst v9  }
0xfa: {  	v32 =	vld [tilespmem:s16+$0x177D0];
	v14 =	vmul.f32 v29, v31;
	[tilespmem:s16+$0x17790] =	vst v11  }
0xfb: {  	v33 =	vld [tilespmem:s16+$0x177E0];
	v59 =	vmul.f32 v53, v6;
	[tilespmem:s16+$0x177A0] =	vst v13  }
0xfc: {  	v35 =	vld [tilespmem:s16+$0x17800];
	v21 =	vmul.f32 v58, v6;
	[tilespmem:s16+$0x177B0] =	vst v14  }
0xfd: {  	v36 =	vld [tilespmem:s16+$0x17810];
	v12 =	vmul.f32 v26, v31;
	[tilespmem:s16+$0x17900] =	vst v59  }
0xfe: {  	v37 =	vld [tilespmem:s16+$0x17820];
	v10 =	vmul.f32 v30, v31;
	[tilespmem:s16+$0x17950] =	vst v21  }
0xff: {  	v7 =	vld [tilespmem:s16+$0x17990];
	v40 =	vbroadcast v2, $0x8;
	v8 =	vmul.f32 v32, v31;
	[tilespmem:s16+$0x17780] =	vst v12  }
0x100: {  	v34 =	vld [tilespmem:s16+$0x177F0];
	v9 =	vmul.f32 v33, v31;
	[tilespmem:s16+$0x177C0] =	vst v10  }
0x101: {  	v57 =	vld [tilespmem:s16+$0x17940];
	v11 =	vmul.f32 v35, v40;
	[tilespmem:s16+$0x177D0] =	vst v8  }
0x102: {  	v61 =	vld [tilespmem:s16+$0x17400];
	v24 =	vbroadcast v2, $0xB;
	v13 =	vmul.f32 v36, v40;
	[tilespmem:s16+$0x177E0] =	vst v9  }
0x103: {  	v4 =	vld [tilespmem:s16+$0x17BD0];
	v14 =	vmul.f32 v37, v40;
	[tilespmem:s16+$0x17800] =	vst v11  }
0x104: {  	v38 =	vld [tilespmem:s16+$0x17830];
	v5 =	vmul.f32 v5, v24;
	[tilespmem:s16+$0x17810] =	vst v13  }
0x105: {  	v39 =	vld [tilespmem:s16+$0x17840];
	v7 =	vmul.f32 v7, v24;
	[tilespmem:s16+$0x17820] =	vst v14  }
0x106: {  	v41 =	vld [tilespmem:s16+$0x17850];
	v19 =	vmul.f32 v57, v6;
	[tilespmem:s16+$0x17980] =	vst v5  }
0x107: {  	v43 =	vld [tilespmem:s16+$0x17870];
	v25 =	vmul.f32 v3, v61;
	[tilespmem:s16+$0x17990] =	vst v7  }
0x108: {  	v44 =	vld [tilespmem:s16+$0x17880];
	v12 =	vmul.f32 v34, v31;
	[tilespmem:s16+$0x17940] =	vst v19  }
0x109: {  	v45 =	vld [tilespmem:s16+$0x17890];
	v10 =	vmul.f32 v38, v40;
	[tilespmem:s16+$0x17400] =	vst v25  }
0x10a: {  	v27 =	vld [tilespmem:s16+$0x179D0];
	v8 =	vmul.f32 v39, v40;
	[tilespmem:s16+$0x177F0] =	vst v12  }
0x10b: {  	v49 =	vbroadcast v2, $0x9;
	v29 =	vld [tilespmem:s16+$0x179F0];
	v9 =	vmul.f32 v41, v40;
	[tilespmem:s16+$0x17830] =	vst v10  }
0x10c: {  	v42 =	vld [tilespmem:s16+$0x17860];
	v11 =	vmul.f32 v43, v40;
	[tilespmem:s16+$0x17840] =	vst v8  }
0x10d: {  	v46 =	vld [tilespmem:s16+$0x178A0];
	v13 =	vmul.f32 v44, v49;
	[tilespmem:s16+$0x17850] =	vst v9  }
0x10e: {  	v47 =	vld [tilespmem:s16+$0x178B0];
	v14 =	vmul.f32 v45, v49;
	[tilespmem:s16+$0x17870] =	vst v11  }
0x10f: {  	v48 =	vld [tilespmem:s16+$0x178C0];
	v32 =	vmul.f32 v27, v24;
	[tilespmem:s16+$0x17880] =	vst v13  }
0x110: {  	v51 =	vld [tilespmem:s16+$0x178E0];
	v7 =	vmul.f32 v29, v24;
	[tilespmem:s16+$0x17890] =	vst v14  }
0x111: {  	v52 =	vld [tilespmem:s16+$0x178F0];
	v12 =	vmul.f32 v42, v40;
	[tilespmem:s16+$0x179D0] =	vst v32  }
0x112: {  	v10 =	vmul.f32 v46, v49;
	[tilespmem:s16+$0x179F0] =	vst v7  }
0x113: {  	v28 =	vld [tilespmem:s16+$0x179E0];
	v8 =	vmul.f32 v47, v49;
	[tilespmem:s16+$0x17860] =	vst v12  }
0x114: {  	v30 =	vld [tilespmem:s16+$0x17A00];
	v9 =	vmul.f32 v48, v49;
	[tilespmem:s16+$0x178A0] =	vst v10  }
0x115: {  	v50 =	vld [tilespmem:s16+$0x178D0];
	v5 =	vbroadcast v2, $0xF;
	v11 =	vmul.f32 v51, v49;
	[tilespmem:s16+$0x178B0] =	vst v8  }
0x116: {  	v54 =	vld [tilespmem:s16+$0x17910];
	v13 =	vmul.f32 v52, v49;
	[tilespmem:s16+$0x178C0] =	vst v9  }
0x117: {  	v55 =	vld [tilespmem:s16+$0x17920];
	v35 =	vbroadcast v2, $0xC;
	v4 =	vmul.f32 v4, v5;
	[tilespmem:s16+$0x178E0] =	vst v11  }
0x118: {  	v56 =	vld [tilespmem:s16+$0x17930];
	v40 =	vmul.f32 v28, v24;
	[tilespmem:s16+$0x178F0] =	vst v13  }
0x119: {  	v60 =	vld [tilespmem:s16+$0x17960];
	v16 =	vmul.f32 v30, v35;
	[tilespmem:s16+$0x17BD0] =	vst v4  }
0x11a: {  	v62 =	vld [tilespmem:s16+$0x17410];
	v12 =	vmul.f32 v50, v49;
	[tilespmem:s16+$0x179E0] =	vst v40  }
0x11b: {  	v63 =	vld [tilespmem:s16+$0x17440];
	v10 =	vmul.f32 v54, v6;
	[tilespmem:s16+$0x17A00] =	vst v16  }
0x11c: {  	v20 =	vld [tilespmem:s16+$0x17450];
	v8 =	vmul.f32 v55, v6;
	[tilespmem:s16+$0x178D0] =	vst v12  }
0x11d: {  	v33 =	vld [tilespmem:s16+$0x17A30];
	v9 =	vmul.f32 v56, v6;
	[tilespmem:s16+$0x17910] =	vst v10  }
0x11e: {  	v61 =	vld [tilespmem:s16+$0x17BF0];
	v6 =	vmul.f32 v60, v6;
	[tilespmem:s16+$0x17920] =	vst v8  }
0x11f: {  	v38 =	vld [tilespmem:s16+$0x17A70];
	v13 =	vmul.f32 v62, v3;
	[tilespmem:s16+$0x17930] =	vst v9  }
0x120: {  	v22 =	vld [tilespmem:s16+$0x179A0];
	v4 =	vmul.f32 v63, v3;
	[tilespmem:s16+$0x17960] =	vst v6  }
0x121: {  	v23 =	vld [tilespmem:s16+$0x179B0];
	v3 =	vmul.f32 v20, v3;
	[tilespmem:s16+$0x17410] =	vst v13  }
0x122: {  	v26 =	vld [tilespmem:s16+$0x179C0];
	v62 =	vmul.f32 v33, v35;
	[tilespmem:s16+$0x17440] =	vst v4  }
0x123: {  	v31 =	vld [tilespmem:s16+$0x17A10];
	v63 =	vmul.f32 v61, v5;
	[tilespmem:s16+$0x17450] =	vst v3  }
0x124: {  	v34 =	vld [tilespmem:s16+$0x17A40];
	v16 =	vmul.f32 v38, v35;
	[tilespmem:s16+$0x17A30] =	vst v62  }
0x125: {  	v41 =	vld [tilespmem:s16+$0x17AA0];
	v8 =	vmul.f32 v22, v24;
	[tilespmem:s16+$0x17BF0] =	vst v63  }
0x126: {  	v46 =	vld [tilespmem:s16+$0x17AE0];
	v9 =	vmul.f32 v23, v24;
	[tilespmem:s16+$0x17A70] =	vst v16  }
0x127: {  	v6 =	vmul.f32 v26, v24;
	v3 =	vld [tilespmem:s16+$0x17A90];
	[tilespmem:s16+$0x179A0] =	vst v8  }
0x128: {  	v36 =	vld [tilespmem:s16+$0x17A50];
	v44 =	vbroadcast v2, $0xD;
	v10 =	vmul.f32 v31, v35;
	[tilespmem:s16+$0x179B0] =	vst v9  }
0x129: {  	v37 =	vld [tilespmem:s16+$0x17A60];
	v13 =	vmul.f32 v34, v35;
	[tilespmem:s16+$0x179C0] =	vst v6  }
0x12a: {  	v39 =	vld [tilespmem:s16+$0x17A80];
	v12 =	vmul.f32 v41, v44;
	[tilespmem:s16+$0x17A10] =	vst v10  }
0x12b: {  	v42 =	vld [tilespmem:s16+$0x17AB0];
	v51 =	vmul.f32 v46, v44;
	[tilespmem:s16+$0x17A40] =	vst v13  }
0x12c: {  	v48 =	vld [tilespmem:s16+$0x17B10];
	[tilespmem:s16+$0x17AA0] =	vst v12;
	v3 =	vmul.f32 v3, v44  }
0x12d: {  	v49 =	vld [tilespmem:s16+$0x17B20];
	v9 =	vmul.f32 v36, v35;
	[tilespmem:s16+$0x17AE0] =	vst v51  }
0x12e: {  	v6 =	vmul.f32 v37, v35;
	[tilespmem:s16+$0x17A90] =	vst v3;
	v3 =	vld [tilespmem:s16+$0x17B00]  }
0x12f: {  	v2 =	vbroadcast v2, $0xE;
	v50 =	vld [tilespmem:s16+$0x17B30];
	v10 =	vmul.f32 v39, v44;
	[tilespmem:s16+$0x17A50] =	vst v9  }
0x130: {  	v45 =	vld [tilespmem:s16+$0x17AD0];
	v13 =	vmul.f32 v42, v44;
	[tilespmem:s16+$0x17A60] =	vst v6  }
0x131: {  	v47 =	vld [tilespmem:s16+$0x17AF0];
	v12 =	vmul.f32 v48, v2;
	[tilespmem:s16+$0x17A80] =	vst v10  }
0x132: {  	v43 =	vld [tilespmem:s16+$0x17AC0];
	v11 =	vmul.f32 v49, v2;
	[tilespmem:s16+$0x17AB0] =	vst v13  }
0x133: {  	v55 =	vld [tilespmem:s16+$0x17B80];
	[tilespmem:s16+$0x17B10] =	vst v12;
	v3 =	vmul.f32 v3, v2  }
0x134: {  	v57 =	vld [tilespmem:s16+$0x17BA0];
	v7 =	vmul.f32 v50, v2;
	[tilespmem:s16+$0x17B20] =	vst v11  }
0x135: {  	v6 =	vmul.f32 v45, v44;
	[tilespmem:s16+$0x17B00] =	vst v3;
	v3 =	vld [tilespmem:s16+$0x17B70]  }
0x136: {  	v52 =	vld [tilespmem:s16+$0x17B40];
	v10 =	vmul.f32 v47, v44;
	[tilespmem:s16+$0x17B30] =	vst v7  }
0x137: {  	v56 =	vld [tilespmem:s16+$0x17B90];
	v9 =	vmul.f32 v43, v44;
	[tilespmem:s16+$0x17AD0] =	vst v6  }
0x138: {  	v54 =	vld [tilespmem:s16+$0x17B60];
	v12 =	vmul.f32 v55, v5;
	[tilespmem:s16+$0x17AF0] =	vst v10  }
0x139: {  	v58 =	vld [tilespmem:s16+$0x17BB0];
	v7 =	vmul.f32 v57, v5;
	[tilespmem:s16+$0x17AC0] =	vst v9  }
0x13a: {  	v53 =	vld [tilespmem:s16+$0x17B50];
	[tilespmem:s16+$0x17B80] =	vst v12;
	v3 =	vmul.f32 v3, v2  }
0x13b: {  	v59 =	vld [tilespmem:s16+$0x17BC0];
	v6 =	vmul.f32 v52, v2;
	[tilespmem:s16+$0x17BA0] =	vst v7  }
0x13c: {  	v60 =	vld [tilespmem:s16+$0x17BE0];
	[tilespmem:s16+$0x17B70] =	vst v3;
	v3 =	vmul.f32 v56, v5  }
0x13d: {  	v10 =	vmul.f32 v54, v2;
	[tilespmem:s16+$0x17B40] =	vst v6  }
0x13e: {  	v4 =	vld [tilespmem:s16+$0x17A20];
	[tilespmem:s16+$0x17B90] =	vst v3;
	v3 =	vmul.f32 v58, v5  }
0x13f: {  	[tilespmem:s16+$0x17B60] =	vst v10;
	v2 =	vmul.f32 v53, v2  }
0x140: {  	[tilespmem:s16+$0x17BB0] =	vst v3;
	v3 =	vmul.f32 v59, v5  }
0x141: {  	[tilespmem:s16+$0x17B50] =	vst v2;
	v5 =	vmul.f32 v60, v5  }
0x142: {  	[tilespmem:s16+$0x17BC0] =	vst v3  }
0x143: {  	p1 =	por p3, p3;
	s17 =	simm.s32 $0x1;
	v3 =	vmul.f32 v4, v35;
	[tilespmem:s16+$0x17BE0] =	vst v5  }
.LBB2_12:
0x144: {  	s18 =	sshll.u32 s17, $0x4  }
0x145: {  	p3 =	sne.s32 s17, $0x7;
	[tilespmem:s16+$0x17A20] =	vst v3;
	s16 =	smov.u32 s17;
	s17 =	sadd.s32 $0x1, s17  }
0x146: {  	s18 =	sand.u32 $0x3FFFFFF0, s18  }
0x147: {  	v2 =	vld.idx.msk [tilespmem:v1+s18+$0x0 ss:$0x1], $0xffff  }
0x148: {  	s16 =	sshll.u32 s16, $0xB  }
0x149: {  	s16 =	sand.u32 $0x3FFFF800, s16  }
0x14a: {  	v9 =	vld [tilespmem:s16+$0x174C0]  }
0x14b: {  	v10 =	vld [tilespmem:s16+$0x174D0]  }
0x14c: {  	v11 =	vld [tilespmem:s16+$0x174B0]  }
0x14d: {  	v3 =	vbroadcast v2, $0x0;
	v8 =	vbroadcast v2, $0x4;
	v4 =	vld [tilespmem:s16+$0x17420]  }
0x14e: {  	v6 =	vld [tilespmem:s16+$0x17430]  }
0x14f: {  	v7 =	vld [tilespmem:s16+$0x17970]  }
0x150: {  	v12 =	vld [tilespmem:s16+$0x17460]  }
0x151: {  	v13 =	vld [tilespmem:s16+$0x17470]  }
0x152: {  	v5 =	vbroadcast v2, $0xA;
	v4 =	vmul.f32 v4, v3;
	v14 =	vld [tilespmem:s16+$0x17480]  }
0x153: {  	v6 =	vmul.f32 v6, v3;
	v15 =	vld [tilespmem:s16+$0x17490]  }
0x154: {  	[tilespmem:s16+$0x17420] =	vst v4;
	v16 =	vld [tilespmem:s16+$0x174A0];
	v4 =	vmul.f32 v7, v5  }
0x155: {  	[tilespmem:s16+$0x17430] =	vst v6;
	v7 =	vmul.f32 v12, v3;
	v12 =	vbroadcast v2, $0x1;
	v6 =	vld [tilespmem:s16+$0x17980]  }
0x156: {  	v13 =	vmul.f32 v13, v3;
	[tilespmem:s16+$0x17970] =	vst v4;
	v4 =	vld [tilespmem:s16+$0x17BD0]  }
0x157: {  	[tilespmem:s16+$0x17460] =	vst v7;
	v14 =	vmul.f32 v14, v12;
	v7 =	vld [tilespmem:s16+$0x17990]  }
0x158: {  	[tilespmem:s16+$0x17470] =	vst v13;
	v13 =	vmul.f32 v15, v12;
	v15 =	vld [tilespmem:s16+$0x174E0]  }
0x159: {  	[tilespmem:s16+$0x17480] =	vst v14;
	v14 =	vmul.f32 v16, v12;
	v16 =	vld [tilespmem:s16+$0x174F0]  }
0x15a: {  	v11 =	vmul.f32 v11, v12;
	[tilespmem:s16+$0x17490] =	vst v13;
	v13 =	vld [tilespmem:s16+$0x17500]  }
0x15b: {  	v9 =	vmul.f32 v9, v12;
	[tilespmem:s16+$0x174A0] =	vst v14;
	v14 =	vld [tilespmem:s16+$0x17510]  }
0x15c: {  	v10 =	vmul.f32 v10, v12;
	[tilespmem:s16+$0x174B0] =	vst v11;
	v11 =	vld [tilespmem:s16+$0x17520]  }
0x15d: {  	[tilespmem:s16+$0x174C0] =	vst v9;
	v9 =	vmul.f32 v15, v12;
	v15 =	vbroadcast v2, $0x2;
	v17 =	vld [tilespmem:s16+$0x17530]  }
0x15e: {  	[tilespmem:s16+$0x174D0] =	vst v10;
	v10 =	vmul.f32 v16, v12;
	v12 =	vld [tilespmem:s16+$0x17540]  }
0x15f: {  	[tilespmem:s16+$0x174E0] =	vst v9;
	v9 =	vmul.f32 v13, v15;
	v13 =	vld [tilespmem:s16+$0x17550]  }
0x160: {  	[tilespmem:s16+$0x174F0] =	vst v10;
	v10 =	vmul.f32 v14, v15;
	v14 =	vld [tilespmem:s16+$0x17560]  }
0x161: {  	[tilespmem:s16+$0x17500] =	vst v9;
	v9 =	vmul.f32 v11, v15;
	v11 =	vld [tilespmem:s16+$0x17570]  }
0x162: {  	[tilespmem:s16+$0x17510] =	vst v10;
	v10 =	vmul.f32 v17, v15;
	v16 =	vld [tilespmem:s16+$0x17580]  }
0x163: {  	[tilespmem:s16+$0x17520] =	vst v9;
	v9 =	vmul.f32 v12, v15;
	v12 =	vld [tilespmem:s16+$0x17590]  }
0x164: {  	[tilespmem:s16+$0x17530] =	vst v10;
	v10 =	vmul.f32 v13, v15;
	v13 =	vld [tilespmem:s16+$0x175A0]  }
0x165: {  	[tilespmem:s16+$0x17540] =	vst v9;
	v9 =	vmul.f32 v14, v15;
	v14 =	vbroadcast v2, $0x3;
	v17 =	vld [tilespmem:s16+$0x175B0]  }
0x166: {  	[tilespmem:s16+$0x17550] =	vst v10;
	v10 =	vmul.f32 v11, v15;
	v11 =	vld [tilespmem:s16+$0x175C0]  }
0x167: {  	[tilespmem:s16+$0x17560] =	vst v9;
	v9 =	vmul.f32 v16, v14;
	v15 =	vld [tilespmem:s16+$0x175D0]  }
0x168: {  	[tilespmem:s16+$0x17570] =	vst v10;
	v10 =	vmul.f32 v12, v14;
	v12 =	vld [tilespmem:s16+$0x175E0]  }
0x169: {  	[tilespmem:s16+$0x17580] =	vst v9;
	v9 =	vmul.f32 v13, v14;
	v13 =	vld [tilespmem:s16+$0x175F0]  }
0x16a: {  	[tilespmem:s16+$0x17590] =	vst v10;
	v10 =	vmul.f32 v17, v14;
	v16 =	vld [tilespmem:s16+$0x17600]  }
0x16b: {  	[tilespmem:s16+$0x175A0] =	vst v9;
	v9 =	vmul.f32 v11, v14;
	v11 =	vld [tilespmem:s16+$0x17610]  }
0x16c: {  	[tilespmem:s16+$0x175B0] =	vst v10;
	v10 =	vmul.f32 v15, v14;
	v15 =	vld [tilespmem:s16+$0x17620]  }
0x16d: {  	[tilespmem:s16+$0x175C0] =	vst v9;
	v9 =	vmul.f32 v12, v14;
	v12 =	vld [tilespmem:s16+$0x17630]  }
0x16e: {  	[tilespmem:s16+$0x175D0] =	vst v10;
	v10 =	vmul.f32 v13, v14;
	v13 =	vld [tilespmem:s16+$0x17640]  }
0x16f: {  	[tilespmem:s16+$0x175E0] =	vst v9;
	v9 =	vmul.f32 v16, v8;
	v14 =	vld [tilespmem:s16+$0x17650]  }
0x170: {  	[tilespmem:s16+$0x175F0] =	vst v10;
	v10 =	vmul.f32 v11, v8;
	v11 =	vld [tilespmem:s16+$0x17660]  }
0x171: {  	[tilespmem:s16+$0x17600] =	vst v9;
	v9 =	vmul.f32 v15, v8;
	v15 =	vld [tilespmem:s16+$0x17670]  }
0x172: {  	[tilespmem:s16+$0x17610] =	vst v10;
	v10 =	vmul.f32 v12, v8;
	v12 =	vld [tilespmem:s16+$0x17680]  }
0x173: {  	[tilespmem:s16+$0x17620] =	vst v9;
	v9 =	vmul.f32 v13, v8;
	v13 =	vld [tilespmem:s16+$0x17690]  }
0x174: {  	[tilespmem:s16+$0x17630] =	vst v10;
	v10 =	vmul.f32 v14, v8;
	v14 =	vld [tilespmem:s16+$0x176A0]  }
0x175: {  	[tilespmem:s16+$0x17640] =	vst v9;
	v9 =	vmul.f32 v11, v8;
	v11 =	vbroadcast v2, $0x5;
	v16 =	vld [tilespmem:s16+$0x176B0]  }
0x176: {  	[tilespmem:s16+$0x17650] =	vst v10;
	v8 =	vmul.f32 v15, v8;
	v10 =	vld [tilespmem:s16+$0x176C0]  }
0x177: {  	[tilespmem:s16+$0x17660] =	vst v9;
	v9 =	vmul.f32 v12, v11;
	v12 =	vld [tilespmem:s16+$0x176D0]  }
0x178: {  	[tilespmem:s16+$0x17670] =	vst v8;
	v8 =	vmul.f32 v13, v11;
	v13 =	vld [tilespmem:s16+$0x176E0]  }
0x179: {  	[tilespmem:s16+$0x17680] =	vst v9;
	v9 =	vmul.f32 v14, v11;
	v14 =	vld [tilespmem:s16+$0x176F0]  }
0x17a: {  	[tilespmem:s16+$0x17690] =	vst v8;
	v8 =	vmul.f32 v16, v11;
	v15 =	vld [tilespmem:s16+$0x17700]  }
0x17b: {  	[tilespmem:s16+$0x176A0] =	vst v9;
	v9 =	vmul.f32 v10, v11;
	v10 =	vld [tilespmem:s16+$0x17710]  }
0x17c: {  	[tilespmem:s16+$0x176B0] =	vst v8;
	v8 =	vmul.f32 v12, v11;
	v12 =	vld [tilespmem:s16+$0x17720]  }
0x17d: {  	[tilespmem:s16+$0x176C0] =	vst v9;
	v9 =	vmul.f32 v13, v11;
	v13 =	vbroadcast v2, $0x6;
	v16 =	vld [tilespmem:s16+$0x17730]  }
0x17e: {  	[tilespmem:s16+$0x176D0] =	vst v8;
	v8 =	vmul.f32 v14, v11;
	v11 =	vld [tilespmem:s16+$0x17740]  }
0x17f: {  	[tilespmem:s16+$0x176E0] =	vst v9;
	v9 =	vmul.f32 v15, v13;
	v14 =	vld [tilespmem:s16+$0x17750]  }
0x180: {  	[tilespmem:s16+$0x176F0] =	vst v8;
	v8 =	vmul.f32 v10, v13;
	v10 =	vld [tilespmem:s16+$0x17760]  }
0x181: {  	[tilespmem:s16+$0x17700] =	vst v9;
	v9 =	vmul.f32 v12, v13;
	v12 =	vld [tilespmem:s16+$0x17770]  }
0x182: {  	[tilespmem:s16+$0x17710] =	vst v8;
	v8 =	vmul.f32 v16, v13;
	v15 =	vld [tilespmem:s16+$0x17780]  }
0x183: {  	[tilespmem:s16+$0x17720] =	vst v9;
	v9 =	vmul.f32 v11, v13;
	v11 =	vld [tilespmem:s16+$0x17790]  }
0x184: {  	[tilespmem:s16+$0x17730] =	vst v8;
	v8 =	vmul.f32 v14, v13;
	v14 =	vld [tilespmem:s16+$0x177A0]  }
0x185: {  	[tilespmem:s16+$0x17740] =	vst v9;
	v9 =	vmul.f32 v10, v13;
	v10 =	vbroadcast v2, $0x7;
	v16 =	vld [tilespmem:s16+$0x177B0]  }
0x186: {  	[tilespmem:s16+$0x17750] =	vst v8;
	v8 =	vmul.f32 v12, v13;
	v12 =	vld [tilespmem:s16+$0x177C0]  }
0x187: {  	[tilespmem:s16+$0x17760] =	vst v9;
	v9 =	vmul.f32 v15, v10;
	v13 =	vld [tilespmem:s16+$0x177D0]  }
0x188: {  	[tilespmem:s16+$0x17770] =	vst v8;
	v8 =	vmul.f32 v11, v10;
	v11 =	vld [tilespmem:s16+$0x177E0]  }
0x189: {  	[tilespmem:s16+$0x17780] =	vst v9;
	v9 =	vmul.f32 v14, v10;
	v14 =	vld [tilespmem:s16+$0x177F0]  }
0x18a: {  	[tilespmem:s16+$0x17790] =	vst v8;
	v8 =	vmul.f32 v16, v10;
	v15 =	vld [tilespmem:s16+$0x17800]  }
0x18b: {  	[tilespmem:s16+$0x177A0] =	vst v9;
	v9 =	vmul.f32 v12, v10;
	v12 =	vld [tilespmem:s16+$0x17810]  }
0x18c: {  	[tilespmem:s16+$0x177B0] =	vst v8;
	v8 =	vmul.f32 v13, v10;
	v13 =	vld [tilespmem:s16+$0x17820]  }
0x18d: {  	[tilespmem:s16+$0x177C0] =	vst v9;
	v9 =	vmul.f32 v11, v10;
	v11 =	vbroadcast v2, $0x8;
	v16 =	vld [tilespmem:s16+$0x17830]  }
0x18e: {  	[tilespmem:s16+$0x177D0] =	vst v8;
	v8 =	vmul.f32 v14, v10;
	v10 =	vld [tilespmem:s16+$0x17840]  }
0x18f: {  	[tilespmem:s16+$0x177E0] =	vst v9;
	v9 =	vmul.f32 v15, v11;
	v14 =	vld [tilespmem:s16+$0x17850]  }
0x190: {  	[tilespmem:s16+$0x177F0] =	vst v8;
	v8 =	vmul.f32 v12, v11;
	v12 =	vld [tilespmem:s16+$0x17860]  }
0x191: {  	[tilespmem:s16+$0x17800] =	vst v9;
	v9 =	vmul.f32 v13, v11;
	v13 =	vld [tilespmem:s16+$0x17870]  }
0x192: {  	[tilespmem:s16+$0x17810] =	vst v8;
	v8 =	vmul.f32 v16, v11;
	v15 =	vld [tilespmem:s16+$0x17880]  }
0x193: {  	[tilespmem:s16+$0x17820] =	vst v9;
	v9 =	vmul.f32 v10, v11;
	v10 =	vld [tilespmem:s16+$0x17890]  }
0x194: {  	[tilespmem:s16+$0x17830] =	vst v8;
	v8 =	vmul.f32 v14, v11;
	v14 =	vld [tilespmem:s16+$0x178A0]  }
0x195: {  	[tilespmem:s16+$0x17840] =	vst v9;
	v9 =	vmul.f32 v12, v11;
	v12 =	vbroadcast v2, $0x9;
	v16 =	vld [tilespmem:s16+$0x178B0]  }
0x196: {  	[tilespmem:s16+$0x17850] =	vst v8;
	v8 =	vmul.f32 v13, v11;
	v11 =	vld [tilespmem:s16+$0x178C0]  }
0x197: {  	[tilespmem:s16+$0x17860] =	vst v9;
	v9 =	vmul.f32 v15, v12;
	v13 =	vld [tilespmem:s16+$0x178D0]  }
0x198: {  	[tilespmem:s16+$0x17870] =	vst v8;
	v8 =	vmul.f32 v10, v12;
	v10 =	vld [tilespmem:s16+$0x178E0]  }
0x199: {  	[tilespmem:s16+$0x17880] =	vst v9;
	v9 =	vmul.f32 v14, v12;
	v14 =	vld [tilespmem:s16+$0x178F0]  }
0x19a: {  	[tilespmem:s16+$0x17890] =	vst v8;
	v8 =	vmul.f32 v16, v12;
	v15 =	vld [tilespmem:s16+$0x17900]  }
0x19b: {  	[tilespmem:s16+$0x178A0] =	vst v9;
	v9 =	vmul.f32 v11, v12;
	v11 =	vld [tilespmem:s16+$0x17910]  }
0x19c: {  	[tilespmem:s16+$0x178B0] =	vst v8;
	v8 =	vmul.f32 v13, v12;
	v13 =	vld [tilespmem:s16+$0x17920]  }
0x19d: {  	[tilespmem:s16+$0x178C0] =	vst v9;
	v9 =	vmul.f32 v10, v12;
	v10 =	vld [tilespmem:s16+$0x17930]  }
0x19e: {  	[tilespmem:s16+$0x178D0] =	vst v8;
	v8 =	vmul.f32 v14, v12;
	v12 =	vld [tilespmem:s16+$0x17940]  }
0x19f: {  	[tilespmem:s16+$0x178E0] =	vst v9;
	v9 =	vmul.f32 v15, v5;
	v14 =	vld [tilespmem:s16+$0x17950]  }
0x1a0: {  	[tilespmem:s16+$0x178F0] =	vst v8;
	v8 =	vmul.f32 v11, v5;
	v11 =	vld [tilespmem:s16+$0x17960]  }
0x1a1: {  	v15 =	vld [tilespmem:s16+$0x17400];
	[tilespmem:s16+$0x17900] =	vst v9;
	v9 =	vmul.f32 v13, v5  }
0x1a2: {  	v13 =	vld [tilespmem:s16+$0x17410];
	[tilespmem:s16+$0x17910] =	vst v8;
	v8 =	vmul.f32 v10, v5  }
0x1a3: {  	v10 =	vld [tilespmem:s16+$0x17440];
	[tilespmem:s16+$0x17920] =	vst v9;
	v9 =	vmul.f32 v12, v5  }
0x1a4: {  	v12 =	vld [tilespmem:s16+$0x17450];
	[tilespmem:s16+$0x17930] =	vst v8;
	v8 =	vmul.f32 v14, v5  }
0x1a5: {  	[tilespmem:s16+$0x17940] =	vst v9;
	v9 =	vmul.f32 v11, v5;
	v11 =	vbroadcast v2, $0xB;
	v14 =	vld [tilespmem:s16+$0x179A0]  }
0x1a6: {  	v5 =	vbroadcast v2, $0xF;
	v15 =	vmul.f32 v3, v15;
	[tilespmem:s16+$0x17950] =	vst v8;
	v8 =	vld [tilespmem:s16+$0x179B0]  }
0x1a7: {  	v13 =	vmul.f32 v13, v3;
	[tilespmem:s16+$0x17960] =	vst v9;
	v6 =	vmul.f32 v6, v11;
	v9 =	vld [tilespmem:s16+$0x179C0]  }
0x1a8: {  	v7 =	vmul.f32 v7, v11;
	[tilespmem:s16+$0x17400] =	vst v15;
	v10 =	vmul.f32 v10, v3;
	v15 =	vld [tilespmem:s16+$0x179D0]  }
0x1a9: {  	v4 =	vmul.f32 v4, v5;
	v12 =	vmul.f32 v12, v3;
	[tilespmem:s16+$0x17980] =	vst v6;
	v3 =	vld [tilespmem:s16+$0x179E0]  }
0x1aa: {  	[tilespmem:s16+$0x17990] =	vst v7;
	v6 =	vmul.f32 v14, v11;
	v7 =	vld [tilespmem:s16+$0x179F0]  }
0x1ab: {  	v8 =	vmul.f32 v8, v11;
	v14 =	vld [tilespmem:s16+$0x17A00];
	[tilespmem:s16+$0x17BD0] =	vst v4  }
0x1ac: {  	[tilespmem:s16+$0x17410] =	vst v13;
	v4 =	vmul.f32 v9, v11;
	v9 =	vld [tilespmem:s16+$0x17A10]  }
0x1ad: {  	[tilespmem:s16+$0x17440] =	vst v10;
	v10 =	vmul.f32 v15, v11;
	v13 =	vld [tilespmem:s16+$0x17A20]  }
0x1ae: {  	v15 =	vbroadcast v2, $0xC;
	[tilespmem:s16+$0x179A0] =	vst v6;
	v6 =	vmul.f32 v3, v11;
	v16 =	vld [tilespmem:s16+$0x17A30]  }
0x1af: {  	[tilespmem:s16+$0x179D0] =	vst v10;
	v7 =	vmul.f32 v7, v11;
	v10 =	vld [tilespmem:s16+$0x17A40]  }
0x1b0: {  	[tilespmem:s16+$0x179B0] =	vst v8;
	v3 =	vmul.f32 v14, v15;
	v8 =	vld [tilespmem:s16+$0x17A50]  }
0x1b1: {  	[tilespmem:s16+$0x179C0] =	vst v4;
	v4 =	vmul.f32 v9, v15;
	v9 =	vld [tilespmem:s16+$0x17A60]  }
0x1b2: {  	[tilespmem:s16+$0x17A00] =	vst v3;
	v3 =	vmul.f32 v13, v15;
	v11 =	vld [tilespmem:s16+$0x17A70]  }
0x1b3: {  	[tilespmem:s16+$0x17A10] =	vst v4;
	v4 =	vld [tilespmem:s16+$0x17A80]  }
0x1b4: {  	[tilespmem:s16+$0x17450] =	vst v12;
	v10 =	vmul.f32 v10, v15;
	v12 =	vld [tilespmem:s16+$0x17A90]  }
0x1b5: {  	[tilespmem:s16+$0x179E0] =	vst v6;
	v6 =	vmul.f32 v8, v15;
	v8 =	vld [tilespmem:s16+$0x17AA0]  }
0x1b6: {  	[tilespmem:s16+$0x17A40] =	vst v10;
	v9 =	vmul.f32 v9, v15;
	v10 =	vbroadcast v2, $0xD;
	v13 =	vld [tilespmem:s16+$0x17AB0]  }
0x1b7: {  	[tilespmem:s16+$0x17A50] =	vst v6;
	v6 =	vmul.f32 v11, v15;
	v11 =	vld [tilespmem:s16+$0x17AC0]  }
0x1b8: {  	[tilespmem:s16+$0x17A60] =	vst v9;
	v4 =	vmul.f32 v4, v10;
	v9 =	vld [tilespmem:s16+$0x17AD0]  }
0x1b9: {  	[tilespmem:s16+$0x17A70] =	vst v6;
	v6 =	vmul.f32 v12, v10;
	v12 =	vld [tilespmem:s16+$0x17AE0]  }
0x1ba: {  	[tilespmem:s16+$0x17A80] =	vst v4;
	v4 =	vmul.f32 v8, v10;
	v8 =	vld [tilespmem:s16+$0x17AF0]  }
0x1bb: {  	[tilespmem:s16+$0x17A90] =	vst v6;
	v6 =	vmul.f32 v13, v10;
	v13 =	vld [tilespmem:s16+$0x17B00]  }
0x1bc: {  	[tilespmem:s16+$0x17AA0] =	vst v4;
	v4 =	vmul.f32 v11, v10;
	v11 =	vld [tilespmem:s16+$0x17B10]  }
0x1bd: {  	[tilespmem:s16+$0x17AB0] =	vst v6;
	v6 =	vmul.f32 v9, v10;
	v9 =	vld [tilespmem:s16+$0x17B20]  }
0x1be: {  	v2 =	vbroadcast v2, $0xE;
	[tilespmem:s16+$0x179F0] =	vst v7;
	v7 =	vmul.f32 v12, v10;
	v12 =	vld [tilespmem:s16+$0x17B30]  }
0x1bf: {  	[tilespmem:s16+$0x17AD0] =	vst v6;
	v6 =	vmul.f32 v8, v10;
	v8 =	vld [tilespmem:s16+$0x17B40]  }
0x1c0: {  	[tilespmem:s16+$0x17AE0] =	vst v7;
	v7 =	vmul.f32 v13, v2;
	v10 =	vld [tilespmem:s16+$0x17B50]  }
0x1c1: {  	[tilespmem:s16+$0x17AF0] =	vst v6;
	v6 =	vmul.f32 v11, v2;
	v11 =	vld [tilespmem:s16+$0x17B60]  }
0x1c2: {  	[tilespmem:s16+$0x17B00] =	vst v7;
	v7 =	vmul.f32 v9, v2;
	v9 =	vld [tilespmem:s16+$0x17B70]  }
0x1c3: {  	[tilespmem:s16+$0x17B10] =	vst v6;
	v6 =	vmul.f32 v12, v2;
	v12 =	vld [tilespmem:s16+$0x17B80]  }
0x1c4: {  	[tilespmem:s16+$0x17B20] =	vst v7;
	v7 =	vmul.f32 v8, v2;
	v8 =	vld [tilespmem:s16+$0x17B90]  }
0x1c5: {  	[tilespmem:s16+$0x17B30] =	vst v6;
	v6 =	vmul.f32 v10, v2;
	v10 =	vld [tilespmem:s16+$0x17BA0]  }
0x1c6: {  	[tilespmem:s16+$0x17B40] =	vst v7;
	v7 =	vmul.f32 v11, v2;
	v11 =	vld [tilespmem:s16+$0x17BB0]  }
0x1c7: {  	[tilespmem:s16+$0x17AC0] =	vst v4;
	v2 =	vmul.f32 v9, v2;
	v4 =	vld [tilespmem:s16+$0x17BC0]  }
0x1c8: {  	[tilespmem:s16+$0x17B60] =	vst v7;
	v7 =	vmul.f32 v12, v5;
	v9 =	vld [tilespmem:s16+$0x17BE0]  }
0x1c9: {  	[tilespmem:s16+$0x17B70] =	vst v2;
	v2 =	vmul.f32 v8, v5;
	v8 =	vld [tilespmem:s16+$0x17BF0]  }
0x1ca: {  	[tilespmem:s16+$0x17B80] =	vst v7;
	v7 =	vmul.f32 v10, v5  }
0x1cb: {  	[tilespmem:s16+$0x17B90] =	vst v2;
	v2 =	vmul.f32 v11, v5  }
0x1cc: {  	v10 =	vmul.f32 v16, v15;
	[tilespmem:s16+$0x17BA0] =	vst v7  }
0x1cd: {  	[tilespmem:s16+$0x17BB0] =	vst v2;
	v2 =	vmul.f32 v4, v5  }
.Ltmp4:
0x1ce: {  	[tilespmem:s16+$0x17A30] =	vst v10;
	v4 =	vmul.f32 v8, v5;
	(pc) =	sbr.rel @p3 .LBB2_12-.Ltmp4, $4  }
0x1cf: {  	[tilespmem:s16+$0x17BC0] =	vst v2  }
0x1d0: {  	v2 =	vmul.f32 v9, v5;
	[tilespmem:s16+$0x17BF0] =	vst v4  }
0x1d1: {  	[tilespmem:s16+$0x17B50] =	vst v6  }
0x1d2: {  	[tilespmem:s16+$0x17BE0] =	vst v2  }
.Ltmp5:
0x1d3: {  	(pc) =	sbr.rel @!p2 .LBB2_16-.Ltmp5, $4  }
0x1d4: {  	_ = 	snop  }
0x1d5: {  	[tilespmem:s16+$0x17A20] =	vst v3;
	s15 =	sadd.s32 s15, s10  }
0x1d6: {  	[spmem:s3] =	stream.indirect.scatter.add.f32 [tilespmem:s22], [sflag:$0x3], $0x80, s15, s28, $0xb8;
	[tilespmem:$0x1F400] =	vst v63  }
0x1d7: {  	s15 =	smov.u32 s11  }
.Ltmp6:
0x1d8: {  	(pc) =	sbr.rel @!p0 .LBB2_17-.Ltmp6, $1  }
0x1d9: {  	_ =	sdelay $0x3  }
0x1da: {  	_ =	swait.ge [sflag:s26], $0x200  }
0x1db: {  	[sflag:s26] =	ssyncset.done $0x0  }
0x1dc: {  	[sflag:s26] =	ssyncadd.s32 $0xFFFFFE00  }
0x1dd: {  	_ =	swait.ge [sflag:s26], $0x200  }
0x1de: {  	[sflag:s26] =	ssyncset.done $0x0  }
0x1df: {  	[sflag:s26] =	ssyncadd.s32 $0xFFFFFE00  }
0x1e0: {  	_ =	swait.ge [sflag:s26], $0x200  }
0x1e1: {  	[sflag:s26] =	ssyncset.done $0x0  }
0x1e2: {  	s15 =	smov.u32 s13;
	[sflag:s26] =	ssyncadd.s32 $0xFFFFFE00  }
.LBB2_16:
0x1e3: {  	_ =	swait.ge [sflag:s31], $0x4000  }
0x1e4: {  	[sflag:s31] =	ssyncset.done $0x0  }
0x1e5: {  	[sflag:s31] =	ssyncadd.s32 $0xFFFFC000  }
0x1e6: {  	[tilespmem:s22], [sflag:$0x1] =	stream.indirect.gather [hbm4b:s7+s28], $0x80, s15, s28, $0xb8;
	[tilespmem:$0x1F400] =	vst v63  }
.LBB2_17:
0x1e7: {  	s15 =	sadd.s32 $0x17000, s14  }
0x1e8: {  	v1 =	vmov s15;
	_ =	sdelay $0x1  }
0x1e9: {  	_ =	swait.ge [sflag:s0], $0x4000  }
0x1ea: {  	s18 =	simm.s32 $0x0;
	[sflag:s0] =	ssyncset.done $0x0  }
0x1eb: {  	s16 =	simm.s32 $0x0;
	s15 =	sand.u32 $0x3FFFFFF0, s18;
	[sflag:s0] =	ssyncadd.s32 $0xFFFFC000  }
0x1ec: {  	v2 =	vld.idx.msk [tilespmem:v1+s15+$0x0 ss:$0x1], $0xffff;
	s15 =	sand.u32 $0x3FFFF800, s16  }
0x1ed: {  	v8 =	vld [tilespmem:s15+$0x1B4C0]  }
0x1ee: {  	v4 =	vld [tilespmem:s15+$0x1B420]  }
0x1ef: {  	v5 =	vld [tilespmem:s15+$0x1B430]  }
0x1f0: {  	v11 =	vld [tilespmem:s15+$0x1B460]  }
0x1f1: {  	v12 =	vld [tilespmem:s15+$0x1B470];
	v3 =	vbroadcast v2, $0x0  }
0x1f2: {  	v13 =	vld [tilespmem:s15+$0x1B480]  }
0x1f3: {  	v14 =	vld [tilespmem:s15+$0x1B490];
	v4 =	vmul.f32 v4, v3  }
0x1f4: {  	v15 =	vld [tilespmem:s15+$0x1B4A0];
	v5 =	vmul.f32 v5, v3  }
0x1f5: {  	v10 =	vld [tilespmem:s15+$0x1B4B0];
	v21 =	vbroadcast v2, $0x1;
	v20 =	vmul.f32 v11, v3;
	[tilespmem:s15+$0x1B420] =	vst v4  }
0x1f6: {  	v9 =	vld [tilespmem:s15+$0x1B4D0];
	v12 =	vmul.f32 v12, v3;
	[tilespmem:s15+$0x1B430] =	vst v5  }
0x1f7: {  	v7 =	vld [tilespmem:s15+$0x1B970];
	v13 =	vmul.f32 v13, v21;
	[tilespmem:s15+$0x1B460] =	vst v20  }
0x1f8: {  	v23 =	vld [tilespmem:s15+$0x1B4F0];
	v14 =	vmul.f32 v14, v21;
	[tilespmem:s15+$0x1B470] =	vst v12  }
0x1f9: {  	v24 =	vld [tilespmem:s15+$0x1B500];
	v15 =	vmul.f32 v15, v21;
	[tilespmem:s15+$0x1B480] =	vst v13  }
0x1fa: {  	v25 =	vld [tilespmem:s15+$0x1B510];
	v10 =	vmul.f32 v10, v21;
	[tilespmem:s15+$0x1B490] =	vst v14  }
0x1fb: {  	v22 =	vld [tilespmem:s15+$0x1B4E0];
	v8 =	vmul.f32 v8, v21;
	[tilespmem:s15+$0x1B4A0] =	vst v15  }
0x1fc: {  	v26 =	vld [tilespmem:s15+$0x1B520];
	v16 =	vbroadcast v2, $0x2;
	v9 =	vmul.f32 v9, v21;
	[tilespmem:s15+$0x1B4B0] =	vst v10  }
0x1fd: {  	v27 =	vld [tilespmem:s15+$0x1B530];
	v11 =	vmul.f32 v23, v21;
	[tilespmem:s15+$0x1B4C0] =	vst v8  }
0x1fe: {  	v28 =	vld [tilespmem:s15+$0x1B540];
	v6 =	vbroadcast v2, $0xA;
	v30 =	vmul.f32 v24, v16;
	[tilespmem:s15+$0x1B4D0] =	vst v9  }
0x1ff: {  	v29 =	vld [tilespmem:s15+$0x1B550];
	v32 =	vmul.f32 v25, v16;
	[tilespmem:s15+$0x1B4F0] =	vst v11  }
0x200: {  	v31 =	vld [tilespmem:s15+$0x1B560];
	v4 =	vmul.f32 v7, v6;
	[tilespmem:s15+$0x1B500] =	vst v30  }
0x201: {  	v33 =	vld [tilespmem:s15+$0x1B570];
	v12 =	vmul.f32 v22, v21;
	[tilespmem:s15+$0x1B510] =	vst v32  }
0x202: {  	v34 =	vld [tilespmem:s15+$0x1B580];
	v10 =	vmul.f32 v26, v16;
	[tilespmem:s15+$0x1B970] =	vst v4  }
0x203: {  	v35 =	vld [tilespmem:s15+$0x1B590];
	v8 =	vmul.f32 v27, v16;
	[tilespmem:s15+$0x1B4E0] =	vst v12  }
0x204: {  	v36 =	vld [tilespmem:s15+$0x1B5A0];
	v9 =	vmul.f32 v28, v16;
	[tilespmem:s15+$0x1B520] =	vst v10  }
0x205: {  	v37 =	vld [tilespmem:s15+$0x1B5B0];
	v39 =	vbroadcast v2, $0x3;
	v11 =	vmul.f32 v31, v16;
	[tilespmem:s15+$0x1B530] =	vst v8  }
0x206: {  	v38 =	vld [tilespmem:s15+$0x1B5C0];
	v13 =	vmul.f32 v33, v16;
	[tilespmem:s15+$0x1B540] =	vst v9  }
0x207: {  	v40 =	vld [tilespmem:s15+$0x1B5D0];
	v14 =	vmul.f32 v34, v39;
	[tilespmem:s15+$0x1B560] =	vst v11  }
0x208: {  	v41 =	vld [tilespmem:s15+$0x1B5E0];
	v12 =	vmul.f32 v29, v16;
	[tilespmem:s15+$0x1B570] =	vst v13  }
0x209: {  	v42 =	vld [tilespmem:s15+$0x1B5F0];
	v10 =	vmul.f32 v35, v39;
	[tilespmem:s15+$0x1B580] =	vst v14  }
0x20a: {  	v43 =	vld [tilespmem:s15+$0x1B600];
	v8 =	vmul.f32 v36, v39;
	[tilespmem:s15+$0x1B550] =	vst v12  }
0x20b: {  	v44 =	vld [tilespmem:s15+$0x1B610];
	v9 =	vmul.f32 v37, v39;
	[tilespmem:s15+$0x1B590] =	vst v10  }
0x20c: {  	v45 =	vld [tilespmem:s15+$0x1B620];
	v11 =	vmul.f32 v40, v39;
	[tilespmem:s15+$0x1B5A0] =	vst v8  }
0x20d: {  	v46 =	vld [tilespmem:s15+$0x1B630];
	v13 =	vmul.f32 v41, v39;
	[tilespmem:s15+$0x1B5B0] =	vst v9  }
0x20e: {  	v47 =	vld [tilespmem:s15+$0x1B640];
	v48 =	vbroadcast v2, $0x4;
	v14 =	vmul.f32 v42, v39;
	[tilespmem:s15+$0x1B5D0] =	vst v11  }
0x20f: {  	v49 =	vld [tilespmem:s15+$0x1B650];
	v12 =	vmul.f32 v38, v39;
	[tilespmem:s15+$0x1B5E0] =	vst v13  }
0x210: {  	v50 =	vld [tilespmem:s15+$0x1B660];
	v10 =	vmul.f32 v43, v48;
	[tilespmem:s15+$0x1B5F0] =	vst v14  }
0x211: {  	v51 =	vld [tilespmem:s15+$0x1B670];
	v8 =	vmul.f32 v44, v48;
	[tilespmem:s15+$0x1B5C0] =	vst v12  }
0x212: {  	v52 =	vld [tilespmem:s15+$0x1B680];
	v9 =	vmul.f32 v45, v48;
	[tilespmem:s15+$0x1B600] =	vst v10  }
0x213: {  	v53 =	vld [tilespmem:s15+$0x1B690];
	v11 =	vmul.f32 v47, v48;
	[tilespmem:s15+$0x1B610] =	vst v8  }
0x214: {  	v54 =	vld [tilespmem:s15+$0x1B6A0];
	v13 =	vmul.f32 v49, v48;
	[tilespmem:s15+$0x1B620] =	vst v9  }
0x215: {  	v55 =	vld [tilespmem:s15+$0x1B6B0];
	v14 =	vmul.f32 v50, v48;
	[tilespmem:s15+$0x1B640] =	vst v11  }
0x216: {  	v56 =	vld [tilespmem:s15+$0x1B6C0];
	v57 =	vbroadcast v2, $0x5;
	v12 =	vmul.f32 v46, v48;
	[tilespmem:s15+$0x1B650] =	vst v13  }
0x217: {  	v58 =	vld [tilespmem:s15+$0x1B6D0];
	v10 =	vmul.f32 v51, v48;
	[tilespmem:s15+$0x1B660] =	vst v14  }
0x218: {  	v59 =	vld [tilespmem:s15+$0x1B6E0];
	v8 =	vmul.f32 v52, v57;
	[tilespmem:s15+$0x1B630] =	vst v12  }
0x219: {  	v60 =	vld [tilespmem:s15+$0x1B6F0];
	v9 =	vmul.f32 v53, v57;
	[tilespmem:s15+$0x1B670] =	vst v10  }
0x21a: {  	v61 =	vld [tilespmem:s15+$0x1B700];
	v11 =	vmul.f32 v55, v57;
	[tilespmem:s15+$0x1B680] =	vst v8  }
0x21b: {  	v62 =	vld [tilespmem:s15+$0x1B710];
	v13 =	vmul.f32 v56, v57;
	[tilespmem:s15+$0x1B690] =	vst v9  }
0x21c: {  	v63 =	vld [tilespmem:s15+$0x1B720];
	v14 =	vmul.f32 v58, v57;
	[tilespmem:s15+$0x1B6B0] =	vst v11  }
0x21d: {  	v20 =	vld [tilespmem:s15+$0x1B730];
	v12 =	vmul.f32 v54, v57;
	[tilespmem:s15+$0x1B6C0] =	vst v13  }
0x21e: {  	v21 =	vld [tilespmem:s15+$0x1B740];
	v22 =	vbroadcast v2, $0x6;
	v10 =	vmul.f32 v59, v57;
	[tilespmem:s15+$0x1B6D0] =	vst v14  }
0x21f: {  	v23 =	vld [tilespmem:s15+$0x1B750];
	v8 =	vmul.f32 v60, v57;
	[tilespmem:s15+$0x1B6A0] =	vst v12  }
0x220: {  	v24 =	vld [tilespmem:s15+$0x1B760];
	v9 =	vmul.f32 v61, v22;
	[tilespmem:s15+$0x1B6E0] =	vst v10  }
0x221: {  	v25 =	vld [tilespmem:s15+$0x1B770];
	v11 =	vmul.f32 v63, v22;
	[tilespmem:s15+$0x1B6F0] =	vst v8  }
0x222: {  	v5 =	vld [tilespmem:s15+$0x1B980];
	v13 =	vmul.f32 v20, v22;
	[tilespmem:s15+$0x1B700] =	vst v9  }
0x223: {  	v27 =	vld [tilespmem:s15+$0x1B790];
	v14 =	vmul.f32 v21, v22;
	[tilespmem:s15+$0x1B720] =	vst v11  }
0x224: {  	v28 =	vld [tilespmem:s15+$0x1B7A0];
	v12 =	vmul.f32 v62, v22;
	[tilespmem:s15+$0x1B730] =	vst v13  }
0x225: {  	v29 =	vld [tilespmem:s15+$0x1B7B0];
	v10 =	vmul.f32 v23, v22;
	[tilespmem:s15+$0x1B740] =	vst v14  }
0x226: {  	v31 =	vbroadcast v2, $0x7;
	v53 =	vld [tilespmem:s15+$0x1B900];
	v8 =	vmul.f32 v24, v22;
	[tilespmem:s15+$0x1B710] =	vst v12  }
0x227: {  	v58 =	vld [tilespmem:s15+$0x1B950];
	v9 =	vmul.f32 v25, v22;
	[tilespmem:s15+$0x1B750] =	vst v10  }
0x228: {  	v26 =	vld [tilespmem:s15+$0x1B780];
	v11 =	vmul.f32 v27, v31;
	[tilespmem:s15+$0x1B760] =	vst v8  }
0x229: {  	v30 =	vld [tilespmem:s15+$0x1B7C0];
	v13 =	vmul.f32 v28, v31;
	[tilespmem:s15+$0x1B770] =	vst v9  }
0x22a: {  	v32 =	vld [tilespmem:s15+$0x1B7D0];
	v14 =	vmul.f32 v29, v31;
	[tilespmem:s15+$0x1B790] =	vst v11  }
0x22b: {  	v33 =	vld [tilespmem:s15+$0x1B7E0];
	v59 =	vmul.f32 v53, v6;
	[tilespmem:s15+$0x1B7A0] =	vst v13  }
0x22c: {  	v35 =	vld [tilespmem:s15+$0x1B800];
	v21 =	vmul.f32 v58, v6;
	[tilespmem:s15+$0x1B7B0] =	vst v14  }
0x22d: {  	v36 =	vld [tilespmem:s15+$0x1B810];
	v12 =	vmul.f32 v26, v31;
	[tilespmem:s15+$0x1B900] =	vst v59  }
0x22e: {  	v37 =	vld [tilespmem:s15+$0x1B820];
	v10 =	vmul.f32 v30, v31;
	[tilespmem:s15+$0x1B950] =	vst v21  }
0x22f: {  	v7 =	vld [tilespmem:s15+$0x1B990];
	v40 =	vbroadcast v2, $0x8;
	v8 =	vmul.f32 v32, v31;
	[tilespmem:s15+$0x1B780] =	vst v12  }
0x230: {  	v34 =	vld [tilespmem:s15+$0x1B7F0];
	v9 =	vmul.f32 v33, v31;
	[tilespmem:s15+$0x1B7C0] =	vst v10  }
0x231: {  	v57 =	vld [tilespmem:s15+$0x1B940];
	v11 =	vmul.f32 v35, v40;
	[tilespmem:s15+$0x1B7D0] =	vst v8  }
0x232: {  	v61 =	vld [tilespmem:s15+$0x1B400];
	v24 =	vbroadcast v2, $0xB;
	v13 =	vmul.f32 v36, v40;
	[tilespmem:s15+$0x1B7E0] =	vst v9  }
0x233: {  	v4 =	vld [tilespmem:s15+$0x1BBD0];
	v14 =	vmul.f32 v37, v40;
	[tilespmem:s15+$0x1B800] =	vst v11  }
0x234: {  	v38 =	vld [tilespmem:s15+$0x1B830];
	v5 =	vmul.f32 v5, v24;
	[tilespmem:s15+$0x1B810] =	vst v13  }
0x235: {  	v39 =	vld [tilespmem:s15+$0x1B840];
	v7 =	vmul.f32 v7, v24;
	[tilespmem:s15+$0x1B820] =	vst v14  }
0x236: {  	v41 =	vld [tilespmem:s15+$0x1B850];
	v19 =	vmul.f32 v57, v6;
	[tilespmem:s15+$0x1B980] =	vst v5  }
0x237: {  	v43 =	vld [tilespmem:s15+$0x1B870];
	v25 =	vmul.f32 v3, v61;
	[tilespmem:s15+$0x1B990] =	vst v7  }
0x238: {  	v44 =	vld [tilespmem:s15+$0x1B880];
	v12 =	vmul.f32 v34, v31;
	[tilespmem:s15+$0x1B940] =	vst v19  }
0x239: {  	v45 =	vld [tilespmem:s15+$0x1B890];
	v10 =	vmul.f32 v38, v40;
	[tilespmem:s15+$0x1B400] =	vst v25  }
0x23a: {  	v27 =	vld [tilespmem:s15+$0x1B9D0];
	v8 =	vmul.f32 v39, v40;
	[tilespmem:s15+$0x1B7F0] =	vst v12  }
0x23b: {  	v49 =	vbroadcast v2, $0x9;
	v29 =	vld [tilespmem:s15+$0x1B9F0];
	v9 =	vmul.f32 v41, v40;
	[tilespmem:s15+$0x1B830] =	vst v10  }
0x23c: {  	v42 =	vld [tilespmem:s15+$0x1B860];
	v11 =	vmul.f32 v43, v40;
	[tilespmem:s15+$0x1B840] =	vst v8  }
0x23d: {  	v46 =	vld [tilespmem:s15+$0x1B8A0];
	v13 =	vmul.f32 v44, v49;
	[tilespmem:s15+$0x1B850] =	vst v9  }
0x23e: {  	v47 =	vld [tilespmem:s15+$0x1B8B0];
	v14 =	vmul.f32 v45, v49;
	[tilespmem:s15+$0x1B870] =	vst v11  }
0x23f: {  	v48 =	vld [tilespmem:s15+$0x1B8C0];
	v32 =	vmul.f32 v27, v24;
	[tilespmem:s15+$0x1B880] =	vst v13  }
0x240: {  	v51 =	vld [tilespmem:s15+$0x1B8E0];
	v7 =	vmul.f32 v29, v24;
	[tilespmem:s15+$0x1B890] =	vst v14  }
0x241: {  	v52 =	vld [tilespmem:s15+$0x1B8F0];
	v12 =	vmul.f32 v42, v40;
	[tilespmem:s15+$0x1B9D0] =	vst v32  }
0x242: {  	v10 =	vmul.f32 v46, v49;
	[tilespmem:s15+$0x1B9F0] =	vst v7  }
0x243: {  	v28 =	vld [tilespmem:s15+$0x1B9E0];
	v8 =	vmul.f32 v47, v49;
	[tilespmem:s15+$0x1B860] =	vst v12  }
0x244: {  	v30 =	vld [tilespmem:s15+$0x1BA00];
	v9 =	vmul.f32 v48, v49;
	[tilespmem:s15+$0x1B8A0] =	vst v10  }
0x245: {  	v50 =	vld [tilespmem:s15+$0x1B8D0];
	v5 =	vbroadcast v2, $0xF;
	v11 =	vmul.f32 v51, v49;
	[tilespmem:s15+$0x1B8B0] =	vst v8  }
0x246: {  	v54 =	vld [tilespmem:s15+$0x1B910];
	v13 =	vmul.f32 v52, v49;
	[tilespmem:s15+$0x1B8C0] =	vst v9  }
0x247: {  	v55 =	vld [tilespmem:s15+$0x1B920];
	v35 =	vbroadcast v2, $0xC;
	v4 =	vmul.f32 v4, v5;
	[tilespmem:s15+$0x1B8E0] =	vst v11  }
0x248: {  	v56 =	vld [tilespmem:s15+$0x1B930];
	v40 =	vmul.f32 v28, v24;
	[tilespmem:s15+$0x1B8F0] =	vst v13  }
0x249: {  	v60 =	vld [tilespmem:s15+$0x1B960];
	v16 =	vmul.f32 v30, v35;
	[tilespmem:s15+$0x1BBD0] =	vst v4  }
0x24a: {  	v62 =	vld [tilespmem:s15+$0x1B410];
	v12 =	vmul.f32 v50, v49;
	[tilespmem:s15+$0x1B9E0] =	vst v40  }
0x24b: {  	v63 =	vld [tilespmem:s15+$0x1B440];
	v10 =	vmul.f32 v54, v6;
	[tilespmem:s15+$0x1BA00] =	vst v16  }
0x24c: {  	v20 =	vld [tilespmem:s15+$0x1B450];
	v8 =	vmul.f32 v55, v6;
	[tilespmem:s15+$0x1B8D0] =	vst v12  }
0x24d: {  	v33 =	vld [tilespmem:s15+$0x1BA30];
	v9 =	vmul.f32 v56, v6;
	[tilespmem:s15+$0x1B910] =	vst v10  }
0x24e: {  	v61 =	vld [tilespmem:s15+$0x1BBF0];
	v6 =	vmul.f32 v60, v6;
	[tilespmem:s15+$0x1B920] =	vst v8  }
0x24f: {  	v38 =	vld [tilespmem:s15+$0x1BA70];
	v13 =	vmul.f32 v62, v3;
	[tilespmem:s15+$0x1B930] =	vst v9  }
0x250: {  	v22 =	vld [tilespmem:s15+$0x1B9A0];
	v4 =	vmul.f32 v63, v3;
	[tilespmem:s15+$0x1B960] =	vst v6  }
0x251: {  	v23 =	vld [tilespmem:s15+$0x1B9B0];
	v3 =	vmul.f32 v20, v3;
	[tilespmem:s15+$0x1B410] =	vst v13  }
0x252: {  	v26 =	vld [tilespmem:s15+$0x1B9C0];
	v62 =	vmul.f32 v33, v35;
	[tilespmem:s15+$0x1B440] =	vst v4  }
0x253: {  	v31 =	vld [tilespmem:s15+$0x1BA10];
	v63 =	vmul.f32 v61, v5;
	[tilespmem:s15+$0x1B450] =	vst v3  }
0x254: {  	v34 =	vld [tilespmem:s15+$0x1BA40];
	v16 =	vmul.f32 v38, v35;
	[tilespmem:s15+$0x1BA30] =	vst v62  }
0x255: {  	v41 =	vld [tilespmem:s15+$0x1BAA0];
	v8 =	vmul.f32 v22, v24;
	[tilespmem:s15+$0x1BBF0] =	vst v63  }
0x256: {  	v46 =	vld [tilespmem:s15+$0x1BAE0];
	v9 =	vmul.f32 v23, v24;
	[tilespmem:s15+$0x1BA70] =	vst v16  }
0x257: {  	v6 =	vmul.f32 v26, v24;
	v3 =	vld [tilespmem:s15+$0x1BA90];
	[tilespmem:s15+$0x1B9A0] =	vst v8  }
0x258: {  	v36 =	vld [tilespmem:s15+$0x1BA50];
	v44 =	vbroadcast v2, $0xD;
	v10 =	vmul.f32 v31, v35;
	[tilespmem:s15+$0x1B9B0] =	vst v9  }
0x259: {  	v37 =	vld [tilespmem:s15+$0x1BA60];
	v13 =	vmul.f32 v34, v35;
	[tilespmem:s15+$0x1B9C0] =	vst v6  }
0x25a: {  	v39 =	vld [tilespmem:s15+$0x1BA80];
	v12 =	vmul.f32 v41, v44;
	[tilespmem:s15+$0x1BA10] =	vst v10  }
0x25b: {  	v42 =	vld [tilespmem:s15+$0x1BAB0];
	v51 =	vmul.f32 v46, v44;
	[tilespmem:s15+$0x1BA40] =	vst v13  }
0x25c: {  	v48 =	vld [tilespmem:s15+$0x1BB10];
	[tilespmem:s15+$0x1BAA0] =	vst v12;
	v3 =	vmul.f32 v3, v44  }
0x25d: {  	v49 =	vld [tilespmem:s15+$0x1BB20];
	v9 =	vmul.f32 v36, v35;
	[tilespmem:s15+$0x1BAE0] =	vst v51  }
0x25e: {  	v6 =	vmul.f32 v37, v35;
	[tilespmem:s15+$0x1BA90] =	vst v3;
	v3 =	vld [tilespmem:s15+$0x1BB00]  }
0x25f: {  	v2 =	vbroadcast v2, $0xE;
	v50 =	vld [tilespmem:s15+$0x1BB30];
	v10 =	vmul.f32 v39, v44;
	[tilespmem:s15+$0x1BA50] =	vst v9  }
0x260: {  	v45 =	vld [tilespmem:s15+$0x1BAD0];
	v13 =	vmul.f32 v42, v44;
	[tilespmem:s15+$0x1BA60] =	vst v6  }
0x261: {  	v47 =	vld [tilespmem:s15+$0x1BAF0];
	v12 =	vmul.f32 v48, v2;
	[tilespmem:s15+$0x1BA80] =	vst v10  }
0x262: {  	v43 =	vld [tilespmem:s15+$0x1BAC0];
	v11 =	vmul.f32 v49, v2;
	[tilespmem:s15+$0x1BAB0] =	vst v13  }
0x263: {  	v55 =	vld [tilespmem:s15+$0x1BB80];
	[tilespmem:s15+$0x1BB10] =	vst v12;
	v3 =	vmul.f32 v3, v2  }
0x264: {  	v57 =	vld [tilespmem:s15+$0x1BBA0];
	v7 =	vmul.f32 v50, v2;
	[tilespmem:s15+$0x1BB20] =	vst v11  }
0x265: {  	v6 =	vmul.f32 v45, v44;
	[tilespmem:s15+$0x1BB00] =	vst v3;
	v3 =	vld [tilespmem:s15+$0x1BB70]  }
0x266: {  	v52 =	vld [tilespmem:s15+$0x1BB40];
	v10 =	vmul.f32 v47, v44;
	[tilespmem:s15+$0x1BB30] =	vst v7  }
0x267: {  	v56 =	vld [tilespmem:s15+$0x1BB90];
	v9 =	vmul.f32 v43, v44;
	[tilespmem:s15+$0x1BAD0] =	vst v6  }
0x268: {  	v54 =	vld [tilespmem:s15+$0x1BB60];
	v12 =	vmul.f32 v55, v5;
	[tilespmem:s15+$0x1BAF0] =	vst v10  }
0x269: {  	v58 =	vld [tilespmem:s15+$0x1BBB0];
	v7 =	vmul.f32 v57, v5;
	[tilespmem:s15+$0x1BAC0] =	vst v9  }
0x26a: {  	v53 =	vld [tilespmem:s15+$0x1BB50];
	[tilespmem:s15+$0x1BB80] =	vst v12;
	v3 =	vmul.f32 v3, v2  }
0x26b: {  	v59 =	vld [tilespmem:s15+$0x1BBC0];
	v6 =	vmul.f32 v52, v2;
	[tilespmem:s15+$0x1BBA0] =	vst v7  }
0x26c: {  	v60 =	vld [tilespmem:s15+$0x1BBE0];
	[tilespmem:s15+$0x1BB70] =	vst v3;
	v3 =	vmul.f32 v56, v5  }
0x26d: {  	v10 =	vmul.f32 v54, v2;
	[tilespmem:s15+$0x1BB40] =	vst v6  }
0x26e: {  	v4 =	vld [tilespmem:s15+$0x1BA20];
	[tilespmem:s15+$0x1BB90] =	vst v3;
	v3 =	vmul.f32 v58, v5  }
0x26f: {  	[tilespmem:s15+$0x1BB60] =	vst v10;
	v2 =	vmul.f32 v53, v2  }
0x270: {  	[tilespmem:s15+$0x1BBB0] =	vst v3;
	v3 =	vmul.f32 v59, v5  }
0x271: {  	[tilespmem:s15+$0x1BB50] =	vst v2;
	v5 =	vmul.f32 v60, v5  }
0x272: {  	[tilespmem:s15+$0x1BBC0] =	vst v3  }
0x273: {  	s16 =	simm.s32 $0x1;
	v3 =	vmul.f32 v4, v35;
	[tilespmem:s15+$0x1BBE0] =	vst v5  }
.LBB2_18:
0x274: {  	s17 =	sshll.u32 s16, $0x4  }
0x275: {  	p2 =	sne.s32 s16, $0x7;
	[tilespmem:s15+$0x1BA20] =	vst v3;
	s15 =	smov.u32 s16;
	s16 =	sadd.s32 $0x1, s16  }
0x276: {  	s17 =	sand.u32 $0x3FFFFFF0, s17  }
0x277: {  	v2 =	vld.idx.msk [tilespmem:v1+s17+$0x0 ss:$0x1], $0xffff  }
0x278: {  	s15 =	sshll.u32 s15, $0xB  }
0x279: {  	s15 =	sand.u32 $0x3FFFF800, s15  }
0x27a: {  	v9 =	vld [tilespmem:s15+$0x1B4C0]  }
0x27b: {  	v10 =	vld [tilespmem:s15+$0x1B4D0]  }
0x27c: {  	v11 =	vld [tilespmem:s15+$0x1B4B0]  }
0x27d: {  	v3 =	vbroadcast v2, $0x0;
	v8 =	vbroadcast v2, $0x4;
	v4 =	vld [tilespmem:s15+$0x1B420]  }
0x27e: {  	v6 =	vld [tilespmem:s15+$0x1B430]  }
0x27f: {  	v7 =	vld [tilespmem:s15+$0x1B970]  }
0x280: {  	v12 =	vld [tilespmem:s15+$0x1B460]  }
0x281: {  	v13 =	vld [tilespmem:s15+$0x1B470]  }
0x282: {  	v5 =	vbroadcast v2, $0xA;
	v4 =	vmul.f32 v4, v3;
	v14 =	vld [tilespmem:s15+$0x1B480]  }
0x283: {  	v6 =	vmul.f32 v6, v3;
	v15 =	vld [tilespmem:s15+$0x1B490]  }
0x284: {  	[tilespmem:s15+$0x1B420] =	vst v4;
	v16 =	vld [tilespmem:s15+$0x1B4A0];
	v4 =	vmul.f32 v7, v5  }
0x285: {  	[tilespmem:s15+$0x1B430] =	vst v6;
	v7 =	vmul.f32 v12, v3;
	v12 =	vbroadcast v2, $0x1;
	v6 =	vld [tilespmem:s15+$0x1B980]  }
0x286: {  	v13 =	vmul.f32 v13, v3;
	[tilespmem:s15+$0x1B970] =	vst v4;
	v4 =	vld [tilespmem:s15+$0x1BBD0]  }
0x287: {  	[tilespmem:s15+$0x1B460] =	vst v7;
	v14 =	vmul.f32 v14, v12;
	v7 =	vld [tilespmem:s15+$0x1B990]  }
0x288: {  	[tilespmem:s15+$0x1B470] =	vst v13;
	v13 =	vmul.f32 v15, v12;
	v15 =	vld [tilespmem:s15+$0x1B4E0]  }
0x289: {  	[tilespmem:s15+$0x1B480] =	vst v14;
	v14 =	vmul.f32 v16, v12;
	v16 =	vld [tilespmem:s15+$0x1B4F0]  }
0x28a: {  	v11 =	vmul.f32 v11, v12;
	[tilespmem:s15+$0x1B490] =	vst v13;
	v13 =	vld [tilespmem:s15+$0x1B500]  }
0x28b: {  	v9 =	vmul.f32 v9, v12;
	[tilespmem:s15+$0x1B4A0] =	vst v14;
	v14 =	vld [tilespmem:s15+$0x1B510]  }
0x28c: {  	v10 =	vmul.f32 v10, v12;
	[tilespmem:s15+$0x1B4B0] =	vst v11;
	v11 =	vld [tilespmem:s15+$0x1B520]  }
0x28d: {  	[tilespmem:s15+$0x1B4C0] =	vst v9;
	v9 =	vmul.f32 v15, v12;
	v15 =	vbroadcast v2, $0x2;
	v17 =	vld [tilespmem:s15+$0x1B530]  }
0x28e: {  	[tilespmem:s15+$0x1B4D0] =	vst v10;
	v10 =	vmul.f32 v16, v12;
	v12 =	vld [tilespmem:s15+$0x1B540]  }
0x28f: {  	[tilespmem:s15+$0x1B4E0] =	vst v9;
	v9 =	vmul.f32 v13, v15;
	v13 =	vld [tilespmem:s15+$0x1B550]  }
0x290: {  	[tilespmem:s15+$0x1B4F0] =	vst v10;
	v10 =	vmul.f32 v14, v15;
	v14 =	vld [tilespmem:s15+$0x1B560]  }
0x291: {  	[tilespmem:s15+$0x1B500] =	vst v9;
	v9 =	vmul.f32 v11, v15;
	v11 =	vld [tilespmem:s15+$0x1B570]  }
0x292: {  	[tilespmem:s15+$0x1B510] =	vst v10;
	v10 =	vmul.f32 v17, v15;
	v16 =	vld [tilespmem:s15+$0x1B580]  }
0x293: {  	[tilespmem:s15+$0x1B520] =	vst v9;
	v9 =	vmul.f32 v12, v15;
	v12 =	vld [tilespmem:s15+$0x1B590]  }
0x294: {  	[tilespmem:s15+$0x1B530] =	vst v10;
	v10 =	vmul.f32 v13, v15;
	v13 =	vld [tilespmem:s15+$0x1B5A0]  }
0x295: {  	[tilespmem:s15+$0x1B540] =	vst v9;
	v9 =	vmul.f32 v14, v15;
	v14 =	vbroadcast v2, $0x3;
	v17 =	vld [tilespmem:s15+$0x1B5B0]  }
0x296: {  	[tilespmem:s15+$0x1B550] =	vst v10;
	v10 =	vmul.f32 v11, v15;
	v11 =	vld [tilespmem:s15+$0x1B5C0]  }
0x297: {  	[tilespmem:s15+$0x1B560] =	vst v9;
	v9 =	vmul.f32 v16, v14;
	v15 =	vld [tilespmem:s15+$0x1B5D0]  }
0x298: {  	[tilespmem:s15+$0x1B570] =	vst v10;
	v10 =	vmul.f32 v12, v14;
	v12 =	vld [tilespmem:s15+$0x1B5E0]  }
0x299: {  	[tilespmem:s15+$0x1B580] =	vst v9;
	v9 =	vmul.f32 v13, v14;
	v13 =	vld [tilespmem:s15+$0x1B5F0]  }
0x29a: {  	[tilespmem:s15+$0x1B590] =	vst v10;
	v10 =	vmul.f32 v17, v14;
	v16 =	vld [tilespmem:s15+$0x1B600]  }
0x29b: {  	[tilespmem:s15+$0x1B5A0] =	vst v9;
	v9 =	vmul.f32 v11, v14;
	v11 =	vld [tilespmem:s15+$0x1B610]  }
0x29c: {  	[tilespmem:s15+$0x1B5B0] =	vst v10;
	v10 =	vmul.f32 v15, v14;
	v15 =	vld [tilespmem:s15+$0x1B620]  }
0x29d: {  	[tilespmem:s15+$0x1B5C0] =	vst v9;
	v9 =	vmul.f32 v12, v14;
	v12 =	vld [tilespmem:s15+$0x1B630]  }
0x29e: {  	[tilespmem:s15+$0x1B5D0] =	vst v10;
	v10 =	vmul.f32 v13, v14;
	v13 =	vld [tilespmem:s15+$0x1B640]  }
0x29f: {  	[tilespmem:s15+$0x1B5E0] =	vst v9;
	v9 =	vmul.f32 v16, v8;
	v14 =	vld [tilespmem:s15+$0x1B650]  }
0x2a0: {  	[tilespmem:s15+$0x1B5F0] =	vst v10;
	v10 =	vmul.f32 v11, v8;
	v11 =	vld [tilespmem:s15+$0x1B660]  }
0x2a1: {  	[tilespmem:s15+$0x1B600] =	vst v9;
	v9 =	vmul.f32 v15, v8;
	v15 =	vld [tilespmem:s15+$0x1B670]  }
0x2a2: {  	[tilespmem:s15+$0x1B610] =	vst v10;
	v10 =	vmul.f32 v12, v8;
	v12 =	vld [tilespmem:s15+$0x1B680]  }
0x2a3: {  	[tilespmem:s15+$0x1B620] =	vst v9;
	v9 =	vmul.f32 v13, v8;
	v13 =	vld [tilespmem:s15+$0x1B690]  }
0x2a4: {  	[tilespmem:s15+$0x1B630] =	vst v10;
	v10 =	vmul.f32 v14, v8;
	v14 =	vld [tilespmem:s15+$0x1B6A0]  }
0x2a5: {  	[tilespmem:s15+$0x1B640] =	vst v9;
	v9 =	vmul.f32 v11, v8;
	v11 =	vbroadcast v2, $0x5;
	v16 =	vld [tilespmem:s15+$0x1B6B0]  }
0x2a6: {  	[tilespmem:s15+$0x1B650] =	vst v10;
	v8 =	vmul.f32 v15, v8;
	v10 =	vld [tilespmem:s15+$0x1B6C0]  }
0x2a7: {  	[tilespmem:s15+$0x1B660] =	vst v9;
	v9 =	vmul.f32 v12, v11;
	v12 =	vld [tilespmem:s15+$0x1B6D0]  }
0x2a8: {  	[tilespmem:s15+$0x1B670] =	vst v8;
	v8 =	vmul.f32 v13, v11;
	v13 =	vld [tilespmem:s15+$0x1B6E0]  }
0x2a9: {  	[tilespmem:s15+$0x1B680] =	vst v9;
	v9 =	vmul.f32 v14, v11;
	v14 =	vld [tilespmem:s15+$0x1B6F0]  }
0x2aa: {  	[tilespmem:s15+$0x1B690] =	vst v8;
	v8 =	vmul.f32 v16, v11;
	v15 =	vld [tilespmem:s15+$0x1B700]  }
0x2ab: {  	[tilespmem:s15+$0x1B6A0] =	vst v9;
	v9 =	vmul.f32 v10, v11;
	v10 =	vld [tilespmem:s15+$0x1B710]  }
0x2ac: {  	[tilespmem:s15+$0x1B6B0] =	vst v8;
	v8 =	vmul.f32 v12, v11;
	v12 =	vld [tilespmem:s15+$0x1B720]  }
0x2ad: {  	[tilespmem:s15+$0x1B6C0] =	vst v9;
	v9 =	vmul.f32 v13, v11;
	v13 =	vbroadcast v2, $0x6;
	v16 =	vld [tilespmem:s15+$0x1B730]  }
0x2ae: {  	[tilespmem:s15+$0x1B6D0] =	vst v8;
	v8 =	vmul.f32 v14, v11;
	v11 =	vld [tilespmem:s15+$0x1B740]  }
0x2af: {  	[tilespmem:s15+$0x1B6E0] =	vst v9;
	v9 =	vmul.f32 v15, v13;
	v14 =	vld [tilespmem:s15+$0x1B750]  }
0x2b0: {  	[tilespmem:s15+$0x1B6F0] =	vst v8;
	v8 =	vmul.f32 v10, v13;
	v10 =	vld [tilespmem:s15+$0x1B760]  }
0x2b1: {  	[tilespmem:s15+$0x1B700] =	vst v9;
	v9 =	vmul.f32 v12, v13;
	v12 =	vld [tilespmem:s15+$0x1B770]  }
0x2b2: {  	[tilespmem:s15+$0x1B710] =	vst v8;
	v8 =	vmul.f32 v16, v13;
	v15 =	vld [tilespmem:s15+$0x1B780]  }
0x2b3: {  	[tilespmem:s15+$0x1B720] =	vst v9;
	v9 =	vmul.f32 v11, v13;
	v11 =	vld [tilespmem:s15+$0x1B790]  }
0x2b4: {  	[tilespmem:s15+$0x1B730] =	vst v8;
	v8 =	vmul.f32 v14, v13;
	v14 =	vld [tilespmem:s15+$0x1B7A0]  }
0x2b5: {  	[tilespmem:s15+$0x1B740] =	vst v9;
	v9 =	vmul.f32 v10, v13;
	v10 =	vbroadcast v2, $0x7;
	v16 =	vld [tilespmem:s15+$0x1B7B0]  }
0x2b6: {  	[tilespmem:s15+$0x1B750] =	vst v8;
	v8 =	vmul.f32 v12, v13;
	v12 =	vld [tilespmem:s15+$0x1B7C0]  }
0x2b7: {  	[tilespmem:s15+$0x1B760] =	vst v9;
	v9 =	vmul.f32 v15, v10;
	v13 =	vld [tilespmem:s15+$0x1B7D0]  }
0x2b8: {  	[tilespmem:s15+$0x1B770] =	vst v8;
	v8 =	vmul.f32 v11, v10;
	v11 =	vld [tilespmem:s15+$0x1B7E0]  }
0x2b9: {  	[tilespmem:s15+$0x1B780] =	vst v9;
	v9 =	vmul.f32 v14, v10;
	v14 =	vld [tilespmem:s15+$0x1B7F0]  }
0x2ba: {  	[tilespmem:s15+$0x1B790] =	vst v8;
	v8 =	vmul.f32 v16, v10;
	v15 =	vld [tilespmem:s15+$0x1B800]  }
0x2bb: {  	[tilespmem:s15+$0x1B7A0] =	vst v9;
	v9 =	vmul.f32 v12, v10;
	v12 =	vld [tilespmem:s15+$0x1B810]  }
0x2bc: {  	[tilespmem:s15+$0x1B7B0] =	vst v8;
	v8 =	vmul.f32 v13, v10;
	v13 =	vld [tilespmem:s15+$0x1B820]  }
0x2bd: {  	[tilespmem:s15+$0x1B7C0] =	vst v9;
	v9 =	vmul.f32 v11, v10;
	v11 =	vbroadcast v2, $0x8;
	v16 =	vld [tilespmem:s15+$0x1B830]  }
0x2be: {  	[tilespmem:s15+$0x1B7D0] =	vst v8;
	v8 =	vmul.f32 v14, v10;
	v10 =	vld [tilespmem:s15+$0x1B840]  }
0x2bf: {  	[tilespmem:s15+$0x1B7E0] =	vst v9;
	v9 =	vmul.f32 v15, v11;
	v14 =	vld [tilespmem:s15+$0x1B850]  }
0x2c0: {  	[tilespmem:s15+$0x1B7F0] =	vst v8;
	v8 =	vmul.f32 v12, v11;
	v12 =	vld [tilespmem:s15+$0x1B860]  }
0x2c1: {  	[tilespmem:s15+$0x1B800] =	vst v9;
	v9 =	vmul.f32 v13, v11;
	v13 =	vld [tilespmem:s15+$0x1B870]  }
0x2c2: {  	[tilespmem:s15+$0x1B810] =	vst v8;
	v8 =	vmul.f32 v16, v11;
	v15 =	vld [tilespmem:s15+$0x1B880]  }
0x2c3: {  	[tilespmem:s15+$0x1B820] =	vst v9;
	v9 =	vmul.f32 v10, v11;
	v10 =	vld [tilespmem:s15+$0x1B890]  }
0x2c4: {  	[tilespmem:s15+$0x1B830] =	vst v8;
	v8 =	vmul.f32 v14, v11;
	v14 =	vld [tilespmem:s15+$0x1B8A0]  }
0x2c5: {  	[tilespmem:s15+$0x1B840] =	vst v9;
	v9 =	vmul.f32 v12, v11;
	v12 =	vbroadcast v2, $0x9;
	v16 =	vld [tilespmem:s15+$0x1B8B0]  }
0x2c6: {  	[tilespmem:s15+$0x1B850] =	vst v8;
	v8 =	vmul.f32 v13, v11;
	v11 =	vld [tilespmem:s15+$0x1B8C0]  }
0x2c7: {  	[tilespmem:s15+$0x1B860] =	vst v9;
	v9 =	vmul.f32 v15, v12;
	v13 =	vld [tilespmem:s15+$0x1B8D0]  }
0x2c8: {  	[tilespmem:s15+$0x1B870] =	vst v8;
	v8 =	vmul.f32 v10, v12;
	v10 =	vld [tilespmem:s15+$0x1B8E0]  }
0x2c9: {  	[tilespmem:s15+$0x1B880] =	vst v9;
	v9 =	vmul.f32 v14, v12;
	v14 =	vld [tilespmem:s15+$0x1B8F0]  }
0x2ca: {  	[tilespmem:s15+$0x1B890] =	vst v8;
	v8 =	vmul.f32 v16, v12;
	v15 =	vld [tilespmem:s15+$0x1B900]  }
0x2cb: {  	[tilespmem:s15+$0x1B8A0] =	vst v9;
	v9 =	vmul.f32 v11, v12;
	v11 =	vld [tilespmem:s15+$0x1B910]  }
0x2cc: {  	[tilespmem:s15+$0x1B8B0] =	vst v8;
	v8 =	vmul.f32 v13, v12;
	v13 =	vld [tilespmem:s15+$0x1B920]  }
0x2cd: {  	[tilespmem:s15+$0x1B8C0] =	vst v9;
	v9 =	vmul.f32 v10, v12;
	v10 =	vld [tilespmem:s15+$0x1B930]  }
0x2ce: {  	[tilespmem:s15+$0x1B8D0] =	vst v8;
	v8 =	vmul.f32 v14, v12;
	v12 =	vld [tilespmem:s15+$0x1B940]  }
0x2cf: {  	[tilespmem:s15+$0x1B8E0] =	vst v9;
	v9 =	vmul.f32 v15, v5;
	v14 =	vld [tilespmem:s15+$0x1B950]  }
0x2d0: {  	[tilespmem:s15+$0x1B8F0] =	vst v8;
	v8 =	vmul.f32 v11, v5;
	v11 =	vld [tilespmem:s15+$0x1B960]  }
0x2d1: {  	v15 =	vld [tilespmem:s15+$0x1B400];
	[tilespmem:s15+$0x1B900] =	vst v9;
	v9 =	vmul.f32 v13, v5  }
0x2d2: {  	v13 =	vld [tilespmem:s15+$0x1B410];
	[tilespmem:s15+$0x1B910] =	vst v8;
	v8 =	vmul.f32 v10, v5  }
0x2d3: {  	v10 =	vld [tilespmem:s15+$0x1B440];
	[tilespmem:s15+$0x1B920] =	vst v9;
	v9 =	vmul.f32 v12, v5  }
0x2d4: {  	v12 =	vld [tilespmem:s15+$0x1B450];
	[tilespmem:s15+$0x1B930] =	vst v8;
	v8 =	vmul.f32 v14, v5  }
0x2d5: {  	[tilespmem:s15+$0x1B940] =	vst v9;
	v9 =	vmul.f32 v11, v5;
	v11 =	vbroadcast v2, $0xB;
	v14 =	vld [tilespmem:s15+$0x1B9A0]  }
0x2d6: {  	v5 =	vbroadcast v2, $0xF;
	v15 =	vmul.f32 v3, v15;
	[tilespmem:s15+$0x1B950] =	vst v8;
	v8 =	vld [tilespmem:s15+$0x1B9B0]  }
0x2d7: {  	v13 =	vmul.f32 v13, v3;
	[tilespmem:s15+$0x1B960] =	vst v9;
	v6 =	vmul.f32 v6, v11;
	v9 =	vld [tilespmem:s15+$0x1B9C0]  }
0x2d8: {  	v7 =	vmul.f32 v7, v11;
	[tilespmem:s15+$0x1B400] =	vst v15;
	v10 =	vmul.f32 v10, v3;
	v15 =	vld [tilespmem:s15+$0x1B9D0]  }
0x2d9: {  	v4 =	vmul.f32 v4, v5;
	v12 =	vmul.f32 v12, v3;
	[tilespmem:s15+$0x1B980] =	vst v6;
	v3 =	vld [tilespmem:s15+$0x1B9E0]  }
0x2da: {  	[tilespmem:s15+$0x1B990] =	vst v7;
	v6 =	vmul.f32 v14, v11;
	v7 =	vld [tilespmem:s15+$0x1B9F0]  }
0x2db: {  	v8 =	vmul.f32 v8, v11;
	v14 =	vld [tilespmem:s15+$0x1BA00];
	[tilespmem:s15+$0x1BBD0] =	vst v4  }
0x2dc: {  	[tilespmem:s15+$0x1B410] =	vst v13;
	v4 =	vmul.f32 v9, v11;
	v9 =	vld [tilespmem:s15+$0x1BA10]  }
0x2dd: {  	[tilespmem:s15+$0x1B440] =	vst v10;
	v10 =	vmul.f32 v15, v11;
	v13 =	vld [tilespmem:s15+$0x1BA20]  }
0x2de: {  	v15 =	vbroadcast v2, $0xC;
	[tilespmem:s15+$0x1B9A0] =	vst v6;
	v6 =	vmul.f32 v3, v11;
	v16 =	vld [tilespmem:s15+$0x1BA30]  }
0x2df: {  	[tilespmem:s15+$0x1B9D0] =	vst v10;
	v7 =	vmul.f32 v7, v11;
	v10 =	vld [tilespmem:s15+$0x1BA40]  }
0x2e0: {  	[tilespmem:s15+$0x1B9B0] =	vst v8;
	v3 =	vmul.f32 v14, v15;
	v8 =	vld [tilespmem:s15+$0x1BA50]  }
0x2e1: {  	[tilespmem:s15+$0x1B9C0] =	vst v4;
	v4 =	vmul.f32 v9, v15;
	v9 =	vld [tilespmem:s15+$0x1BA60]  }
0x2e2: {  	[tilespmem:s15+$0x1BA00] =	vst v3;
	v3 =	vmul.f32 v13, v15;
	v11 =	vld [tilespmem:s15+$0x1BA70]  }
0x2e3: {  	[tilespmem:s15+$0x1BA10] =	vst v4;
	v4 =	vld [tilespmem:s15+$0x1BA80]  }
0x2e4: {  	[tilespmem:s15+$0x1B450] =	vst v12;
	v10 =	vmul.f32 v10, v15;
	v12 =	vld [tilespmem:s15+$0x1BA90]  }
0x2e5: {  	[tilespmem:s15+$0x1B9E0] =	vst v6;
	v6 =	vmul.f32 v8, v15;
	v8 =	vld [tilespmem:s15+$0x1BAA0]  }
0x2e6: {  	[tilespmem:s15+$0x1BA40] =	vst v10;
	v9 =	vmul.f32 v9, v15;
	v10 =	vbroadcast v2, $0xD;
	v13 =	vld [tilespmem:s15+$0x1BAB0]  }
0x2e7: {  	[tilespmem:s15+$0x1BA50] =	vst v6;
	v6 =	vmul.f32 v11, v15;
	v11 =	vld [tilespmem:s15+$0x1BAC0]  }
0x2e8: {  	[tilespmem:s15+$0x1BA60] =	vst v9;
	v4 =	vmul.f32 v4, v10;
	v9 =	vld [tilespmem:s15+$0x1BAD0]  }
0x2e9: {  	[tilespmem:s15+$0x1BA70] =	vst v6;
	v6 =	vmul.f32 v12, v10;
	v12 =	vld [tilespmem:s15+$0x1BAE0]  }
0x2ea: {  	[tilespmem:s15+$0x1BA80] =	vst v4;
	v4 =	vmul.f32 v8, v10;
	v8 =	vld [tilespmem:s15+$0x1BAF0]  }
0x2eb: {  	[tilespmem:s15+$0x1BA90] =	vst v6;
	v6 =	vmul.f32 v13, v10;
	v13 =	vld [tilespmem:s15+$0x1BB00]  }
0x2ec: {  	[tilespmem:s15+$0x1BAA0] =	vst v4;
	v4 =	vmul.f32 v11, v10;
	v11 =	vld [tilespmem:s15+$0x1BB10]  }
0x2ed: {  	[tilespmem:s15+$0x1BAB0] =	vst v6;
	v6 =	vmul.f32 v9, v10;
	v9 =	vld [tilespmem:s15+$0x1BB20]  }
0x2ee: {  	v2 =	vbroadcast v2, $0xE;
	[tilespmem:s15+$0x1B9F0] =	vst v7;
	v7 =	vmul.f32 v12, v10;
	v12 =	vld [tilespmem:s15+$0x1BB30]  }
0x2ef: {  	[tilespmem:s15+$0x1BAD0] =	vst v6;
	v6 =	vmul.f32 v8, v10;
	v8 =	vld [tilespmem:s15+$0x1BB40]  }
0x2f0: {  	[tilespmem:s15+$0x1BAE0] =	vst v7;
	v7 =	vmul.f32 v13, v2;
	v10 =	vld [tilespmem:s15+$0x1BB50]  }
0x2f1: {  	[tilespmem:s15+$0x1BAF0] =	vst v6;
	v6 =	vmul.f32 v11, v2;
	v11 =	vld [tilespmem:s15+$0x1BB60]  }
0x2f2: {  	[tilespmem:s15+$0x1BB00] =	vst v7;
	v7 =	vmul.f32 v9, v2;
	v9 =	vld [tilespmem:s15+$0x1BB70]  }
0x2f3: {  	[tilespmem:s15+$0x1BB10] =	vst v6;
	v6 =	vmul.f32 v12, v2;
	v12 =	vld [tilespmem:s15+$0x1BB80]  }
0x2f4: {  	[tilespmem:s15+$0x1BB20] =	vst v7;
	v7 =	vmul.f32 v8, v2;
	v8 =	vld [tilespmem:s15+$0x1BB90]  }
0x2f5: {  	[tilespmem:s15+$0x1BB30] =	vst v6;
	v6 =	vmul.f32 v10, v2;
	v10 =	vld [tilespmem:s15+$0x1BBA0]  }
0x2f6: {  	[tilespmem:s15+$0x1BB40] =	vst v7;
	v7 =	vmul.f32 v11, v2;
	v11 =	vld [tilespmem:s15+$0x1BBB0]  }
0x2f7: {  	[tilespmem:s15+$0x1BAC0] =	vst v4;
	v2 =	vmul.f32 v9, v2;
	v4 =	vld [tilespmem:s15+$0x1BBC0]  }
0x2f8: {  	[tilespmem:s15+$0x1BB60] =	vst v7;
	v7 =	vmul.f32 v12, v5;
	v9 =	vld [tilespmem:s15+$0x1BBE0]  }
0x2f9: {  	[tilespmem:s15+$0x1BB70] =	vst v2;
	v2 =	vmul.f32 v8, v5;
	v8 =	vld [tilespmem:s15+$0x1BBF0]  }
0x2fa: {  	[tilespmem:s15+$0x1BB80] =	vst v7;
	v7 =	vmul.f32 v10, v5  }
0x2fb: {  	[tilespmem:s15+$0x1BB90] =	vst v2;
	v2 =	vmul.f32 v11, v5  }
0x2fc: {  	v10 =	vmul.f32 v16, v15;
	[tilespmem:s15+$0x1BBA0] =	vst v7  }
0x2fd: {  	[tilespmem:s15+$0x1BBB0] =	vst v2;
	v2 =	vmul.f32 v4, v5  }
.Ltmp7:
0x2fe: {  	[tilespmem:s15+$0x1BA30] =	vst v10;
	v4 =	vmul.f32 v8, v5;
	(pc) =	sbr.rel @p2 .LBB2_18-.Ltmp7, $4  }
0x2ff: {  	[tilespmem:s15+$0x1BBC0] =	vst v2  }
0x300: {  	v2 =	vmul.f32 v9, v5;
	[tilespmem:s15+$0x1BBF0] =	vst v4  }
0x301: {  	[tilespmem:s15+$0x1BB50] =	vst v6  }
0x302: {  	[tilespmem:s15+$0x1BBE0] =	vst v2  }
.Ltmp8:
0x303: {  	(pc) =	sbr.rel @p1 .LBB2_11-.Ltmp8, $4  }
0x304: {  	_ = 	snop  }
0x305: {  	[tilespmem:s15+$0x1BA20] =	vst v3;
	s14 =	sadd.s32 $0x16C00, s14  }
0x306: {  	[spmem:s3] =	stream.indirect.scatter.add.f32 [tilespmem:s30], [sflag:$0x4], $0x80, s14, s28, $0xb8;
	[tilespmem:$0x1F400] =	vst v63  }
0x307: {  	p3 =	por $0x0, $0x0;
	p2 =	por $0x1, $0x1;
	s14 =	simm.s32 $0x1  }
0x308: {  	p0 =	sgt.u32 s2, $0x13  }
.Ltmp9:
0x309: {  	_ = 	snop;
	(pc) =	sbr.rel @!p0 .LBB2_5-.Ltmp9, $2  }
0x30a: {  	_ =	sdelay $0x2  }
0x30b: {  	s8 =	smov.u32 s2  }
0x30c: {  	_ =	swait.ge [sflag:s31], $0x4000  }
0x30d: {  	[sflag:s31] =	ssyncset.done $0x0  }
0x30e: {  	[sflag:s31] =	ssyncadd.s32 $0xFFFFC000  }
0x30f: {  	_ =	swait.ge [sflag:s24], $0x4000  }
0x310: {  	s2 =	stileid.u32;
	[sflag:s24] =	ssyncset.done $0x0  }
0x311: {  	s8 =	sshrl.u32 s9, $0x3;
	s25 =	sadd.s32 $0x1, s25;
	[sflag:s24] =	ssyncadd.s32 $0xFFFFC000  }
0x312: {  	s2 =	sshll.u32 s2, $0x6;
	p0 =	sne.s32 s25, s19;
	[bflag:$0x0] =	sbarrier.arrive $0xFFFF  }
.Ltmp10:
0x313: {  	s2 =	sor.u32 $0x1C06, s2;
	s10 =	rddreg [dreg:$0xc];
	(pc) =	sbr.rel @p0 .LBB2_1-.Ltmp10, $4  }
0x314: {  	[hbm:s10], [sflag:s2] =	dma.local [spmem:s8], $0x2800  }
0x315: {  	_ =	swait.ge [sflag:s21], $0x2800  }
0x316: {  	[sflag:s21] =	ssyncset.done $0x0  }
0x317: {  	[sflag:s21] =	ssyncadd.s32 $0xFFFFD800  }
0x318: {  	_ =	sfence.sel $0x180000  }
0x319: {  	[bflag:$0x0] =	sbarrier.arrive $0xFFFF  }
0x31a: {  	_ =	strace $0x9000004A  }
0x31b: {  	s0 =	stileid.u32;
	[bflag:$0x2] =	sbarrier.arrive $0xFFFF  }
0x31c: {  	p0 =	sne.s32 s0, $0x0;
	s0 =	rddreg [dreg:$0x3]  }
0x31d: {  	s0 =	sadd.s32 @!p0 $0x100000, s0  }
0x31e: {  	[sflag:s0] =	ssyncadd.tile.s32 @!p0 $0x1;
	_ =	shalt  }
.Lfunc_end2:
_tile_overlayer_lowered:
.L_overlay_start_2:
0x31f: {  	(tag) =	ssettag $0x2  }
0x320: {  	s0 =	rddreg [dreg:$0x0];
	s2 =	stileid.u32  }
0x321: {  	s1 =	rddreg [dreg:$0x1];
	p0 =	sne.s32 s2, $0x0  }
0x322: {  	s3 =	rddreg [dreg:$0x2];
	[bflag:$0x3] =	sbarrier.arrive $0xFFFF;
	s2 =	simm.s32 @!p0 $0x1C06  }
0x323: {  	[timem:s3], [sflag:s2] =	dma.local @!p0 [hbm:s0], s1  }
0x324: {  	s0 =	simm.s32 @!p0 $0x6  }
0x325: {  	_ =	swait.ge @!p0 [sflag:s0], s1  }
0x326: {  	s1 =	ssub.s32 @!p0 $0x0, s1;
	[sflag:s0] =	ssyncset.done @!p0 $0x0  }
0x327: {  	[sflag:s0] =	ssyncadd.s32 @!p0 s1  }
0x328: {  	[bflag:$0x3] =	sbarrier.arrive $0xFFFF  }
0x329: {  	_ =	shalt  }

</sc_bundles>
